<compile_context>
chip_gen: v7x
topology: tpu7x:2x2x1
jax: 0.10.2.dev20260603
libtpu: 0.0.44.dev20260713+nightly
codegen_flags: <defaults>
</compile_context>

<pallas_src>
import jax
import jax.numpy as jnp
from jax import lax
from jax.experimental import pallas as pl
from jax.experimental.pallas import tpu as pltpu, tpu_sc as plsc

N_NODES = 10000
N_PAD = 10240
D = 128
E = 320000
B = 8192
NC, NS = 2, 16
NW = NC * NS
CHUNK = 80
NCH0 = 204
NCH1 = 48
TOT_CH = NS * (NCH0 + NCH1)
UNROLL = 6
E_PAD = TOT_CH * CHUNK
NRB = 3
NIB = 6
ROWS_PER_TILE = N_PAD // NS
GCHUNK = 64
SELF_CH = B // NW // GCHUNK
NEIGH_CH = B // NS // GCHUNK


def _sc_body(feats, eidx, nodes, out_self, out_n0, out_n1, out_d0, out_d1,
             agg_sh, deg_sh, r0, r1, r2, i0, i1, i2, i3, i4, i5,
             g0, g1, g2, d0, d1, d2, ones_v, zb,
             sg0, sg1, sg2, ss0, ss1, ss2, sd0, sd1, sd2,
             si0, si1, si2, si3, si4, si5, sw0, sw1, sw2):
    R = (r0, r1, r2)
    I = (i0, i1, i2, i3, i4, i5)
    G = (g0, g1, g2)
    DB = (d0, d1, d2)
    SG = (sg0, sg1, sg2)
    SS = (ss0, ss1, ss2)
    SD = (sd0, sd1, sd2)
    SI = (si0, si1, si2, si3, si4, si5)
    SW = (sw0, sw1, sw2)
    c = lax.axis_index("c")
    s = lax.axis_index("s")
    wid = s * NC + c

    def zrow(i, carry):
        def zcol(j, carry2):
            r0[i, pl.ds(j * 16, 16)] = jnp.zeros((16,), jnp.float32)
            return carry2
        return lax.fori_loop(0, D // 16, zcol, carry)
    lax.fori_loop(0, CHUNK, zrow, 0)

    def zb_fill(i, carry):
        zb[pl.ds(i * 16, 16)] = jnp.zeros((16,), jnp.float32)
        return carry
    lax.fori_loop(0, ROWS_PER_TILE // 16, zb_fill, 0)

    def ones_fill(i, carry):
        ones_v[pl.ds(i * 16, 16)] = jnp.ones((16,), jnp.float32)
        return carry
    lax.fori_loop(0, CHUNK // 16, ones_fill, 0)
    base_rows = s * ROWS_PER_TILE

    def zcopy(k, carry):
        pltpu.sync_copy(r0, agg_sh.at[pl.ds(base_rows + k * CHUNK, CHUNK)])
        return carry
    lax.fori_loop(0, ROWS_PER_TILE // CHUNK, zcopy, 0)
    pltpu.sync_copy(zb, deg_sh.at[pl.ds(base_rows, ROWS_PER_TILE)])
    plsc.subcore_barrier()

    def idx_issue(cid, u):
        pltpu.async_copy(eidx.at[cid], I[u % NIB], SI[u % NIB])

    def idx_wait(u):
        pltpu.make_async_copy(eidx.at[0], I[u % NIB], SI[u % NIB]).wait()

    def gather_issue(u):
        pltpu.async_copy(feats.at[I[u % NIB].at[0]], R[u % NRB], SG[u % NRB])

    def gather_wait(u):
        pltpu.make_async_copy(feats.at[I[u % NIB].at[0]], R[u % NRB],
                              SG[u % NRB]).wait()

    def scatter_issue(u):
        pltpu.async_copy(R[u % NRB], agg_sh.at[I[u % NIB].at[1]],
                         SS[u % NRB], add=True)
        pltpu.async_copy(ones_v, deg_sh.at[I[u % NIB].at[1]],
                         SD[u % NRB], add=True)

    def scatter_wait(u):
        pltpu.make_async_copy(R[u % NRB], agg_sh.at[I[u % NIB].at[1]],
                              SS[u % NRB]).wait()
        pltpu.make_async_copy(ones_v, deg_sh.at[I[u % NIB].at[1]],
                              SD[u % NRB]).wait()

    def run_pipeline(nch, base):
        for u in range(4):
            idx_issue(base + u, u)
        idx_wait(0)
        gather_issue(0)

        def body(t, carry):
            for u in range(UNROLL):
                k = t * UNROLL + u
                if u == 0:
                    @pl.when(t > 0)
                    def _():
                        gather_wait(u - 1)
                        scatter_issue(u - 1)
                else:
                    gather_wait(u - 1)
                    scatter_issue(u - 1)
                def g_issue():
                    idx_wait(u + 1)
                    if u in (0, 1):
                        @pl.when(t > 0)
                        def _():
                            scatter_wait(u + 1)
                    else:
                        scatter_wait(u + 1)
                    gather_issue(u + 1)
                if u == UNROLL - 1:
                    @pl.when(t < nch // UNROLL - 1)
                    def _():
                        g_issue()
                else:
                    g_issue()
                if u in (0, 1):
                    idx_issue(base + k + 4, u + 4)
                else:
                    @pl.when(t < nch // UNROLL - 1)
                    def _():
                        idx_issue(base + k + 4, u + 4)
            return carry
        lax.fori_loop(0, nch // UNROLL, body, 0)

        gather_wait(nch - 1)
        scatter_issue(nch - 1)
        scatter_wait(nch - 3)
        scatter_wait(nch - 2)
        scatter_wait(nch - 1)

    @pl.when(c == 0)
    def _():
        run_pipeline(NCH0, s * NCH0)

    @pl.when(c == 1)
    def _():
        run_pipeline(NCH1, NS * NCH0 + s * NCH1)
    plsc.subcore_barrier()

    sbase = wid * (B // NW)
    nbase = s * (B // NS)
    steps = ([(sbase + ci * GCHUNK, False) for ci in range(SELF_CH)]
             + [(nbase + ci * GCHUNK, True) for ci in range(NEIGH_CH)])
    NSTEP = len(steps)

    def row_out(n, core):
        off, is_neigh = steps[n]
        if is_neigh:
            o = out_n0 if core == 0 else out_n1
            return o.at[pl.ds(off, GCHUNK)]
        return out_self.at[pl.ds(off, GCHUNK)]

    def deg_out(n, core):
        off, _ = steps[n]
        o = out_d0 if core == 0 else out_d1
        return o.at[pl.ds(off, GCHUNK)]

    def p2_idx_issue(n):
        off, _ = steps[n]
        pltpu.async_copy(nodes.at[pl.ds(off, GCHUNK)], G[n % 3], SI[n % 3])

    def p2_idx_wait(n):
        pltpu.make_async_copy(nodes.at[pl.ds(0, GCHUNK)], G[n % 3],
                              SI[n % 3]).wait()

    def p2_gather_issue(n):
        b = n % 3
        src_rows = R[b].at[pl.ds(0, GCHUNK)]
        _, is_neigh = steps[n]
        if is_neigh:
            pltpu.async_copy(agg_sh.at[G[b]], src_rows, SG[b])
            pltpu.async_copy(deg_sh.at[G[b]], DB[b], SW[b])
        else:
            pltpu.async_copy(feats.at[G[b]], src_rows, SG[b])

    def p2_gather_wait(n):
        b = n % 3
        src_rows = R[b].at[pl.ds(0, GCHUNK)]
        _, is_neigh = steps[n]
        if is_neigh:
            pltpu.make_async_copy(agg_sh.at[G[b]], src_rows, SG[b]).wait()
            pltpu.make_async_copy(deg_sh.at[G[b]], DB[b], SW[b]).wait()
        else:
            pltpu.make_async_copy(feats.at[G[b]], src_rows, SG[b]).wait()

    def write_issue(n):
        b = n % 3
        _, is_neigh = steps[n]
        src_rows = R[b].at[pl.ds(0, GCHUNK)]
        @pl.when(c == 0)
        def _():
            pltpu.async_copy(src_rows, row_out(n, 0), SS[b])
        @pl.when(c == 1)
        def _():
            pltpu.async_copy(src_rows, row_out(n, 1), SS[b])
        if is_neigh:
            @pl.when(c == 0)
            def _():
                pltpu.async_copy(DB[b], deg_out(n, 0), SD[b])
            @pl.when(c == 1)
            def _():
                pltpu.async_copy(DB[b], deg_out(n, 1), SD[b])

    def write_wait(n):
        b = n % 3
        _, is_neigh = steps[n]
        src_rows = R[b].at[pl.ds(0, GCHUNK)]
        @pl.when(c == 0)
        def _():
            pltpu.make_async_copy(src_rows, row_out(n, 0), SS[b]).wait()
        @pl.when(c == 1)
        def _():
            pltpu.make_async_copy(src_rows, row_out(n, 1), SS[b]).wait()
        if is_neigh:
            @pl.when(c == 0)
            def _():
                pltpu.make_async_copy(DB[b], deg_out(n, 0), SD[b]).wait()
            @pl.when(c == 1)
            def _():
                pltpu.make_async_copy(DB[b], deg_out(n, 1), SD[b]).wait()

    p2_idx_issue(0)
    for n in range(NSTEP):
        if n >= 3:
            write_wait(n - 3)
        if n + 1 < NSTEP:
            p2_idx_issue(n + 1)
        p2_idx_wait(n)
        p2_gather_issue(n)
        if n >= 1:
            p2_gather_wait(n - 1)
            write_issue(n - 1)
    p2_gather_wait(NSTEP - 1)
    write_issue(NSTEP - 1)
    write_wait(NSTEP - 3)
    write_wait(NSTEP - 2)
    write_wait(NSTEP - 1)


_sc_agg = pl.kernel(
    _sc_body,
    out_type=(
        jax.ShapeDtypeStruct((B, D), jnp.float32),
        jax.ShapeDtypeStruct((B, D), jnp.float32),
        jax.ShapeDtypeStruct((B, D), jnp.float32),
        jax.ShapeDtypeStruct((B,), jnp.float32),
        jax.ShapeDtypeStruct((B,), jnp.float32),
    ),
    mesh=plsc.VectorSubcoreMesh(core_axis_name="c", subcore_axis_name="s",
                                num_cores=NC, num_subcores=NS),
    compiler_params=pltpu.CompilerParams(use_tc_tiling_on_sc=False),
    scratch_types=(
        [pltpu.VMEM_SHARED((N_PAD, D), jnp.float32),
         pltpu.VMEM_SHARED((N_PAD,), jnp.float32)]
        + [pltpu.VMEM((CHUNK, D), jnp.float32) for _ in range(NRB)]
        + [pltpu.VMEM((2, CHUNK), jnp.int32) for _ in range(NIB)]
        + [pltpu.VMEM((GCHUNK,), jnp.int32) for _ in range(3)]
        + [pltpu.VMEM((GCHUNK,), jnp.float32) for _ in range(3)]
        + [pltpu.VMEM((CHUNK,), jnp.float32)]
        + [pltpu.VMEM((ROWS_PER_TILE,), jnp.float32)]
        + [pltpu.SemaphoreType.DMA for _ in range(NRB * 3 + NIB + 3)]
    ),
)

BT = 512


def _tc_body(self_ref, n0_ref, n1_ref, dg0_ref, dg1_ref,
             w1a, w1b, w2a, w2b, att, lw, lb, out_ref):
    deg = dg0_ref[...] + dg1_ref[...]
    neigh = (n0_ref[...] + n1_ref[...]) / jnp.maximum(deg, 1.0)
    self_ = self_ref[...]
    h1 = (jnp.dot(self_, w1a[...], preferred_element_type=jnp.float32)
          + jnp.dot(neigh, w1b[...], preferred_element_type=jnp.float32))
    h2 = (jnp.dot(self_, w2a[...], preferred_element_type=jnp.float32)
          + jnp.dot(neigh, w2b[...], preferred_element_type=jnp.float32))
    e1 = jnp.maximum(h1, 0.0)
    e2 = jnp.maximum(h2, 0.0)
    s0 = jnp.dot(e1 * e1, att[...], preferred_element_type=jnp.float32)
    s1 = jnp.dot(e1 * e2, att[...], preferred_element_type=jnp.float32)
    s0 = jnp.where(s0 >= 0.0, s0, 0.5 * s0)
    s1 = jnp.where(s1 >= 0.0, s1, 0.5 * s1)
    m = jnp.maximum(s0, s1)
    a0 = jnp.exp(s0 - m)
    a1 = jnp.exp(s1 - m)
    res = (a0 * e1 + a1 * e2) / (a0 + a1)
    z = jnp.dot(res, lw[...], preferred_element_type=jnp.float32) + lb[0, 0]
    out_ref[...] = 1.0 / (1.0 + jnp.exp(-z))


def _tc_call(out_self, n0, n1, dg0, dg1, w1a, w1b, w2a, w2b, att, lw, lb):
    full = lambda i: (0, 0)
    return pl.pallas_call(
        _tc_body,
        grid=(B // BT,),
        in_specs=[
            pl.BlockSpec((BT, D), lambda i: (i, 0)),
            pl.BlockSpec((BT, D), lambda i: (i, 0)),
            pl.BlockSpec((BT, D), lambda i: (i, 0)),
            pl.BlockSpec((BT, 1), lambda i: (i, 0)),
            pl.BlockSpec((BT, 1), lambda i: (i, 0)),
            pl.BlockSpec((D, D), full),
            pl.BlockSpec((D, D), full),
            pl.BlockSpec((D, D), full),
            pl.BlockSpec((D, D), full),
            pl.BlockSpec((D, 1), full),
            pl.BlockSpec((D, 1), full),
            pl.BlockSpec((1, 1), full),
        ],
        out_specs=pl.BlockSpec((BT, 1), lambda i: (i, 0)),
        out_shape=jax.ShapeDtypeStruct((B, 1), jnp.float32),
    )(out_self, n0, n1, dg0, dg1, w1a, w1b, w2a, w2b, att, lw, lb)


def kernel(nodes, edge_index, features, W1, W2, att_a, logis_W, logis_b):
    src = edge_index[0]
    dst = edge_index[1]
    npad = E_PAD - E
    src_p = jnp.concatenate([src, jnp.zeros((npad,), jnp.int32)])
    dst_p = jnp.concatenate([dst, jnp.full((npad,), N_NODES, jnp.int32)])
    eidx = jnp.stack([src_p.reshape(TOT_CH, CHUNK),
                      dst_p.reshape(TOT_CH, CHUNK)], axis=1)
    out_self, n0, n1, dg0, dg1 = _sc_agg(features, eidx, nodes)
    w1a = W1[:, :D].T
    w1b = W1[:, D:].T
    w2a = W2[:, :D].T
    w2b = W2[:, D:].T
    att = att_a.reshape(D, 1)
    lb = logis_b.reshape(1, 1)
    return _tc_call(out_self, n0, n1, dg0.reshape(B, 1), dg1.reshape(B, 1),
                    w1a, w1b, w2a, w2b, att, logis_W, lb)

# --- scband reference (transcript-rebuilt; emitter-appended) ---
"""Pipeline reference for scband-supervised-graph-sage-31112743092385 (READ-ONLY COPY).

The authoritative reference and input builder live on the scoring server;
editing this copy changes nothing except your own understanding.
"""

import jax, jax.numpy as jnp
import numpy as np

N_NODES = 10000
N_EDGES = 320000
D_FEAT = 128
EMBED_DIM = 128
BATCH = 8192


def setup_inputs(seed: int = 0) -> dict:
    key = jax.random.key(seed)
    ks = jax.random.split(key, 8)
    nodes = jax.random.randint(ks[0], (BATCH,), 0, N_NODES, dtype=jnp.int64 if jax.config.jax_enable_x64 else jnp.int32).astype(jnp.int32)
    edge_index = jax.random.randint(ks[1], (2, N_EDGES), 0, N_NODES).astype(jnp.int32)
    features = jax.random.normal(ks[2], (N_NODES, D_FEAT), dtype=jnp.float32)
    # enc1/enc2 GraphSage encoder weights: embed_dim x (2*d_feat) (self || mean-neighbor concat)
    W1 = 0.05 * jax.random.normal(ks[3], (EMBED_DIM, 2 * D_FEAT), dtype=jnp.float32)
    W2 = 0.05 * jax.random.normal(ks[4], (EMBED_DIM, 2 * D_FEAT), dtype=jnp.float32)
    # BitwiseMultipyLogis attention vector over elementwise (bitwise-multiply) products
    att_a = 0.05 * jax.random.normal(ks[5], (EMBED_DIM,), dtype=jnp.float32)
    # LogisticRegression head
    logis_W = 0.05 * jax.random.normal(ks[6], (EMBED_DIM, 1), dtype=jnp.float32)
    logis_b = jnp.zeros((1,), dtype=jnp.float32)
    return {"nodes": nodes, "edge_index": edge_index, "features": features,
            "W1": W1, "W2": W2, "att_a": att_a, "logis_W": logis_W, "logis_b": logis_b}


def reference(nodes, edge_index, features, W1, W2, att_a, logis_W, logis_b):
    N = features.shape[0]
    src = edge_index[0]
    dst = edge_index[1]
    # GraphSage mean aggregation over all nodes (gather + scatter-add)
    msg = jnp.take(features, src, axis=0)                      # [E, d] gather
    agg = jax.ops.segment_sum(msg, dst, num_segments=N)        # [N, d] scatter-add
    deg = jax.ops.segment_sum(jnp.ones((src.shape[0],), jnp.float32), dst, num_segments=N)
    neigh = agg / jnp.maximum(deg, 1.0)[:, None]
    # encode the batch nodes: concat(self, neigh) then linear+relu  -> [embed_dim, B]
    self_f = jnp.take(features, nodes, axis=0)                 # [B, d]
    neigh_f = jnp.take(neigh, nodes, axis=0)                   # [B, d]
    cat = jnp.concatenate([self_f, neigh_f], axis=1)           # [B, 2d]
    embeds1 = jax.nn.relu(W1 @ cat.T)                          # [embed_dim, B]
    embeds2 = jax.nn.relu(W2 @ cat.T)                          # [embed_dim, B]
    embeds = [embeds1.T, embeds2.T]                            # list of [B, embed_dim] (.t())
    # BitwiseMultipyLogis layer attention (predict_layer = 0); dropout inactive at eval
    pred_layer = embeds[0]
    scores = jnp.stack([
        jax.nn.leaky_relu((pred_layer * e) @ att_a, negative_slope=0.5)
        for e in embeds
    ], axis=1)                                                 # [B, lay_num]
    weight = jax.nn.softmax(scores, axis=1)                    # [B, lay_num]
    result = sum(weight[:, i, None] * embeds[i] for i in range(len(embeds)))  # [B, embed_dim]
    # Logistic regression head
    predict = jax.nn.sigmoid(result @ logis_W + logis_b)       # [B, 1]
    return predict

if __name__ == "__main__":
    import jax
    _d = setup_inputs()
    print(jax.jit(kernel)(*tuple(_d.values())))

</pallas_src>

<mosaic_0001>
#map = affine_map<(d0, d1) -> (0, 0)>
#map1 = affine_map<(d0, d1) -> (0, 0, 0)>
#map2 = affine_map<(d0, d1) -> (0)>
module attributes {stable_mosaic.version = 14 : i64} {
  func.func @_sc_body(%arg0: i32, %arg1: i32, %arg2: memref<10000x128xf32, #tpu.memory_space<hbm>>, %arg3: memref<4032x2x80xi32, #tpu.memory_space<hbm>>, %arg4: memref<8192xi32, #tpu.memory_space<hbm>>, %arg5: memref<8192x128xf32, #tpu.memory_space<hbm>>, %arg6: memref<8192x128xf32, #tpu.memory_space<hbm>>, %arg7: memref<8192x128xf32, #tpu.memory_space<hbm>>, %arg8: memref<8192xf32, #tpu.memory_space<hbm>>, %arg9: memref<8192xf32, #tpu.memory_space<hbm>>, %arg10: memref<10240x128xf32, #tpu.memory_space<vmem_shared>>, %arg11: memref<10240xf32, #tpu.memory_space<vmem_shared>>, %arg12: memref<80x128xf32, #tpu.memory_space<vmem>>, %arg13: memref<80x128xf32, #tpu.memory_space<vmem>>, %arg14: memref<80x128xf32, #tpu.memory_space<vmem>>, %arg15: memref<2x80xi32, #tpu.memory_space<vmem>>, %arg16: memref<2x80xi32, #tpu.memory_space<vmem>>, %arg17: memref<2x80xi32, #tpu.memory_space<vmem>>, %arg18: memref<2x80xi32, #tpu.memory_space<vmem>>, %arg19: memref<2x80xi32, #tpu.memory_space<vmem>>, %arg20: memref<2x80xi32, #tpu.memory_space<vmem>>, %arg21: memref<64xi32, #tpu.memory_space<vmem>>, %arg22: memref<64xi32, #tpu.memory_space<vmem>>, %arg23: memref<64xi32, #tpu.memory_space<vmem>>, %arg24: memref<64xf32, #tpu.memory_space<vmem>>, %arg25: memref<64xf32, #tpu.memory_space<vmem>>, %arg26: memref<64xf32, #tpu.memory_space<vmem>>, %arg27: memref<80xf32, #tpu.memory_space<vmem>>, %arg28: memref<640xf32, #tpu.memory_space<vmem>>, %arg29: memref<!tpu.dma_semaphore, #tpu.memory_space<semaphore_mem>>, %arg30: memref<!tpu.dma_semaphore, #tpu.memory_space<semaphore_mem>>, %arg31: memref<!tpu.dma_semaphore, #tpu.memory_space<semaphore_mem>>, %arg32: memref<!tpu.dma_semaphore, #tpu.memory_space<semaphore_mem>>, %arg33: memref<!tpu.dma_semaphore, #tpu.memory_space<semaphore_mem>>, %arg34: memref<!tpu.dma_semaphore, #tpu.memory_space<semaphore_mem>>, %arg35: memref<!tpu.dma_semaphore, #tpu.memory_space<semaphore_mem>>, %arg36: memref<!tpu.dma_semaphore, #tpu.memory_space<semaphore_mem>>, %arg37: memref<!tpu.dma_semaphore, #tpu.memory_space<semaphore_mem>>, %arg38: memref<!tpu.dma_semaphore, #tpu.memory_space<semaphore_mem>>, %arg39: memref<!tpu.dma_semaphore, #tpu.memory_space<semaphore_mem>>, %arg40: memref<!tpu.dma_semaphore, #tpu.memory_space<semaphore_mem>>, %arg41: memref<!tpu.dma_semaphore, #tpu.memory_space<semaphore_mem>>, %arg42: memref<!tpu.dma_semaphore, #tpu.memory_space<semaphore_mem>>, %arg43: memref<!tpu.dma_semaphore, #tpu.memory_space<semaphore_mem>>, %arg44: memref<!tpu.dma_semaphore, #tpu.memory_space<semaphore_mem>>, %arg45: memref<!tpu.dma_semaphore, #tpu.memory_space<semaphore_mem>>, %arg46: memref<!tpu.dma_semaphore, #tpu.memory_space<semaphore_mem>>) attributes {dimension_semantics = [#tpu.dimension_semantics<core_parallel>, #tpu.dimension_semantics<subcore_parallel>], iteration_bounds = array<i64: 2, 16>, scalar_prefetch = 0 : i64, scratch_operands = 37 : i64, tpu.core_type = #tpu.core_type<sc_vector_subcore>, window_params = [{transform_indices = #map}, {transform_indices = #map1}, {transform_indices = #map2}, {transform_indices = #map}, {transform_indices = #map}, {transform_indices = #map}, {transform_indices = #map2}, {transform_indices = #map2}]} {
    %mul3A = arith.constant 2 : i32
    %mul3A_0 = arith.muli %arg1, %mul3A : i32
    %add3A = arith.addi %mul3A_0, %arg0 : i32
    %scan3A = arith.constant 0 : i32
    %scan3A_1 = arith.constant 0 : i32
    %scan3A_2 = arith.constant 80 : i32
    %scan3A_3 = arith.addi %scan3A_1, %scan3A_2 : i32
    %scan3A_4 = arith.constant 1 : i32
    scf.for %scan3A_708 = %scan3A_1 to %scan3A_3 step %scan3A_4  : i32 {
      %scan3A_709 = arith.constant 0 : i32
      %scan3A_710 = arith.constant 8 : i32
      %scan3A_711 = arith.addi %scan3A_709, %scan3A_710 : i32
      %scan3A_712 = arith.constant 1 : i32
      scf.for %scan3A_714 = %scan3A_709 to %scan3A_711 step %scan3A_712  : i32 {
        %broadcast_in_dim3A = arith.constant 0.000000e+00 : f32
        %broadcast_in_dim3A_715 = vector.broadcast %broadcast_in_dim3A : f32 to vector<16xf32>
        %mul3A_716 = arith.constant 16 : i32
        %mul3A_717 = arith.muli %scan3A_714, %mul3A_716 : i32
        %swap3A = arith.index_cast %scan3A_708 : i32 to index
        %swap3A_718 = arith.index_cast %mul3A_717 : i32 to index
        %swap3A_719 = tpu.vector_load %arg12[%swap3A, %swap3A_718] {strides = array<i32>} : memref<80x128xf32, #tpu.memory_space<vmem>>, vector<1x16xf32>,
        %swap3A_720 = vector.shape_cast %swap3A_719 : vector<1x16xf32> to vector<16xf32>
        %swap3A_721 = vector.shape_cast %broadcast_in_dim3A_715 : vector<16xf32> to vector<1x16xf32>
        tpu.vector_store %arg12[%swap3A, %swap3A_718], %swap3A_721 {strides = array<i32>} : memref<80x128xf32, #tpu.memory_space<vmem>>, vector<1x16xf32>,
      }
      %scan3A_713 = arith.constant 8 : i32
    }
    %scan3A_5 = arith.constant 80 : i32
    %scan3A_6 = arith.constant 0 : i32
    %scan3A_7 = arith.constant 0 : i32
    %scan3A_8 = arith.constant 40 : i32
    %scan3A_9 = arith.addi %scan3A_7, %scan3A_8 : i32
    %scan3A_10 = arith.constant 1 : i32
    scf.for %scan3A_708 = %scan3A_7 to %scan3A_9 step %scan3A_10  : i32 {
      %broadcast_in_dim3A = arith.constant 0.000000e+00 : f32
      %broadcast_in_dim3A_709 = vector.broadcast %broadcast_in_dim3A : f32 to vector<16xf32>
      %mul3A_710 = arith.constant 16 : i32
      %mul3A_711 = arith.muli %scan3A_708, %mul3A_710 : i32
      %swap3A = arith.index_cast %mul3A_711 : i32 to index
      %swap3A_712 = tpu.vector_load %arg28[%swap3A] {strides = array<i32>} : memref<640xf32, #tpu.memory_space<vmem>>, vector<16xf32>,
      %swap3A_713 = vector.shape_cast %swap3A_712 : vector<16xf32> to vector<16xf32>
      %swap3A_714 = vector.shape_cast %broadcast_in_dim3A_709 : vector<16xf32> to vector<16xf32>
      tpu.vector_store %arg28[%swap3A], %swap3A_714 {strides = array<i32>} : memref<640xf32, #tpu.memory_space<vmem>>, vector<16xf32>,
    }
    %scan3A_11 = arith.constant 40 : i32
    %scan3A_12 = arith.constant 0 : i32
    %scan3A_13 = arith.constant 0 : i32
    %scan3A_14 = arith.constant 5 : i32
    %scan3A_15 = arith.addi %scan3A_13, %scan3A_14 : i32
    %scan3A_16 = arith.constant 1 : i32
    scf.for %scan3A_708 = %scan3A_13 to %scan3A_15 step %scan3A_16  : i32 {
      %broadcast_in_dim3A = arith.constant 1.000000e+00 : f32
      %broadcast_in_dim3A_709 = vector.broadcast %broadcast_in_dim3A : f32 to vector<16xf32>
      %mul3A_710 = arith.constant 16 : i32
      %mul3A_711 = arith.muli %scan3A_708, %mul3A_710 : i32
      %swap3A = arith.index_cast %mul3A_711 : i32 to index
      %swap3A_712 = tpu.vector_load %arg27[%swap3A] {strides = array<i32>} : memref<80xf32, #tpu.memory_space<vmem>>, vector<16xf32>,
      %swap3A_713 = vector.shape_cast %swap3A_712 : vector<16xf32> to vector<16xf32>
      %swap3A_714 = vector.shape_cast %broadcast_in_dim3A_709 : vector<16xf32> to vector<16xf32>
      tpu.vector_store %arg27[%swap3A], %swap3A_714 {strides = array<i32>} : memref<80xf32, #tpu.memory_space<vmem>>, vector<16xf32>,
    }
    %scan3A_17 = arith.constant 5 : i32
    %mul3A_18 = arith.constant 640 : i32
    %mul3A_19 = arith.muli %arg1, %mul3A_18 : i32
    %scan3A_20 = arith.constant 0 : i32
    %scan3A_21 = arith.constant 0 : i32
    %scan3A_22 = arith.constant 8 : i32
    %scan3A_23 = arith.addi %scan3A_21, %scan3A_22 : i32
    %scan3A_24 = arith.constant 1 : i32
    scf.for %scan3A_708 = %scan3A_21 to %scan3A_23 step %scan3A_24  : i32 {
      %mul3A_709 = arith.constant 80 : i32
      %mul3A_710 = arith.muli %scan3A_708, %mul3A_709 : i32
      %add3A_711 = arith.addi %mul3A_19, %mul3A_710 : i32
      "tpu.region"() ({
        %run_scoped3A = tpu.sem_alloc : memref<!tpu.dma_semaphore, #tpu.memory_space<semaphore_mem>>
        %dma_start3A_712 = arith.constant 0 : i32
        %dma_start3A_713 = tpu.memref_slice %arg10[%add3A_711, %dma_start3A_712] : memref<10240x128xf32, #tpu.memory_space<vmem_shared>> -> memref<80x128xf32, #tpu.memory_space<vmem_shared>>
        %dma_start3A_714 = arith.constant 0 : i32
        %dma_start3A_715 = tpu.memref_slice %arg10[%add3A_711, %dma_start3A_714] : memref<10240x128xf32, #tpu.memory_space<vmem_shared>> -> memref<80x128xf32, #tpu.memory_space<vmem_shared>>
        tpu.enqueue_dma source(%arg12 : memref<80x128xf32, #tpu.memory_space<vmem>>) target(%dma_start3A_715 : memref<80x128xf32, #tpu.memory_space<vmem_shared>>) target_semaphore(%run_scoped3A : memref<!tpu.dma_semaphore, #tpu.memory_space<semaphore_mem>>)
        %dma_wait3A_716 = arith.constant 0 : i32
        %dma_wait3A_717 = tpu.memref_slice %arg10[%add3A_711, %dma_wait3A_716] : memref<10240x128xf32, #tpu.memory_space<vmem_shared>> -> memref<80x128xf32, #tpu.memory_space<vmem_shared>>
        %dma_wait3A_718 = arith.constant 0 : i32
        %dma_wait3A_719 = tpu.memref_slice %arg10[%add3A_711, %dma_wait3A_718] : memref<10240x128xf32, #tpu.memory_space<vmem_shared>> -> memref<80x128xf32, #tpu.memory_space<vmem_shared>>
        tpu.wait_dma2 semaphore(%run_scoped3A : memref<!tpu.dma_semaphore, #tpu.memory_space<semaphore_mem>>) src(%arg12 : memref<80x128xf32, #tpu.memory_space<vmem>>) dst(%dma_wait3A_719 : memref<80x128xf32, #tpu.memory_space<vmem_shared>>)
        tpu.yield
      }) : () -> ()
    }
    %scan3A_25 = arith.constant 8 : i32
    "tpu.region"() ({
      %run_scoped3A = tpu.sem_alloc : memref<!tpu.dma_semaphore, #tpu.memory_space<semaphore_mem>>
      %dma_start3A_708 = tpu.memref_slice %arg11[%mul3A_19] : memref<10240xf32, #tpu.memory_space<vmem_shared>> -> memref<640xf32, #tpu.memory_space<vmem_shared>>
      %dma_start3A_709 = tpu.memref_slice %arg11[%mul3A_19] : memref<10240xf32, #tpu.memory_space<vmem_shared>> -> memref<640xf32, #tpu.memory_space<vmem_shared>>
      tpu.enqueue_dma source(%arg28 : memref<640xf32, #tpu.memory_space<vmem>>) target(%dma_start3A_709 : memref<640xf32, #tpu.memory_space<vmem_shared>>) target_semaphore(%run_scoped3A : memref<!tpu.dma_semaphore, #tpu.memory_space<semaphore_mem>>)
      %dma_wait3A_710 = tpu.memref_slice %arg11[%mul3A_19] : memref<10240xf32, #tpu.memory_space<vmem_shared>> -> memref<640xf32, #tpu.memory_space<vmem_shared>>
      %dma_wait3A_711 = tpu.memref_slice %arg11[%mul3A_19] : memref<10240xf32, #tpu.memory_space<vmem_shared>> -> memref<640xf32, #tpu.memory_space<vmem_shared>>
      tpu.wait_dma2 semaphore(%run_scoped3A : memref<!tpu.dma_semaphore, #tpu.memory_space<semaphore_mem>>) src(%arg28 : memref<640xf32, #tpu.memory_space<vmem>>) dst(%dma_wait3A_711 : memref<640xf32, #tpu.memory_space<vmem_shared>>)
      tpu.yield
    }) : () -> ()
    %barrier3A = arith.constant 0 : index
    tpu.barrier barrier_id(%barrier3A)
    %eq3A = arith.constant 0 : i32
    %eq3A_26 = arith.cmpi eq, %arg0, %eq3A : i32
    %convert_element_type3A = arith.extui %eq3A_26 : i1 to i32
    %cond3A = arith.constant 0 : i32
    %cond3A_27 = arith.cmpi ne, %convert_element_type3A, %cond3A : i32
    scf.if %cond3A_27 {
      %mul3A_708 = arith.constant 204 : i32
      %mul3A_709 = arith.muli %arg1, %mul3A_708 : i32
      %add3A_710 = arith.constant 0 : i32
      %add3A_711 = arith.addi %mul3A_709, %add3A_710 : i32
      %dma_start3A_712 = arith.constant 0 : i32
      %dma_start3A_713 = arith.constant 0 : i32
      %dma_start3A_714 = tpu.memref_slice %arg3[%add3A_711, %dma_start3A_712, %dma_start3A_713] : memref<4032x2x80xi32, #tpu.memory_space<hbm>> -> memref<1x2x80xi32, #tpu.memory_space<hbm>>
      %dma_start3A_715 = tpu.memref_squeeze %dma_start3A_714 : memref<1x2x80xi32, #tpu.memory_space<hbm>> -> memref<2x80xi32, #tpu.memory_space<hbm>>
      %dma_start3A_716 = arith.constant 0 : i32
      %dma_start3A_717 = arith.constant 0 : i32
      %dma_start3A_718 = tpu.memref_slice %arg3[%add3A_711, %dma_start3A_716, %dma_start3A_717] : memref<4032x2x80xi32, #tpu.memory_space<hbm>> -> memref<1x2x80xi32, #tpu.memory_space<hbm>>
      %dma_start3A_719 = tpu.memref_squeeze %dma_start3A_718 : memref<1x2x80xi32, #tpu.memory_space<hbm>> -> memref<2x80xi32, #tpu.memory_space<hbm>>
      tpu.enqueue_dma source(%dma_start3A_719 : memref<2x80xi32, #tpu.memory_space<hbm>>) target(%arg15 : memref<2x80xi32, #tpu.memory_space<vmem>>) target_semaphore(%arg38 : memref<!tpu.dma_semaphore, #tpu.memory_space<semaphore_mem>>)
      %add3A_720 = arith.constant 1 : i32
      %add3A_721 = arith.addi %mul3A_709, %add3A_720 : i32
      %dma_start3A_722 = arith.constant 0 : i32
      %dma_start3A_723 = arith.constant 0 : i32
      %dma_start3A_724 = tpu.memref_slice %arg3[%add3A_721, %dma_start3A_722, %dma_start3A_723] : memref<4032x2x80xi32, #tpu.memory_space<hbm>> -> memref<1x2x80xi32, #tpu.memory_space<hbm>>
      %dma_start3A_725 = tpu.memref_squeeze %dma_start3A_724 : memref<1x2x80xi32, #tpu.memory_space<hbm>> -> memref<2x80xi32, #tpu.memory_space<hbm>>
      %dma_start3A_726 = arith.constant 0 : i32
      %dma_start3A_727 = arith.constant 0 : i32
      %dma_start3A_728 = tpu.memref_slice %arg3[%add3A_721, %dma_start3A_726, %dma_start3A_727] : memref<4032x2x80xi32, #tpu.memory_space<hbm>> -> memref<1x2x80xi32, #tpu.memory_space<hbm>>
      %dma_start3A_729 = tpu.memref_squeeze %dma_start3A_728 : memref<1x2x80xi32, #tpu.memory_space<hbm>> -> memref<2x80xi32, #tpu.memory_space<hbm>>
      tpu.enqueue_dma source(%dma_start3A_729 : memref<2x80xi32, #tpu.memory_space<hbm>>) target(%arg16 : memref<2x80xi32, #tpu.memory_space<vmem>>) target_semaphore(%arg39 : memref<!tpu.dma_semaphore, #tpu.memory_space<semaphore_mem>>)
      %add3A_730 = arith.constant 2 : i32
      %add3A_731 = arith.addi %mul3A_709, %add3A_730 : i32
      %dma_start3A_732 = arith.constant 0 : i32
      %dma_start3A_733 = arith.constant 0 : i32
      %dma_start3A_734 = tpu.memref_slice %arg3[%add3A_731, %dma_start3A_732, %dma_start3A_733] : memref<4032x2x80xi32, #tpu.memory_space<hbm>> -> memref<1x2x80xi32, #tpu.memory_space<hbm>>
      %dma_start3A_735 = tpu.memref_squeeze %dma_start3A_734 : memref<1x2x80xi32, #tpu.memory_space<hbm>> -> memref<2x80xi32, #tpu.memory_space<hbm>>
      %dma_start3A_736 = arith.constant 0 : i32
      %dma_start3A_737 = arith.constant 0 : i32
      %dma_start3A_738 = tpu.memref_slice %arg3[%add3A_731, %dma_start3A_736, %dma_start3A_737] : memref<4032x2x80xi32, #tpu.memory_space<hbm>> -> memref<1x2x80xi32, #tpu.memory_space<hbm>>
      %dma_start3A_739 = tpu.memref_squeeze %dma_start3A_738 : memref<1x2x80xi32, #tpu.memory_space<hbm>> -> memref<2x80xi32, #tpu.memory_space<hbm>>
      tpu.enqueue_dma source(%dma_start3A_739 : memref<2x80xi32, #tpu.memory_space<hbm>>) target(%arg17 : memref<2x80xi32, #tpu.memory_space<vmem>>) target_semaphore(%arg40 : memref<!tpu.dma_semaphore, #tpu.memory_space<semaphore_mem>>)
      %add3A_740 = arith.constant 3 : i32
      %add3A_741 = arith.addi %mul3A_709, %add3A_740 : i32
      %dma_start3A_742 = arith.constant 0 : i32
      %dma_start3A_743 = arith.constant 0 : i32
      %dma_start3A_744 = tpu.memref_slice %arg3[%add3A_741, %dma_start3A_742, %dma_start3A_743] : memref<4032x2x80xi32, #tpu.memory_space<hbm>> -> memref<1x2x80xi32, #tpu.memory_space<hbm>>
      %dma_start3A_745 = tpu.memref_squeeze %dma_start3A_744 : memref<1x2x80xi32, #tpu.memory_space<hbm>> -> memref<2x80xi32, #tpu.memory_space<hbm>>
      %dma_start3A_746 = arith.constant 0 : i32
      %dma_start3A_747 = arith.constant 0 : i32
      %dma_start3A_748 = tpu.memref_slice %arg3[%add3A_741, %dma_start3A_746, %dma_start3A_747] : memref<4032x2x80xi32, #tpu.memory_space<hbm>> -> memref<1x2x80xi32, #tpu.memory_space<hbm>>
      %dma_start3A_749 = tpu.memref_squeeze %dma_start3A_748 : memref<1x2x80xi32, #tpu.memory_space<hbm>> -> memref<2x80xi32, #tpu.memory_space<hbm>>
      tpu.enqueue_dma source(%dma_start3A_749 : memref<2x80xi32, #tpu.memory_space<hbm>>) target(%arg18 : memref<2x80xi32, #tpu.memory_space<vmem>>) target_semaphore(%arg41 : memref<!tpu.dma_semaphore, #tpu.memory_space<semaphore_mem>>)
      %dma_wait3A_750 = arith.constant 0 : i32
      %dma_wait3A_751 = arith.constant 0 : i32
      %dma_wait3A_752 = arith.constant 0 : i32
      %dma_wait3A_753 = tpu.memref_slice %arg3[%dma_wait3A_750, %dma_wait3A_751, %dma_wait3A_752] : memref<4032x2x80xi32, #tpu.memory_space<hbm>> -> memref<1x2x80xi32, #tpu.memory_space<hbm>>
      %dma_wait3A_754 = tpu.memref_squeeze %dma_wait3A_753 : memref<1x2x80xi32, #tpu.memory_space<hbm>> -> memref<2x80xi32, #tpu.memory_space<hbm>>
      %dma_wait3A_755 = arith.constant 0 : i32
      %dma_wait3A_756 = arith.constant 0 : i32
      %dma_wait3A_757 = tpu.memref_slice %arg3[%dma_wait3A_750, %dma_wait3A_755, %dma_wait3A_756] : memref<4032x2x80xi32, #tpu.memory_space<hbm>> -> memref<1x2x80xi32, #tpu.memory_space<hbm>>
      %dma_wait3A_758 = tpu.memref_squeeze %dma_wait3A_757 : memref<1x2x80xi32, #tpu.memory_space<hbm>> -> memref<2x80xi32, #tpu.memory_space<hbm>>
      tpu.wait_dma2 semaphore(%arg38 : memref<!tpu.dma_semaphore, #tpu.memory_space<semaphore_mem>>) src(%dma_wait3A_758 : memref<2x80xi32, #tpu.memory_space<hbm>>) dst(%arg15 : memref<2x80xi32, #tpu.memory_space<vmem>>)
      %dma_start3A_759 = arith.constant 0 : i32
      %dma_start3A_760 = arith.constant 0 : i32
      %dma_start3A_761 = tpu.memref_slice %arg15[%dma_start3A_759, %dma_start3A_760] : memref<2x80xi32, #tpu.memory_space<vmem>> -> memref<1x80xi32, #tpu.memory_space<vmem>>
      %dma_start3A_762 = tpu.memref_squeeze %dma_start3A_761 : memref<1x80xi32, #tpu.memory_space<vmem>> -> memref<80xi32, #tpu.memory_space<vmem>>
      %dma_start3A_763 = arith.constant 0 : i32
      %dma_start3A_764 = arith.constant 0 : i32
      %dma_start3A_765 = tpu.memref_slice %arg2[%dma_start3A_763, %dma_start3A_764] : memref<10000x128xf32, #tpu.memory_space<hbm>> -> memref<10000x128xf32, #tpu.memory_space<hbm>>
      tpu.enqueue_indirect_dma source(%dma_start3A_765 : memref<10000x128xf32, #tpu.memory_space<hbm>>) target(%arg12 : memref<80x128xf32, #tpu.memory_space<vmem>>) offsets(%dma_start3A_762 : memref<80xi32, #tpu.memory_space<vmem>>) semaphore(%arg29 : memref<!tpu.dma_semaphore, #tpu.memory_space<semaphore_mem>>)
      %scan3A_766 = arith.constant 0 : i32
      %scan3A_767 = arith.constant 0 : i32
      %scan3A_768 = arith.constant 34 : i32
      %scan3A_769 = arith.addi %scan3A_767, %scan3A_768 : i32
      %scan3A_770 = arith.constant 1 : i32
      scf.for %scan3A_831 = %scan3A_767 to %scan3A_769 step %scan3A_770  : i32 {
        %mul3A_832 = arith.constant 6 : i32
        %mul3A_833 = arith.muli %scan3A_831, %mul3A_832 : i32
        %add3A_834 = arith.constant 0 : i32
        %add3A_835 = arith.addi %mul3A_833, %add3A_834 : i32
        %gt3A = arith.constant 0 : i32
        %gt3A_836 = arith.cmpi sgt, %scan3A_831, %gt3A : i32
        %convert_element_type3A_837 = arith.extui %gt3A_836 : i1 to i32
        %cond3A_838 = arith.constant 0 : i32
        %cond3A_839 = arith.cmpi ne, %convert_element_type3A_837, %cond3A_838 : i32
        scf.if %cond3A_839 {
          %dma_wait3A_1135 = arith.constant 0 : i32
          %dma_wait3A_1136 = arith.constant 0 : i32
          %dma_wait3A_1137 = tpu.memref_slice %arg20[%dma_wait3A_1135, %dma_wait3A_1136] : memref<2x80xi32, #tpu.memory_space<vmem>> -> memref<1x80xi32, #tpu.memory_space<vmem>>
          %dma_wait3A_1138 = tpu.memref_squeeze %dma_wait3A_1137 : memref<1x80xi32, #tpu.memory_space<vmem>> -> memref<80xi32, #tpu.memory_space<vmem>>
          %dma_wait3A_1139 = arith.constant 0 : i32
          %dma_wait3A_1140 = arith.constant 0 : i32
          %dma_wait3A_1141 = tpu.memref_slice %arg2[%dma_wait3A_1139, %dma_wait3A_1140] : memref<10000x128xf32, #tpu.memory_space<hbm>> -> memref<10000x128xf32, #tpu.memory_space<hbm>>
          tpu.wait_indirect_dma semaphore(%arg31 : memref<!tpu.dma_semaphore, #tpu.memory_space<semaphore_mem>>) src(%dma_wait3A_1141 : memref<10000x128xf32, #tpu.memory_space<hbm>>) dst(%arg14 : memref<80x128xf32, #tpu.memory_space<vmem>>)
          %dma_start3A_1142 = arith.constant 1 : i32
          %dma_start3A_1143 = arith.constant 0 : i32
          %dma_start3A_1144 = tpu.memref_slice %arg20[%dma_start3A_1142, %dma_start3A_1143] : memref<2x80xi32, #tpu.memory_space<vmem>> -> memref<1x80xi32, #tpu.memory_space<vmem>>
          %dma_start3A_1145 = tpu.memref_squeeze %dma_start3A_1144 : memref<1x80xi32, #tpu.memory_space<vmem>> -> memref<80xi32, #tpu.memory_space<vmem>>
          %dma_start3A_1146 = arith.constant 0 : i32
          %dma_start3A_1147 = arith.constant 0 : i32
          %dma_start3A_1148 = tpu.memref_slice %arg10[%dma_start3A_1146, %dma_start3A_1147] : memref<10240x128xf32, #tpu.memory_space<vmem_shared>> -> memref<10240x128xf32, #tpu.memory_space<vmem_shared>>
          tpu.enqueue_indirect_dma source(%arg14 : memref<80x128xf32, #tpu.memory_space<vmem>>) target(%dma_start3A_1148 : memref<10240x128xf32, #tpu.memory_space<vmem_shared>>) offsets(%dma_start3A_1145 : memref<80xi32, #tpu.memory_space<vmem>>) semaphore(%arg34 : memref<!tpu.dma_semaphore, #tpu.memory_space<semaphore_mem>>) {add = true}
          %dma_start3A_1149 = arith.constant 1 : i32
          %dma_start3A_1150 = arith.constant 0 : i32
          %dma_start3A_1151 = tpu.memref_slice %arg20[%dma_start3A_1149, %dma_start3A_1150] : memref<2x80xi32, #tpu.memory_space<vmem>> -> memref<1x80xi32, #tpu.memory_space<vmem>>
          %dma_start3A_1152 = tpu.memref_squeeze %dma_start3A_1151 : memref<1x80xi32, #tpu.memory_space<vmem>> -> memref<80xi32, #tpu.memory_space<vmem>>
          %dma_start3A_1153 = arith.constant 0 : i32
          %dma_start3A_1154 = tpu.memref_slice %arg11[%dma_start3A_1153] : memref<10240xf32, #tpu.memory_space<vmem_shared>> -> memref<10240xf32, #tpu.memory_space<vmem_shared>>
          tpu.enqueue_indirect_dma source(%arg27 : memref<80xf32, #tpu.memory_space<vmem>>) target(%dma_start3A_1154 : memref<10240xf32, #tpu.memory_space<vmem_shared>>) offsets(%dma_start3A_1152 : memref<80xi32, #tpu.memory_space<vmem>>) semaphore(%arg37 : memref<!tpu.dma_semaphore, #tpu.memory_space<semaphore_mem>>) {add = true}
        } else {
        }
        %dma_wait3A_840 = arith.constant 0 : i32
        %dma_wait3A_841 = arith.constant 0 : i32
        %dma_wait3A_842 = arith.constant 0 : i32
        %dma_wait3A_843 = tpu.memref_slice %arg3[%dma_wait3A_840, %dma_wait3A_841, %dma_wait3A_842] : memref<4032x2x80xi32, #tpu.memory_space<hbm>> -> memref<1x2x80xi32, #tpu.memory_space<hbm>>
        %dma_wait3A_844 = tpu.memref_squeeze %dma_wait3A_843 : memref<1x2x80xi32, #tpu.memory_space<hbm>> -> memref<2x80xi32, #tpu.memory_space<hbm>>
        %dma_wait3A_845 = arith.constant 0 : i32
        %dma_wait3A_846 = arith.constant 0 : i32
        %dma_wait3A_847 = tpu.memref_slice %arg3[%dma_wait3A_840, %dma_wait3A_845, %dma_wait3A_846] : memref<4032x2x80xi32, #tpu.memory_space<hbm>> -> memref<1x2x80xi32, #tpu.memory_space<hbm>>
        %dma_wait3A_848 = tpu.memref_squeeze %dma_wait3A_847 : memref<1x2x80xi32, #tpu.memory_space<hbm>> -> memref<2x80xi32, #tpu.memory_space<hbm>>
        tpu.wait_dma2 semaphore(%arg39 : memref<!tpu.dma_semaphore, #tpu.memory_space<semaphore_mem>>) src(%dma_wait3A_848 : memref<2x80xi32, #tpu.memory_space<hbm>>) dst(%arg16 : memref<2x80xi32, #tpu.memory_space<vmem>>)
        %gt3A_849 = arith.constant 0 : i32
        %gt3A_850 = arith.cmpi sgt, %scan3A_831, %gt3A_849 : i32
        %convert_element_type3A_851 = arith.extui %gt3A_850 : i1 to i32
        %cond3A_852 = arith.constant 0 : i32
        %cond3A_853 = arith.cmpi ne, %convert_element_type3A_851, %cond3A_852 : i32
        scf.if %cond3A_853 {
          %dma_wait3A_1135 = arith.constant 1 : i32
          %dma_wait3A_1136 = arith.constant 0 : i32
          %dma_wait3A_1137 = tpu.memref_slice %arg16[%dma_wait3A_1135, %dma_wait3A_1136] : memref<2x80xi32, #tpu.memory_space<vmem>> -> memref<1x80xi32, #tpu.memory_space<vmem>>
          %dma_wait3A_1138 = tpu.memref_squeeze %dma_wait3A_1137 : memref<1x80xi32, #tpu.memory_space<vmem>> -> memref<80xi32, #tpu.memory_space<vmem>>
          %dma_wait3A_1139 = arith.constant 0 : i32
          %dma_wait3A_1140 = arith.constant 0 : i32
          %dma_wait3A_1141 = tpu.memref_slice %arg10[%dma_wait3A_1139, %dma_wait3A_1140] : memref<10240x128xf32, #tpu.memory_space<vmem_shared>> -> memref<10240x128xf32, #tpu.memory_space<vmem_shared>>
          tpu.wait_indirect_dma semaphore(%arg33 : memref<!tpu.dma_semaphore, #tpu.memory_space<semaphore_mem>>) src(%arg13 : memref<80x128xf32, #tpu.memory_space<vmem>>) dst(%dma_wait3A_1141 : memref<10240x128xf32, #tpu.memory_space<vmem_shared>>)
          %dma_wait3A_1142 = arith.constant 1 : i32
          %dma_wait3A_1143 = arith.constant 0 : i32
          %dma_wait3A_1144 = tpu.memref_slice %arg16[%dma_wait3A_1142, %dma_wait3A_1143] : memref<2x80xi32, #tpu.memory_space<vmem>> -> memref<1x80xi32, #tpu.memory_space<vmem>>
          %dma_wait3A_1145 = tpu.memref_squeeze %dma_wait3A_1144 : memref<1x80xi32, #tpu.memory_space<vmem>> -> memref<80xi32, #tpu.memory_space<vmem>>
          %dma_wait3A_1146 = arith.constant 0 : i32
          %dma_wait3A_1147 = tpu.memref_slice %arg11[%dma_wait3A_1146] : memref<10240xf32, #tpu.memory_space<vmem_shared>> -> memref<10240xf32, #tpu.memory_space<vmem_shared>>
          tpu.wait_indirect_dma semaphore(%arg36 : memref<!tpu.dma_semaphore, #tpu.memory_space<semaphore_mem>>) src(%arg27 : memref<80xf32, #tpu.memory_space<vmem>>) dst(%dma_wait3A_1147 : memref<10240xf32, #tpu.memory_space<vmem_shared>>)
        } else {
        }
        %dma_start3A_854 = arith.constant 0 : i32
        %dma_start3A_855 = arith.constant 0 : i32
        %dma_start3A_856 = tpu.memref_slice %arg16[%dma_start3A_854, %dma_start3A_855] : memref<2x80xi32, #tpu.memory_space<vmem>> -> memref<1x80xi32, #tpu.memory_space<vmem>>
        %dma_start3A_857 = tpu.memref_squeeze %dma_start3A_856 : memref<1x80xi32, #tpu.memory_space<vmem>> -> memref<80xi32, #tpu.memory_space<vmem>>
        %dma_start3A_858 = arith.constant 0 : i32
        %dma_start3A_859 = arith.constant 0 : i32
        %dma_start3A_860 = tpu.memref_slice %arg2[%dma_start3A_858, %dma_start3A_859] : memref<10000x128xf32, #tpu.memory_space<hbm>> -> memref<10000x128xf32, #tpu.memory_space<hbm>>
        tpu.enqueue_indirect_dma source(%dma_start3A_860 : memref<10000x128xf32, #tpu.memory_space<hbm>>) target(%arg13 : memref<80x128xf32, #tpu.memory_space<vmem>>) offsets(%dma_start3A_857 : memref<80xi32, #tpu.memory_space<vmem>>) semaphore(%arg30 : memref<!tpu.dma_semaphore, #tpu.memory_space<semaphore_mem>>)
        %add3A_861 = arith.addi %mul3A_709, %add3A_835 : i32
        %add3A_862 = arith.constant 4 : i32
        %add3A_863 = arith.addi %add3A_861, %add3A_862 : i32
        %dma_start3A_864 = arith.constant 0 : i32
        %dma_start3A_865 = arith.constant 0 : i32
        %dma_start3A_866 = tpu.memref_slice %arg3[%add3A_863, %dma_start3A_864, %dma_start3A_865] : memref<4032x2x80xi32, #tpu.memory_space<hbm>> -> memref<1x2x80xi32, #tpu.memory_space<hbm>>
        %dma_start3A_867 = tpu.memref_squeeze %dma_start3A_866 : memref<1x2x80xi32, #tpu.memory_space<hbm>> -> memref<2x80xi32, #tpu.memory_space<hbm>>
        %dma_start3A_868 = arith.constant 0 : i32
        %dma_start3A_869 = arith.constant 0 : i32
        %dma_start3A_870 = tpu.memref_slice %arg3[%add3A_863, %dma_start3A_868, %dma_start3A_869] : memref<4032x2x80xi32, #tpu.memory_space<hbm>> -> memref<1x2x80xi32, #tpu.memory_space<hbm>>
        %dma_start3A_871 = tpu.memref_squeeze %dma_start3A_870 : memref<1x2x80xi32, #tpu.memory_space<hbm>> -> memref<2x80xi32, #tpu.memory_space<hbm>>
        tpu.enqueue_dma source(%dma_start3A_871 : memref<2x80xi32, #tpu.memory_space<hbm>>) target(%arg19 : memref<2x80xi32, #tpu.memory_space<vmem>>) target_semaphore(%arg42 : memref<!tpu.dma_semaphore, #tpu.memory_space<semaphore_mem>>)
        %mul3A_872 = arith.constant 6 : i32
        %mul3A_873 = arith.muli %scan3A_831, %mul3A_872 : i32
        %add3A_874 = arith.constant 1 : i32
        %add3A_875 = arith.addi %mul3A_873, %add3A_874 : i32
        %dma_wait3A_876 = arith.constant 0 : i32
        %dma_wait3A_877 = arith.constant 0 : i32
        %dma_wait3A_878 = tpu.memref_slice %arg15[%dma_wait3A_876, %dma_wait3A_877] : memref<2x80xi32, #tpu.memory_space<vmem>> -> memref<1x80xi32, #tpu.memory_space<vmem>>
        %dma_wait3A_879 = tpu.memref_squeeze %dma_wait3A_878 : memref<1x80xi32, #tpu.memory_space<vmem>> -> memref<80xi32, #tpu.memory_space<vmem>>
        %dma_wait3A_880 = arith.constant 0 : i32
        %dma_wait3A_881 = arith.constant 0 : i32
        %dma_wait3A_882 = tpu.memref_slice %arg2[%dma_wait3A_880, %dma_wait3A_881] : memref<10000x128xf32, #tpu.memory_space<hbm>> -> memref<10000x128xf32, #tpu.memory_space<hbm>>
        tpu.wait_indirect_dma semaphore(%arg29 : memref<!tpu.dma_semaphore, #tpu.memory_space<semaphore_mem>>) src(%dma_wait3A_882 : memref<10000x128xf32, #tpu.memory_space<hbm>>) dst(%arg12 : memref<80x128xf32, #tpu.memory_space<vmem>>)
        %dma_start3A_883 = arith.constant 1 : i32
        %dma_start3A_884 = arith.constant 0 : i32
        %dma_start3A_885 = tpu.memref_slice %arg15[%dma_start3A_883, %dma_start3A_884] : memref<2x80xi32, #tpu.memory_space<vmem>> -> memref<1x80xi32, #tpu.memory_space<vmem>>
        %dma_start3A_886 = tpu.memref_squeeze %dma_start3A_885 : memref<1x80xi32, #tpu.memory_space<vmem>> -> memref<80xi32, #tpu.memory_space<vmem>>
        %dma_start3A_887 = arith.constant 0 : i32
        %dma_start3A_888 = arith.constant 0 : i32
        %dma_start3A_889 = tpu.memref_slice %arg10[%dma_start3A_887, %dma_start3A_888] : memref<10240x128xf32, #tpu.memory_space<vmem_shared>> -> memref<10240x128xf32, #tpu.memory_space<vmem_shared>>
        tpu.enqueue_indirect_dma source(%arg12 : memref<80x128xf32, #tpu.memory_space<vmem>>) target(%dma_start3A_889 : memref<10240x128xf32, #tpu.memory_space<vmem_shared>>) offsets(%dma_start3A_886 : memref<80xi32, #tpu.memory_space<vmem>>) semaphore(%arg32 : memref<!tpu.dma_semaphore, #tpu.memory_space<semaphore_mem>>) {add = true}
        %dma_start3A_890 = arith.constant 1 : i32
        %dma_start3A_891 = arith.constant 0 : i32
        %dma_start3A_892 = tpu.memref_slice %arg15[%dma_start3A_890, %dma_start3A_891] : memref<2x80xi32, #tpu.memory_space<vmem>> -> memref<1x80xi32, #tpu.memory_space<vmem>>
        %dma_start3A_893 = tpu.memref_squeeze %dma_start3A_892 : memref<1x80xi32, #tpu.memory_space<vmem>> -> memref<80xi32, #tpu.memory_space<vmem>>
        %dma_start3A_894 = arith.constant 0 : i32
        %dma_start3A_895 = tpu.memref_slice %arg11[%dma_start3A_894] : memref<10240xf32, #tpu.memory_space<vmem_shared>> -> memref<10240xf32, #tpu.memory_space<vmem_shared>>
        tpu.enqueue_indirect_dma source(%arg27 : memref<80xf32, #tpu.memory_space<vmem>>) target(%dma_start3A_895 : memref<10240xf32, #tpu.memory_space<vmem_shared>>) offsets(%dma_start3A_893 : memref<80xi32, #tpu.memory_space<vmem>>) semaphore(%arg35 : memref<!tpu.dma_semaphore, #tpu.memory_space<semaphore_mem>>) {add = true}
        %dma_wait3A_896 = arith.constant 0 : i32
        %dma_wait3A_897 = arith.constant 0 : i32
        %dma_wait3A_898 = arith.constant 0 : i32
        %dma_wait3A_899 = tpu.memref_slice %arg3[%dma_wait3A_896, %dma_wait3A_897, %dma_wait3A_898] : memref<4032x2x80xi32, #tpu.memory_space<hbm>> -> memref<1x2x80xi32, #tpu.memory_space<hbm>>
        %dma_wait3A_900 = tpu.memref_squeeze %dma_wait3A_899 : memref<1x2x80xi32, #tpu.memory_space<hbm>> -> memref<2x80xi32, #tpu.memory_space<hbm>>
        %dma_wait3A_901 = arith.constant 0 : i32
        %dma_wait3A_902 = arith.constant 0 : i32
        %dma_wait3A_903 = tpu.memref_slice %arg3[%dma_wait3A_896, %dma_wait3A_901, %dma_wait3A_902] : memref<4032x2x80xi32, #tpu.memory_space<hbm>> -> memref<1x2x80xi32, #tpu.memory_space<hbm>>
        %dma_wait3A_904 = tpu.memref_squeeze %dma_wait3A_903 : memref<1x2x80xi32, #tpu.memory_space<hbm>> -> memref<2x80xi32, #tpu.memory_space<hbm>>
        tpu.wait_dma2 semaphore(%arg40 : memref<!tpu.dma_semaphore, #tpu.memory_space<semaphore_mem>>) src(%dma_wait3A_904 : memref<2x80xi32, #tpu.memory_space<hbm>>) dst(%arg17 : memref<2x80xi32, #tpu.memory_space<vmem>>)
        %gt3A_905 = arith.constant 0 : i32
        %gt3A_906 = arith.cmpi sgt, %scan3A_831, %gt3A_905 : i32
        %convert_element_type3A_907 = arith.extui %gt3A_906 : i1 to i32
        %cond3A_908 = arith.constant 0 : i32
        %cond3A_909 = arith.cmpi ne, %convert_element_type3A_907, %cond3A_908 : i32
        scf.if %cond3A_909 {
          %dma_wait3A_1135 = arith.constant 1 : i32
          %dma_wait3A_1136 = arith.constant 0 : i32
          %dma_wait3A_1137 = tpu.memref_slice %arg17[%dma_wait3A_1135, %dma_wait3A_1136] : memref<2x80xi32, #tpu.memory_space<vmem>> -> memref<1x80xi32, #tpu.memory_space<vmem>>
          %dma_wait3A_1138 = tpu.memref_squeeze %dma_wait3A_1137 : memref<1x80xi32, #tpu.memory_space<vmem>> -> memref<80xi32, #tpu.memory_space<vmem>>
          %dma_wait3A_1139 = arith.constant 0 : i32
          %dma_wait3A_1140 = arith.constant 0 : i32
          %dma_wait3A_1141 = tpu.memref_slice %arg10[%dma_wait3A_1139, %dma_wait3A_1140] : memref<10240x128xf32, #tpu.memory_space<vmem_shared>> -> memref<10240x128xf32, #tpu.memory_space<vmem_shared>>
          tpu.wait_indirect_dma semaphore(%arg34 : memref<!tpu.dma_semaphore, #tpu.memory_space<semaphore_mem>>) src(%arg14 : memref<80x128xf32, #tpu.memory_space<vmem>>) dst(%dma_wait3A_1141 : memref<10240x128xf32, #tpu.memory_space<vmem_shared>>)
          %dma_wait3A_1142 = arith.constant 1 : i32
          %dma_wait3A_1143 = arith.constant 0 : i32
          %dma_wait3A_1144 = tpu.memref_slice %arg17[%dma_wait3A_1142, %dma_wait3A_1143] : memref<2x80xi32, #tpu.memory_space<vmem>> -> memref<1x80xi32, #tpu.memory_space<vmem>>
          %dma_wait3A_1145 = tpu.memref_squeeze %dma_wait3A_1144 : memref<1x80xi32, #tpu.memory_space<vmem>> -> memref<80xi32, #tpu.memory_space<vmem>>
          %dma_wait3A_1146 = arith.constant 0 : i32
          %dma_wait3A_1147 = tpu.memref_slice %arg11[%dma_wait3A_1146] : memref<10240xf32, #tpu.memory_space<vmem_shared>> -> memref<10240xf32, #tpu.memory_space<vmem_shared>>
          tpu.wait_indirect_dma semaphore(%arg37 : memref<!tpu.dma_semaphore, #tpu.memory_space<semaphore_mem>>) src(%arg27 : memref<80xf32, #tpu.memory_space<vmem>>) dst(%dma_wait3A_1147 : memref<10240xf32, #tpu.memory_space<vmem_shared>>)
        } else {
        }
        %dma_start3A_910 = arith.constant 0 : i32
        %dma_start3A_911 = arith.constant 0 : i32
        %dma_start3A_912 = tpu.memref_slice %arg17[%dma_start3A_910, %dma_start3A_911] : memref<2x80xi32, #tpu.memory_space<vmem>> -> memref<1x80xi32, #tpu.memory_space<vmem>>
        %dma_start3A_913 = tpu.memref_squeeze %dma_start3A_912 : memref<1x80xi32, #tpu.memory_space<vmem>> -> memref<80xi32, #tpu.memory_space<vmem>>
        %dma_start3A_914 = arith.constant 0 : i32
        %dma_start3A_915 = arith.constant 0 : i32
        %dma_start3A_916 = tpu.memref_slice %arg2[%dma_start3A_914, %dma_start3A_915] : memref<10000x128xf32, #tpu.memory_space<hbm>> -> memref<10000x128xf32, #tpu.memory_space<hbm>>
        tpu.enqueue_indirect_dma source(%dma_start3A_916 : memref<10000x128xf32, #tpu.memory_space<hbm>>) target(%arg14 : memref<80x128xf32, #tpu.memory_space<vmem>>) offsets(%dma_start3A_913 : memref<80xi32, #tpu.memory_space<vmem>>) semaphore(%arg31 : memref<!tpu.dma_semaphore, #tpu.memory_space<semaphore_mem>>)
        %add3A_917 = arith.addi %mul3A_709, %add3A_875 : i32
        %add3A_918 = arith.constant 4 : i32
        %add3A_919 = arith.addi %add3A_917, %add3A_918 : i32
        %dma_start3A_920 = arith.constant 0 : i32
        %dma_start3A_921 = arith.constant 0 : i32
        %dma_start3A_922 = tpu.memref_slice %arg3[%add3A_919, %dma_start3A_920, %dma_start3A_921] : memref<4032x2x80xi32, #tpu.memory_space<hbm>> -> memref<1x2x80xi32, #tpu.memory_space<hbm>>
        %dma_start3A_923 = tpu.memref_squeeze %dma_start3A_922 : memref<1x2x80xi32, #tpu.memory_space<hbm>> -> memref<2x80xi32, #tpu.memory_space<hbm>>
        %dma_start3A_924 = arith.constant 0 : i32
        %dma_start3A_925 = arith.constant 0 : i32
        %dma_start3A_926 = tpu.memref_slice %arg3[%add3A_919, %dma_start3A_924, %dma_start3A_925] : memref<4032x2x80xi32, #tpu.memory_space<hbm>> -> memref<1x2x80xi32, #tpu.memory_space<hbm>>
        %dma_start3A_927 = tpu.memref_squeeze %dma_start3A_926 : memref<1x2x80xi32, #tpu.memory_space<hbm>> -> memref<2x80xi32, #tpu.memory_space<hbm>>
        tpu.enqueue_dma source(%dma_start3A_927 : memref<2x80xi32, #tpu.memory_space<hbm>>) target(%arg20 : memref<2x80xi32, #tpu.memory_space<vmem>>) target_semaphore(%arg43 : memref<!tpu.dma_semaphore, #tpu.memory_space<semaphore_mem>>)
        %mul3A_928 = arith.constant 6 : i32
        %mul3A_929 = arith.muli %scan3A_831, %mul3A_928 : i32
        %add3A_930 = arith.constant 2 : i32
        %add3A_931 = arith.addi %mul3A_929, %add3A_930 : i32
        %dma_wait3A_932 = arith.constant 0 : i32
        %dma_wait3A_933 = arith.constant 0 : i32
        %dma_wait3A_934 = tpu.memref_slice %arg16[%dma_wait3A_932, %dma_wait3A_933] : memref<2x80xi32, #tpu.memory_space<vmem>> -> memref<1x80xi32, #tpu.memory_space<vmem>>
        %dma_wait3A_935 = tpu.memref_squeeze %dma_wait3A_934 : memref<1x80xi32, #tpu.memory_space<vmem>> -> memref<80xi32, #tpu.memory_space<vmem>>
        %dma_wait3A_936 = arith.constant 0 : i32
        %dma_wait3A_937 = arith.constant 0 : i32
        %dma_wait3A_938 = tpu.memref_slice %arg2[%dma_wait3A_936, %dma_wait3A_937] : memref<10000x128xf32, #tpu.memory_space<hbm>> -> memref<10000x128xf32, #tpu.memory_space<hbm>>
        tpu.wait_indirect_dma semaphore(%arg30 : memref<!tpu.dma_semaphore, #tpu.memory_space<semaphore_mem>>) src(%dma_wait3A_938 : memref<10000x128xf32, #tpu.memory_space<hbm>>) dst(%arg13 : memref<80x128xf32, #tpu.memory_space<vmem>>)
        %dma_start3A_939 = arith.constant 1 : i32
        %dma_start3A_940 = arith.constant 0 : i32
        %dma_start3A_941 = tpu.memref_slice %arg16[%dma_start3A_939, %dma_start3A_940] : memref<2x80xi32, #tpu.memory_space<vmem>> -> memref<1x80xi32, #tpu.memory_space<vmem>>
        %dma_start3A_942 = tpu.memref_squeeze %dma_start3A_941 : memref<1x80xi32, #tpu.memory_space<vmem>> -> memref<80xi32, #tpu.memory_space<vmem>>
        %dma_start3A_943 = arith.constant 0 : i32
        %dma_start3A_944 = arith.constant 0 : i32
        %dma_start3A_945 = tpu.memref_slice %arg10[%dma_start3A_943, %dma_start3A_944] : memref<10240x128xf32, #tpu.memory_space<vmem_shared>> -> memref<10240x128xf32, #tpu.memory_space<vmem_shared>>
        tpu.enqueue_indirect_dma source(%arg13 : memref<80x128xf32, #tpu.memory_space<vmem>>) target(%dma_start3A_945 : memref<10240x128xf32, #tpu.memory_space<vmem_shared>>) offsets(%dma_start3A_942 : memref<80xi32, #tpu.memory_space<vmem>>) semaphore(%arg33 : memref<!tpu.dma_semaphore, #tpu.memory_space<semaphore_mem>>) {add = true}
        %dma_start3A_946 = arith.constant 1 : i32
        %dma_start3A_947 = arith.constant 0 : i32
        %dma_start3A_948 = tpu.memref_slice %arg16[%dma_start3A_946, %dma_start3A_947] : memref<2x80xi32, #tpu.memory_space<vmem>> -> memref<1x80xi32, #tpu.memory_space<vmem>>
        %dma_start3A_949 = tpu.memref_squeeze %dma_start3A_948 : memref<1x80xi32, #tpu.memory_space<vmem>> -> memref<80xi32, #tpu.memory_space<vmem>>
        %dma_start3A_950 = arith.constant 0 : i32
        %dma_start3A_951 = tpu.memref_slice %arg11[%dma_start3A_950] : memref<10240xf32, #tpu.memory_space<vmem_shared>> -> memref<10240xf32, #tpu.memory_space<vmem_shared>>
        tpu.enqueue_indirect_dma source(%arg27 : memref<80xf32, #tpu.memory_space<vmem>>) target(%dma_start3A_951 : memref<10240xf32, #tpu.memory_space<vmem_shared>>) offsets(%dma_start3A_949 : memref<80xi32, #tpu.memory_space<vmem>>) semaphore(%arg36 : memref<!tpu.dma_semaphore, #tpu.memory_space<semaphore_mem>>) {add = true}
        %dma_wait3A_952 = arith.constant 0 : i32
        %dma_wait3A_953 = arith.constant 0 : i32
        %dma_wait3A_954 = arith.constant 0 : i32
        %dma_wait3A_955 = tpu.memref_slice %arg3[%dma_wait3A_952, %dma_wait3A_953, %dma_wait3A_954] : memref<4032x2x80xi32, #tpu.memory_space<hbm>> -> memref<1x2x80xi32, #tpu.memory_space<hbm>>
        %dma_wait3A_956 = tpu.memref_squeeze %dma_wait3A_955 : memref<1x2x80xi32, #tpu.memory_space<hbm>> -> memref<2x80xi32, #tpu.memory_space<hbm>>
        %dma_wait3A_957 = arith.constant 0 : i32
        %dma_wait3A_958 = arith.constant 0 : i32
        %dma_wait3A_959 = tpu.memref_slice %arg3[%dma_wait3A_952, %dma_wait3A_957, %dma_wait3A_958] : memref<4032x2x80xi32, #tpu.memory_space<hbm>> -> memref<1x2x80xi32, #tpu.memory_space<hbm>>
        %dma_wait3A_960 = tpu.memref_squeeze %dma_wait3A_959 : memref<1x2x80xi32, #tpu.memory_space<hbm>> -> memref<2x80xi32, #tpu.memory_space<hbm>>
        tpu.wait_dma2 semaphore(%arg41 : memref<!tpu.dma_semaphore, #tpu.memory_space<semaphore_mem>>) src(%dma_wait3A_960 : memref<2x80xi32, #tpu.memory_space<hbm>>) dst(%arg18 : memref<2x80xi32, #tpu.memory_space<vmem>>)
        %dma_wait3A_961 = arith.constant 1 : i32
        %dma_wait3A_962 = arith.constant 0 : i32
        %dma_wait3A_963 = tpu.memref_slice %arg18[%dma_wait3A_961, %dma_wait3A_962] : memref<2x80xi32, #tpu.memory_space<vmem>> -> memref<1x80xi32, #tpu.memory_space<vmem>>
        %dma_wait3A_964 = tpu.memref_squeeze %dma_wait3A_963 : memref<1x80xi32, #tpu.memory_space<vmem>> -> memref<80xi32, #tpu.memory_space<vmem>>
        %dma_wait3A_965 = arith.constant 0 : i32
        %dma_wait3A_966 = arith.constant 0 : i32
        %dma_wait3A_967 = tpu.memref_slice %arg10[%dma_wait3A_965, %dma_wait3A_966] : memref<10240x128xf32, #tpu.memory_space<vmem_shared>> -> memref<10240x128xf32, #tpu.memory_space<vmem_shared>>
        tpu.wait_indirect_dma semaphore(%arg32 : memref<!tpu.dma_semaphore, #tpu.memory_space<semaphore_mem>>) src(%arg12 : memref<80x128xf32, #tpu.memory_space<vmem>>) dst(%dma_wait3A_967 : memref<10240x128xf32, #tpu.memory_space<vmem_shared>>)
        %dma_wait3A_968 = arith.constant 1 : i32
        %dma_wait3A_969 = arith.constant 0 : i32
        %dma_wait3A_970 = tpu.memref_slice %arg18[%dma_wait3A_968, %dma_wait3A_969] : memref<2x80xi32, #tpu.memory_space<vmem>> -> memref<1x80xi32, #tpu.memory_space<vmem>>
        %dma_wait3A_971 = tpu.memref_squeeze %dma_wait3A_970 : memref<1x80xi32, #tpu.memory_space<vmem>> -> memref<80xi32, #tpu.memory_space<vmem>>
        %dma_wait3A_972 = arith.constant 0 : i32
        %dma_wait3A_973 = tpu.memref_slice %arg11[%dma_wait3A_972] : memref<10240xf32, #tpu.memory_space<vmem_shared>> -> memref<10240xf32, #tpu.memory_space<vmem_shared>>
        tpu.wait_indirect_dma semaphore(%arg35 : memref<!tpu.dma_semaphore, #tpu.memory_space<semaphore_mem>>) src(%arg27 : memref<80xf32, #tpu.memory_space<vmem>>) dst(%dma_wait3A_973 : memref<10240xf32, #tpu.memory_space<vmem_shared>>)
        %dma_start3A_974 = arith.constant 0 : i32
        %dma_start3A_975 = arith.constant 0 : i32
        %dma_start3A_976 = tpu.memref_slice %arg18[%dma_start3A_974, %dma_start3A_975] : memref<2x80xi32, #tpu.memory_space<vmem>> -> memref<1x80xi32, #tpu.memory_space<vmem>>
        %dma_start3A_977 = tpu.memref_squeeze %dma_start3A_976 : memref<1x80xi32, #tpu.memory_space<vmem>> -> memref<80xi32, #tpu.memory_space<vmem>>
        %dma_start3A_978 = arith.constant 0 : i32
        %dma_start3A_979 = arith.constant 0 : i32
        %dma_start3A_980 = tpu.memref_slice %arg2[%dma_start3A_978, %dma_start3A_979] : memref<10000x128xf32, #tpu.memory_space<hbm>> -> memref<10000x128xf32, #tpu.memory_space<hbm>>
        tpu.enqueue_indirect_dma source(%dma_start3A_980 : memref<10000x128xf32, #tpu.memory_space<hbm>>) target(%arg12 : memref<80x128xf32, #tpu.memory_space<vmem>>) offsets(%dma_start3A_977 : memref<80xi32, #tpu.memory_space<vmem>>) semaphore(%arg29 : memref<!tpu.dma_semaphore, #tpu.memory_space<semaphore_mem>>)
        %lt3A = arith.constant 33 : i32
        %lt3A_981 = arith.cmpi slt, %scan3A_831, %lt3A : i32
        %convert_element_type3A_982 = arith.extui %lt3A_981 : i1 to i32
        %cond3A_983 = arith.constant 0 : i32
        %cond3A_984 = arith.cmpi ne, %convert_element_type3A_982, %cond3A_983 : i32
        scf.if %cond3A_984 {
          %add3A_1135 = arith.addi %mul3A_709, %add3A_931 : i32
          %add3A_1136 = arith.constant 4 : i32
          %add3A_1137 = arith.addi %add3A_1135, %add3A_1136 : i32
          %dma_start3A_1138 = arith.constant 0 : i32
          %dma_start3A_1139 = arith.constant 0 : i32
          %dma_start3A_1140 = tpu.memref_slice %arg3[%add3A_1137, %dma_start3A_1138, %dma_start3A_1139] : memref<4032x2x80xi32, #tpu.memory_space<hbm>> -> memref<1x2x80xi32, #tpu.memory_space<hbm>>
          %dma_start3A_1141 = tpu.memref_squeeze %dma_start3A_1140 : memref<1x2x80xi32, #tpu.memory_space<hbm>> -> memref<2x80xi32, #tpu.memory_space<hbm>>
          %dma_start3A_1142 = arith.constant 0 : i32
          %dma_start3A_1143 = arith.constant 0 : i32
          %dma_start3A_1144 = tpu.memref_slice %arg3[%add3A_1137, %dma_start3A_1142, %dma_start3A_1143] : memref<4032x2x80xi32, #tpu.memory_space<hbm>> -> memref<1x2x80xi32, #tpu.memory_space<hbm>>
          %dma_start3A_1145 = tpu.memref_squeeze %dma_start3A_1144 : memref<1x2x80xi32, #tpu.memory_space<hbm>> -> memref<2x80xi32, #tpu.memory_space<hbm>>
          tpu.enqueue_dma source(%dma_start3A_1145 : memref<2x80xi32, #tpu.memory_space<hbm>>) target(%arg15 : memref<2x80xi32, #tpu.memory_space<vmem>>) target_semaphore(%arg38 : memref<!tpu.dma_semaphore, #tpu.memory_space<semaphore_mem>>)
        } else {
        }
        %mul3A_985 = arith.constant 6 : i32
        %mul3A_986 = arith.muli %scan3A_831, %mul3A_985 : i32
        %add3A_987 = arith.constant 3 : i32
        %add3A_988 = arith.addi %mul3A_986, %add3A_987 : i32
        %dma_wait3A_989 = arith.constant 0 : i32
        %dma_wait3A_990 = arith.constant 0 : i32
        %dma_wait3A_991 = tpu.memref_slice %arg17[%dma_wait3A_989, %dma_wait3A_990] : memref<2x80xi32, #tpu.memory_space<vmem>> -> memref<1x80xi32, #tpu.memory_space<vmem>>
        %dma_wait3A_992 = tpu.memref_squeeze %dma_wait3A_991 : memref<1x80xi32, #tpu.memory_space<vmem>> -> memref<80xi32, #tpu.memory_space<vmem>>
        %dma_wait3A_993 = arith.constant 0 : i32
        %dma_wait3A_994 = arith.constant 0 : i32
        %dma_wait3A_995 = tpu.memref_slice %arg2[%dma_wait3A_993, %dma_wait3A_994] : memref<10000x128xf32, #tpu.memory_space<hbm>> -> memref<10000x128xf32, #tpu.memory_space<hbm>>
        tpu.wait_indirect_dma semaphore(%arg31 : memref<!tpu.dma_semaphore, #tpu.memory_space<semaphore_mem>>) src(%dma_wait3A_995 : memref<10000x128xf32, #tpu.memory_space<hbm>>) dst(%arg14 : memref<80x128xf32, #tpu.memory_space<vmem>>)
        %dma_start3A_996 = arith.constant 1 : i32
        %dma_start3A_997 = arith.constant 0 : i32
        %dma_start3A_998 = tpu.memref_slice %arg17[%dma_start3A_996, %dma_start3A_997] : memref<2x80xi32, #tpu.memory_space<vmem>> -> memref<1x80xi32, #tpu.memory_space<vmem>>
        %dma_start3A_999 = tpu.memref_squeeze %dma_start3A_998 : memref<1x80xi32, #tpu.memory_space<vmem>> -> memref<80xi32, #tpu.memory_space<vmem>>
        %dma_start3A_1000 = arith.constant 0 : i32
        %dma_start3A_1001 = arith.constant 0 : i32
        %dma_start3A_1002 = tpu.memref_slice %arg10[%dma_start3A_1000, %dma_start3A_1001] : memref<10240x128xf32, #tpu.memory_space<vmem_shared>> -> memref<10240x128xf32, #tpu.memory_space<vmem_shared>>
        tpu.enqueue_indirect_dma source(%arg14 : memref<80x128xf32, #tpu.memory_space<vmem>>) target(%dma_start3A_1002 : memref<10240x128xf32, #tpu.memory_space<vmem_shared>>) offsets(%dma_start3A_999 : memref<80xi32, #tpu.memory_space<vmem>>) semaphore(%arg34 : memref<!tpu.dma_semaphore, #tpu.memory_space<semaphore_mem>>) {add = true}
        %dma_start3A_1003 = arith.constant 1 : i32
        %dma_start3A_1004 = arith.constant 0 : i32
        %dma_start3A_1005 = tpu.memref_slice %arg17[%dma_start3A_1003, %dma_start3A_1004] : memref<2x80xi32, #tpu.memory_space<vmem>> -> memref<1x80xi32, #tpu.memory_space<vmem>>
        %dma_start3A_1006 = tpu.memref_squeeze %dma_start3A_1005 : memref<1x80xi32, #tpu.memory_space<vmem>> -> memref<80xi32, #tpu.memory_space<vmem>>
        %dma_start3A_1007 = arith.constant 0 : i32
        %dma_start3A_1008 = tpu.memref_slice %arg11[%dma_start3A_1007] : memref<10240xf32, #tpu.memory_space<vmem_shared>> -> memref<10240xf32, #tpu.memory_space<vmem_shared>>
        tpu.enqueue_indirect_dma source(%arg27 : memref<80xf32, #tpu.memory_space<vmem>>) target(%dma_start3A_1008 : memref<10240xf32, #tpu.memory_space<vmem_shared>>) offsets(%dma_start3A_1006 : memref<80xi32, #tpu.memory_space<vmem>>) semaphore(%arg37 : memref<!tpu.dma_semaphore, #tpu.memory_space<semaphore_mem>>) {add = true}
        %dma_wait3A_1009 = arith.constant 0 : i32
        %dma_wait3A_1010 = arith.constant 0 : i32
        %dma_wait3A_1011 = arith.constant 0 : i32
        %dma_wait3A_1012 = tpu.memref_slice %arg3[%dma_wait3A_1009, %dma_wait3A_1010, %dma_wait3A_1011] : memref<4032x2x80xi32, #tpu.memory_space<hbm>> -> memref<1x2x80xi32, #tpu.memory_space<hbm>>
        %dma_wait3A_1013 = tpu.memref_squeeze %dma_wait3A_1012 : memref<1x2x80xi32, #tpu.memory_space<hbm>> -> memref<2x80xi32, #tpu.memory_space<hbm>>
        %dma_wait3A_1014 = arith.constant 0 : i32
        %dma_wait3A_1015 = arith.constant 0 : i32
        %dma_wait3A_1016 = tpu.memref_slice %arg3[%dma_wait3A_1009, %dma_wait3A_1014, %dma_wait3A_1015] : memref<4032x2x80xi32, #tpu.memory_space<hbm>> -> memref<1x2x80xi32, #tpu.memory_space<hbm>>
        %dma_wait3A_1017 = tpu.memref_squeeze %dma_wait3A_1016 : memref<1x2x80xi32, #tpu.memory_space<hbm>> -> memref<2x80xi32, #tpu.memory_space<hbm>>
        tpu.wait_dma2 semaphore(%arg42 : memref<!tpu.dma_semaphore, #tpu.memory_space<semaphore_mem>>) src(%dma_wait3A_1017 : memref<2x80xi32, #tpu.memory_space<hbm>>) dst(%arg19 : memref<2x80xi32, #tpu.memory_space<vmem>>)
        %dma_wait3A_1018 = arith.constant 1 : i32
        %dma_wait3A_1019 = arith.constant 0 : i32
        %dma_wait3A_1020 = tpu.memref_slice %arg19[%dma_wait3A_1018, %dma_wait3A_1019] : memref<2x80xi32, #tpu.memory_space<vmem>> -> memref<1x80xi32, #tpu.memory_space<vmem>>
        %dma_wait3A_1021 = tpu.memref_squeeze %dma_wait3A_1020 : memref<1x80xi32, #tpu.memory_space<vmem>> -> memref<80xi32, #tpu.memory_space<vmem>>
        %dma_wait3A_1022 = arith.constant 0 : i32
        %dma_wait3A_1023 = arith.constant 0 : i32
        %dma_wait3A_1024 = tpu.memref_slice %arg10[%dma_wait3A_1022, %dma_wait3A_1023] : memref<10240x128xf32, #tpu.memory_space<vmem_shared>> -> memref<10240x128xf32, #tpu.memory_space<vmem_shared>>
        tpu.wait_indirect_dma semaphore(%arg33 : memref<!tpu.dma_semaphore, #tpu.memory_space<semaphore_mem>>) src(%arg13 : memref<80x128xf32, #tpu.memory_space<vmem>>) dst(%dma_wait3A_1024 : memref<10240x128xf32, #tpu.memory_space<vmem_shared>>)
        %dma_wait3A_1025 = arith.constant 1 : i32
        %dma_wait3A_1026 = arith.constant 0 : i32
        %dma_wait3A_1027 = tpu.memref_slice %arg19[%dma_wait3A_1025, %dma_wait3A_1026] : memref<2x80xi32, #tpu.memory_space<vmem>> -> memref<1x80xi32, #tpu.memory_space<vmem>>
        %dma_wait3A_1028 = tpu.memref_squeeze %dma_wait3A_1027 : memref<1x80xi32, #tpu.memory_space<vmem>> -> memref<80xi32, #tpu.memory_space<vmem>>
        %dma_wait3A_1029 = arith.constant 0 : i32
        %dma_wait3A_1030 = tpu.memref_slice %arg11[%dma_wait3A_1029] : memref<10240xf32, #tpu.memory_space<vmem_shared>> -> memref<10240xf32, #tpu.memory_space<vmem_shared>>
        tpu.wait_indirect_dma semaphore(%arg36 : memref<!tpu.dma_semaphore, #tpu.memory_space<semaphore_mem>>) src(%arg27 : memref<80xf32, #tpu.memory_space<vmem>>) dst(%dma_wait3A_1030 : memref<10240xf32, #tpu.memory_space<vmem_shared>>)
        %dma_start3A_1031 = arith.constant 0 : i32
        %dma_start3A_1032 = arith.constant 0 : i32
        %dma_start3A_1033 = tpu.memref_slice %arg19[%dma_start3A_1031, %dma_start3A_1032] : memref<2x80xi32, #tpu.memory_space<vmem>> -> memref<1x80xi32, #tpu.memory_space<vmem>>
        %dma_start3A_1034 = tpu.memref_squeeze %dma_start3A_1033 : memref<1x80xi32, #tpu.memory_space<vmem>> -> memref<80xi32, #tpu.memory_space<vmem>>
        %dma_start3A_1035 = arith.constant 0 : i32
        %dma_start3A_1036 = arith.constant 0 : i32
        %dma_start3A_1037 = tpu.memref_slice %arg2[%dma_start3A_1035, %dma_start3A_1036] : memref<10000x128xf32, #tpu.memory_space<hbm>> -> memref<10000x128xf32, #tpu.memory_space<hbm>>
        tpu.enqueue_indirect_dma source(%dma_start3A_1037 : memref<10000x128xf32, #tpu.memory_space<hbm>>) target(%arg13 : memref<80x128xf32, #tpu.memory_space<vmem>>) offsets(%dma_start3A_1034 : memref<80xi32, #tpu.memory_space<vmem>>) semaphore(%arg30 : memref<!tpu.dma_semaphore, #tpu.memory_space<semaphore_mem>>)
        %lt3A_1038 = arith.constant 33 : i32
        %lt3A_1039 = arith.cmpi slt, %scan3A_831, %lt3A_1038 : i32
        %convert_element_type3A_1040 = arith.extui %lt3A_1039 : i1 to i32
        %cond3A_1041 = arith.constant 0 : i32
        %cond3A_1042 = arith.cmpi ne, %convert_element_type3A_1040, %cond3A_1041 : i32
        scf.if %cond3A_1042 {
          %add3A_1135 = arith.addi %mul3A_709, %add3A_988 : i32
          %add3A_1136 = arith.constant 4 : i32
          %add3A_1137 = arith.addi %add3A_1135, %add3A_1136 : i32
          %dma_start3A_1138 = arith.constant 0 : i32
          %dma_start3A_1139 = arith.constant 0 : i32
          %dma_start3A_1140 = tpu.memref_slice %arg3[%add3A_1137, %dma_start3A_1138, %dma_start3A_1139] : memref<4032x2x80xi32, #tpu.memory_space<hbm>> -> memref<1x2x80xi32, #tpu.memory_space<hbm>>
          %dma_start3A_1141 = tpu.memref_squeeze %dma_start3A_1140 : memref<1x2x80xi32, #tpu.memory_space<hbm>> -> memref<2x80xi32, #tpu.memory_space<hbm>>
          %dma_start3A_1142 = arith.constant 0 : i32
          %dma_start3A_1143 = arith.constant 0 : i32
          %dma_start3A_1144 = tpu.memref_slice %arg3[%add3A_1137, %dma_start3A_1142, %dma_start3A_1143] : memref<4032x2x80xi32, #tpu.memory_space<hbm>> -> memref<1x2x80xi32, #tpu.memory_space<hbm>>
          %dma_start3A_1145 = tpu.memref_squeeze %dma_start3A_1144 : memref<1x2x80xi32, #tpu.memory_space<hbm>> -> memref<2x80xi32, #tpu.memory_space<hbm>>
          tpu.enqueue_dma source(%dma_start3A_1145 : memref<2x80xi32, #tpu.memory_space<hbm>>) target(%arg16 : memref<2x80xi32, #tpu.memory_space<vmem>>) target_semaphore(%arg39 : memref<!tpu.dma_semaphore, #tpu.memory_space<semaphore_mem>>)
        } else {
        }
        %mul3A_1043 = arith.constant 6 : i32
        %mul3A_1044 = arith.muli %scan3A_831, %mul3A_1043 : i32
        %add3A_1045 = arith.constant 4 : i32
        %add3A_1046 = arith.addi %mul3A_1044, %add3A_1045 : i32
        %dma_wait3A_1047 = arith.constant 0 : i32
        %dma_wait3A_1048 = arith.constant 0 : i32
        %dma_wait3A_1049 = tpu.memref_slice %arg18[%dma_wait3A_1047, %dma_wait3A_1048] : memref<2x80xi32, #tpu.memory_space<vmem>> -> memref<1x80xi32, #tpu.memory_space<vmem>>
        %dma_wait3A_1050 = tpu.memref_squeeze %dma_wait3A_1049 : memref<1x80xi32, #tpu.memory_space<vmem>> -> memref<80xi32, #tpu.memory_space<vmem>>
        %dma_wait3A_1051 = arith.constant 0 : i32
        %dma_wait3A_1052 = arith.constant 0 : i32
        %dma_wait3A_1053 = tpu.memref_slice %arg2[%dma_wait3A_1051, %dma_wait3A_1052] : memref<10000x128xf32, #tpu.memory_space<hbm>> -> memref<10000x128xf32, #tpu.memory_space<hbm>>
        tpu.wait_indirect_dma semaphore(%arg29 : memref<!tpu.dma_semaphore, #tpu.memory_space<semaphore_mem>>) src(%dma_wait3A_1053 : memref<10000x128xf32, #tpu.memory_space<hbm>>) dst(%arg12 : memref<80x128xf32, #tpu.memory_space<vmem>>)
        %dma_start3A_1054 = arith.constant 1 : i32
        %dma_start3A_1055 = arith.constant 0 : i32
        %dma_start3A_1056 = tpu.memref_slice %arg18[%dma_start3A_1054, %dma_start3A_1055] : memref<2x80xi32, #tpu.memory_space<vmem>> -> memref<1x80xi32, #tpu.memory_space<vmem>>
        %dma_start3A_1057 = tpu.memref_squeeze %dma_start3A_1056 : memref<1x80xi32, #tpu.memory_space<vmem>> -> memref<80xi32, #tpu.memory_space<vmem>>
        %dma_start3A_1058 = arith.constant 0 : i32
        %dma_start3A_1059 = arith.constant 0 : i32
        %dma_start3A_1060 = tpu.memref_slice %arg10[%dma_start3A_1058, %dma_start3A_1059] : memref<10240x128xf32, #tpu.memory_space<vmem_shared>> -> memref<10240x128xf32, #tpu.memory_space<vmem_shared>>
        tpu.enqueue_indirect_dma source(%arg12 : memref<80x128xf32, #tpu.memory_space<vmem>>) target(%dma_start3A_1060 : memref<10240x128xf32, #tpu.memory_space<vmem_shared>>) offsets(%dma_start3A_1057 : memref<80xi32, #tpu.memory_space<vmem>>) semaphore(%arg32 : memref<!tpu.dma_semaphore, #tpu.memory_space<semaphore_mem>>) {add = true}
        %dma_start3A_1061 = arith.constant 1 : i32
        %dma_start3A_1062 = arith.constant 0 : i32
        %dma_start3A_1063 = tpu.memref_slice %arg18[%dma_start3A_1061, %dma_start3A_1062] : memref<2x80xi32, #tpu.memory_space<vmem>> -> memref<1x80xi32, #tpu.memory_space<vmem>>
        %dma_start3A_1064 = tpu.memref_squeeze %dma_start3A_1063 : memref<1x80xi32, #tpu.memory_space<vmem>> -> memref<80xi32, #tpu.memory_space<vmem>>
        %dma_start3A_1065 = arith.constant 0 : i32
        %dma_start3A_1066 = tpu.memref_slice %arg11[%dma_start3A_1065] : memref<10240xf32, #tpu.memory_space<vmem_shared>> -> memref<10240xf32, #tpu.memory_space<vmem_shared>>
        tpu.enqueue_indirect_dma source(%arg27 : memref<80xf32, #tpu.memory_space<vmem>>) target(%dma_start3A_1066 : memref<10240xf32, #tpu.memory_space<vmem_shared>>) offsets(%dma_start3A_1064 : memref<80xi32, #tpu.memory_space<vmem>>) semaphore(%arg35 : memref<!tpu.dma_semaphore, #tpu.memory_space<semaphore_mem>>) {add = true}
        %dma_wait3A_1067 = arith.constant 0 : i32
        %dma_wait3A_1068 = arith.constant 0 : i32
        %dma_wait3A_1069 = arith.constant 0 : i32
        %dma_wait3A_1070 = tpu.memref_slice %arg3[%dma_wait3A_1067, %dma_wait3A_1068, %dma_wait3A_1069] : memref<4032x2x80xi32, #tpu.memory_space<hbm>> -> memref<1x2x80xi32, #tpu.memory_space<hbm>>
        %dma_wait3A_1071 = tpu.memref_squeeze %dma_wait3A_1070 : memref<1x2x80xi32, #tpu.memory_space<hbm>> -> memref<2x80xi32, #tpu.memory_space<hbm>>
        %dma_wait3A_1072 = arith.constant 0 : i32
        %dma_wait3A_1073 = arith.constant 0 : i32
        %dma_wait3A_1074 = tpu.memref_slice %arg3[%dma_wait3A_1067, %dma_wait3A_1072, %dma_wait3A_1073] : memref<4032x2x80xi32, #tpu.memory_space<hbm>> -> memref<1x2x80xi32, #tpu.memory_space<hbm>>
        %dma_wait3A_1075 = tpu.memref_squeeze %dma_wait3A_1074 : memref<1x2x80xi32, #tpu.memory_space<hbm>> -> memref<2x80xi32, #tpu.memory_space<hbm>>
        tpu.wait_dma2 semaphore(%arg43 : memref<!tpu.dma_semaphore, #tpu.memory_space<semaphore_mem>>) src(%dma_wait3A_1075 : memref<2x80xi32, #tpu.memory_space<hbm>>) dst(%arg20 : memref<2x80xi32, #tpu.memory_space<vmem>>)
        %dma_wait3A_1076 = arith.constant 1 : i32
        %dma_wait3A_1077 = arith.constant 0 : i32
        %dma_wait3A_1078 = tpu.memref_slice %arg20[%dma_wait3A_1076, %dma_wait3A_1077] : memref<2x80xi32, #tpu.memory_space<vmem>> -> memref<1x80xi32, #tpu.memory_space<vmem>>
        %dma_wait3A_1079 = tpu.memref_squeeze %dma_wait3A_1078 : memref<1x80xi32, #tpu.memory_space<vmem>> -> memref<80xi32, #tpu.memory_space<vmem>>
        %dma_wait3A_1080 = arith.constant 0 : i32
        %dma_wait3A_1081 = arith.constant 0 : i32
        %dma_wait3A_1082 = tpu.memref_slice %arg10[%dma_wait3A_1080, %dma_wait3A_1081] : memref<10240x128xf32, #tpu.memory_space<vmem_shared>> -> memref<10240x128xf32, #tpu.memory_space<vmem_shared>>
        tpu.wait_indirect_dma semaphore(%arg34 : memref<!tpu.dma_semaphore, #tpu.memory_space<semaphore_mem>>) src(%arg14 : memref<80x128xf32, #tpu.memory_space<vmem>>) dst(%dma_wait3A_1082 : memref<10240x128xf32, #tpu.memory_space<vmem_shared>>)
        %dma_wait3A_1083 = arith.constant 1 : i32
        %dma_wait3A_1084 = arith.constant 0 : i32
        %dma_wait3A_1085 = tpu.memref_slice %arg20[%dma_wait3A_1083, %dma_wait3A_1084] : memref<2x80xi32, #tpu.memory_space<vmem>> -> memref<1x80xi32, #tpu.memory_space<vmem>>
        %dma_wait3A_1086 = tpu.memref_squeeze %dma_wait3A_1085 : memref<1x80xi32, #tpu.memory_space<vmem>> -> memref<80xi32, #tpu.memory_space<vmem>>
        %dma_wait3A_1087 = arith.constant 0 : i32
        %dma_wait3A_1088 = tpu.memref_slice %arg11[%dma_wait3A_1087] : memref<10240xf32, #tpu.memory_space<vmem_shared>> -> memref<10240xf32, #tpu.memory_space<vmem_shared>>
        tpu.wait_indirect_dma semaphore(%arg37 : memref<!tpu.dma_semaphore, #tpu.memory_space<semaphore_mem>>) src(%arg27 : memref<80xf32, #tpu.memory_space<vmem>>) dst(%dma_wait3A_1088 : memref<10240xf32, #tpu.memory_space<vmem_shared>>)
        %dma_start3A_1089 = arith.constant 0 : i32
        %dma_start3A_1090 = arith.constant 0 : i32
        %dma_start3A_1091 = tpu.memref_slice %arg20[%dma_start3A_1089, %dma_start3A_1090] : memref<2x80xi32, #tpu.memory_space<vmem>> -> memref<1x80xi32, #tpu.memory_space<vmem>>
        %dma_start3A_1092 = tpu.memref_squeeze %dma_start3A_1091 : memref<1x80xi32, #tpu.memory_space<vmem>> -> memref<80xi32, #tpu.memory_space<vmem>>
        %dma_start3A_1093 = arith.constant 0 : i32
        %dma_start3A_1094 = arith.constant 0 : i32
        %dma_start3A_1095 = tpu.memref_slice %arg2[%dma_start3A_1093, %dma_start3A_1094] : memref<10000x128xf32, #tpu.memory_space<hbm>> -> memref<10000x128xf32, #tpu.memory_space<hbm>>
        tpu.enqueue_indirect_dma source(%dma_start3A_1095 : memref<10000x128xf32, #tpu.memory_space<hbm>>) target(%arg14 : memref<80x128xf32, #tpu.memory_space<vmem>>) offsets(%dma_start3A_1092 : memref<80xi32, #tpu.memory_space<vmem>>) semaphore(%arg31 : memref<!tpu.dma_semaphore, #tpu.memory_space<semaphore_mem>>)
        %lt3A_1096 = arith.constant 33 : i32
        %lt3A_1097 = arith.cmpi slt, %scan3A_831, %lt3A_1096 : i32
        %convert_element_type3A_1098 = arith.extui %lt3A_1097 : i1 to i32
        %cond3A_1099 = arith.constant 0 : i32
        %cond3A_1100 = arith.cmpi ne, %convert_element_type3A_1098, %cond3A_1099 : i32
        scf.if %cond3A_1100 {
          %add3A_1135 = arith.addi %mul3A_709, %add3A_1046 : i32
          %add3A_1136 = arith.constant 4 : i32
          %add3A_1137 = arith.addi %add3A_1135, %add3A_1136 : i32
          %dma_start3A_1138 = arith.constant 0 : i32
          %dma_start3A_1139 = arith.constant 0 : i32
          %dma_start3A_1140 = tpu.memref_slice %arg3[%add3A_1137, %dma_start3A_1138, %dma_start3A_1139] : memref<4032x2x80xi32, #tpu.memory_space<hbm>> -> memref<1x2x80xi32, #tpu.memory_space<hbm>>
          %dma_start3A_1141 = tpu.memref_squeeze %dma_start3A_1140 : memref<1x2x80xi32, #tpu.memory_space<hbm>> -> memref<2x80xi32, #tpu.memory_space<hbm>>
          %dma_start3A_1142 = arith.constant 0 : i32
          %dma_start3A_1143 = arith.constant 0 : i32
          %dma_start3A_1144 = tpu.memref_slice %arg3[%add3A_1137, %dma_start3A_1142, %dma_start3A_1143] : memref<4032x2x80xi32, #tpu.memory_space<hbm>> -> memref<1x2x80xi32, #tpu.memory_space<hbm>>
          %dma_start3A_1145 = tpu.memref_squeeze %dma_start3A_1144 : memref<1x2x80xi32, #tpu.memory_space<hbm>> -> memref<2x80xi32, #tpu.memory_space<hbm>>
          tpu.enqueue_dma source(%dma_start3A_1145 : memref<2x80xi32, #tpu.memory_space<hbm>>) target(%arg17 : memref<2x80xi32, #tpu.memory_space<vmem>>) target_semaphore(%arg40 : memref<!tpu.dma_semaphore, #tpu.memory_space<semaphore_mem>>)
        } else {
        }
        %mul3A_1101 = arith.constant 6 : i32
        %mul3A_1102 = arith.muli %scan3A_831, %mul3A_1101 : i32
        %add3A_1103 = arith.constant 5 : i32
        %add3A_1104 = arith.addi %mul3A_1102, %add3A_1103 : i32
        %dma_wait3A_1105 = arith.constant 0 : i32
        %dma_wait3A_1106 = arith.constant 0 : i32
        %dma_wait3A_1107 = tpu.memref_slice %arg19[%dma_wait3A_1105, %dma_wait3A_1106] : memref<2x80xi32, #tpu.memory_space<vmem>> -> memref<1x80xi32, #tpu.memory_space<vmem>>
        %dma_wait3A_1108 = tpu.memref_squeeze %dma_wait3A_1107 : memref<1x80xi32, #tpu.memory_space<vmem>> -> memref<80xi32, #tpu.memory_space<vmem>>
        %dma_wait3A_1109 = arith.constant 0 : i32
        %dma_wait3A_1110 = arith.constant 0 : i32
        %dma_wait3A_1111 = tpu.memref_slice %arg2[%dma_wait3A_1109, %dma_wait3A_1110] : memref<10000x128xf32, #tpu.memory_space<hbm>> -> memref<10000x128xf32, #tpu.memory_space<hbm>>
        tpu.wait_indirect_dma semaphore(%arg30 : memref<!tpu.dma_semaphore, #tpu.memory_space<semaphore_mem>>) src(%dma_wait3A_1111 : memref<10000x128xf32, #tpu.memory_space<hbm>>) dst(%arg13 : memref<80x128xf32, #tpu.memory_space<vmem>>)
        %dma_start3A_1112 = arith.constant 1 : i32
        %dma_start3A_1113 = arith.constant 0 : i32
        %dma_start3A_1114 = tpu.memref_slice %arg19[%dma_start3A_1112, %dma_start3A_1113] : memref<2x80xi32, #tpu.memory_space<vmem>> -> memref<1x80xi32, #tpu.memory_space<vmem>>
        %dma_start3A_1115 = tpu.memref_squeeze %dma_start3A_1114 : memref<1x80xi32, #tpu.memory_space<vmem>> -> memref<80xi32, #tpu.memory_space<vmem>>
        %dma_start3A_1116 = arith.constant 0 : i32
        %dma_start3A_1117 = arith.constant 0 : i32
        %dma_start3A_1118 = tpu.memref_slice %arg10[%dma_start3A_1116, %dma_start3A_1117] : memref<10240x128xf32, #tpu.memory_space<vmem_shared>> -> memref<10240x128xf32, #tpu.memory_space<vmem_shared>>
        tpu.enqueue_indirect_dma source(%arg13 : memref<80x128xf32, #tpu.memory_space<vmem>>) target(%dma_start3A_1118 : memref<10240x128xf32, #tpu.memory_space<vmem_shared>>) offsets(%dma_start3A_1115 : memref<80xi32, #tpu.memory_space<vmem>>) semaphore(%arg33 : memref<!tpu.dma_semaphore, #tpu.memory_space<semaphore_mem>>) {add = true}
        %dma_start3A_1119 = arith.constant 1 : i32
        %dma_start3A_1120 = arith.constant 0 : i32
        %dma_start3A_1121 = tpu.memref_slice %arg19[%dma_start3A_1119, %dma_start3A_1120] : memref<2x80xi32, #tpu.memory_space<vmem>> -> memref<1x80xi32, #tpu.memory_space<vmem>>
        %dma_start3A_1122 = tpu.memref_squeeze %dma_start3A_1121 : memref<1x80xi32, #tpu.memory_space<vmem>> -> memref<80xi32, #tpu.memory_space<vmem>>
        %dma_start3A_1123 = arith.constant 0 : i32
        %dma_start3A_1124 = tpu.memref_slice %arg11[%dma_start3A_1123] : memref<10240xf32, #tpu.memory_space<vmem_shared>> -> memref<10240xf32, #tpu.memory_space<vmem_shared>>
        tpu.enqueue_indirect_dma source(%arg27 : memref<80xf32, #tpu.memory_space<vmem>>) target(%dma_start3A_1124 : memref<10240xf32, #tpu.memory_space<vmem_shared>>) offsets(%dma_start3A_1122 : memref<80xi32, #tpu.memory_space<vmem>>) semaphore(%arg36 : memref<!tpu.dma_semaphore, #tpu.memory_space<semaphore_mem>>) {add = true}
        %lt3A_1125 = arith.constant 33 : i32
        %lt3A_1126 = arith.cmpi slt, %scan3A_831, %lt3A_1125 : i32
        %convert_element_type3A_1127 = arith.extui %lt3A_1126 : i1 to i32
        %cond3A_1128 = arith.constant 0 : i32
        %cond3A_1129 = arith.cmpi ne, %convert_element_type3A_1127, %cond3A_1128 : i32
        scf.if %cond3A_1129 {
          %dma_wait3A_1135 = arith.constant 0 : i32
          %dma_wait3A_1136 = arith.constant 0 : i32
          %dma_wait3A_1137 = arith.constant 0 : i32
          %dma_wait3A_1138 = tpu.memref_slice %arg3[%dma_wait3A_1135, %dma_wait3A_1136, %dma_wait3A_1137] : memref<4032x2x80xi32, #tpu.memory_space<hbm>> -> memref<1x2x80xi32, #tpu.memory_space<hbm>>
          %dma_wait3A_1139 = tpu.memref_squeeze %dma_wait3A_1138 : memref<1x2x80xi32, #tpu.memory_space<hbm>> -> memref<2x80xi32, #tpu.memory_space<hbm>>
          %dma_wait3A_1140 = arith.constant 0 : i32
          %dma_wait3A_1141 = arith.constant 0 : i32
          %dma_wait3A_1142 = tpu.memref_slice %arg3[%dma_wait3A_1135, %dma_wait3A_1140, %dma_wait3A_1141] : memref<4032x2x80xi32, #tpu.memory_space<hbm>> -> memref<1x2x80xi32, #tpu.memory_space<hbm>>
          %dma_wait3A_1143 = tpu.memref_squeeze %dma_wait3A_1142 : memref<1x2x80xi32, #tpu.memory_space<hbm>> -> memref<2x80xi32, #tpu.memory_space<hbm>>
          tpu.wait_dma2 semaphore(%arg38 : memref<!tpu.dma_semaphore, #tpu.memory_space<semaphore_mem>>) src(%dma_wait3A_1143 : memref<2x80xi32, #tpu.memory_space<hbm>>) dst(%arg15 : memref<2x80xi32, #tpu.memory_space<vmem>>)
          %dma_wait3A_1144 = arith.constant 1 : i32
          %dma_wait3A_1145 = arith.constant 0 : i32
          %dma_wait3A_1146 = tpu.memref_slice %arg15[%dma_wait3A_1144, %dma_wait3A_1145] : memref<2x80xi32, #tpu.memory_space<vmem>> -> memref<1x80xi32, #tpu.memory_space<vmem>>
          %dma_wait3A_1147 = tpu.memref_squeeze %dma_wait3A_1146 : memref<1x80xi32, #tpu.memory_space<vmem>> -> memref<80xi32, #tpu.memory_space<vmem>>
          %dma_wait3A_1148 = arith.constant 0 : i32
          %dma_wait3A_1149 = arith.constant 0 : i32
          %dma_wait3A_1150 = tpu.memref_slice %arg10[%dma_wait3A_1148, %dma_wait3A_1149] : memref<10240x128xf32, #tpu.memory_space<vmem_shared>> -> memref<10240x128xf32, #tpu.memory_space<vmem_shared>>
          tpu.wait_indirect_dma semaphore(%arg32 : memref<!tpu.dma_semaphore, #tpu.memory_space<semaphore_mem>>) src(%arg12 : memref<80x128xf32, #tpu.memory_space<vmem>>) dst(%dma_wait3A_1150 : memref<10240x128xf32, #tpu.memory_space<vmem_shared>>)
          %dma_wait3A_1151 = arith.constant 1 : i32
          %dma_wait3A_1152 = arith.constant 0 : i32
          %dma_wait3A_1153 = tpu.memref_slice %arg15[%dma_wait3A_1151, %dma_wait3A_1152] : memref<2x80xi32, #tpu.memory_space<vmem>> -> memref<1x80xi32, #tpu.memory_space<vmem>>
          %dma_wait3A_1154 = tpu.memref_squeeze %dma_wait3A_1153 : memref<1x80xi32, #tpu.memory_space<vmem>> -> memref<80xi32, #tpu.memory_space<vmem>>
          %dma_wait3A_1155 = arith.constant 0 : i32
          %dma_wait3A_1156 = tpu.memref_slice %arg11[%dma_wait3A_1155] : memref<10240xf32, #tpu.memory_space<vmem_shared>> -> memref<10240xf32, #tpu.memory_space<vmem_shared>>
          tpu.wait_indirect_dma semaphore(%arg35 : memref<!tpu.dma_semaphore, #tpu.memory_space<semaphore_mem>>) src(%arg27 : memref<80xf32, #tpu.memory_space<vmem>>) dst(%dma_wait3A_1156 : memref<10240xf32, #tpu.memory_space<vmem_shared>>)
          %dma_start3A_1157 = arith.constant 0 : i32
          %dma_start3A_1158 = arith.constant 0 : i32
          %dma_start3A_1159 = tpu.memref_slice %arg15[%dma_start3A_1157, %dma_start3A_1158] : memref<2x80xi32, #tpu.memory_space<vmem>> -> memref<1x80xi32, #tpu.memory_space<vmem>>
          %dma_start3A_1160 = tpu.memref_squeeze %dma_start3A_1159 : memref<1x80xi32, #tpu.memory_space<vmem>> -> memref<80xi32, #tpu.memory_space<vmem>>
          %dma_start3A_1161 = arith.constant 0 : i32
          %dma_start3A_1162 = arith.constant 0 : i32
          %dma_start3A_1163 = tpu.memref_slice %arg2[%dma_start3A_1161, %dma_start3A_1162] : memref<10000x128xf32, #tpu.memory_space<hbm>> -> memref<10000x128xf32, #tpu.memory_space<hbm>>
          tpu.enqueue_indirect_dma source(%dma_start3A_1163 : memref<10000x128xf32, #tpu.memory_space<hbm>>) target(%arg12 : memref<80x128xf32, #tpu.memory_space<vmem>>) offsets(%dma_start3A_1160 : memref<80xi32, #tpu.memory_space<vmem>>) semaphore(%arg29 : memref<!tpu.dma_semaphore, #tpu.memory_space<semaphore_mem>>)
        } else {
        }
        %lt3A_1130 = arith.constant 33 : i32
        %lt3A_1131 = arith.cmpi slt, %scan3A_831, %lt3A_1130 : i32
        %convert_element_type3A_1132 = arith.extui %lt3A_1131 : i1 to i32
        %cond3A_1133 = arith.constant 0 : i32
        %cond3A_1134 = arith.cmpi ne, %convert_element_type3A_1132, %cond3A_1133 : i32
        scf.if %cond3A_1134 {
          %add3A_1135 = arith.addi %mul3A_709, %add3A_1104 : i32
          %add3A_1136 = arith.constant 4 : i32
          %add3A_1137 = arith.addi %add3A_1135, %add3A_1136 : i32
          %dma_start3A_1138 = arith.constant 0 : i32
          %dma_start3A_1139 = arith.constant 0 : i32
          %dma_start3A_1140 = tpu.memref_slice %arg3[%add3A_1137, %dma_start3A_1138, %dma_start3A_1139] : memref<4032x2x80xi32, #tpu.memory_space<hbm>> -> memref<1x2x80xi32, #tpu.memory_space<hbm>>
          %dma_start3A_1141 = tpu.memref_squeeze %dma_start3A_1140 : memref<1x2x80xi32, #tpu.memory_space<hbm>> -> memref<2x80xi32, #tpu.memory_space<hbm>>
          %dma_start3A_1142 = arith.constant 0 : i32
          %dma_start3A_1143 = arith.constant 0 : i32
          %dma_start3A_1144 = tpu.memref_slice %arg3[%add3A_1137, %dma_start3A_1142, %dma_start3A_1143] : memref<4032x2x80xi32, #tpu.memory_space<hbm>> -> memref<1x2x80xi32, #tpu.memory_space<hbm>>
          %dma_start3A_1145 = tpu.memref_squeeze %dma_start3A_1144 : memref<1x2x80xi32, #tpu.memory_space<hbm>> -> memref<2x80xi32, #tpu.memory_space<hbm>>
          tpu.enqueue_dma source(%dma_start3A_1145 : memref<2x80xi32, #tpu.memory_space<hbm>>) target(%arg18 : memref<2x80xi32, #tpu.memory_space<vmem>>) target_semaphore(%arg41 : memref<!tpu.dma_semaphore, #tpu.memory_space<semaphore_mem>>)
        } else {
        }
      }
      %scan3A_771 = arith.constant 34 : i32
      %dma_wait3A_772 = arith.constant 0 : i32
      %dma_wait3A_773 = arith.constant 0 : i32
      %dma_wait3A_774 = tpu.memref_slice %arg20[%dma_wait3A_772, %dma_wait3A_773] : memref<2x80xi32, #tpu.memory_space<vmem>> -> memref<1x80xi32, #tpu.memory_space<vmem>>
      %dma_wait3A_775 = tpu.memref_squeeze %dma_wait3A_774 : memref<1x80xi32, #tpu.memory_space<vmem>> -> memref<80xi32, #tpu.memory_space<vmem>>
      %dma_wait3A_776 = arith.constant 0 : i32
      %dma_wait3A_777 = arith.constant 0 : i32
      %dma_wait3A_778 = tpu.memref_slice %arg2[%dma_wait3A_776, %dma_wait3A_777] : memref<10000x128xf32, #tpu.memory_space<hbm>> -> memref<10000x128xf32, #tpu.memory_space<hbm>>
      tpu.wait_indirect_dma semaphore(%arg31 : memref<!tpu.dma_semaphore, #tpu.memory_space<semaphore_mem>>) src(%dma_wait3A_778 : memref<10000x128xf32, #tpu.memory_space<hbm>>) dst(%arg14 : memref<80x128xf32, #tpu.memory_space<vmem>>)
      %dma_start3A_779 = arith.constant 1 : i32
      %dma_start3A_780 = arith.constant 0 : i32
      %dma_start3A_781 = tpu.memref_slice %arg20[%dma_start3A_779, %dma_start3A_780] : memref<2x80xi32, #tpu.memory_space<vmem>> -> memref<1x80xi32, #tpu.memory_space<vmem>>
      %dma_start3A_782 = tpu.memref_squeeze %dma_start3A_781 : memref<1x80xi32, #tpu.memory_space<vmem>> -> memref<80xi32, #tpu.memory_space<vmem>>
      %dma_start3A_783 = arith.constant 0 : i32
      %dma_start3A_784 = arith.constant 0 : i32
      %dma_start3A_785 = tpu.memref_slice %arg10[%dma_start3A_783, %dma_start3A_784] : memref<10240x128xf32, #tpu.memory_space<vmem_shared>> -> memref<10240x128xf32, #tpu.memory_space<vmem_shared>>
      tpu.enqueue_indirect_dma source(%arg14 : memref<80x128xf32, #tpu.memory_space<vmem>>) target(%dma_start3A_785 : memref<10240x128xf32, #tpu.memory_space<vmem_shared>>) offsets(%dma_start3A_782 : memref<80xi32, #tpu.memory_space<vmem>>) semaphore(%arg34 : memref<!tpu.dma_semaphore, #tpu.memory_space<semaphore_mem>>) {add = true}
      %dma_start3A_786 = arith.constant 1 : i32
      %dma_start3A_787 = arith.constant 0 : i32
      %dma_start3A_788 = tpu.memref_slice %arg20[%dma_start3A_786, %dma_start3A_787] : memref<2x80xi32, #tpu.memory_space<vmem>> -> memref<1x80xi32, #tpu.memory_space<vmem>>
      %dma_start3A_789 = tpu.memref_squeeze %dma_start3A_788 : memref<1x80xi32, #tpu.memory_space<vmem>> -> memref<80xi32, #tpu.memory_space<vmem>>
      %dma_start3A_790 = arith.constant 0 : i32
      %dma_start3A_791 = tpu.memref_slice %arg11[%dma_start3A_790] : memref<10240xf32, #tpu.memory_space<vmem_shared>> -> memref<10240xf32, #tpu.memory_space<vmem_shared>>
      tpu.enqueue_indirect_dma source(%arg27 : memref<80xf32, #tpu.memory_space<vmem>>) target(%dma_start3A_791 : memref<10240xf32, #tpu.memory_space<vmem_shared>>) offsets(%dma_start3A_789 : memref<80xi32, #tpu.memory_space<vmem>>) semaphore(%arg37 : memref<!tpu.dma_semaphore, #tpu.memory_space<semaphore_mem>>) {add = true}
      %dma_wait3A_792 = arith.constant 1 : i32
      %dma_wait3A_793 = arith.constant 0 : i32
      %dma_wait3A_794 = tpu.memref_slice %arg18[%dma_wait3A_792, %dma_wait3A_793] : memref<2x80xi32, #tpu.memory_space<vmem>> -> memref<1x80xi32, #tpu.memory_space<vmem>>
      %dma_wait3A_795 = tpu.memref_squeeze %dma_wait3A_794 : memref<1x80xi32, #tpu.memory_space<vmem>> -> memref<80xi32, #tpu.memory_space<vmem>>
      %dma_wait3A_796 = arith.constant 0 : i32
      %dma_wait3A_797 = arith.constant 0 : i32
      %dma_wait3A_798 = tpu.memref_slice %arg10[%dma_wait3A_796, %dma_wait3A_797] : memref<10240x128xf32, #tpu.memory_space<vmem_shared>> -> memref<10240x128xf32, #tpu.memory_space<vmem_shared>>
      tpu.wait_indirect_dma semaphore(%arg32 : memref<!tpu.dma_semaphore, #tpu.memory_space<semaphore_mem>>) src(%arg12 : memref<80x128xf32, #tpu.memory_space<vmem>>) dst(%dma_wait3A_798 : memref<10240x128xf32, #tpu.memory_space<vmem_shared>>)
      %dma_wait3A_799 = arith.constant 1 : i32
      %dma_wait3A_800 = arith.constant 0 : i32
      %dma_wait3A_801 = tpu.memref_slice %arg18[%dma_wait3A_799, %dma_wait3A_800] : memref<2x80xi32, #tpu.memory_space<vmem>> -> memref<1x80xi32, #tpu.memory_space<vmem>>
      %dma_wait3A_802 = tpu.memref_squeeze %dma_wait3A_801 : memref<1x80xi32, #tpu.memory_space<vmem>> -> memref<80xi32, #tpu.memory_space<vmem>>
      %dma_wait3A_803 = arith.constant 0 : i32
      %dma_wait3A_804 = tpu.memref_slice %arg11[%dma_wait3A_803] : memref<10240xf32, #tpu.memory_space<vmem_shared>> -> memref<10240xf32, #tpu.memory_space<vmem_shared>>
      tpu.wait_indirect_dma semaphore(%arg35 : memref<!tpu.dma_semaphore, #tpu.memory_space<semaphore_mem>>) src(%arg27 : memref<80xf32, #tpu.memory_space<vmem>>) dst(%dma_wait3A_804 : memref<10240xf32, #tpu.memory_space<vmem_shared>>)
      %dma_wait3A_805 = arith.constant 1 : i32
      %dma_wait3A_806 = arith.constant 0 : i32
      %dma_wait3A_807 = tpu.memref_slice %arg19[%dma_wait3A_805, %dma_wait3A_806] : memref<2x80xi32, #tpu.memory_space<vmem>> -> memref<1x80xi32, #tpu.memory_space<vmem>>
      %dma_wait3A_808 = tpu.memref_squeeze %dma_wait3A_807 : memref<1x80xi32, #tpu.memory_space<vmem>> -> memref<80xi32, #tpu.memory_space<vmem>>
      %dma_wait3A_809 = arith.constant 0 : i32
      %dma_wait3A_810 = arith.constant 0 : i32
      %dma_wait3A_811 = tpu.memref_slice %arg10[%dma_wait3A_809, %dma_wait3A_810] : memref<10240x128xf32, #tpu.memory_space<vmem_shared>> -> memref<10240x128xf32, #tpu.memory_space<vmem_shared>>
      tpu.wait_indirect_dma semaphore(%arg33 : memref<!tpu.dma_semaphore, #tpu.memory_space<semaphore_mem>>) src(%arg13 : memref<80x128xf32, #tpu.memory_space<vmem>>) dst(%dma_wait3A_811 : memref<10240x128xf32, #tpu.memory_space<vmem_shared>>)
      %dma_wait3A_812 = arith.constant 1 : i32
      %dma_wait3A_813 = arith.constant 0 : i32
      %dma_wait3A_814 = tpu.memref_slice %arg19[%dma_wait3A_812, %dma_wait3A_813] : memref<2x80xi32, #tpu.memory_space<vmem>> -> memref<1x80xi32, #tpu.memory_space<vmem>>
      %dma_wait3A_815 = tpu.memref_squeeze %dma_wait3A_814 : memref<1x80xi32, #tpu.memory_space<vmem>> -> memref<80xi32, #tpu.memory_space<vmem>>
      %dma_wait3A_816 = arith.constant 0 : i32
      %dma_wait3A_817 = tpu.memref_slice %arg11[%dma_wait3A_816] : memref<10240xf32, #tpu.memory_space<vmem_shared>> -> memref<10240xf32, #tpu.memory_space<vmem_shared>>
      tpu.wait_indirect_dma semaphore(%arg36 : memref<!tpu.dma_semaphore, #tpu.memory_space<semaphore_mem>>) src(%arg27 : memref<80xf32, #tpu.memory_space<vmem>>) dst(%dma_wait3A_817 : memref<10240xf32, #tpu.memory_space<vmem_shared>>)
      %dma_wait3A_818 = arith.constant 1 : i32
      %dma_wait3A_819 = arith.constant 0 : i32
      %dma_wait3A_820 = tpu.memref_slice %arg20[%dma_wait3A_818, %dma_wait3A_819] : memref<2x80xi32, #tpu.memory_space<vmem>> -> memref<1x80xi32, #tpu.memory_space<vmem>>
      %dma_wait3A_821 = tpu.memref_squeeze %dma_wait3A_820 : memref<1x80xi32, #tpu.memory_space<vmem>> -> memref<80xi32, #tpu.memory_space<vmem>>
      %dma_wait3A_822 = arith.constant 0 : i32
      %dma_wait3A_823 = arith.constant 0 : i32
      %dma_wait3A_824 = tpu.memref_slice %arg10[%dma_wait3A_822, %dma_wait3A_823] : memref<10240x128xf32, #tpu.memory_space<vmem_shared>> -> memref<10240x128xf32, #tpu.memory_space<vmem_shared>>
      tpu.wait_indirect_dma semaphore(%arg34 : memref<!tpu.dma_semaphore, #tpu.memory_space<semaphore_mem>>) src(%arg14 : memref<80x128xf32, #tpu.memory_space<vmem>>) dst(%dma_wait3A_824 : memref<10240x128xf32, #tpu.memory_space<vmem_shared>>)
      %dma_wait3A_825 = arith.constant 1 : i32
      %dma_wait3A_826 = arith.constant 0 : i32
      %dma_wait3A_827 = tpu.memref_slice %arg20[%dma_wait3A_825, %dma_wait3A_826] : memref<2x80xi32, #tpu.memory_space<vmem>> -> memref<1x80xi32, #tpu.memory_space<vmem>>
      %dma_wait3A_828 = tpu.memref_squeeze %dma_wait3A_827 : memref<1x80xi32, #tpu.memory_space<vmem>> -> memref<80xi32, #tpu.memory_space<vmem>>
      %dma_wait3A_829 = arith.constant 0 : i32
      %dma_wait3A_830 = tpu.memref_slice %arg11[%dma_wait3A_829] : memref<10240xf32, #tpu.memory_space<vmem_shared>> -> memref<10240xf32, #tpu.memory_space<vmem_shared>>
      tpu.wait_indirect_dma semaphore(%arg37 : memref<!tpu.dma_semaphore, #tpu.memory_space<semaphore_mem>>) src(%arg27 : memref<80xf32, #tpu.memory_space<vmem>>) dst(%dma_wait3A_830 : memref<10240xf32, #tpu.memory_space<vmem_shared>>)
    } else {
    }
    %eq3A_28 = arith.constant 1 : i32
    %eq3A_29 = arith.cmpi eq, %arg0, %eq3A_28 : i32
    %convert_element_type3A_30 = arith.extui %eq3A_29 : i1 to i32
    %cond3A_31 = arith.constant 0 : i32
    %cond3A_32 = arith.cmpi ne, %convert_element_type3A_30, %cond3A_31 : i32
    scf.if %cond3A_32 {
      %mul3A_708 = arith.constant 48 : i32
      %mul3A_709 = arith.muli %arg1, %mul3A_708 : i32
      %add3A_710 = arith.constant 3264 : i32
      %add3A_711 = arith.addi %add3A_710, %mul3A_709 : i32
      %add3A_712 = arith.constant 0 : i32
      %add3A_713 = arith.addi %add3A_711, %add3A_712 : i32
      %dma_start3A_714 = arith.constant 0 : i32
      %dma_start3A_715 = arith.constant 0 : i32
      %dma_start3A_716 = tpu.memref_slice %arg3[%add3A_713, %dma_start3A_714, %dma_start3A_715] : memref<4032x2x80xi32, #tpu.memory_space<hbm>> -> memref<1x2x80xi32, #tpu.memory_space<hbm>>
      %dma_start3A_717 = tpu.memref_squeeze %dma_start3A_716 : memref<1x2x80xi32, #tpu.memory_space<hbm>> -> memref<2x80xi32, #tpu.memory_space<hbm>>
      %dma_start3A_718 = arith.constant 0 : i32
      %dma_start3A_719 = arith.constant 0 : i32
      %dma_start3A_720 = tpu.memref_slice %arg3[%add3A_713, %dma_start3A_718, %dma_start3A_719] : memref<4032x2x80xi32, #tpu.memory_space<hbm>> -> memref<1x2x80xi32, #tpu.memory_space<hbm>>
      %dma_start3A_721 = tpu.memref_squeeze %dma_start3A_720 : memref<1x2x80xi32, #tpu.memory_space<hbm>> -> memref<2x80xi32, #tpu.memory_space<hbm>>
      tpu.enqueue_dma source(%dma_start3A_721 : memref<2x80xi32, #tpu.memory_space<hbm>>) target(%arg15 : memref<2x80xi32, #tpu.memory_space<vmem>>) target_semaphore(%arg38 : memref<!tpu.dma_semaphore, #tpu.memory_space<semaphore_mem>>)
      %add3A_722 = arith.constant 1 : i32
      %add3A_723 = arith.addi %add3A_711, %add3A_722 : i32
      %dma_start3A_724 = arith.constant 0 : i32
      %dma_start3A_725 = arith.constant 0 : i32
      %dma_start3A_726 = tpu.memref_slice %arg3[%add3A_723, %dma_start3A_724, %dma_start3A_725] : memref<4032x2x80xi32, #tpu.memory_space<hbm>> -> memref<1x2x80xi32, #tpu.memory_space<hbm>>
      %dma_start3A_727 = tpu.memref_squeeze %dma_start3A_726 : memref<1x2x80xi32, #tpu.memory_space<hbm>> -> memref<2x80xi32, #tpu.memory_space<hbm>>
      %dma_start3A_728 = arith.constant 0 : i32
      %dma_start3A_729 = arith.constant 0 : i32
      %dma_start3A_730 = tpu.memref_slice %arg3[%add3A_723, %dma_start3A_728, %dma_start3A_729] : memref<4032x2x80xi32, #tpu.memory_space<hbm>> -> memref<1x2x80xi32, #tpu.memory_space<hbm>>
      %dma_start3A_731 = tpu.memref_squeeze %dma_start3A_730 : memref<1x2x80xi32, #tpu.memory_space<hbm>> -> memref<2x80xi32, #tpu.memory_space<hbm>>
      tpu.enqueue_dma source(%dma_start3A_731 : memref<2x80xi32, #tpu.memory_space<hbm>>) target(%arg16 : memref<2x80xi32, #tpu.memory_space<vmem>>) target_semaphore(%arg39 : memref<!tpu.dma_semaphore, #tpu.memory_space<semaphore_mem>>)
      %add3A_732 = arith.constant 2 : i32
      %add3A_733 = arith.addi %add3A_711, %add3A_732 : i32
      %dma_start3A_734 = arith.constant 0 : i32
      %dma_start3A_735 = arith.constant 0 : i32
      %dma_start3A_736 = tpu.memref_slice %arg3[%add3A_733, %dma_start3A_734, %dma_start3A_735] : memref<4032x2x80xi32, #tpu.memory_space<hbm>> -> memref<1x2x80xi32, #tpu.memory_space<hbm>>
      %dma_start3A_737 = tpu.memref_squeeze %dma_start3A_736 : memref<1x2x80xi32, #tpu.memory_space<hbm>> -> memref<2x80xi32, #tpu.memory_space<hbm>>
      %dma_start3A_738 = arith.constant 0 : i32
      %dma_start3A_739 = arith.constant 0 : i32
      %dma_start3A_740 = tpu.memref_slice %arg3[%add3A_733, %dma_start3A_738, %dma_start3A_739] : memref<4032x2x80xi32, #tpu.memory_space<hbm>> -> memref<1x2x80xi32, #tpu.memory_space<hbm>>
      %dma_start3A_741 = tpu.memref_squeeze %dma_start3A_740 : memref<1x2x80xi32, #tpu.memory_space<hbm>> -> memref<2x80xi32, #tpu.memory_space<hbm>>
      tpu.enqueue_dma source(%dma_start3A_741 : memref<2x80xi32, #tpu.memory_space<hbm>>) target(%arg17 : memref<2x80xi32, #tpu.memory_space<vmem>>) target_semaphore(%arg40 : memref<!tpu.dma_semaphore, #tpu.memory_space<semaphore_mem>>)
      %add3A_742 = arith.constant 3 : i32
      %add3A_743 = arith.addi %add3A_711, %add3A_742 : i32
      %dma_start3A_744 = arith.constant 0 : i32
      %dma_start3A_745 = arith.constant 0 : i32
      %dma_start3A_746 = tpu.memref_slice %arg3[%add3A_743, %dma_start3A_744, %dma_start3A_745] : memref<4032x2x80xi32, #tpu.memory_space<hbm>> -> memref<1x2x80xi32, #tpu.memory_space<hbm>>
      %dma_start3A_747 = tpu.memref_squeeze %dma_start3A_746 : memref<1x2x80xi32, #tpu.memory_space<hbm>> -> memref<2x80xi32, #tpu.memory_space<hbm>>
      %dma_start3A_748 = arith.constant 0 : i32
      %dma_start3A_749 = arith.constant 0 : i32
      %dma_start3A_750 = tpu.memref_slice %arg3[%add3A_743, %dma_start3A_748, %dma_start3A_749] : memref<4032x2x80xi32, #tpu.memory_space<hbm>> -> memref<1x2x80xi32, #tpu.memory_space<hbm>>
      %dma_start3A_751 = tpu.memref_squeeze %dma_start3A_750 : memref<1x2x80xi32, #tpu.memory_space<hbm>> -> memref<2x80xi32, #tpu.memory_space<hbm>>
      tpu.enqueue_dma source(%dma_start3A_751 : memref<2x80xi32, #tpu.memory_space<hbm>>) target(%arg18 : memref<2x80xi32, #tpu.memory_space<vmem>>) target_semaphore(%arg41 : memref<!tpu.dma_semaphore, #tpu.memory_space<semaphore_mem>>)
      %dma_wait3A_752 = arith.constant 0 : i32
      %dma_wait3A_753 = arith.constant 0 : i32
      %dma_wait3A_754 = arith.constant 0 : i32
      %dma_wait3A_755 = tpu.memref_slice %arg3[%dma_wait3A_752, %dma_wait3A_753, %dma_wait3A_754] : memref<4032x2x80xi32, #tpu.memory_space<hbm>> -> memref<1x2x80xi32, #tpu.memory_space<hbm>>
      %dma_wait3A_756 = tpu.memref_squeeze %dma_wait3A_755 : memref<1x2x80xi32, #tpu.memory_space<hbm>> -> memref<2x80xi32, #tpu.memory_space<hbm>>
      %dma_wait3A_757 = arith.constant 0 : i32
      %dma_wait3A_758 = arith.constant 0 : i32
      %dma_wait3A_759 = tpu.memref_slice %arg3[%dma_wait3A_752, %dma_wait3A_757, %dma_wait3A_758] : memref<4032x2x80xi32, #tpu.memory_space<hbm>> -> memref<1x2x80xi32, #tpu.memory_space<hbm>>
      %dma_wait3A_760 = tpu.memref_squeeze %dma_wait3A_759 : memref<1x2x80xi32, #tpu.memory_space<hbm>> -> memref<2x80xi32, #tpu.memory_space<hbm>>
      tpu.wait_dma2 semaphore(%arg38 : memref<!tpu.dma_semaphore, #tpu.memory_space<semaphore_mem>>) src(%dma_wait3A_760 : memref<2x80xi32, #tpu.memory_space<hbm>>) dst(%arg15 : memref<2x80xi32, #tpu.memory_space<vmem>>)
      %dma_start3A_761 = arith.constant 0 : i32
      %dma_start3A_762 = arith.constant 0 : i32
      %dma_start3A_763 = tpu.memref_slice %arg15[%dma_start3A_761, %dma_start3A_762] : memref<2x80xi32, #tpu.memory_space<vmem>> -> memref<1x80xi32, #tpu.memory_space<vmem>>
      %dma_start3A_764 = tpu.memref_squeeze %dma_start3A_763 : memref<1x80xi32, #tpu.memory_space<vmem>> -> memref<80xi32, #tpu.memory_space<vmem>>
      %dma_start3A_765 = arith.constant 0 : i32
      %dma_start3A_766 = arith.constant 0 : i32
      %dma_start3A_767 = tpu.memref_slice %arg2[%dma_start3A_765, %dma_start3A_766] : memref<10000x128xf32, #tpu.memory_space<hbm>> -> memref<10000x128xf32, #tpu.memory_space<hbm>>
      tpu.enqueue_indirect_dma source(%dma_start3A_767 : memref<10000x128xf32, #tpu.memory_space<hbm>>) target(%arg12 : memref<80x128xf32, #tpu.memory_space<vmem>>) offsets(%dma_start3A_764 : memref<80xi32, #tpu.memory_space<vmem>>) semaphore(%arg29 : memref<!tpu.dma_semaphore, #tpu.memory_space<semaphore_mem>>)
      %scan3A_768 = arith.constant 0 : i32
      %scan3A_769 = arith.constant 0 : i32
      %scan3A_770 = arith.constant 8 : i32
      %scan3A_771 = arith.addi %scan3A_769, %scan3A_770 : i32
      %scan3A_772 = arith.constant 1 : i32
      scf.for %scan3A_833 = %scan3A_769 to %scan3A_771 step %scan3A_772  : i32 {
        %mul3A_834 = arith.constant 6 : i32
        %mul3A_835 = arith.muli %scan3A_833, %mul3A_834 : i32
        %add3A_836 = arith.constant 0 : i32
        %add3A_837 = arith.addi %mul3A_835, %add3A_836 : i32
        %gt3A = arith.constant 0 : i32
        %gt3A_838 = arith.cmpi sgt, %scan3A_833, %gt3A : i32
        %convert_element_type3A_839 = arith.extui %gt3A_838 : i1 to i32
        %cond3A_840 = arith.constant 0 : i32
        %cond3A_841 = arith.cmpi ne, %convert_element_type3A_839, %cond3A_840 : i32
        scf.if %cond3A_841 {
          %dma_wait3A_1137 = arith.constant 0 : i32
          %dma_wait3A_1138 = arith.constant 0 : i32
          %dma_wait3A_1139 = tpu.memref_slice %arg20[%dma_wait3A_1137, %dma_wait3A_1138] : memref<2x80xi32, #tpu.memory_space<vmem>> -> memref<1x80xi32, #tpu.memory_space<vmem>>
          %dma_wait3A_1140 = tpu.memref_squeeze %dma_wait3A_1139 : memref<1x80xi32, #tpu.memory_space<vmem>> -> memref<80xi32, #tpu.memory_space<vmem>>
          %dma_wait3A_1141 = arith.constant 0 : i32
          %dma_wait3A_1142 = arith.constant 0 : i32
          %dma_wait3A_1143 = tpu.memref_slice %arg2[%dma_wait3A_1141, %dma_wait3A_1142] : memref<10000x128xf32, #tpu.memory_space<hbm>> -> memref<10000x128xf32, #tpu.memory_space<hbm>>
          tpu.wait_indirect_dma semaphore(%arg31 : memref<!tpu.dma_semaphore, #tpu.memory_space<semaphore_mem>>) src(%dma_wait3A_1143 : memref<10000x128xf32, #tpu.memory_space<hbm>>) dst(%arg14 : memref<80x128xf32, #tpu.memory_space<vmem>>)
          %dma_start3A_1144 = arith.constant 1 : i32
          %dma_start3A_1145 = arith.constant 0 : i32
          %dma_start3A_1146 = tpu.memref_slice %arg20[%dma_start3A_1144, %dma_start3A_1145] : memref<2x80xi32, #tpu.memory_space<vmem>> -> memref<1x80xi32, #tpu.memory_space<vmem>>
          %dma_start3A_1147 = tpu.memref_squeeze %dma_start3A_1146 : memref<1x80xi32, #tpu.memory_space<vmem>> -> memref<80xi32, #tpu.memory_space<vmem>>
          %dma_start3A_1148 = arith.constant 0 : i32
          %dma_start3A_1149 = arith.constant 0 : i32
          %dma_start3A_1150 = tpu.memref_slice %arg10[%dma_start3A_1148, %dma_start3A_1149] : memref<10240x128xf32, #tpu.memory_space<vmem_shared>> -> memref<10240x128xf32, #tpu.memory_space<vmem_shared>>
          tpu.enqueue_indirect_dma source(%arg14 : memref<80x128xf32, #tpu.memory_space<vmem>>) target(%dma_start3A_1150 : memref<10240x128xf32, #tpu.memory_space<vmem_shared>>) offsets(%dma_start3A_1147 : memref<80xi32, #tpu.memory_space<vmem>>) semaphore(%arg34 : memref<!tpu.dma_semaphore, #tpu.memory_space<semaphore_mem>>) {add = true}
          %dma_start3A_1151 = arith.constant 1 : i32
          %dma_start3A_1152 = arith.constant 0 : i32
          %dma_start3A_1153 = tpu.memref_slice %arg20[%dma_start3A_1151, %dma_start3A_1152] : memref<2x80xi32, #tpu.memory_space<vmem>> -> memref<1x80xi32, #tpu.memory_space<vmem>>
          %dma_start3A_1154 = tpu.memref_squeeze %dma_start3A_1153 : memref<1x80xi32, #tpu.memory_space<vmem>> -> memref<80xi32, #tpu.memory_space<vmem>>
          %dma_start3A_1155 = arith.constant 0 : i32
          %dma_start3A_1156 = tpu.memref_slice %arg11[%dma_start3A_1155] : memref<10240xf32, #tpu.memory_space<vmem_shared>> -> memref<10240xf32, #tpu.memory_space<vmem_shared>>
          tpu.enqueue_indirect_dma source(%arg27 : memref<80xf32, #tpu.memory_space<vmem>>) target(%dma_start3A_1156 : memref<10240xf32, #tpu.memory_space<vmem_shared>>) offsets(%dma_start3A_1154 : memref<80xi32, #tpu.memory_space<vmem>>) semaphore(%arg37 : memref<!tpu.dma_semaphore, #tpu.memory_space<semaphore_mem>>) {add = true}
        } else {
        }
        %dma_wait3A_842 = arith.constant 0 : i32
        %dma_wait3A_843 = arith.constant 0 : i32
        %dma_wait3A_844 = arith.constant 0 : i32
        %dma_wait3A_845 = tpu.memref_slice %arg3[%dma_wait3A_842, %dma_wait3A_843, %dma_wait3A_844] : memref<4032x2x80xi32, #tpu.memory_space<hbm>> -> memref<1x2x80xi32, #tpu.memory_space<hbm>>
        %dma_wait3A_846 = tpu.memref_squeeze %dma_wait3A_845 : memref<1x2x80xi32, #tpu.memory_space<hbm>> -> memref<2x80xi32, #tpu.memory_space<hbm>>
        %dma_wait3A_847 = arith.constant 0 : i32
        %dma_wait3A_848 = arith.constant 0 : i32
        %dma_wait3A_849 = tpu.memref_slice %arg3[%dma_wait3A_842, %dma_wait3A_847, %dma_wait3A_848] : memref<4032x2x80xi32, #tpu.memory_space<hbm>> -> memref<1x2x80xi32, #tpu.memory_space<hbm>>
        %dma_wait3A_850 = tpu.memref_squeeze %dma_wait3A_849 : memref<1x2x80xi32, #tpu.memory_space<hbm>> -> memref<2x80xi32, #tpu.memory_space<hbm>>
        tpu.wait_dma2 semaphore(%arg39 : memref<!tpu.dma_semaphore, #tpu.memory_space<semaphore_mem>>) src(%dma_wait3A_850 : memref<2x80xi32, #tpu.memory_space<hbm>>) dst(%arg16 : memref<2x80xi32, #tpu.memory_space<vmem>>)
        %gt3A_851 = arith.constant 0 : i32
        %gt3A_852 = arith.cmpi sgt, %scan3A_833, %gt3A_851 : i32
        %convert_element_type3A_853 = arith.extui %gt3A_852 : i1 to i32
        %cond3A_854 = arith.constant 0 : i32
        %cond3A_855 = arith.cmpi ne, %convert_element_type3A_853, %cond3A_854 : i32
        scf.if %cond3A_855 {
          %dma_wait3A_1137 = arith.constant 1 : i32
          %dma_wait3A_1138 = arith.constant 0 : i32
          %dma_wait3A_1139 = tpu.memref_slice %arg16[%dma_wait3A_1137, %dma_wait3A_1138] : memref<2x80xi32, #tpu.memory_space<vmem>> -> memref<1x80xi32, #tpu.memory_space<vmem>>
          %dma_wait3A_1140 = tpu.memref_squeeze %dma_wait3A_1139 : memref<1x80xi32, #tpu.memory_space<vmem>> -> memref<80xi32, #tpu.memory_space<vmem>>
          %dma_wait3A_1141 = arith.constant 0 : i32
          %dma_wait3A_1142 = arith.constant 0 : i32
          %dma_wait3A_1143 = tpu.memref_slice %arg10[%dma_wait3A_1141, %dma_wait3A_1142] : memref<10240x128xf32, #tpu.memory_space<vmem_shared>> -> memref<10240x128xf32, #tpu.memory_space<vmem_shared>>
          tpu.wait_indirect_dma semaphore(%arg33 : memref<!tpu.dma_semaphore, #tpu.memory_space<semaphore_mem>>) src(%arg13 : memref<80x128xf32, #tpu.memory_space<vmem>>) dst(%dma_wait3A_1143 : memref<10240x128xf32, #tpu.memory_space<vmem_shared>>)
          %dma_wait3A_1144 = arith.constant 1 : i32
          %dma_wait3A_1145 = arith.constant 0 : i32
          %dma_wait3A_1146 = tpu.memref_slice %arg16[%dma_wait3A_1144, %dma_wait3A_1145] : memref<2x80xi32, #tpu.memory_space<vmem>> -> memref<1x80xi32, #tpu.memory_space<vmem>>
          %dma_wait3A_1147 = tpu.memref_squeeze %dma_wait3A_1146 : memref<1x80xi32, #tpu.memory_space<vmem>> -> memref<80xi32, #tpu.memory_space<vmem>>
          %dma_wait3A_1148 = arith.constant 0 : i32
          %dma_wait3A_1149 = tpu.memref_slice %arg11[%dma_wait3A_1148] : memref<10240xf32, #tpu.memory_space<vmem_shared>> -> memref<10240xf32, #tpu.memory_space<vmem_shared>>
          tpu.wait_indirect_dma semaphore(%arg36 : memref<!tpu.dma_semaphore, #tpu.memory_space<semaphore_mem>>) src(%arg27 : memref<80xf32, #tpu.memory_space<vmem>>) dst(%dma_wait3A_1149 : memref<10240xf32, #tpu.memory_space<vmem_shared>>)
        } else {
        }
        %dma_start3A_856 = arith.constant 0 : i32
        %dma_start3A_857 = arith.constant 0 : i32
        %dma_start3A_858 = tpu.memref_slice %arg16[%dma_start3A_856, %dma_start3A_857] : memref<2x80xi32, #tpu.memory_space<vmem>> -> memref<1x80xi32, #tpu.memory_space<vmem>>
        %dma_start3A_859 = tpu.memref_squeeze %dma_start3A_858 : memref<1x80xi32, #tpu.memory_space<vmem>> -> memref<80xi32, #tpu.memory_space<vmem>>
        %dma_start3A_860 = arith.constant 0 : i32
        %dma_start3A_861 = arith.constant 0 : i32
        %dma_start3A_862 = tpu.memref_slice %arg2[%dma_start3A_860, %dma_start3A_861] : memref<10000x128xf32, #tpu.memory_space<hbm>> -> memref<10000x128xf32, #tpu.memory_space<hbm>>
        tpu.enqueue_indirect_dma source(%dma_start3A_862 : memref<10000x128xf32, #tpu.memory_space<hbm>>) target(%arg13 : memref<80x128xf32, #tpu.memory_space<vmem>>) offsets(%dma_start3A_859 : memref<80xi32, #tpu.memory_space<vmem>>) semaphore(%arg30 : memref<!tpu.dma_semaphore, #tpu.memory_space<semaphore_mem>>)
        %add3A_863 = arith.addi %add3A_711, %add3A_837 : i32
        %add3A_864 = arith.constant 4 : i32
        %add3A_865 = arith.addi %add3A_863, %add3A_864 : i32
        %dma_start3A_866 = arith.constant 0 : i32
        %dma_start3A_867 = arith.constant 0 : i32
        %dma_start3A_868 = tpu.memref_slice %arg3[%add3A_865, %dma_start3A_866, %dma_start3A_867] : memref<4032x2x80xi32, #tpu.memory_space<hbm>> -> memref<1x2x80xi32, #tpu.memory_space<hbm>>
        %dma_start3A_869 = tpu.memref_squeeze %dma_start3A_868 : memref<1x2x80xi32, #tpu.memory_space<hbm>> -> memref<2x80xi32, #tpu.memory_space<hbm>>
        %dma_start3A_870 = arith.constant 0 : i32
        %dma_start3A_871 = arith.constant 0 : i32
        %dma_start3A_872 = tpu.memref_slice %arg3[%add3A_865, %dma_start3A_870, %dma_start3A_871] : memref<4032x2x80xi32, #tpu.memory_space<hbm>> -> memref<1x2x80xi32, #tpu.memory_space<hbm>>
        %dma_start3A_873 = tpu.memref_squeeze %dma_start3A_872 : memref<1x2x80xi32, #tpu.memory_space<hbm>> -> memref<2x80xi32, #tpu.memory_space<hbm>>
        tpu.enqueue_dma source(%dma_start3A_873 : memref<2x80xi32, #tpu.memory_space<hbm>>) target(%arg19 : memref<2x80xi32, #tpu.memory_space<vmem>>) target_semaphore(%arg42 : memref<!tpu.dma_semaphore, #tpu.memory_space<semaphore_mem>>)
        %mul3A_874 = arith.constant 6 : i32
        %mul3A_875 = arith.muli %scan3A_833, %mul3A_874 : i32
        %add3A_876 = arith.constant 1 : i32
        %add3A_877 = arith.addi %mul3A_875, %add3A_876 : i32
        %dma_wait3A_878 = arith.constant 0 : i32
        %dma_wait3A_879 = arith.constant 0 : i32
        %dma_wait3A_880 = tpu.memref_slice %arg15[%dma_wait3A_878, %dma_wait3A_879] : memref<2x80xi32, #tpu.memory_space<vmem>> -> memref<1x80xi32, #tpu.memory_space<vmem>>
        %dma_wait3A_881 = tpu.memref_squeeze %dma_wait3A_880 : memref<1x80xi32, #tpu.memory_space<vmem>> -> memref<80xi32, #tpu.memory_space<vmem>>
        %dma_wait3A_882 = arith.constant 0 : i32
        %dma_wait3A_883 = arith.constant 0 : i32
        %dma_wait3A_884 = tpu.memref_slice %arg2[%dma_wait3A_882, %dma_wait3A_883] : memref<10000x128xf32, #tpu.memory_space<hbm>> -> memref<10000x128xf32, #tpu.memory_space<hbm>>
        tpu.wait_indirect_dma semaphore(%arg29 : memref<!tpu.dma_semaphore, #tpu.memory_space<semaphore_mem>>) src(%dma_wait3A_884 : memref<10000x128xf32, #tpu.memory_space<hbm>>) dst(%arg12 : memref<80x128xf32, #tpu.memory_space<vmem>>)
        %dma_start3A_885 = arith.constant 1 : i32
        %dma_start3A_886 = arith.constant 0 : i32
        %dma_start3A_887 = tpu.memref_slice %arg15[%dma_start3A_885, %dma_start3A_886] : memref<2x80xi32, #tpu.memory_space<vmem>> -> memref<1x80xi32, #tpu.memory_space<vmem>>
        %dma_start3A_888 = tpu.memref_squeeze %dma_start3A_887 : memref<1x80xi32, #tpu.memory_space<vmem>> -> memref<80xi32, #tpu.memory_space<vmem>>
        %dma_start3A_889 = arith.constant 0 : i32
        %dma_start3A_890 = arith.constant 0 : i32
        %dma_start3A_891 = tpu.memref_slice %arg10[%dma_start3A_889, %dma_start3A_890] : memref<10240x128xf32, #tpu.memory_space<vmem_shared>> -> memref<10240x128xf32, #tpu.memory_space<vmem_shared>>
        tpu.enqueue_indirect_dma source(%arg12 : memref<80x128xf32, #tpu.memory_space<vmem>>) target(%dma_start3A_891 : memref<10240x128xf32, #tpu.memory_space<vmem_shared>>) offsets(%dma_start3A_888 : memref<80xi32, #tpu.memory_space<vmem>>) semaphore(%arg32 : memref<!tpu.dma_semaphore, #tpu.memory_space<semaphore_mem>>) {add = true}
        %dma_start3A_892 = arith.constant 1 : i32
        %dma_start3A_893 = arith.constant 0 : i32
        %dma_start3A_894 = tpu.memref_slice %arg15[%dma_start3A_892, %dma_start3A_893] : memref<2x80xi32, #tpu.memory_space<vmem>> -> memref<1x80xi32, #tpu.memory_space<vmem>>
        %dma_start3A_895 = tpu.memref_squeeze %dma_start3A_894 : memref<1x80xi32, #tpu.memory_space<vmem>> -> memref<80xi32, #tpu.memory_space<vmem>>
        %dma_start3A_896 = arith.constant 0 : i32
        %dma_start3A_897 = tpu.memref_slice %arg11[%dma_start3A_896] : memref<10240xf32, #tpu.memory_space<vmem_shared>> -> memref<10240xf32, #tpu.memory_space<vmem_shared>>
        tpu.enqueue_indirect_dma source(%arg27 : memref<80xf32, #tpu.memory_space<vmem>>) target(%dma_start3A_897 : memref<10240xf32, #tpu.memory_space<vmem_shared>>) offsets(%dma_start3A_895 : memref<80xi32, #tpu.memory_space<vmem>>) semaphore(%arg35 : memref<!tpu.dma_semaphore, #tpu.memory_space<semaphore_mem>>) {add = true}
        %dma_wait3A_898 = arith.constant 0 : i32
        %dma_wait3A_899 = arith.constant 0 : i32
        %dma_wait3A_900 = arith.constant 0 : i32
        %dma_wait3A_901 = tpu.memref_slice %arg3[%dma_wait3A_898, %dma_wait3A_899, %dma_wait3A_900] : memref<4032x2x80xi32, #tpu.memory_space<hbm>> -> memref<1x2x80xi32, #tpu.memory_space<hbm>>
        %dma_wait3A_902 = tpu.memref_squeeze %dma_wait3A_901 : memref<1x2x80xi32, #tpu.memory_space<hbm>> -> memref<2x80xi32, #tpu.memory_space<hbm>>
        %dma_wait3A_903 = arith.constant 0 : i32
        %dma_wait3A_904 = arith.constant 0 : i32
        %dma_wait3A_905 = tpu.memref_slice %arg3[%dma_wait3A_898, %dma_wait3A_903, %dma_wait3A_904] : memref<4032x2x80xi32, #tpu.memory_space<hbm>> -> memref<1x2x80xi32, #tpu.memory_space<hbm>>
        %dma_wait3A_906 = tpu.memref_squeeze %dma_wait3A_905 : memref<1x2x80xi32, #tpu.memory_space<hbm>> -> memref<2x80xi32, #tpu.memory_space<hbm>>
        tpu.wait_dma2 semaphore(%arg40 : memref<!tpu.dma_semaphore, #tpu.memory_space<semaphore_mem>>) src(%dma_wait3A_906 : memref<2x80xi32, #tpu.memory_space<hbm>>) dst(%arg17 : memref<2x80xi32, #tpu.memory_space<vmem>>)
        %gt3A_907 = arith.constant 0 : i32
        %gt3A_908 = arith.cmpi sgt, %scan3A_833, %gt3A_907 : i32
        %convert_element_type3A_909 = arith.extui %gt3A_908 : i1 to i32
        %cond3A_910 = arith.constant 0 : i32
        %cond3A_911 = arith.cmpi ne, %convert_element_type3A_909, %cond3A_910 : i32
        scf.if %cond3A_911 {
          %dma_wait3A_1137 = arith.constant 1 : i32
          %dma_wait3A_1138 = arith.constant 0 : i32
          %dma_wait3A_1139 = tpu.memref_slice %arg17[%dma_wait3A_1137, %dma_wait3A_1138] : memref<2x80xi32, #tpu.memory_space<vmem>> -> memref<1x80xi32, #tpu.memory_space<vmem>>
          %dma_wait3A_1140 = tpu.memref_squeeze %dma_wait3A_1139 : memref<1x80xi32, #tpu.memory_space<vmem>> -> memref<80xi32, #tpu.memory_space<vmem>>
          %dma_wait3A_1141 = arith.constant 0 : i32
          %dma_wait3A_1142 = arith.constant 0 : i32
          %dma_wait3A_1143 = tpu.memref_slice %arg10[%dma_wait3A_1141, %dma_wait3A_1142] : memref<10240x128xf32, #tpu.memory_space<vmem_shared>> -> memref<10240x128xf32, #tpu.memory_space<vmem_shared>>
          tpu.wait_indirect_dma semaphore(%arg34 : memref<!tpu.dma_semaphore, #tpu.memory_space<semaphore_mem>>) src(%arg14 : memref<80x128xf32, #tpu.memory_space<vmem>>) dst(%dma_wait3A_1143 : memref<10240x128xf32, #tpu.memory_space<vmem_shared>>)
          %dma_wait3A_1144 = arith.constant 1 : i32
          %dma_wait3A_1145 = arith.constant 0 : i32
          %dma_wait3A_1146 = tpu.memref_slice %arg17[%dma_wait3A_1144, %dma_wait3A_1145] : memref<2x80xi32, #tpu.memory_space<vmem>> -> memref<1x80xi32, #tpu.memory_space<vmem>>
          %dma_wait3A_1147 = tpu.memref_squeeze %dma_wait3A_1146 : memref<1x80xi32, #tpu.memory_space<vmem>> -> memref<80xi32, #tpu.memory_space<vmem>>
          %dma_wait3A_1148 = arith.constant 0 : i32
          %dma_wait3A_1149 = tpu.memref_slice %arg11[%dma_wait3A_1148] : memref<10240xf32, #tpu.memory_space<vmem_shared>> -> memref<10240xf32, #tpu.memory_space<vmem_shared>>
          tpu.wait_indirect_dma semaphore(%arg37 : memref<!tpu.dma_semaphore, #tpu.memory_space<semaphore_mem>>) src(%arg27 : memref<80xf32, #tpu.memory_space<vmem>>) dst(%dma_wait3A_1149 : memref<10240xf32, #tpu.memory_space<vmem_shared>>)
        } else {
        }
        %dma_start3A_912 = arith.constant 0 : i32
        %dma_start3A_913 = arith.constant 0 : i32
        %dma_start3A_914 = tpu.memref_slice %arg17[%dma_start3A_912, %dma_start3A_913] : memref<2x80xi32, #tpu.memory_space<vmem>> -> memref<1x80xi32, #tpu.memory_space<vmem>>
        %dma_start3A_915 = tpu.memref_squeeze %dma_start3A_914 : memref<1x80xi32, #tpu.memory_space<vmem>> -> memref<80xi32, #tpu.memory_space<vmem>>
        %dma_start3A_916 = arith.constant 0 : i32
        %dma_start3A_917 = arith.constant 0 : i32
        %dma_start3A_918 = tpu.memref_slice %arg2[%dma_start3A_916, %dma_start3A_917] : memref<10000x128xf32, #tpu.memory_space<hbm>> -> memref<10000x128xf32, #tpu.memory_space<hbm>>
        tpu.enqueue_indirect_dma source(%dma_start3A_918 : memref<10000x128xf32, #tpu.memory_space<hbm>>) target(%arg14 : memref<80x128xf32, #tpu.memory_space<vmem>>) offsets(%dma_start3A_915 : memref<80xi32, #tpu.memory_space<vmem>>) semaphore(%arg31 : memref<!tpu.dma_semaphore, #tpu.memory_space<semaphore_mem>>)
        %add3A_919 = arith.addi %add3A_711, %add3A_877 : i32
        %add3A_920 = arith.constant 4 : i32
        %add3A_921 = arith.addi %add3A_919, %add3A_920 : i32
        %dma_start3A_922 = arith.constant 0 : i32
        %dma_start3A_923 = arith.constant 0 : i32
        %dma_start3A_924 = tpu.memref_slice %arg3[%add3A_921, %dma_start3A_922, %dma_start3A_923] : memref<4032x2x80xi32, #tpu.memory_space<hbm>> -> memref<1x2x80xi32, #tpu.memory_space<hbm>>
        %dma_start3A_925 = tpu.memref_squeeze %dma_start3A_924 : memref<1x2x80xi32, #tpu.memory_space<hbm>> -> memref<2x80xi32, #tpu.memory_space<hbm>>
        %dma_start3A_926 = arith.constant 0 : i32
        %dma_start3A_927 = arith.constant 0 : i32
        %dma_start3A_928 = tpu.memref_slice %arg3[%add3A_921, %dma_start3A_926, %dma_start3A_927] : memref<4032x2x80xi32, #tpu.memory_space<hbm>> -> memref<1x2x80xi32, #tpu.memory_space<hbm>>
        %dma_start3A_929 = tpu.memref_squeeze %dma_start3A_928 : memref<1x2x80xi32, #tpu.memory_space<hbm>> -> memref<2x80xi32, #tpu.memory_space<hbm>>
        tpu.enqueue_dma source(%dma_start3A_929 : memref<2x80xi32, #tpu.memory_space<hbm>>) target(%arg20 : memref<2x80xi32, #tpu.memory_space<vmem>>) target_semaphore(%arg43 : memref<!tpu.dma_semaphore, #tpu.memory_space<semaphore_mem>>)
        %mul3A_930 = arith.constant 6 : i32
        %mul3A_931 = arith.muli %scan3A_833, %mul3A_930 : i32
        %add3A_932 = arith.constant 2 : i32
        %add3A_933 = arith.addi %mul3A_931, %add3A_932 : i32
        %dma_wait3A_934 = arith.constant 0 : i32
        %dma_wait3A_935 = arith.constant 0 : i32
        %dma_wait3A_936 = tpu.memref_slice %arg16[%dma_wait3A_934, %dma_wait3A_935] : memref<2x80xi32, #tpu.memory_space<vmem>> -> memref<1x80xi32, #tpu.memory_space<vmem>>
        %dma_wait3A_937 = tpu.memref_squeeze %dma_wait3A_936 : memref<1x80xi32, #tpu.memory_space<vmem>> -> memref<80xi32, #tpu.memory_space<vmem>>
        %dma_wait3A_938 = arith.constant 0 : i32
        %dma_wait3A_939 = arith.constant 0 : i32
        %dma_wait3A_940 = tpu.memref_slice %arg2[%dma_wait3A_938, %dma_wait3A_939] : memref<10000x128xf32, #tpu.memory_space<hbm>> -> memref<10000x128xf32, #tpu.memory_space<hbm>>
        tpu.wait_indirect_dma semaphore(%arg30 : memref<!tpu.dma_semaphore, #tpu.memory_space<semaphore_mem>>) src(%dma_wait3A_940 : memref<10000x128xf32, #tpu.memory_space<hbm>>) dst(%arg13 : memref<80x128xf32, #tpu.memory_space<vmem>>)
        %dma_start3A_941 = arith.constant 1 : i32
        %dma_start3A_942 = arith.constant 0 : i32
        %dma_start3A_943 = tpu.memref_slice %arg16[%dma_start3A_941, %dma_start3A_942] : memref<2x80xi32, #tpu.memory_space<vmem>> -> memref<1x80xi32, #tpu.memory_space<vmem>>
        %dma_start3A_944 = tpu.memref_squeeze %dma_start3A_943 : memref<1x80xi32, #tpu.memory_space<vmem>> -> memref<80xi32, #tpu.memory_space<vmem>>
        %dma_start3A_945 = arith.constant 0 : i32
        %dma_start3A_946 = arith.constant 0 : i32
        %dma_start3A_947 = tpu.memref_slice %arg10[%dma_start3A_945, %dma_start3A_946] : memref<10240x128xf32, #tpu.memory_space<vmem_shared>> -> memref<10240x128xf32, #tpu.memory_space<vmem_shared>>
        tpu.enqueue_indirect_dma source(%arg13 : memref<80x128xf32, #tpu.memory_space<vmem>>) target(%dma_start3A_947 : memref<10240x128xf32, #tpu.memory_space<vmem_shared>>) offsets(%dma_start3A_944 : memref<80xi32, #tpu.memory_space<vmem>>) semaphore(%arg33 : memref<!tpu.dma_semaphore, #tpu.memory_space<semaphore_mem>>) {add = true}
        %dma_start3A_948 = arith.constant 1 : i32
        %dma_start3A_949 = arith.constant 0 : i32
        %dma_start3A_950 = tpu.memref_slice %arg16[%dma_start3A_948, %dma_start3A_949] : memref<2x80xi32, #tpu.memory_space<vmem>> -> memref<1x80xi32, #tpu.memory_space<vmem>>
        %dma_start3A_951 = tpu.memref_squeeze %dma_start3A_950 : memref<1x80xi32, #tpu.memory_space<vmem>> -> memref<80xi32, #tpu.memory_space<vmem>>
        %dma_start3A_952 = arith.constant 0 : i32
        %dma_start3A_953 = tpu.memref_slice %arg11[%dma_start3A_952] : memref<10240xf32, #tpu.memory_space<vmem_shared>> -> memref<10240xf32, #tpu.memory_space<vmem_shared>>
        tpu.enqueue_indirect_dma source(%arg27 : memref<80xf32, #tpu.memory_space<vmem>>) target(%dma_start3A_953 : memref<10240xf32, #tpu.memory_space<vmem_shared>>) offsets(%dma_start3A_951 : memref<80xi32, #tpu.memory_space<vmem>>) semaphore(%arg36 : memref<!tpu.dma_semaphore, #tpu.memory_space<semaphore_mem>>) {add = true}
        %dma_wait3A_954 = arith.constant 0 : i32
        %dma_wait3A_955 = arith.constant 0 : i32
        %dma_wait3A_956 = arith.constant 0 : i32
        %dma_wait3A_957 = tpu.memref_slice %arg3[%dma_wait3A_954, %dma_wait3A_955, %dma_wait3A_956] : memref<4032x2x80xi32, #tpu.memory_space<hbm>> -> memref<1x2x80xi32, #tpu.memory_space<hbm>>
        %dma_wait3A_958 = tpu.memref_squeeze %dma_wait3A_957 : memref<1x2x80xi32, #tpu.memory_space<hbm>> -> memref<2x80xi32, #tpu.memory_space<hbm>>
        %dma_wait3A_959 = arith.constant 0 : i32
        %dma_wait3A_960 = arith.constant 0 : i32
        %dma_wait3A_961 = tpu.memref_slice %arg3[%dma_wait3A_954, %dma_wait3A_959, %dma_wait3A_960] : memref<4032x2x80xi32, #tpu.memory_space<hbm>> -> memref<1x2x80xi32, #tpu.memory_space<hbm>>
        %dma_wait3A_962 = tpu.memref_squeeze %dma_wait3A_961 : memref<1x2x80xi32, #tpu.memory_space<hbm>> -> memref<2x80xi32, #tpu.memory_space<hbm>>
        tpu.wait_dma2 semaphore(%arg41 : memref<!tpu.dma_semaphore, #tpu.memory_space<semaphore_mem>>) src(%dma_wait3A_962 : memref<2x80xi32, #tpu.memory_space<hbm>>) dst(%arg18 : memref<2x80xi32, #tpu.memory_space<vmem>>)
        %dma_wait3A_963 = arith.constant 1 : i32
        %dma_wait3A_964 = arith.constant 0 : i32
        %dma_wait3A_965 = tpu.memref_slice %arg18[%dma_wait3A_963, %dma_wait3A_964] : memref<2x80xi32, #tpu.memory_space<vmem>> -> memref<1x80xi32, #tpu.memory_space<vmem>>
        %dma_wait3A_966 = tpu.memref_squeeze %dma_wait3A_965 : memref<1x80xi32, #tpu.memory_space<vmem>> -> memref<80xi32, #tpu.memory_space<vmem>>
        %dma_wait3A_967 = arith.constant 0 : i32
        %dma_wait3A_968 = arith.constant 0 : i32
        %dma_wait3A_969 = tpu.memref_slice %arg10[%dma_wait3A_967, %dma_wait3A_968] : memref<10240x128xf32, #tpu.memory_space<vmem_shared>> -> memref<10240x128xf32, #tpu.memory_space<vmem_shared>>
        tpu.wait_indirect_dma semaphore(%arg32 : memref<!tpu.dma_semaphore, #tpu.memory_space<semaphore_mem>>) src(%arg12 : memref<80x128xf32, #tpu.memory_space<vmem>>) dst(%dma_wait3A_969 : memref<10240x128xf32, #tpu.memory_space<vmem_shared>>)
        %dma_wait3A_970 = arith.constant 1 : i32
        %dma_wait3A_971 = arith.constant 0 : i32
        %dma_wait3A_972 = tpu.memref_slice %arg18[%dma_wait3A_970, %dma_wait3A_971] : memref<2x80xi32, #tpu.memory_space<vmem>> -> memref<1x80xi32, #tpu.memory_space<vmem>>
        %dma_wait3A_973 = tpu.memref_squeeze %dma_wait3A_972 : memref<1x80xi32, #tpu.memory_space<vmem>> -> memref<80xi32, #tpu.memory_space<vmem>>
        %dma_wait3A_974 = arith.constant 0 : i32
        %dma_wait3A_975 = tpu.memref_slice %arg11[%dma_wait3A_974] : memref<10240xf32, #tpu.memory_space<vmem_shared>> -> memref<10240xf32, #tpu.memory_space<vmem_shared>>
        tpu.wait_indirect_dma semaphore(%arg35 : memref<!tpu.dma_semaphore, #tpu.memory_space<semaphore_mem>>) src(%arg27 : memref<80xf32, #tpu.memory_space<vmem>>) dst(%dma_wait3A_975 : memref<10240xf32, #tpu.memory_space<vmem_shared>>)
        %dma_start3A_976 = arith.constant 0 : i32
        %dma_start3A_977 = arith.constant 0 : i32
        %dma_start3A_978 = tpu.memref_slice %arg18[%dma_start3A_976, %dma_start3A_977] : memref<2x80xi32, #tpu.memory_space<vmem>> -> memref<1x80xi32, #tpu.memory_space<vmem>>
        %dma_start3A_979 = tpu.memref_squeeze %dma_start3A_978 : memref<1x80xi32, #tpu.memory_space<vmem>> -> memref<80xi32, #tpu.memory_space<vmem>>
        %dma_start3A_980 = arith.constant 0 : i32
        %dma_start3A_981 = arith.constant 0 : i32
        %dma_start3A_982 = tpu.memref_slice %arg2[%dma_start3A_980, %dma_start3A_981] : memref<10000x128xf32, #tpu.memory_space<hbm>> -> memref<10000x128xf32, #tpu.memory_space<hbm>>
        tpu.enqueue_indirect_dma source(%dma_start3A_982 : memref<10000x128xf32, #tpu.memory_space<hbm>>) target(%arg12 : memref<80x128xf32, #tpu.memory_space<vmem>>) offsets(%dma_start3A_979 : memref<80xi32, #tpu.memory_space<vmem>>) semaphore(%arg29 : memref<!tpu.dma_semaphore, #tpu.memory_space<semaphore_mem>>)
        %lt3A = arith.constant 7 : i32
        %lt3A_983 = arith.cmpi slt, %scan3A_833, %lt3A : i32
        %convert_element_type3A_984 = arith.extui %lt3A_983 : i1 to i32
        %cond3A_985 = arith.constant 0 : i32
        %cond3A_986 = arith.cmpi ne, %convert_element_type3A_984, %cond3A_985 : i32
        scf.if %cond3A_986 {
          %add3A_1137 = arith.addi %add3A_711, %add3A_933 : i32
          %add3A_1138 = arith.constant 4 : i32
          %add3A_1139 = arith.addi %add3A_1137, %add3A_1138 : i32
          %dma_start3A_1140 = arith.constant 0 : i32
          %dma_start3A_1141 = arith.constant 0 : i32
          %dma_start3A_1142 = tpu.memref_slice %arg3[%add3A_1139, %dma_start3A_1140, %dma_start3A_1141] : memref<4032x2x80xi32, #tpu.memory_space<hbm>> -> memref<1x2x80xi32, #tpu.memory_space<hbm>>
          %dma_start3A_1143 = tpu.memref_squeeze %dma_start3A_1142 : memref<1x2x80xi32, #tpu.memory_space<hbm>> -> memref<2x80xi32, #tpu.memory_space<hbm>>
          %dma_start3A_1144 = arith.constant 0 : i32
          %dma_start3A_1145 = arith.constant 0 : i32
          %dma_start3A_1146 = tpu.memref_slice %arg3[%add3A_1139, %dma_start3A_1144, %dma_start3A_1145] : memref<4032x2x80xi32, #tpu.memory_space<hbm>> -> memref<1x2x80xi32, #tpu.memory_space<hbm>>
          %dma_start3A_1147 = tpu.memref_squeeze %dma_start3A_1146 : memref<1x2x80xi32, #tpu.memory_space<hbm>> -> memref<2x80xi32, #tpu.memory_space<hbm>>
          tpu.enqueue_dma source(%dma_start3A_1147 : memref<2x80xi32, #tpu.memory_space<hbm>>) target(%arg15 : memref<2x80xi32, #tpu.memory_space<vmem>>) target_semaphore(%arg38 : memref<!tpu.dma_semaphore, #tpu.memory_space<semaphore_mem>>)
        } else {
        }
        %mul3A_987 = arith.constant 6 : i32
        %mul3A_988 = arith.muli %scan3A_833, %mul3A_987 : i32
        %add3A_989 = arith.constant 3 : i32
        %add3A_990 = arith.addi %mul3A_988, %add3A_989 : i32
        %dma_wait3A_991 = arith.constant 0 : i32
        %dma_wait3A_992 = arith.constant 0 : i32
        %dma_wait3A_993 = tpu.memref_slice %arg17[%dma_wait3A_991, %dma_wait3A_992] : memref<2x80xi32, #tpu.memory_space<vmem>> -> memref<1x80xi32, #tpu.memory_space<vmem>>
        %dma_wait3A_994 = tpu.memref_squeeze %dma_wait3A_993 : memref<1x80xi32, #tpu.memory_space<vmem>> -> memref<80xi32, #tpu.memory_space<vmem>>
        %dma_wait3A_995 = arith.constant 0 : i32
        %dma_wait3A_996 = arith.constant 0 : i32
        %dma_wait3A_997 = tpu.memref_slice %arg2[%dma_wait3A_995, %dma_wait3A_996] : memref<10000x128xf32, #tpu.memory_space<hbm>> -> memref<10000x128xf32, #tpu.memory_space<hbm>>
        tpu.wait_indirect_dma semaphore(%arg31 : memref<!tpu.dma_semaphore, #tpu.memory_space<semaphore_mem>>) src(%dma_wait3A_997 : memref<10000x128xf32, #tpu.memory_space<hbm>>) dst(%arg14 : memref<80x128xf32, #tpu.memory_space<vmem>>)
        %dma_start3A_998 = arith.constant 1 : i32
        %dma_start3A_999 = arith.constant 0 : i32
        %dma_start3A_1000 = tpu.memref_slice %arg17[%dma_start3A_998, %dma_start3A_999] : memref<2x80xi32, #tpu.memory_space<vmem>> -> memref<1x80xi32, #tpu.memory_space<vmem>>
        %dma_start3A_1001 = tpu.memref_squeeze %dma_start3A_1000 : memref<1x80xi32, #tpu.memory_space<vmem>> -> memref<80xi32, #tpu.memory_space<vmem>>
        %dma_start3A_1002 = arith.constant 0 : i32
        %dma_start3A_1003 = arith.constant 0 : i32
        %dma_start3A_1004 = tpu.memref_slice %arg10[%dma_start3A_1002, %dma_start3A_1003] : memref<10240x128xf32, #tpu.memory_space<vmem_shared>> -> memref<10240x128xf32, #tpu.memory_space<vmem_shared>>
        tpu.enqueue_indirect_dma source(%arg14 : memref<80x128xf32, #tpu.memory_space<vmem>>) target(%dma_start3A_1004 : memref<10240x128xf32, #tpu.memory_space<vmem_shared>>) offsets(%dma_start3A_1001 : memref<80xi32, #tpu.memory_space<vmem>>) semaphore(%arg34 : memref<!tpu.dma_semaphore, #tpu.memory_space<semaphore_mem>>) {add = true}
        %dma_start3A_1005 = arith.constant 1 : i32
        %dma_start3A_1006 = arith.constant 0 : i32
        %dma_start3A_1007 = tpu.memref_slice %arg17[%dma_start3A_1005, %dma_start3A_1006] : memref<2x80xi32, #tpu.memory_space<vmem>> -> memref<1x80xi32, #tpu.memory_space<vmem>>
        %dma_start3A_1008 = tpu.memref_squeeze %dma_start3A_1007 : memref<1x80xi32, #tpu.memory_space<vmem>> -> memref<80xi32, #tpu.memory_space<vmem>>
        %dma_start3A_1009 = arith.constant 0 : i32
        %dma_start3A_1010 = tpu.memref_slice %arg11[%dma_start3A_1009] : memref<10240xf32, #tpu.memory_space<vmem_shared>> -> memref<10240xf32, #tpu.memory_space<vmem_shared>>
        tpu.enqueue_indirect_dma source(%arg27 : memref<80xf32, #tpu.memory_space<vmem>>) target(%dma_start3A_1010 : memref<10240xf32, #tpu.memory_space<vmem_shared>>) offsets(%dma_start3A_1008 : memref<80xi32, #tpu.memory_space<vmem>>) semaphore(%arg37 : memref<!tpu.dma_semaphore, #tpu.memory_space<semaphore_mem>>) {add = true}
        %dma_wait3A_1011 = arith.constant 0 : i32
        %dma_wait3A_1012 = arith.constant 0 : i32
        %dma_wait3A_1013 = arith.constant 0 : i32
        %dma_wait3A_1014 = tpu.memref_slice %arg3[%dma_wait3A_1011, %dma_wait3A_1012, %dma_wait3A_1013] : memref<4032x2x80xi32, #tpu.memory_space<hbm>> -> memref<1x2x80xi32, #tpu.memory_space<hbm>>
        %dma_wait3A_1015 = tpu.memref_squeeze %dma_wait3A_1014 : memref<1x2x80xi32, #tpu.memory_space<hbm>> -> memref<2x80xi32, #tpu.memory_space<hbm>>
        %dma_wait3A_1016 = arith.constant 0 : i32
        %dma_wait3A_1017 = arith.constant 0 : i32
        %dma_wait3A_1018 = tpu.memref_slice %arg3[%dma_wait3A_1011, %dma_wait3A_1016, %dma_wait3A_1017] : memref<4032x2x80xi32, #tpu.memory_space<hbm>> -> memref<1x2x80xi32, #tpu.memory_space<hbm>>
        %dma_wait3A_1019 = tpu.memref_squeeze %dma_wait3A_1018 : memref<1x2x80xi32, #tpu.memory_space<hbm>> -> memref<2x80xi32, #tpu.memory_space<hbm>>
        tpu.wait_dma2 semaphore(%arg42 : memref<!tpu.dma_semaphore, #tpu.memory_space<semaphore_mem>>) src(%dma_wait3A_1019 : memref<2x80xi32, #tpu.memory_space<hbm>>) dst(%arg19 : memref<2x80xi32, #tpu.memory_space<vmem>>)
        %dma_wait3A_1020 = arith.constant 1 : i32
        %dma_wait3A_1021 = arith.constant 0 : i32
        %dma_wait3A_1022 = tpu.memref_slice %arg19[%dma_wait3A_1020, %dma_wait3A_1021] : memref<2x80xi32, #tpu.memory_space<vmem>> -> memref<1x80xi32, #tpu.memory_space<vmem>>
        %dma_wait3A_1023 = tpu.memref_squeeze %dma_wait3A_1022 : memref<1x80xi32, #tpu.memory_space<vmem>> -> memref<80xi32, #tpu.memory_space<vmem>>
        %dma_wait3A_1024 = arith.constant 0 : i32
        %dma_wait3A_1025 = arith.constant 0 : i32
        %dma_wait3A_1026 = tpu.memref_slice %arg10[%dma_wait3A_1024, %dma_wait3A_1025] : memref<10240x128xf32, #tpu.memory_space<vmem_shared>> -> memref<10240x128xf32, #tpu.memory_space<vmem_shared>>
        tpu.wait_indirect_dma semaphore(%arg33 : memref<!tpu.dma_semaphore, #tpu.memory_space<semaphore_mem>>) src(%arg13 : memref<80x128xf32, #tpu.memory_space<vmem>>) dst(%dma_wait3A_1026 : memref<10240x128xf32, #tpu.memory_space<vmem_shared>>)
        %dma_wait3A_1027 = arith.constant 1 : i32
        %dma_wait3A_1028 = arith.constant 0 : i32
        %dma_wait3A_1029 = tpu.memref_slice %arg19[%dma_wait3A_1027, %dma_wait3A_1028] : memref<2x80xi32, #tpu.memory_space<vmem>> -> memref<1x80xi32, #tpu.memory_space<vmem>>
        %dma_wait3A_1030 = tpu.memref_squeeze %dma_wait3A_1029 : memref<1x80xi32, #tpu.memory_space<vmem>> -> memref<80xi32, #tpu.memory_space<vmem>>
        %dma_wait3A_1031 = arith.constant 0 : i32
        %dma_wait3A_1032 = tpu.memref_slice %arg11[%dma_wait3A_1031] : memref<10240xf32, #tpu.memory_space<vmem_shared>> -> memref<10240xf32, #tpu.memory_space<vmem_shared>>
        tpu.wait_indirect_dma semaphore(%arg36 : memref<!tpu.dma_semaphore, #tpu.memory_space<semaphore_mem>>) src(%arg27 : memref<80xf32, #tpu.memory_space<vmem>>) dst(%dma_wait3A_1032 : memref<10240xf32, #tpu.memory_space<vmem_shared>>)
        %dma_start3A_1033 = arith.constant 0 : i32
        %dma_start3A_1034 = arith.constant 0 : i32
        %dma_start3A_1035 = tpu.memref_slice %arg19[%dma_start3A_1033, %dma_start3A_1034] : memref<2x80xi32, #tpu.memory_space<vmem>> -> memref<1x80xi32, #tpu.memory_space<vmem>>
        %dma_start3A_1036 = tpu.memref_squeeze %dma_start3A_1035 : memref<1x80xi32, #tpu.memory_space<vmem>> -> memref<80xi32, #tpu.memory_space<vmem>>
        %dma_start3A_1037 = arith.constant 0 : i32
        %dma_start3A_1038 = arith.constant 0 : i32
        %dma_start3A_1039 = tpu.memref_slice %arg2[%dma_start3A_1037, %dma_start3A_1038] : memref<10000x128xf32, #tpu.memory_space<hbm>> -> memref<10000x128xf32, #tpu.memory_space<hbm>>
        tpu.enqueue_indirect_dma source(%dma_start3A_1039 : memref<10000x128xf32, #tpu.memory_space<hbm>>) target(%arg13 : memref<80x128xf32, #tpu.memory_space<vmem>>) offsets(%dma_start3A_1036 : memref<80xi32, #tpu.memory_space<vmem>>) semaphore(%arg30 : memref<!tpu.dma_semaphore, #tpu.memory_space<semaphore_mem>>)
        %lt3A_1040 = arith.constant 7 : i32
        %lt3A_1041 = arith.cmpi slt, %scan3A_833, %lt3A_1040 : i32
        %convert_element_type3A_1042 = arith.extui %lt3A_1041 : i1 to i32
        %cond3A_1043 = arith.constant 0 : i32
        %cond3A_1044 = arith.cmpi ne, %convert_element_type3A_1042, %cond3A_1043 : i32
        scf.if %cond3A_1044 {
          %add3A_1137 = arith.addi %add3A_711, %add3A_990 : i32
          %add3A_1138 = arith.constant 4 : i32
          %add3A_1139 = arith.addi %add3A_1137, %add3A_1138 : i32
          %dma_start3A_1140 = arith.constant 0 : i32
          %dma_start3A_1141 = arith.constant 0 : i32
          %dma_start3A_1142 = tpu.memref_slice %arg3[%add3A_1139, %dma_start3A_1140, %dma_start3A_1141] : memref<4032x2x80xi32, #tpu.memory_space<hbm>> -> memref<1x2x80xi32, #tpu.memory_space<hbm>>
          %dma_start3A_1143 = tpu.memref_squeeze %dma_start3A_1142 : memref<1x2x80xi32, #tpu.memory_space<hbm>> -> memref<2x80xi32, #tpu.memory_space<hbm>>
          %dma_start3A_1144 = arith.constant 0 : i32
          %dma_start3A_1145 = arith.constant 0 : i32
          %dma_start3A_1146 = tpu.memref_slice %arg3[%add3A_1139, %dma_start3A_1144, %dma_start3A_1145] : memref<4032x2x80xi32, #tpu.memory_space<hbm>> -> memref<1x2x80xi32, #tpu.memory_space<hbm>>
          %dma_start3A_1147 = tpu.memref_squeeze %dma_start3A_1146 : memref<1x2x80xi32, #tpu.memory_space<hbm>> -> memref<2x80xi32, #tpu.memory_space<hbm>>
          tpu.enqueue_dma source(%dma_start3A_1147 : memref<2x80xi32, #tpu.memory_space<hbm>>) target(%arg16 : memref<2x80xi32, #tpu.memory_space<vmem>>) target_semaphore(%arg39 : memref<!tpu.dma_semaphore, #tpu.memory_space<semaphore_mem>>)
        } else {
        }
        %mul3A_1045 = arith.constant 6 : i32
        %mul3A_1046 = arith.muli %scan3A_833, %mul3A_1045 : i32
        %add3A_1047 = arith.constant 4 : i32
        %add3A_1048 = arith.addi %mul3A_1046, %add3A_1047 : i32
        %dma_wait3A_1049 = arith.constant 0 : i32
        %dma_wait3A_1050 = arith.constant 0 : i32
        %dma_wait3A_1051 = tpu.memref_slice %arg18[%dma_wait3A_1049, %dma_wait3A_1050] : memref<2x80xi32, #tpu.memory_space<vmem>> -> memref<1x80xi32, #tpu.memory_space<vmem>>
        %dma_wait3A_1052 = tpu.memref_squeeze %dma_wait3A_1051 : memref<1x80xi32, #tpu.memory_space<vmem>> -> memref<80xi32, #tpu.memory_space<vmem>>
        %dma_wait3A_1053 = arith.constant 0 : i32
        %dma_wait3A_1054 = arith.constant 0 : i32
        %dma_wait3A_1055 = tpu.memref_slice %arg2[%dma_wait3A_1053, %dma_wait3A_1054] : memref<10000x128xf32, #tpu.memory_space<hbm>> -> memref<10000x128xf32, #tpu.memory_space<hbm>>
        tpu.wait_indirect_dma semaphore(%arg29 : memref<!tpu.dma_semaphore, #tpu.memory_space<semaphore_mem>>) src(%dma_wait3A_1055 : memref<10000x128xf32, #tpu.memory_space<hbm>>) dst(%arg12 : memref<80x128xf32, #tpu.memory_space<vmem>>)
        %dma_start3A_1056 = arith.constant 1 : i32
        %dma_start3A_1057 = arith.constant 0 : i32
        %dma_start3A_1058 = tpu.memref_slice %arg18[%dma_start3A_1056, %dma_start3A_1057] : memref<2x80xi32, #tpu.memory_space<vmem>> -> memref<1x80xi32, #tpu.memory_space<vmem>>
        %dma_start3A_1059 = tpu.memref_squeeze %dma_start3A_1058 : memref<1x80xi32, #tpu.memory_space<vmem>> -> memref<80xi32, #tpu.memory_space<vmem>>
        %dma_start3A_1060 = arith.constant 0 : i32
        %dma_start3A_1061 = arith.constant 0 : i32
        %dma_start3A_1062 = tpu.memref_slice %arg10[%dma_start3A_1060, %dma_start3A_1061] : memref<10240x128xf32, #tpu.memory_space<vmem_shared>> -> memref<10240x128xf32, #tpu.memory_space<vmem_shared>>
        tpu.enqueue_indirect_dma source(%arg12 : memref<80x128xf32, #tpu.memory_space<vmem>>) target(%dma_start3A_1062 : memref<10240x128xf32, #tpu.memory_space<vmem_shared>>) offsets(%dma_start3A_1059 : memref<80xi32, #tpu.memory_space<vmem>>) semaphore(%arg32 : memref<!tpu.dma_semaphore, #tpu.memory_space<semaphore_mem>>) {add = true}
        %dma_start3A_1063 = arith.constant 1 : i32
        %dma_start3A_1064 = arith.constant 0 : i32
        %dma_start3A_1065 = tpu.memref_slice %arg18[%dma_start3A_1063, %dma_start3A_1064] : memref<2x80xi32, #tpu.memory_space<vmem>> -> memref<1x80xi32, #tpu.memory_space<vmem>>
        %dma_start3A_1066 = tpu.memref_squeeze %dma_start3A_1065 : memref<1x80xi32, #tpu.memory_space<vmem>> -> memref<80xi32, #tpu.memory_space<vmem>>
        %dma_start3A_1067 = arith.constant 0 : i32
        %dma_start3A_1068 = tpu.memref_slice %arg11[%dma_start3A_1067] : memref<10240xf32, #tpu.memory_space<vmem_shared>> -> memref<10240xf32, #tpu.memory_space<vmem_shared>>
        tpu.enqueue_indirect_dma source(%arg27 : memref<80xf32, #tpu.memory_space<vmem>>) target(%dma_start3A_1068 : memref<10240xf32, #tpu.memory_space<vmem_shared>>) offsets(%dma_start3A_1066 : memref<80xi32, #tpu.memory_space<vmem>>) semaphore(%arg35 : memref<!tpu.dma_semaphore, #tpu.memory_space<semaphore_mem>>) {add = true}
        %dma_wait3A_1069 = arith.constant 0 : i32
        %dma_wait3A_1070 = arith.constant 0 : i32
        %dma_wait3A_1071 = arith.constant 0 : i32
        %dma_wait3A_1072 = tpu.memref_slice %arg3[%dma_wait3A_1069, %dma_wait3A_1070, %dma_wait3A_1071] : memref<4032x2x80xi32, #tpu.memory_space<hbm>> -> memref<1x2x80xi32, #tpu.memory_space<hbm>>
        %dma_wait3A_1073 = tpu.memref_squeeze %dma_wait3A_1072 : memref<1x2x80xi32, #tpu.memory_space<hbm>> -> memref<2x80xi32, #tpu.memory_space<hbm>>
        %dma_wait3A_1074 = arith.constant 0 : i32
        %dma_wait3A_1075 = arith.constant 0 : i32
        %dma_wait3A_1076 = tpu.memref_slice %arg3[%dma_wait3A_1069, %dma_wait3A_1074, %dma_wait3A_1075] : memref<4032x2x80xi32, #tpu.memory_space<hbm>> -> memref<1x2x80xi32, #tpu.memory_space<hbm>>
        %dma_wait3A_1077 = tpu.memref_squeeze %dma_wait3A_1076 : memref<1x2x80xi32, #tpu.memory_space<hbm>> -> memref<2x80xi32, #tpu.memory_space<hbm>>
        tpu.wait_dma2 semaphore(%arg43 : memref<!tpu.dma_semaphore, #tpu.memory_space<semaphore_mem>>) src(%dma_wait3A_1077 : memref<2x80xi32, #tpu.memory_space<hbm>>) dst(%arg20 : memref<2x80xi32, #tpu.memory_space<vmem>>)
        %dma_wait3A_1078 = arith.constant 1 : i32
        %dma_wait3A_1079 = arith.constant 0 : i32
        %dma_wait3A_1080 = tpu.memref_slice %arg20[%dma_wait3A_1078, %dma_wait3A_1079] : memref<2x80xi32, #tpu.memory_space<vmem>> -> memref<1x80xi32, #tpu.memory_space<vmem>>
        %dma_wait3A_1081 = tpu.memref_squeeze %dma_wait3A_1080 : memref<1x80xi32, #tpu.memory_space<vmem>> -> memref<80xi32, #tpu.memory_space<vmem>>
        %dma_wait3A_1082 = arith.constant 0 : i32
        %dma_wait3A_1083 = arith.constant 0 : i32
        %dma_wait3A_1084 = tpu.memref_slice %arg10[%dma_wait3A_1082, %dma_wait3A_1083] : memref<10240x128xf32, #tpu.memory_space<vmem_shared>> -> memref<10240x128xf32, #tpu.memory_space<vmem_shared>>
        tpu.wait_indirect_dma semaphore(%arg34 : memref<!tpu.dma_semaphore, #tpu.memory_space<semaphore_mem>>) src(%arg14 : memref<80x128xf32, #tpu.memory_space<vmem>>) dst(%dma_wait3A_1084 : memref<10240x128xf32, #tpu.memory_space<vmem_shared>>)
        %dma_wait3A_1085 = arith.constant 1 : i32
        %dma_wait3A_1086 = arith.constant 0 : i32
        %dma_wait3A_1087 = tpu.memref_slice %arg20[%dma_wait3A_1085, %dma_wait3A_1086] : memref<2x80xi32, #tpu.memory_space<vmem>> -> memref<1x80xi32, #tpu.memory_space<vmem>>
        %dma_wait3A_1088 = tpu.memref_squeeze %dma_wait3A_1087 : memref<1x80xi32, #tpu.memory_space<vmem>> -> memref<80xi32, #tpu.memory_space<vmem>>
        %dma_wait3A_1089 = arith.constant 0 : i32
        %dma_wait3A_1090 = tpu.memref_slice %arg11[%dma_wait3A_1089] : memref<10240xf32, #tpu.memory_space<vmem_shared>> -> memref<10240xf32, #tpu.memory_space<vmem_shared>>
        tpu.wait_indirect_dma semaphore(%arg37 : memref<!tpu.dma_semaphore, #tpu.memory_space<semaphore_mem>>) src(%arg27 : memref<80xf32, #tpu.memory_space<vmem>>) dst(%dma_wait3A_1090 : memref<10240xf32, #tpu.memory_space<vmem_shared>>)
        %dma_start3A_1091 = arith.constant 0 : i32
        %dma_start3A_1092 = arith.constant 0 : i32
        %dma_start3A_1093 = tpu.memref_slice %arg20[%dma_start3A_1091, %dma_start3A_1092] : memref<2x80xi32, #tpu.memory_space<vmem>> -> memref<1x80xi32, #tpu.memory_space<vmem>>
        %dma_start3A_1094 = tpu.memref_squeeze %dma_start3A_1093 : memref<1x80xi32, #tpu.memory_space<vmem>> -> memref<80xi32, #tpu.memory_space<vmem>>
        %dma_start3A_1095 = arith.constant 0 : i32
        %dma_start3A_1096 = arith.constant 0 : i32
        %dma_start3A_1097 = tpu.memref_slice %arg2[%dma_start3A_1095, %dma_start3A_1096] : memref<10000x128xf32, #tpu.memory_space<hbm>> -> memref<10000x128xf32, #tpu.memory_space<hbm>>
        tpu.enqueue_indirect_dma source(%dma_start3A_1097 : memref<10000x128xf32, #tpu.memory_space<hbm>>) target(%arg14 : memref<80x128xf32, #tpu.memory_space<vmem>>) offsets(%dma_start3A_1094 : memref<80xi32, #tpu.memory_space<vmem>>) semaphore(%arg31 : memref<!tpu.dma_semaphore, #tpu.memory_space<semaphore_mem>>)
        %lt3A_1098 = arith.constant 7 : i32
        %lt3A_1099 = arith.cmpi slt, %scan3A_833, %lt3A_1098 : i32
        %convert_element_type3A_1100 = arith.extui %lt3A_1099 : i1 to i32
        %cond3A_1101 = arith.constant 0 : i32
        %cond3A_1102 = arith.cmpi ne, %convert_element_type3A_1100, %cond3A_1101 : i32
        scf.if %cond3A_1102 {
          %add3A_1137 = arith.addi %add3A_711, %add3A_1048 : i32
          %add3A_1138 = arith.constant 4 : i32
          %add3A_1139 = arith.addi %add3A_1137, %add3A_1138 : i32
          %dma_start3A_1140 = arith.constant 0 : i32
          %dma_start3A_1141 = arith.constant 0 : i32
          %dma_start3A_1142 = tpu.memref_slice %arg3[%add3A_1139, %dma_start3A_1140, %dma_start3A_1141] : memref<4032x2x80xi32, #tpu.memory_space<hbm>> -> memref<1x2x80xi32, #tpu.memory_space<hbm>>
          %dma_start3A_1143 = tpu.memref_squeeze %dma_start3A_1142 : memref<1x2x80xi32, #tpu.memory_space<hbm>> -> memref<2x80xi32, #tpu.memory_space<hbm>>
          %dma_start3A_1144 = arith.constant 0 : i32
          %dma_start3A_1145 = arith.constant 0 : i32
          %dma_start3A_1146 = tpu.memref_slice %arg3[%add3A_1139, %dma_start3A_1144, %dma_start3A_1145] : memref<4032x2x80xi32, #tpu.memory_space<hbm>> -> memref<1x2x80xi32, #tpu.memory_space<hbm>>
          %dma_start3A_1147 = tpu.memref_squeeze %dma_start3A_1146 : memref<1x2x80xi32, #tpu.memory_space<hbm>> -> memref<2x80xi32, #tpu.memory_space<hbm>>
          tpu.enqueue_dma source(%dma_start3A_1147 : memref<2x80xi32, #tpu.memory_space<hbm>>) target(%arg17 : memref<2x80xi32, #tpu.memory_space<vmem>>) target_semaphore(%arg40 : memref<!tpu.dma_semaphore, #tpu.memory_space<semaphore_mem>>)
        } else {
        }
        %mul3A_1103 = arith.constant 6 : i32
        %mul3A_1104 = arith.muli %scan3A_833, %mul3A_1103 : i32
        %add3A_1105 = arith.constant 5 : i32
        %add3A_1106 = arith.addi %mul3A_1104, %add3A_1105 : i32
        %dma_wait3A_1107 = arith.constant 0 : i32
        %dma_wait3A_1108 = arith.constant 0 : i32
        %dma_wait3A_1109 = tpu.memref_slice %arg19[%dma_wait3A_1107, %dma_wait3A_1108] : memref<2x80xi32, #tpu.memory_space<vmem>> -> memref<1x80xi32, #tpu.memory_space<vmem>>
        %dma_wait3A_1110 = tpu.memref_squeeze %dma_wait3A_1109 : memref<1x80xi32, #tpu.memory_space<vmem>> -> memref<80xi32, #tpu.memory_space<vmem>>
        %dma_wait3A_1111 = arith.constant 0 : i32
        %dma_wait3A_1112 = arith.constant 0 : i32
        %dma_wait3A_1113 = tpu.memref_slice %arg2[%dma_wait3A_1111, %dma_wait3A_1112] : memref<10000x128xf32, #tpu.memory_space<hbm>> -> memref<10000x128xf32, #tpu.memory_space<hbm>>
        tpu.wait_indirect_dma semaphore(%arg30 : memref<!tpu.dma_semaphore, #tpu.memory_space<semaphore_mem>>) src(%dma_wait3A_1113 : memref<10000x128xf32, #tpu.memory_space<hbm>>) dst(%arg13 : memref<80x128xf32, #tpu.memory_space<vmem>>)
        %dma_start3A_1114 = arith.constant 1 : i32
        %dma_start3A_1115 = arith.constant 0 : i32
        %dma_start3A_1116 = tpu.memref_slice %arg19[%dma_start3A_1114, %dma_start3A_1115] : memref<2x80xi32, #tpu.memory_space<vmem>> -> memref<1x80xi32, #tpu.memory_space<vmem>>
        %dma_start3A_1117 = tpu.memref_squeeze %dma_start3A_1116 : memref<1x80xi32, #tpu.memory_space<vmem>> -> memref<80xi32, #tpu.memory_space<vmem>>
        %dma_start3A_1118 = arith.constant 0 : i32
        %dma_start3A_1119 = arith.constant 0 : i32
        %dma_start3A_1120 = tpu.memref_slice %arg10[%dma_start3A_1118, %dma_start3A_1119] : memref<10240x128xf32, #tpu.memory_space<vmem_shared>> -> memref<10240x128xf32, #tpu.memory_space<vmem_shared>>
        tpu.enqueue_indirect_dma source(%arg13 : memref<80x128xf32, #tpu.memory_space<vmem>>) target(%dma_start3A_1120 : memref<10240x128xf32, #tpu.memory_space<vmem_shared>>) offsets(%dma_start3A_1117 : memref<80xi32, #tpu.memory_space<vmem>>) semaphore(%arg33 : memref<!tpu.dma_semaphore, #tpu.memory_space<semaphore_mem>>) {add = true}
        %dma_start3A_1121 = arith.constant 1 : i32
        %dma_start3A_1122 = arith.constant 0 : i32
        %dma_start3A_1123 = tpu.memref_slice %arg19[%dma_start3A_1121, %dma_start3A_1122] : memref<2x80xi32, #tpu.memory_space<vmem>> -> memref<1x80xi32, #tpu.memory_space<vmem>>
        %dma_start3A_1124 = tpu.memref_squeeze %dma_start3A_1123 : memref<1x80xi32, #tpu.memory_space<vmem>> -> memref<80xi32, #tpu.memory_space<vmem>>
        %dma_start3A_1125 = arith.constant 0 : i32
        %dma_start3A_1126 = tpu.memref_slice %arg11[%dma_start3A_1125] : memref<10240xf32, #tpu.memory_space<vmem_shared>> -> memref<10240xf32, #tpu.memory_space<vmem_shared>>
        tpu.enqueue_indirect_dma source(%arg27 : memref<80xf32, #tpu.memory_space<vmem>>) target(%dma_start3A_1126 : memref<10240xf32, #tpu.memory_space<vmem_shared>>) offsets(%dma_start3A_1124 : memref<80xi32, #tpu.memory_space<vmem>>) semaphore(%arg36 : memref<!tpu.dma_semaphore, #tpu.memory_space<semaphore_mem>>) {add = true}
        %lt3A_1127 = arith.constant 7 : i32
        %lt3A_1128 = arith.cmpi slt, %scan3A_833, %lt3A_1127 : i32
        %convert_element_type3A_1129 = arith.extui %lt3A_1128 : i1 to i32
        %cond3A_1130 = arith.constant 0 : i32
        %cond3A_1131 = arith.cmpi ne, %convert_element_type3A_1129, %cond3A_1130 : i32
        scf.if %cond3A_1131 {
          %dma_wait3A_1137 = arith.constant 0 : i32
          %dma_wait3A_1138 = arith.constant 0 : i32
          %dma_wait3A_1139 = arith.constant 0 : i32
          %dma_wait3A_1140 = tpu.memref_slice %arg3[%dma_wait3A_1137, %dma_wait3A_1138, %dma_wait3A_1139] : memref<4032x2x80xi32, #tpu.memory_space<hbm>> -> memref<1x2x80xi32, #tpu.memory_space<hbm>>
          %dma_wait3A_1141 = tpu.memref_squeeze %dma_wait3A_1140 : memref<1x2x80xi32, #tpu.memory_space<hbm>> -> memref<2x80xi32, #tpu.memory_space<hbm>>
          %dma_wait3A_1142 = arith.constant 0 : i32
          %dma_wait3A_1143 = arith.constant 0 : i32
          %dma_wait3A_1144 = tpu.memref_slice %arg3[%dma_wait3A_1137, %dma_wait3A_1142, %dma_wait3A_1143] : memref<4032x2x80xi32, #tpu.memory_space<hbm>> -> memref<1x2x80xi32, #tpu.memory_space<hbm>>
          %dma_wait3A_1145 = tpu.memref_squeeze %dma_wait3A_1144 : memref<1x2x80xi32, #tpu.memory_space<hbm>> -> memref<2x80xi32, #tpu.memory_space<hbm>>
          tpu.wait_dma2 semaphore(%arg38 : memref<!tpu.dma_semaphore, #tpu.memory_space<semaphore_mem>>) src(%dma_wait3A_1145 : memref<2x80xi32, #tpu.memory_space<hbm>>) dst(%arg15 : memref<2x80xi32, #tpu.memory_space<vmem>>)
          %dma_wait3A_1146 = arith.constant 1 : i32
          %dma_wait3A_1147 = arith.constant 0 : i32
          %dma_wait3A_1148 = tpu.memref_slice %arg15[%dma_wait3A_1146, %dma_wait3A_1147] : memref<2x80xi32, #tpu.memory_space<vmem>> -> memref<1x80xi32, #tpu.memory_space<vmem>>
          %dma_wait3A_1149 = tpu.memref_squeeze %dma_wait3A_1148 : memref<1x80xi32, #tpu.memory_space<vmem>> -> memref<80xi32, #tpu.memory_space<vmem>>
          %dma_wait3A_1150 = arith.constant 0 : i32
          %dma_wait3A_1151 = arith.constant 0 : i32
          %dma_wait3A_1152 = tpu.memref_slice %arg10[%dma_wait3A_1150, %dma_wait3A_1151] : memref<10240x128xf32, #tpu.memory_space<vmem_shared>> -> memref<10240x128xf32, #tpu.memory_space<vmem_shared>>
          tpu.wait_indirect_dma semaphore(%arg32 : memref<!tpu.dma_semaphore, #tpu.memory_space<semaphore_mem>>) src(%arg12 : memref<80x128xf32, #tpu.memory_space<vmem>>) dst(%dma_wait3A_1152 : memref<10240x128xf32, #tpu.memory_space<vmem_shared>>)
          %dma_wait3A_1153 = arith.constant 1 : i32
          %dma_wait3A_1154 = arith.constant 0 : i32
          %dma_wait3A_1155 = tpu.memref_slice %arg15[%dma_wait3A_1153, %dma_wait3A_1154] : memref<2x80xi32, #tpu.memory_space<vmem>> -> memref<1x80xi32, #tpu.memory_space<vmem>>
          %dma_wait3A_1156 = tpu.memref_squeeze %dma_wait3A_1155 : memref<1x80xi32, #tpu.memory_space<vmem>> -> memref<80xi32, #tpu.memory_space<vmem>>
          %dma_wait3A_1157 = arith.constant 0 : i32
          %dma_wait3A_1158 = tpu.memref_slice %arg11[%dma_wait3A_1157] : memref<10240xf32, #tpu.memory_space<vmem_shared>> -> memref<10240xf32, #tpu.memory_space<vmem_shared>>
          tpu.wait_indirect_dma semaphore(%arg35 : memref<!tpu.dma_semaphore, #tpu.memory_space<semaphore_mem>>) src(%arg27 : memref<80xf32, #tpu.memory_space<vmem>>) dst(%dma_wait3A_1158 : memref<10240xf32, #tpu.memory_space<vmem_shared>>)
          %dma_start3A_1159 = arith.constant 0 : i32
          %dma_start3A_1160 = arith.constant 0 : i32
          %dma_start3A_1161 = tpu.memref_slice %arg15[%dma_start3A_1159, %dma_start3A_1160] : memref<2x80xi32, #tpu.memory_space<vmem>> -> memref<1x80xi32, #tpu.memory_space<vmem>>
          %dma_start3A_1162 = tpu.memref_squeeze %dma_start3A_1161 : memref<1x80xi32, #tpu.memory_space<vmem>> -> memref<80xi32, #tpu.memory_space<vmem>>
          %dma_start3A_1163 = arith.constant 0 : i32
          %dma_start3A_1164 = arith.constant 0 : i32
          %dma_start3A_1165 = tpu.memref_slice %arg2[%dma_start3A_1163, %dma_start3A_1164] : memref<10000x128xf32, #tpu.memory_space<hbm>> -> memref<10000x128xf32, #tpu.memory_space<hbm>>
          tpu.enqueue_indirect_dma source(%dma_start3A_1165 : memref<10000x128xf32, #tpu.memory_space<hbm>>) target(%arg12 : memref<80x128xf32, #tpu.memory_space<vmem>>) offsets(%dma_start3A_1162 : memref<80xi32, #tpu.memory_space<vmem>>) semaphore(%arg29 : memref<!tpu.dma_semaphore, #tpu.memory_space<semaphore_mem>>)
        } else {
        }
        %lt3A_1132 = arith.constant 7 : i32
        %lt3A_1133 = arith.cmpi slt, %scan3A_833, %lt3A_1132 : i32
        %convert_element_type3A_1134 = arith.extui %lt3A_1133 : i1 to i32
        %cond3A_1135 = arith.constant 0 : i32
        %cond3A_1136 = arith.cmpi ne, %convert_element_type3A_1134, %cond3A_1135 : i32
        scf.if %cond3A_1136 {
          %add3A_1137 = arith.addi %add3A_711, %add3A_1106 : i32
          %add3A_1138 = arith.constant 4 : i32
          %add3A_1139 = arith.addi %add3A_1137, %add3A_1138 : i32
          %dma_start3A_1140 = arith.constant 0 : i32
          %dma_start3A_1141 = arith.constant 0 : i32
          %dma_start3A_1142 = tpu.memref_slice %arg3[%add3A_1139, %dma_start3A_1140, %dma_start3A_1141] : memref<4032x2x80xi32, #tpu.memory_space<hbm>> -> memref<1x2x80xi32, #tpu.memory_space<hbm>>
          %dma_start3A_1143 = tpu.memref_squeeze %dma_start3A_1142 : memref<1x2x80xi32, #tpu.memory_space<hbm>> -> memref<2x80xi32, #tpu.memory_space<hbm>>
          %dma_start3A_1144 = arith.constant 0 : i32
          %dma_start3A_1145 = arith.constant 0 : i32
          %dma_start3A_1146 = tpu.memref_slice %arg3[%add3A_1139, %dma_start3A_1144, %dma_start3A_1145] : memref<4032x2x80xi32, #tpu.memory_space<hbm>> -> memref<1x2x80xi32, #tpu.memory_space<hbm>>
          %dma_start3A_1147 = tpu.memref_squeeze %dma_start3A_1146 : memref<1x2x80xi32, #tpu.memory_space<hbm>> -> memref<2x80xi32, #tpu.memory_space<hbm>>
          tpu.enqueue_dma source(%dma_start3A_1147 : memref<2x80xi32, #tpu.memory_space<hbm>>) target(%arg18 : memref<2x80xi32, #tpu.memory_space<vmem>>) target_semaphore(%arg41 : memref<!tpu.dma_semaphore, #tpu.memory_space<semaphore_mem>>)
        } else {
        }
      }
      %scan3A_773 = arith.constant 8 : i32
      %dma_wait3A_774 = arith.constant 0 : i32
      %dma_wait3A_775 = arith.constant 0 : i32
      %dma_wait3A_776 = tpu.memref_slice %arg20[%dma_wait3A_774, %dma_wait3A_775] : memref<2x80xi32, #tpu.memory_space<vmem>> -> memref<1x80xi32, #tpu.memory_space<vmem>>
      %dma_wait3A_777 = tpu.memref_squeeze %dma_wait3A_776 : memref<1x80xi32, #tpu.memory_space<vmem>> -> memref<80xi32, #tpu.memory_space<vmem>>
      %dma_wait3A_778 = arith.constant 0 : i32
      %dma_wait3A_779 = arith.constant 0 : i32
      %dma_wait3A_780 = tpu.memref_slice %arg2[%dma_wait3A_778, %dma_wait3A_779] : memref<10000x128xf32, #tpu.memory_space<hbm>> -> memref<10000x128xf32, #tpu.memory_space<hbm>>
      tpu.wait_indirect_dma semaphore(%arg31 : memref<!tpu.dma_semaphore, #tpu.memory_space<semaphore_mem>>) src(%dma_wait3A_780 : memref<10000x128xf32, #tpu.memory_space<hbm>>) dst(%arg14 : memref<80x128xf32, #tpu.memory_space<vmem>>)
      %dma_start3A_781 = arith.constant 1 : i32
      %dma_start3A_782 = arith.constant 0 : i32
      %dma_start3A_783 = tpu.memref_slice %arg20[%dma_start3A_781, %dma_start3A_782] : memref<2x80xi32, #tpu.memory_space<vmem>> -> memref<1x80xi32, #tpu.memory_space<vmem>>
      %dma_start3A_784 = tpu.memref_squeeze %dma_start3A_783 : memref<1x80xi32, #tpu.memory_space<vmem>> -> memref<80xi32, #tpu.memory_space<vmem>>
      %dma_start3A_785 = arith.constant 0 : i32
      %dma_start3A_786 = arith.constant 0 : i32
      %dma_start3A_787 = tpu.memref_slice %arg10[%dma_start3A_785, %dma_start3A_786] : memref<10240x128xf32, #tpu.memory_space<vmem_shared>> -> memref<10240x128xf32, #tpu.memory_space<vmem_shared>>
      tpu.enqueue_indirect_dma source(%arg14 : memref<80x128xf32, #tpu.memory_space<vmem>>) target(%dma_start3A_787 : memref<10240x128xf32, #tpu.memory_space<vmem_shared>>) offsets(%dma_start3A_784 : memref<80xi32, #tpu.memory_space<vmem>>) semaphore(%arg34 : memref<!tpu.dma_semaphore, #tpu.memory_space<semaphore_mem>>) {add = true}
      %dma_start3A_788 = arith.constant 1 : i32
      %dma_start3A_789 = arith.constant 0 : i32
      %dma_start3A_790 = tpu.memref_slice %arg20[%dma_start3A_788, %dma_start3A_789] : memref<2x80xi32, #tpu.memory_space<vmem>> -> memref<1x80xi32, #tpu.memory_space<vmem>>
      %dma_start3A_791 = tpu.memref_squeeze %dma_start3A_790 : memref<1x80xi32, #tpu.memory_space<vmem>> -> memref<80xi32, #tpu.memory_space<vmem>>
      %dma_start3A_792 = arith.constant 0 : i32
      %dma_start3A_793 = tpu.memref_slice %arg11[%dma_start3A_792] : memref<10240xf32, #tpu.memory_space<vmem_shared>> -> memref<10240xf32, #tpu.memory_space<vmem_shared>>
      tpu.enqueue_indirect_dma source(%arg27 : memref<80xf32, #tpu.memory_space<vmem>>) target(%dma_start3A_793 : memref<10240xf32, #tpu.memory_space<vmem_shared>>) offsets(%dma_start3A_791 : memref<80xi32, #tpu.memory_space<vmem>>) semaphore(%arg37 : memref<!tpu.dma_semaphore, #tpu.memory_space<semaphore_mem>>) {add = true}
      %dma_wait3A_794 = arith.constant 1 : i32
      %dma_wait3A_795 = arith.constant 0 : i32
      %dma_wait3A_796 = tpu.memref_slice %arg18[%dma_wait3A_794, %dma_wait3A_795] : memref<2x80xi32, #tpu.memory_space<vmem>> -> memref<1x80xi32, #tpu.memory_space<vmem>>
      %dma_wait3A_797 = tpu.memref_squeeze %dma_wait3A_796 : memref<1x80xi32, #tpu.memory_space<vmem>> -> memref<80xi32, #tpu.memory_space<vmem>>
      %dma_wait3A_798 = arith.constant 0 : i32
      %dma_wait3A_799 = arith.constant 0 : i32
      %dma_wait3A_800 = tpu.memref_slice %arg10[%dma_wait3A_798, %dma_wait3A_799] : memref<10240x128xf32, #tpu.memory_space<vmem_shared>> -> memref<10240x128xf32, #tpu.memory_space<vmem_shared>>
      tpu.wait_indirect_dma semaphore(%arg32 : memref<!tpu.dma_semaphore, #tpu.memory_space<semaphore_mem>>) src(%arg12 : memref<80x128xf32, #tpu.memory_space<vmem>>) dst(%dma_wait3A_800 : memref<10240x128xf32, #tpu.memory_space<vmem_shared>>)
      %dma_wait3A_801 = arith.constant 1 : i32
      %dma_wait3A_802 = arith.constant 0 : i32
      %dma_wait3A_803 = tpu.memref_slice %arg18[%dma_wait3A_801, %dma_wait3A_802] : memref<2x80xi32, #tpu.memory_space<vmem>> -> memref<1x80xi32, #tpu.memory_space<vmem>>
      %dma_wait3A_804 = tpu.memref_squeeze %dma_wait3A_803 : memref<1x80xi32, #tpu.memory_space<vmem>> -> memref<80xi32, #tpu.memory_space<vmem>>
      %dma_wait3A_805 = arith.constant 0 : i32
      %dma_wait3A_806 = tpu.memref_slice %arg11[%dma_wait3A_805] : memref<10240xf32, #tpu.memory_space<vmem_shared>> -> memref<10240xf32, #tpu.memory_space<vmem_shared>>
      tpu.wait_indirect_dma semaphore(%arg35 : memref<!tpu.dma_semaphore, #tpu.memory_space<semaphore_mem>>) src(%arg27 : memref<80xf32, #tpu.memory_space<vmem>>) dst(%dma_wait3A_806 : memref<10240xf32, #tpu.memory_space<vmem_shared>>)
      %dma_wait3A_807 = arith.constant 1 : i32
      %dma_wait3A_808 = arith.constant 0 : i32
      %dma_wait3A_809 = tpu.memref_slice %arg19[%dma_wait3A_807, %dma_wait3A_808] : memref<2x80xi32, #tpu.memory_space<vmem>> -> memref<1x80xi32, #tpu.memory_space<vmem>>
      %dma_wait3A_810 = tpu.memref_squeeze %dma_wait3A_809 : memref<1x80xi32, #tpu.memory_space<vmem>> -> memref<80xi32, #tpu.memory_space<vmem>>
      %dma_wait3A_811 = arith.constant 0 : i32
      %dma_wait3A_812 = arith.constant 0 : i32
      %dma_wait3A_813 = tpu.memref_slice %arg10[%dma_wait3A_811, %dma_wait3A_812] : memref<10240x128xf32, #tpu.memory_space<vmem_shared>> -> memref<10240x128xf32, #tpu.memory_space<vmem_shared>>
      tpu.wait_indirect_dma semaphore(%arg33 : memref<!tpu.dma_semaphore, #tpu.memory_space<semaphore_mem>>) src(%arg13 : memref<80x128xf32, #tpu.memory_space<vmem>>) dst(%dma_wait3A_813 : memref<10240x128xf32, #tpu.memory_space<vmem_shared>>)
      %dma_wait3A_814 = arith.constant 1 : i32
      %dma_wait3A_815 = arith.constant 0 : i32
      %dma_wait3A_816 = tpu.memref_slice %arg19[%dma_wait3A_814, %dma_wait3A_815] : memref<2x80xi32, #tpu.memory_space<vmem>> -> memref<1x80xi32, #tpu.memory_space<vmem>>
      %dma_wait3A_817 = tpu.memref_squeeze %dma_wait3A_816 : memref<1x80xi32, #tpu.memory_space<vmem>> -> memref<80xi32, #tpu.memory_space<vmem>>
      %dma_wait3A_818 = arith.constant 0 : i32
      %dma_wait3A_819 = tpu.memref_slice %arg11[%dma_wait3A_818] : memref<10240xf32, #tpu.memory_space<vmem_shared>> -> memref<10240xf32, #tpu.memory_space<vmem_shared>>
      tpu.wait_indirect_dma semaphore(%arg36 : memref<!tpu.dma_semaphore, #tpu.memory_space<semaphore_mem>>) src(%arg27 : memref<80xf32, #tpu.memory_space<vmem>>) dst(%dma_wait3A_819 : memref<10240xf32, #tpu.memory_space<vmem_shared>>)
      %dma_wait3A_820 = arith.constant 1 : i32
      %dma_wait3A_821 = arith.constant 0 : i32
      %dma_wait3A_822 = tpu.memref_slice %arg20[%dma_wait3A_820, %dma_wait3A_821] : memref<2x80xi32, #tpu.memory_space<vmem>> -> memref<1x80xi32, #tpu.memory_space<vmem>>
      %dma_wait3A_823 = tpu.memref_squeeze %dma_wait3A_822 : memref<1x80xi32, #tpu.memory_space<vmem>> -> memref<80xi32, #tpu.memory_space<vmem>>
      %dma_wait3A_824 = arith.constant 0 : i32
      %dma_wait3A_825 = arith.constant 0 : i32
      %dma_wait3A_826 = tpu.memref_slice %arg10[%dma_wait3A_824, %dma_wait3A_825] : memref<10240x128xf32, #tpu.memory_space<vmem_shared>> -> memref<10240x128xf32, #tpu.memory_space<vmem_shared>>
      tpu.wait_indirect_dma semaphore(%arg34 : memref<!tpu.dma_semaphore, #tpu.memory_space<semaphore_mem>>) src(%arg14 : memref<80x128xf32, #tpu.memory_space<vmem>>) dst(%dma_wait3A_826 : memref<10240x128xf32, #tpu.memory_space<vmem_shared>>)
      %dma_wait3A_827 = arith.constant 1 : i32
      %dma_wait3A_828 = arith.constant 0 : i32
      %dma_wait3A_829 = tpu.memref_slice %arg20[%dma_wait3A_827, %dma_wait3A_828] : memref<2x80xi32, #tpu.memory_space<vmem>> -> memref<1x80xi32, #tpu.memory_space<vmem>>
      %dma_wait3A_830 = tpu.memref_squeeze %dma_wait3A_829 : memref<1x80xi32, #tpu.memory_space<vmem>> -> memref<80xi32, #tpu.memory_space<vmem>>
      %dma_wait3A_831 = arith.constant 0 : i32
      %dma_wait3A_832 = tpu.memref_slice %arg11[%dma_wait3A_831] : memref<10240xf32, #tpu.memory_space<vmem_shared>> -> memref<10240xf32, #tpu.memory_space<vmem_shared>>
      tpu.wait_indirect_dma semaphore(%arg37 : memref<!tpu.dma_semaphore, #tpu.memory_space<semaphore_mem>>) src(%arg27 : memref<80xf32, #tpu.memory_space<vmem>>) dst(%dma_wait3A_832 : memref<10240xf32, #tpu.memory_space<vmem_shared>>)
    } else {
    }
    %barrier3A_33 = arith.constant 0 : index
    tpu.barrier barrier_id(%barrier3A_33)
    %mul3A_34 = arith.constant 256 : i32
    %mul3A_35 = arith.muli %add3A, %mul3A_34 : i32
    %mul3A_36 = arith.constant 512 : i32
    %mul3A_37 = arith.muli %arg1, %mul3A_36 : i32
    %add3A_38 = arith.constant 0 : i32
    %add3A_39 = arith.addi %mul3A_35, %add3A_38 : i32
    %add3A_40 = arith.constant 64 : i32
    %add3A_41 = arith.addi %mul3A_35, %add3A_40 : i32
    %add3A_42 = arith.constant 128 : i32
    %add3A_43 = arith.addi %mul3A_35, %add3A_42 : i32
    %add3A_44 = arith.constant 192 : i32
    %add3A_45 = arith.addi %mul3A_35, %add3A_44 : i32
    %add3A_46 = arith.constant 0 : i32
    %add3A_47 = arith.addi %mul3A_37, %add3A_46 : i32
    %add3A_48 = arith.constant 64 : i32
    %add3A_49 = arith.addi %mul3A_37, %add3A_48 : i32
    %add3A_50 = arith.constant 128 : i32
    %add3A_51 = arith.addi %mul3A_37, %add3A_50 : i32
    %add3A_52 = arith.constant 192 : i32
    %add3A_53 = arith.addi %mul3A_37, %add3A_52 : i32
    %add3A_54 = arith.constant 256 : i32
    %add3A_55 = arith.addi %mul3A_37, %add3A_54 : i32
    %add3A_56 = arith.constant 320 : i32
    %add3A_57 = arith.addi %mul3A_37, %add3A_56 : i32
    %add3A_58 = arith.constant 384 : i32
    %add3A_59 = arith.addi %mul3A_37, %add3A_58 : i32
    %add3A_60 = arith.constant 448 : i32
    %add3A_61 = arith.addi %mul3A_37, %add3A_60 : i32
    %dma_start3A = tpu.memref_slice %arg4[%add3A_39] : memref<8192xi32, #tpu.memory_space<hbm>> -> memref<64xi32, #tpu.memory_space<hbm>>
    %dma_start3A_62 = tpu.memref_slice %arg4[%add3A_39] : memref<8192xi32, #tpu.memory_space<hbm>> -> memref<64xi32, #tpu.memory_space<hbm>>
    tpu.enqueue_dma source(%dma_start3A_62 : memref<64xi32, #tpu.memory_space<hbm>>) target(%arg21 : memref<64xi32, #tpu.memory_space<vmem>>) target_semaphore(%arg38 : memref<!tpu.dma_semaphore, #tpu.memory_space<semaphore_mem>>)
    %dma_start3A_63 = tpu.memref_slice %arg4[%add3A_41] : memref<8192xi32, #tpu.memory_space<hbm>> -> memref<64xi32, #tpu.memory_space<hbm>>
    %dma_start3A_64 = tpu.memref_slice %arg4[%add3A_41] : memref<8192xi32, #tpu.memory_space<hbm>> -> memref<64xi32, #tpu.memory_space<hbm>>
    tpu.enqueue_dma source(%dma_start3A_64 : memref<64xi32, #tpu.memory_space<hbm>>) target(%arg22 : memref<64xi32, #tpu.memory_space<vmem>>) target_semaphore(%arg39 : memref<!tpu.dma_semaphore, #tpu.memory_space<semaphore_mem>>)
    %dma_wait3A = arith.constant 0 : i32
    %dma_wait3A_65 = tpu.memref_slice %arg4[%dma_wait3A] : memref<8192xi32, #tpu.memory_space<hbm>> -> memref<64xi32, #tpu.memory_space<hbm>>
    %dma_wait3A_66 = arith.constant 0 : i32
    %dma_wait3A_67 = tpu.memref_slice %arg4[%dma_wait3A_66] : memref<8192xi32, #tpu.memory_space<hbm>> -> memref<64xi32, #tpu.memory_space<hbm>>
    tpu.wait_dma2 semaphore(%arg38 : memref<!tpu.dma_semaphore, #tpu.memory_space<semaphore_mem>>) src(%dma_wait3A_67 : memref<64xi32, #tpu.memory_space<hbm>>) dst(%arg21 : memref<64xi32, #tpu.memory_space<vmem>>)
    %dma_start3A_68 = arith.constant 0 : i32
    %dma_start3A_69 = arith.constant 0 : i32
    %dma_start3A_70 = tpu.memref_slice %arg12[%dma_start3A_68, %dma_start3A_69] : memref<80x128xf32, #tpu.memory_space<vmem>> -> memref<64x128xf32, #tpu.memory_space<vmem>>
    %dma_start3A_71 = arith.constant 0 : i32
    %dma_start3A_72 = arith.constant 0 : i32
    %dma_start3A_73 = tpu.memref_slice %arg2[%dma_start3A_71, %dma_start3A_72] : memref<10000x128xf32, #tpu.memory_space<hbm>> -> memref<10000x128xf32, #tpu.memory_space<hbm>>
    tpu.enqueue_indirect_dma source(%dma_start3A_73 : memref<10000x128xf32, #tpu.memory_space<hbm>>) target(%dma_start3A_70 : memref<64x128xf32, #tpu.memory_space<vmem>>) offsets(%arg21 : memref<64xi32, #tpu.memory_space<vmem>>) semaphore(%arg29 : memref<!tpu.dma_semaphore, #tpu.memory_space<semaphore_mem>>)
    %dma_start3A_74 = tpu.memref_slice %arg4[%add3A_43] : memref<8192xi32, #tpu.memory_space<hbm>> -> memref<64xi32, #tpu.memory_space<hbm>>
    %dma_start3A_75 = tpu.memref_slice %arg4[%add3A_43] : memref<8192xi32, #tpu.memory_space<hbm>> -> memref<64xi32, #tpu.memory_space<hbm>>
    tpu.enqueue_dma source(%dma_start3A_75 : memref<64xi32, #tpu.memory_space<hbm>>) target(%arg23 : memref<64xi32, #tpu.memory_space<vmem>>) target_semaphore(%arg40 : memref<!tpu.dma_semaphore, #tpu.memory_space<semaphore_mem>>)
    %dma_wait3A_76 = arith.constant 0 : i32
    %dma_wait3A_77 = tpu.memref_slice %arg4[%dma_wait3A_76] : memref<8192xi32, #tpu.memory_space<hbm>> -> memref<64xi32, #tpu.memory_space<hbm>>
    %dma_wait3A_78 = arith.constant 0 : i32
    %dma_wait3A_79 = tpu.memref_slice %arg4[%dma_wait3A_78] : memref<8192xi32, #tpu.memory_space<hbm>> -> memref<64xi32, #tpu.memory_space<hbm>>
    tpu.wait_dma2 semaphore(%arg39 : memref<!tpu.dma_semaphore, #tpu.memory_space<semaphore_mem>>) src(%dma_wait3A_79 : memref<64xi32, #tpu.memory_space<hbm>>) dst(%arg22 : memref<64xi32, #tpu.memory_space<vmem>>)
    %dma_start3A_80 = arith.constant 0 : i32
    %dma_start3A_81 = arith.constant 0 : i32
    %dma_start3A_82 = tpu.memref_slice %arg13[%dma_start3A_80, %dma_start3A_81] : memref<80x128xf32, #tpu.memory_space<vmem>> -> memref<64x128xf32, #tpu.memory_space<vmem>>
    %dma_start3A_83 = arith.constant 0 : i32
    %dma_start3A_84 = arith.constant 0 : i32
    %dma_start3A_85 = tpu.memref_slice %arg2[%dma_start3A_83, %dma_start3A_84] : memref<10000x128xf32, #tpu.memory_space<hbm>> -> memref<10000x128xf32, #tpu.memory_space<hbm>>
    tpu.enqueue_indirect_dma source(%dma_start3A_85 : memref<10000x128xf32, #tpu.memory_space<hbm>>) target(%dma_start3A_82 : memref<64x128xf32, #tpu.memory_space<vmem>>) offsets(%arg22 : memref<64xi32, #tpu.memory_space<vmem>>) semaphore(%arg30 : memref<!tpu.dma_semaphore, #tpu.memory_space<semaphore_mem>>)
    %dma_wait3A_86 = arith.constant 0 : i32
    %dma_wait3A_87 = arith.constant 0 : i32
    %dma_wait3A_88 = tpu.memref_slice %arg12[%dma_wait3A_86, %dma_wait3A_87] : memref<80x128xf32, #tpu.memory_space<vmem>> -> memref<64x128xf32, #tpu.memory_space<vmem>>
    %dma_wait3A_89 = arith.constant 0 : i32
    %dma_wait3A_90 = arith.constant 0 : i32
    %dma_wait3A_91 = tpu.memref_slice %arg2[%dma_wait3A_89, %dma_wait3A_90] : memref<10000x128xf32, #tpu.memory_space<hbm>> -> memref<10000x128xf32, #tpu.memory_space<hbm>>
    tpu.wait_indirect_dma semaphore(%arg29 : memref<!tpu.dma_semaphore, #tpu.memory_space<semaphore_mem>>) src(%dma_wait3A_91 : memref<10000x128xf32, #tpu.memory_space<hbm>>) dst(%dma_wait3A_88 : memref<64x128xf32, #tpu.memory_space<vmem>>)
    %eq3A_92 = arith.constant 0 : i32
    %eq3A_93 = arith.cmpi eq, %arg0, %eq3A_92 : i32
    %convert_element_type3A_94 = arith.extui %eq3A_93 : i1 to i32
    %cond3A_95 = arith.constant 0 : i32
    %cond3A_96 = arith.cmpi ne, %convert_element_type3A_94, %cond3A_95 : i32
    scf.if %cond3A_96 {
      %dma_start3A_708 = arith.constant 0 : i32
      %dma_start3A_709 = arith.constant 0 : i32
      %dma_start3A_710 = tpu.memref_slice %arg12[%dma_start3A_708, %dma_start3A_709] : memref<80x128xf32, #tpu.memory_space<vmem>> -> memref<64x128xf32, #tpu.memory_space<vmem>>
      %dma_start3A_711 = arith.constant 0 : i32
      %dma_start3A_712 = tpu.memref_slice %arg5[%add3A_39, %dma_start3A_711] : memref<8192x128xf32, #tpu.memory_space<hbm>> -> memref<64x128xf32, #tpu.memory_space<hbm>>
      %dma_start3A_713 = arith.constant 0 : i32
      %dma_start3A_714 = tpu.memref_slice %arg5[%add3A_39, %dma_start3A_713] : memref<8192x128xf32, #tpu.memory_space<hbm>> -> memref<64x128xf32, #tpu.memory_space<hbm>>
      %dma_start3A_715 = arith.constant 0 : i32
      %dma_start3A_716 = arith.constant 0 : i32
      %dma_start3A_717 = tpu.memref_slice %arg12[%dma_start3A_715, %dma_start3A_716] : memref<80x128xf32, #tpu.memory_space<vmem>> -> memref<64x128xf32, #tpu.memory_space<vmem>>
      tpu.enqueue_dma source(%dma_start3A_717 : memref<64x128xf32, #tpu.memory_space<vmem>>) target(%dma_start3A_714 : memref<64x128xf32, #tpu.memory_space<hbm>>) target_semaphore(%arg32 : memref<!tpu.dma_semaphore, #tpu.memory_space<semaphore_mem>>)
    } else {
    }
    %eq3A_97 = arith.constant 1 : i32
    %eq3A_98 = arith.cmpi eq, %arg0, %eq3A_97 : i32
    %convert_element_type3A_99 = arith.extui %eq3A_98 : i1 to i32
    %cond3A_100 = arith.constant 0 : i32
    %cond3A_101 = arith.cmpi ne, %convert_element_type3A_99, %cond3A_100 : i32
    scf.if %cond3A_101 {
      %dma_start3A_708 = arith.constant 0 : i32
      %dma_start3A_709 = arith.constant 0 : i32
      %dma_start3A_710 = tpu.memref_slice %arg12[%dma_start3A_708, %dma_start3A_709] : memref<80x128xf32, #tpu.memory_space<vmem>> -> memref<64x128xf32, #tpu.memory_space<vmem>>
      %dma_start3A_711 = arith.constant 0 : i32
      %dma_start3A_712 = tpu.memref_slice %arg5[%add3A_39, %dma_start3A_711] : memref<8192x128xf32, #tpu.memory_space<hbm>> -> memref<64x128xf32, #tpu.memory_space<hbm>>
      %dma_start3A_713 = arith.constant 0 : i32
      %dma_start3A_714 = tpu.memref_slice %arg5[%add3A_39, %dma_start3A_713] : memref<8192x128xf32, #tpu.memory_space<hbm>> -> memref<64x128xf32, #tpu.memory_space<hbm>>
      %dma_start3A_715 = arith.constant 0 : i32
      %dma_start3A_716 = arith.constant 0 : i32
      %dma_start3A_717 = tpu.memref_slice %arg12[%dma_start3A_715, %dma_start3A_716] : memref<80x128xf32, #tpu.memory_space<vmem>> -> memref<64x128xf32, #tpu.memory_space<vmem>>
      tpu.enqueue_dma source(%dma_start3A_717 : memref<64x128xf32, #tpu.memory_space<vmem>>) target(%dma_start3A_714 : memref<64x128xf32, #tpu.memory_space<hbm>>) target_semaphore(%arg32 : memref<!tpu.dma_semaphore, #tpu.memory_space<semaphore_mem>>)
    } else {
    }
    %dma_start3A_102 = tpu.memref_slice %arg4[%add3A_45] : memref<8192xi32, #tpu.memory_space<hbm>> -> memref<64xi32, #tpu.memory_space<hbm>>
    %dma_start3A_103 = tpu.memref_slice %arg4[%add3A_45] : memref<8192xi32, #tpu.memory_space<hbm>> -> memref<64xi32, #tpu.memory_space<hbm>>
    tpu.enqueue_dma source(%dma_start3A_103 : memref<64xi32, #tpu.memory_space<hbm>>) target(%arg21 : memref<64xi32, #tpu.memory_space<vmem>>) target_semaphore(%arg38 : memref<!tpu.dma_semaphore, #tpu.memory_space<semaphore_mem>>)
    %dma_wait3A_104 = arith.constant 0 : i32
    %dma_wait3A_105 = tpu.memref_slice %arg4[%dma_wait3A_104] : memref<8192xi32, #tpu.memory_space<hbm>> -> memref<64xi32, #tpu.memory_space<hbm>>
    %dma_wait3A_106 = arith.constant 0 : i32
    %dma_wait3A_107 = tpu.memref_slice %arg4[%dma_wait3A_106] : memref<8192xi32, #tpu.memory_space<hbm>> -> memref<64xi32, #tpu.memory_space<hbm>>
    tpu.wait_dma2 semaphore(%arg40 : memref<!tpu.dma_semaphore, #tpu.memory_space<semaphore_mem>>) src(%dma_wait3A_107 : memref<64xi32, #tpu.memory_space<hbm>>) dst(%arg23 : memref<64xi32, #tpu.memory_space<vmem>>)
    %dma_start3A_108 = arith.constant 0 : i32
    %dma_start3A_109 = arith.constant 0 : i32
    %dma_start3A_110 = tpu.memref_slice %arg14[%dma_start3A_108, %dma_start3A_109] : memref<80x128xf32, #tpu.memory_space<vmem>> -> memref<64x128xf32, #tpu.memory_space<vmem>>
    %dma_start3A_111 = arith.constant 0 : i32
    %dma_start3A_112 = arith.constant 0 : i32
    %dma_start3A_113 = tpu.memref_slice %arg2[%dma_start3A_111, %dma_start3A_112] : memref<10000x128xf32, #tpu.memory_space<hbm>> -> memref<10000x128xf32, #tpu.memory_space<hbm>>
    tpu.enqueue_indirect_dma source(%dma_start3A_113 : memref<10000x128xf32, #tpu.memory_space<hbm>>) target(%dma_start3A_110 : memref<64x128xf32, #tpu.memory_space<vmem>>) offsets(%arg23 : memref<64xi32, #tpu.memory_space<vmem>>) semaphore(%arg31 : memref<!tpu.dma_semaphore, #tpu.memory_space<semaphore_mem>>)
    %dma_wait3A_114 = arith.constant 0 : i32
    %dma_wait3A_115 = arith.constant 0 : i32
    %dma_wait3A_116 = tpu.memref_slice %arg13[%dma_wait3A_114, %dma_wait3A_115] : memref<80x128xf32, #tpu.memory_space<vmem>> -> memref<64x128xf32, #tpu.memory_space<vmem>>
    %dma_wait3A_117 = arith.constant 0 : i32
    %dma_wait3A_118 = arith.constant 0 : i32
    %dma_wait3A_119 = tpu.memref_slice %arg2[%dma_wait3A_117, %dma_wait3A_118] : memref<10000x128xf32, #tpu.memory_space<hbm>> -> memref<10000x128xf32, #tpu.memory_space<hbm>>
    tpu.wait_indirect_dma semaphore(%arg30 : memref<!tpu.dma_semaphore, #tpu.memory_space<semaphore_mem>>) src(%dma_wait3A_119 : memref<10000x128xf32, #tpu.memory_space<hbm>>) dst(%dma_wait3A_116 : memref<64x128xf32, #tpu.memory_space<vmem>>)
    %eq3A_120 = arith.constant 0 : i32
    %eq3A_121 = arith.cmpi eq, %arg0, %eq3A_120 : i32
    %convert_element_type3A_122 = arith.extui %eq3A_121 : i1 to i32
    %cond3A_123 = arith.constant 0 : i32
    %cond3A_124 = arith.cmpi ne, %convert_element_type3A_122, %cond3A_123 : i32
    scf.if %cond3A_124 {
      %dma_start3A_708 = arith.constant 0 : i32
      %dma_start3A_709 = arith.constant 0 : i32
      %dma_start3A_710 = tpu.memref_slice %arg13[%dma_start3A_708, %dma_start3A_709] : memref<80x128xf32, #tpu.memory_space<vmem>> -> memref<64x128xf32, #tpu.memory_space<vmem>>
      %dma_start3A_711 = arith.constant 0 : i32
      %dma_start3A_712 = tpu.memref_slice %arg5[%add3A_41, %dma_start3A_711] : memref<8192x128xf32, #tpu.memory_space<hbm>> -> memref<64x128xf32, #tpu.memory_space<hbm>>
      %dma_start3A_713 = arith.constant 0 : i32
      %dma_start3A_714 = tpu.memref_slice %arg5[%add3A_41, %dma_start3A_713] : memref<8192x128xf32, #tpu.memory_space<hbm>> -> memref<64x128xf32, #tpu.memory_space<hbm>>
      %dma_start3A_715 = arith.constant 0 : i32
      %dma_start3A_716 = arith.constant 0 : i32
      %dma_start3A_717 = tpu.memref_slice %arg13[%dma_start3A_715, %dma_start3A_716] : memref<80x128xf32, #tpu.memory_space<vmem>> -> memref<64x128xf32, #tpu.memory_space<vmem>>
      tpu.enqueue_dma source(%dma_start3A_717 : memref<64x128xf32, #tpu.memory_space<vmem>>) target(%dma_start3A_714 : memref<64x128xf32, #tpu.memory_space<hbm>>) target_semaphore(%arg33 : memref<!tpu.dma_semaphore, #tpu.memory_space<semaphore_mem>>)
    } else {
    }
    %eq3A_125 = arith.constant 1 : i32
    %eq3A_126 = arith.cmpi eq, %arg0, %eq3A_125 : i32
    %convert_element_type3A_127 = arith.extui %eq3A_126 : i1 to i32
    %cond3A_128 = arith.constant 0 : i32
    %cond3A_129 = arith.cmpi ne, %convert_element_type3A_127, %cond3A_128 : i32
    scf.if %cond3A_129 {
      %dma_start3A_708 = arith.constant 0 : i32
      %dma_start3A_709 = arith.constant 0 : i32
      %dma_start3A_710 = tpu.memref_slice %arg13[%dma_start3A_708, %dma_start3A_709] : memref<80x128xf32, #tpu.memory_space<vmem>> -> memref<64x128xf32, #tpu.memory_space<vmem>>
      %dma_start3A_711 = arith.constant 0 : i32
      %dma_start3A_712 = tpu.memref_slice %arg5[%add3A_41, %dma_start3A_711] : memref<8192x128xf32, #tpu.memory_space<hbm>> -> memref<64x128xf32, #tpu.memory_space<hbm>>
      %dma_start3A_713 = arith.constant 0 : i32
      %dma_start3A_714 = tpu.memref_slice %arg5[%add3A_41, %dma_start3A_713] : memref<8192x128xf32, #tpu.memory_space<hbm>> -> memref<64x128xf32, #tpu.memory_space<hbm>>
      %dma_start3A_715 = arith.constant 0 : i32
      %dma_start3A_716 = arith.constant 0 : i32
      %dma_start3A_717 = tpu.memref_slice %arg13[%dma_start3A_715, %dma_start3A_716] : memref<80x128xf32, #tpu.memory_space<vmem>> -> memref<64x128xf32, #tpu.memory_space<vmem>>
      tpu.enqueue_dma source(%dma_start3A_717 : memref<64x128xf32, #tpu.memory_space<vmem>>) target(%dma_start3A_714 : memref<64x128xf32, #tpu.memory_space<hbm>>) target_semaphore(%arg33 : memref<!tpu.dma_semaphore, #tpu.memory_space<semaphore_mem>>)
    } else {
    }
    %eq3A_130 = arith.constant 0 : i32
    %eq3A_131 = arith.cmpi eq, %arg0, %eq3A_130 : i32
    %convert_element_type3A_132 = arith.extui %eq3A_131 : i1 to i32
    %cond3A_133 = arith.constant 0 : i32
    %cond3A_134 = arith.cmpi ne, %convert_element_type3A_132, %cond3A_133 : i32
    scf.if %cond3A_134 {
      %dma_wait3A_708 = arith.constant 0 : i32
      %dma_wait3A_709 = arith.constant 0 : i32
      %dma_wait3A_710 = tpu.memref_slice %arg12[%dma_wait3A_708, %dma_wait3A_709] : memref<80x128xf32, #tpu.memory_space<vmem>> -> memref<64x128xf32, #tpu.memory_space<vmem>>
      %dma_wait3A_711 = arith.constant 0 : i32
      %dma_wait3A_712 = tpu.memref_slice %arg5[%add3A_39, %dma_wait3A_711] : memref<8192x128xf32, #tpu.memory_space<hbm>> -> memref<64x128xf32, #tpu.memory_space<hbm>>
      %dma_wait3A_713 = arith.constant 0 : i32
      %dma_wait3A_714 = tpu.memref_slice %arg5[%add3A_39, %dma_wait3A_713] : memref<8192x128xf32, #tpu.memory_space<hbm>> -> memref<64x128xf32, #tpu.memory_space<hbm>>
      %dma_wait3A_715 = arith.constant 0 : i32
      %dma_wait3A_716 = arith.constant 0 : i32
      %dma_wait3A_717 = tpu.memref_slice %arg12[%dma_wait3A_715, %dma_wait3A_716] : memref<80x128xf32, #tpu.memory_space<vmem>> -> memref<64x128xf32, #tpu.memory_space<vmem>>
      tpu.wait_dma2 semaphore(%arg32 : memref<!tpu.dma_semaphore, #tpu.memory_space<semaphore_mem>>) src(%dma_wait3A_717 : memref<64x128xf32, #tpu.memory_space<vmem>>) dst(%dma_wait3A_714 : memref<64x128xf32, #tpu.memory_space<hbm>>)
    } else {
    }
    %eq3A_135 = arith.constant 1 : i32
    %eq3A_136 = arith.cmpi eq, %arg0, %eq3A_135 : i32
    %convert_element_type3A_137 = arith.extui %eq3A_136 : i1 to i32
    %cond3A_138 = arith.constant 0 : i32
    %cond3A_139 = arith.cmpi ne, %convert_element_type3A_137, %cond3A_138 : i32
    scf.if %cond3A_139 {
      %dma_wait3A_708 = arith.constant 0 : i32
      %dma_wait3A_709 = arith.constant 0 : i32
      %dma_wait3A_710 = tpu.memref_slice %arg12[%dma_wait3A_708, %dma_wait3A_709] : memref<80x128xf32, #tpu.memory_space<vmem>> -> memref<64x128xf32, #tpu.memory_space<vmem>>
      %dma_wait3A_711 = arith.constant 0 : i32
      %dma_wait3A_712 = tpu.memref_slice %arg5[%add3A_39, %dma_wait3A_711] : memref<8192x128xf32, #tpu.memory_space<hbm>> -> memref<64x128xf32, #tpu.memory_space<hbm>>
      %dma_wait3A_713 = arith.constant 0 : i32
      %dma_wait3A_714 = tpu.memref_slice %arg5[%add3A_39, %dma_wait3A_713] : memref<8192x128xf32, #tpu.memory_space<hbm>> -> memref<64x128xf32, #tpu.memory_space<hbm>>
      %dma_wait3A_715 = arith.constant 0 : i32
      %dma_wait3A_716 = arith.constant 0 : i32
      %dma_wait3A_717 = tpu.memref_slice %arg12[%dma_wait3A_715, %dma_wait3A_716] : memref<80x128xf32, #tpu.memory_space<vmem>> -> memref<64x128xf32, #tpu.memory_space<vmem>>
      tpu.wait_dma2 semaphore(%arg32 : memref<!tpu.dma_semaphore, #tpu.memory_space<semaphore_mem>>) src(%dma_wait3A_717 : memref<64x128xf32, #tpu.memory_space<vmem>>) dst(%dma_wait3A_714 : memref<64x128xf32, #tpu.memory_space<hbm>>)
    } else {
    }
    %dma_start3A_140 = tpu.memref_slice %arg4[%add3A_47] : memref<8192xi32, #tpu.memory_space<hbm>> -> memref<64xi32, #tpu.memory_space<hbm>>
    %dma_start3A_141 = tpu.memref_slice %arg4[%add3A_47] : memref<8192xi32, #tpu.memory_space<hbm>> -> memref<64xi32, #tpu.memory_space<hbm>>
    tpu.enqueue_dma source(%dma_start3A_141 : memref<64xi32, #tpu.memory_space<hbm>>) target(%arg22 : memref<64xi32, #tpu.memory_space<vmem>>) target_semaphore(%arg39 : memref<!tpu.dma_semaphore, #tpu.memory_space<semaphore_mem>>)
    %dma_wait3A_142 = arith.constant 0 : i32
    %dma_wait3A_143 = tpu.memref_slice %arg4[%dma_wait3A_142] : memref<8192xi32, #tpu.memory_space<hbm>> -> memref<64xi32, #tpu.memory_space<hbm>>
    %dma_wait3A_144 = arith.constant 0 : i32
    %dma_wait3A_145 = tpu.memref_slice %arg4[%dma_wait3A_144] : memref<8192xi32, #tpu.memory_space<hbm>> -> memref<64xi32, #tpu.memory_space<hbm>>
    tpu.wait_dma2 semaphore(%arg38 : memref<!tpu.dma_semaphore, #tpu.memory_space<semaphore_mem>>) src(%dma_wait3A_145 : memref<64xi32, #tpu.memory_space<hbm>>) dst(%arg21 : memref<64xi32, #tpu.memory_space<vmem>>)
    %dma_start3A_146 = arith.constant 0 : i32
    %dma_start3A_147 = arith.constant 0 : i32
    %dma_start3A_148 = tpu.memref_slice %arg12[%dma_start3A_146, %dma_start3A_147] : memref<80x128xf32, #tpu.memory_space<vmem>> -> memref<64x128xf32, #tpu.memory_space<vmem>>
    %dma_start3A_149 = arith.constant 0 : i32
    %dma_start3A_150 = arith.constant 0 : i32
    %dma_start3A_151 = tpu.memref_slice %arg2[%dma_start3A_149, %dma_start3A_150] : memref<10000x128xf32, #tpu.memory_space<hbm>> -> memref<10000x128xf32, #tpu.memory_space<hbm>>
    tpu.enqueue_indirect_dma source(%dma_start3A_151 : memref<10000x128xf32, #tpu.memory_space<hbm>>) target(%dma_start3A_148 : memref<64x128xf32, #tpu.memory_space<vmem>>) offsets(%arg21 : memref<64xi32, #tpu.memory_space<vmem>>) semaphore(%arg29 : memref<!tpu.dma_semaphore, #tpu.memory_space<semaphore_mem>>)
    %dma_wait3A_152 = arith.constant 0 : i32
    %dma_wait3A_153 = arith.constant 0 : i32
    %dma_wait3A_154 = tpu.memref_slice %arg14[%dma_wait3A_152, %dma_wait3A_153] : memref<80x128xf32, #tpu.memory_space<vmem>> -> memref<64x128xf32, #tpu.memory_space<vmem>>
    %dma_wait3A_155 = arith.constant 0 : i32
    %dma_wait3A_156 = arith.constant 0 : i32
    %dma_wait3A_157 = tpu.memref_slice %arg2[%dma_wait3A_155, %dma_wait3A_156] : memref<10000x128xf32, #tpu.memory_space<hbm>> -> memref<10000x128xf32, #tpu.memory_space<hbm>>
    tpu.wait_indirect_dma semaphore(%arg31 : memref<!tpu.dma_semaphore, #tpu.memory_space<semaphore_mem>>) src(%dma_wait3A_157 : memref<10000x128xf32, #tpu.memory_space<hbm>>) dst(%dma_wait3A_154 : memref<64x128xf32, #tpu.memory_space<vmem>>)
    %eq3A_158 = arith.constant 0 : i32
    %eq3A_159 = arith.cmpi eq, %arg0, %eq3A_158 : i32
    %convert_element_type3A_160 = arith.extui %eq3A_159 : i1 to i32
    %cond3A_161 = arith.constant 0 : i32
    %cond3A_162 = arith.cmpi ne, %convert_element_type3A_160, %cond3A_161 : i32
    scf.if %cond3A_162 {
      %dma_start3A_708 = arith.constant 0 : i32
      %dma_start3A_709 = arith.constant 0 : i32
      %dma_start3A_710 = tpu.memref_slice %arg14[%dma_start3A_708, %dma_start3A_709] : memref<80x128xf32, #tpu.memory_space<vmem>> -> memref<64x128xf32, #tpu.memory_space<vmem>>
      %dma_start3A_711 = arith.constant 0 : i32
      %dma_start3A_712 = tpu.memref_slice %arg5[%add3A_43, %dma_start3A_711] : memref<8192x128xf32, #tpu.memory_space<hbm>> -> memref<64x128xf32, #tpu.memory_space<hbm>>
      %dma_start3A_713 = arith.constant 0 : i32
      %dma_start3A_714 = tpu.memref_slice %arg5[%add3A_43, %dma_start3A_713] : memref<8192x128xf32, #tpu.memory_space<hbm>> -> memref<64x128xf32, #tpu.memory_space<hbm>>
      %dma_start3A_715 = arith.constant 0 : i32
      %dma_start3A_716 = arith.constant 0 : i32
      %dma_start3A_717 = tpu.memref_slice %arg14[%dma_start3A_715, %dma_start3A_716] : memref<80x128xf32, #tpu.memory_space<vmem>> -> memref<64x128xf32, #tpu.memory_space<vmem>>
      tpu.enqueue_dma source(%dma_start3A_717 : memref<64x128xf32, #tpu.memory_space<vmem>>) target(%dma_start3A_714 : memref<64x128xf32, #tpu.memory_space<hbm>>) target_semaphore(%arg34 : memref<!tpu.dma_semaphore, #tpu.memory_space<semaphore_mem>>)
    } else {
    }
    %eq3A_163 = arith.constant 1 : i32
    %eq3A_164 = arith.cmpi eq, %arg0, %eq3A_163 : i32
    %convert_element_type3A_165 = arith.extui %eq3A_164 : i1 to i32
    %cond3A_166 = arith.constant 0 : i32
    %cond3A_167 = arith.cmpi ne, %convert_element_type3A_165, %cond3A_166 : i32
    scf.if %cond3A_167 {
      %dma_start3A_708 = arith.constant 0 : i32
      %dma_start3A_709 = arith.constant 0 : i32
      %dma_start3A_710 = tpu.memref_slice %arg14[%dma_start3A_708, %dma_start3A_709] : memref<80x128xf32, #tpu.memory_space<vmem>> -> memref<64x128xf32, #tpu.memory_space<vmem>>
      %dma_start3A_711 = arith.constant 0 : i32
      %dma_start3A_712 = tpu.memref_slice %arg5[%add3A_43, %dma_start3A_711] : memref<8192x128xf32, #tpu.memory_space<hbm>> -> memref<64x128xf32, #tpu.memory_space<hbm>>
      %dma_start3A_713 = arith.constant 0 : i32
      %dma_start3A_714 = tpu.memref_slice %arg5[%add3A_43, %dma_start3A_713] : memref<8192x128xf32, #tpu.memory_space<hbm>> -> memref<64x128xf32, #tpu.memory_space<hbm>>
      %dma_start3A_715 = arith.constant 0 : i32
      %dma_start3A_716 = arith.constant 0 : i32
      %dma_start3A_717 = tpu.memref_slice %arg14[%dma_start3A_715, %dma_start3A_716] : memref<80x128xf32, #tpu.memory_space<vmem>> -> memref<64x128xf32, #tpu.memory_space<vmem>>
      tpu.enqueue_dma source(%dma_start3A_717 : memref<64x128xf32, #tpu.memory_space<vmem>>) target(%dma_start3A_714 : memref<64x128xf32, #tpu.memory_space<hbm>>) target_semaphore(%arg34 : memref<!tpu.dma_semaphore, #tpu.memory_space<semaphore_mem>>)
    } else {
    }
    %eq3A_168 = arith.constant 0 : i32
    %eq3A_169 = arith.cmpi eq, %arg0, %eq3A_168 : i32
    %convert_element_type3A_170 = arith.extui %eq3A_169 : i1 to i32
    %cond3A_171 = arith.constant 0 : i32
    %cond3A_172 = arith.cmpi ne, %convert_element_type3A_170, %cond3A_171 : i32
    scf.if %cond3A_172 {
      %dma_wait3A_708 = arith.constant 0 : i32
      %dma_wait3A_709 = arith.constant 0 : i32
      %dma_wait3A_710 = tpu.memref_slice %arg13[%dma_wait3A_708, %dma_wait3A_709] : memref<80x128xf32, #tpu.memory_space<vmem>> -> memref<64x128xf32, #tpu.memory_space<vmem>>
      %dma_wait3A_711 = arith.constant 0 : i32
      %dma_wait3A_712 = tpu.memref_slice %arg5[%add3A_41, %dma_wait3A_711] : memref<8192x128xf32, #tpu.memory_space<hbm>> -> memref<64x128xf32, #tpu.memory_space<hbm>>
      %dma_wait3A_713 = arith.constant 0 : i32
      %dma_wait3A_714 = tpu.memref_slice %arg5[%add3A_41, %dma_wait3A_713] : memref<8192x128xf32, #tpu.memory_space<hbm>> -> memref<64x128xf32, #tpu.memory_space<hbm>>
      %dma_wait3A_715 = arith.constant 0 : i32
      %dma_wait3A_716 = arith.constant 0 : i32
      %dma_wait3A_717 = tpu.memref_slice %arg13[%dma_wait3A_715, %dma_wait3A_716] : memref<80x128xf32, #tpu.memory_space<vmem>> -> memref<64x128xf32, #tpu.memory_space<vmem>>
      tpu.wait_dma2 semaphore(%arg33 : memref<!tpu.dma_semaphore, #tpu.memory_space<semaphore_mem>>) src(%dma_wait3A_717 : memref<64x128xf32, #tpu.memory_space<vmem>>) dst(%dma_wait3A_714 : memref<64x128xf32, #tpu.memory_space<hbm>>)
    } else {
    }
    %eq3A_173 = arith.constant 1 : i32
    %eq3A_174 = arith.cmpi eq, %arg0, %eq3A_173 : i32
    %convert_element_type3A_175 = arith.extui %eq3A_174 : i1 to i32
    %cond3A_176 = arith.constant 0 : i32
    %cond3A_177 = arith.cmpi ne, %convert_element_type3A_175, %cond3A_176 : i32
    scf.if %cond3A_177 {
      %dma_wait3A_708 = arith.constant 0 : i32
      %dma_wait3A_709 = arith.constant 0 : i32
      %dma_wait3A_710 = tpu.memref_slice %arg13[%dma_wait3A_708, %dma_wait3A_709] : memref<80x128xf32, #tpu.memory_space<vmem>> -> memref<64x128xf32, #tpu.memory_space<vmem>>
      %dma_wait3A_711 = arith.constant 0 : i32
      %dma_wait3A_712 = tpu.memref_slice %arg5[%add3A_41, %dma_wait3A_711] : memref<8192x128xf32, #tpu.memory_space<hbm>> -> memref<64x128xf32, #tpu.memory_space<hbm>>
      %dma_wait3A_713 = arith.constant 0 : i32
      %dma_wait3A_714 = tpu.memref_slice %arg5[%add3A_41, %dma_wait3A_713] : memref<8192x128xf32, #tpu.memory_space<hbm>> -> memref<64x128xf32, #tpu.memory_space<hbm>>
      %dma_wait3A_715 = arith.constant 0 : i32
      %dma_wait3A_716 = arith.constant 0 : i32
      %dma_wait3A_717 = tpu.memref_slice %arg13[%dma_wait3A_715, %dma_wait3A_716] : memref<80x128xf32, #tpu.memory_space<vmem>> -> memref<64x128xf32, #tpu.memory_space<vmem>>
      tpu.wait_dma2 semaphore(%arg33 : memref<!tpu.dma_semaphore, #tpu.memory_space<semaphore_mem>>) src(%dma_wait3A_717 : memref<64x128xf32, #tpu.memory_space<vmem>>) dst(%dma_wait3A_714 : memref<64x128xf32, #tpu.memory_space<hbm>>)
    } else {
    }
    %dma_start3A_178 = tpu.memref_slice %arg4[%add3A_49] : memref<8192xi32, #tpu.memory_space<hbm>> -> memref<64xi32, #tpu.memory_space<hbm>>
    %dma_start3A_179 = tpu.memref_slice %arg4[%add3A_49] : memref<8192xi32, #tpu.memory_space<hbm>> -> memref<64xi32, #tpu.memory_space<hbm>>
    tpu.enqueue_dma source(%dma_start3A_179 : memref<64xi32, #tpu.memory_space<hbm>>) target(%arg23 : memref<64xi32, #tpu.memory_space<vmem>>) target_semaphore(%arg40 : memref<!tpu.dma_semaphore, #tpu.memory_space<semaphore_mem>>)
    %dma_wait3A_180 = arith.constant 0 : i32
    %dma_wait3A_181 = tpu.memref_slice %arg4[%dma_wait3A_180] : memref<8192xi32, #tpu.memory_space<hbm>> -> memref<64xi32, #tpu.memory_space<hbm>>
    %dma_wait3A_182 = arith.constant 0 : i32
    %dma_wait3A_183 = tpu.memref_slice %arg4[%dma_wait3A_182] : memref<8192xi32, #tpu.memory_space<hbm>> -> memref<64xi32, #tpu.memory_space<hbm>>
    tpu.wait_dma2 semaphore(%arg39 : memref<!tpu.dma_semaphore, #tpu.memory_space<semaphore_mem>>) src(%dma_wait3A_183 : memref<64xi32, #tpu.memory_space<hbm>>) dst(%arg22 : memref<64xi32, #tpu.memory_space<vmem>>)
    %dma_start3A_184 = arith.constant 0 : i32
    %dma_start3A_185 = arith.constant 0 : i32
    %dma_start3A_186 = tpu.memref_slice %arg13[%dma_start3A_184, %dma_start3A_185] : memref<80x128xf32, #tpu.memory_space<vmem>> -> memref<64x128xf32, #tpu.memory_space<vmem>>
    %dma_start3A_187 = arith.constant 0 : i32
    %dma_start3A_188 = arith.constant 0 : i32
    %dma_start3A_189 = tpu.memref_slice %arg10[%dma_start3A_187, %dma_start3A_188] : memref<10240x128xf32, #tpu.memory_space<vmem_shared>> -> memref<10240x128xf32, #tpu.memory_space<vmem_shared>>
    tpu.enqueue_indirect_dma source(%dma_start3A_189 : memref<10240x128xf32, #tpu.memory_space<vmem_shared>>) target(%dma_start3A_186 : memref<64x128xf32, #tpu.memory_space<vmem>>) offsets(%arg22 : memref<64xi32, #tpu.memory_space<vmem>>) semaphore(%arg30 : memref<!tpu.dma_semaphore, #tpu.memory_space<semaphore_mem>>)
    %dma_start3A_190 = arith.constant 0 : i32
    %dma_start3A_191 = tpu.memref_slice %arg11[%dma_start3A_190] : memref<10240xf32, #tpu.memory_space<vmem_shared>> -> memref<10240xf32, #tpu.memory_space<vmem_shared>>
    tpu.enqueue_indirect_dma source(%dma_start3A_191 : memref<10240xf32, #tpu.memory_space<vmem_shared>>) target(%arg25 : memref<64xf32, #tpu.memory_space<vmem>>) offsets(%arg22 : memref<64xi32, #tpu.memory_space<vmem>>) semaphore(%arg45 : memref<!tpu.dma_semaphore, #tpu.memory_space<semaphore_mem>>)
    %dma_wait3A_192 = arith.constant 0 : i32
    %dma_wait3A_193 = arith.constant 0 : i32
    %dma_wait3A_194 = tpu.memref_slice %arg12[%dma_wait3A_192, %dma_wait3A_193] : memref<80x128xf32, #tpu.memory_space<vmem>> -> memref<64x128xf32, #tpu.memory_space<vmem>>
    %dma_wait3A_195 = arith.constant 0 : i32
    %dma_wait3A_196 = arith.constant 0 : i32
    %dma_wait3A_197 = tpu.memref_slice %arg2[%dma_wait3A_195, %dma_wait3A_196] : memref<10000x128xf32, #tpu.memory_space<hbm>> -> memref<10000x128xf32, #tpu.memory_space<hbm>>
    tpu.wait_indirect_dma semaphore(%arg29 : memref<!tpu.dma_semaphore, #tpu.memory_space<semaphore_mem>>) src(%dma_wait3A_197 : memref<10000x128xf32, #tpu.memory_space<hbm>>) dst(%dma_wait3A_194 : memref<64x128xf32, #tpu.memory_space<vmem>>)
    %eq3A_198 = arith.constant 0 : i32
    %eq3A_199 = arith.cmpi eq, %arg0, %eq3A_198 : i32
    %convert_element_type3A_200 = arith.extui %eq3A_199 : i1 to i32
    %cond3A_201 = arith.constant 0 : i32
    %cond3A_202 = arith.cmpi ne, %convert_element_type3A_200, %cond3A_201 : i32
    scf.if %cond3A_202 {
      %dma_start3A_708 = arith.constant 0 : i32
      %dma_start3A_709 = arith.constant 0 : i32
      %dma_start3A_710 = tpu.memref_slice %arg12[%dma_start3A_708, %dma_start3A_709] : memref<80x128xf32, #tpu.memory_space<vmem>> -> memref<64x128xf32, #tpu.memory_space<vmem>>
      %dma_start3A_711 = arith.constant 0 : i32
      %dma_start3A_712 = tpu.memref_slice %arg5[%add3A_45, %dma_start3A_711] : memref<8192x128xf32, #tpu.memory_space<hbm>> -> memref<64x128xf32, #tpu.memory_space<hbm>>
      %dma_start3A_713 = arith.constant 0 : i32
      %dma_start3A_714 = tpu.memref_slice %arg5[%add3A_45, %dma_start3A_713] : memref<8192x128xf32, #tpu.memory_space<hbm>> -> memref<64x128xf32, #tpu.memory_space<hbm>>
      %dma_start3A_715 = arith.constant 0 : i32
      %dma_start3A_716 = arith.constant 0 : i32
      %dma_start3A_717 = tpu.memref_slice %arg12[%dma_start3A_715, %dma_start3A_716] : memref<80x128xf32, #tpu.memory_space<vmem>> -> memref<64x128xf32, #tpu.memory_space<vmem>>
      tpu.enqueue_dma source(%dma_start3A_717 : memref<64x128xf32, #tpu.memory_space<vmem>>) target(%dma_start3A_714 : memref<64x128xf32, #tpu.memory_space<hbm>>) target_semaphore(%arg32 : memref<!tpu.dma_semaphore, #tpu.memory_space<semaphore_mem>>)
    } else {
    }
    %eq3A_203 = arith.constant 1 : i32
    %eq3A_204 = arith.cmpi eq, %arg0, %eq3A_203 : i32
    %convert_element_type3A_205 = arith.extui %eq3A_204 : i1 to i32
    %cond3A_206 = arith.constant 0 : i32
    %cond3A_207 = arith.cmpi ne, %convert_element_type3A_205, %cond3A_206 : i32
    scf.if %cond3A_207 {
      %dma_start3A_708 = arith.constant 0 : i32
      %dma_start3A_709 = arith.constant 0 : i32
      %dma_start3A_710 = tpu.memref_slice %arg12[%dma_start3A_708, %dma_start3A_709] : memref<80x128xf32, #tpu.memory_space<vmem>> -> memref<64x128xf32, #tpu.memory_space<vmem>>
      %dma_start3A_711 = arith.constant 0 : i32
      %dma_start3A_712 = tpu.memref_slice %arg5[%add3A_45, %dma_start3A_711] : memref<8192x128xf32, #tpu.memory_space<hbm>> -> memref<64x128xf32, #tpu.memory_space<hbm>>
      %dma_start3A_713 = arith.constant 0 : i32
      %dma_start3A_714 = tpu.memref_slice %arg5[%add3A_45, %dma_start3A_713] : memref<8192x128xf32, #tpu.memory_space<hbm>> -> memref<64x128xf32, #tpu.memory_space<hbm>>
      %dma_start3A_715 = arith.constant 0 : i32
      %dma_start3A_716 = arith.constant 0 : i32
      %dma_start3A_717 = tpu.memref_slice %arg12[%dma_start3A_715, %dma_start3A_716] : memref<80x128xf32, #tpu.memory_space<vmem>> -> memref<64x128xf32, #tpu.memory_space<vmem>>
      tpu.enqueue_dma source(%dma_start3A_717 : memref<64x128xf32, #tpu.memory_space<vmem>>) target(%dma_start3A_714 : memref<64x128xf32, #tpu.memory_space<hbm>>) target_semaphore(%arg32 : memref<!tpu.dma_semaphore, #tpu.memory_space<semaphore_mem>>)
    } else {
    }
    %eq3A_208 = arith.constant 0 : i32
    %eq3A_209 = arith.cmpi eq, %arg0, %eq3A_208 : i32
    %convert_element_type3A_210 = arith.extui %eq3A_209 : i1 to i32
    %cond3A_211 = arith.constant 0 : i32
    %cond3A_212 = arith.cmpi ne, %convert_element_type3A_210, %cond3A_211 : i32
    scf.if %cond3A_212 {
      %dma_wait3A_708 = arith.constant 0 : i32
      %dma_wait3A_709 = arith.constant 0 : i32
      %dma_wait3A_710 = tpu.memref_slice %arg14[%dma_wait3A_708, %dma_wait3A_709] : memref<80x128xf32, #tpu.memory_space<vmem>> -> memref<64x128xf32, #tpu.memory_space<vmem>>
      %dma_wait3A_711 = arith.constant 0 : i32
      %dma_wait3A_712 = tpu.memref_slice %arg5[%add3A_43, %dma_wait3A_711] : memref<8192x128xf32, #tpu.memory_space<hbm>> -> memref<64x128xf32, #tpu.memory_space<hbm>>
      %dma_wait3A_713 = arith.constant 0 : i32
      %dma_wait3A_714 = tpu.memref_slice %arg5[%add3A_43, %dma_wait3A_713] : memref<8192x128xf32, #tpu.memory_space<hbm>> -> memref<64x128xf32, #tpu.memory_space<hbm>>
      %dma_wait3A_715 = arith.constant 0 : i32
      %dma_wait3A_716 = arith.constant 0 : i32
      %dma_wait3A_717 = tpu.memref_slice %arg14[%dma_wait3A_715, %dma_wait3A_716] : memref<80x128xf32, #tpu.memory_space<vmem>> -> memref<64x128xf32, #tpu.memory_space<vmem>>
      tpu.wait_dma2 semaphore(%arg34 : memref<!tpu.dma_semaphore, #tpu.memory_space<semaphore_mem>>) src(%dma_wait3A_717 : memref<64x128xf32, #tpu.memory_space<vmem>>) dst(%dma_wait3A_714 : memref<64x128xf32, #tpu.memory_space<hbm>>)
    } else {
    }
    %eq3A_213 = arith.constant 1 : i32
    %eq3A_214 = arith.cmpi eq, %arg0, %eq3A_213 : i32
    %convert_element_type3A_215 = arith.extui %eq3A_214 : i1 to i32
    %cond3A_216 = arith.constant 0 : i32
    %cond3A_217 = arith.cmpi ne, %convert_element_type3A_215, %cond3A_216 : i32
    scf.if %cond3A_217 {
      %dma_wait3A_708 = arith.constant 0 : i32
      %dma_wait3A_709 = arith.constant 0 : i32
      %dma_wait3A_710 = tpu.memref_slice %arg14[%dma_wait3A_708, %dma_wait3A_709] : memref<80x128xf32, #tpu.memory_space<vmem>> -> memref<64x128xf32, #tpu.memory_space<vmem>>
      %dma_wait3A_711 = arith.constant 0 : i32
      %dma_wait3A_712 = tpu.memref_slice %arg5[%add3A_43, %dma_wait3A_711] : memref<8192x128xf32, #tpu.memory_space<hbm>> -> memref<64x128xf32, #tpu.memory_space<hbm>>
      %dma_wait3A_713 = arith.constant 0 : i32
      %dma_wait3A_714 = tpu.memref_slice %arg5[%add3A_43, %dma_wait3A_713] : memref<8192x128xf32, #tpu.memory_space<hbm>> -> memref<64x128xf32, #tpu.memory_space<hbm>>
      %dma_wait3A_715 = arith.constant 0 : i32
      %dma_wait3A_716 = arith.constant 0 : i32
      %dma_wait3A_717 = tpu.memref_slice %arg14[%dma_wait3A_715, %dma_wait3A_716] : memref<80x128xf32, #tpu.memory_space<vmem>> -> memref<64x128xf32, #tpu.memory_space<vmem>>
      tpu.wait_dma2 semaphore(%arg34 : memref<!tpu.dma_semaphore, #tpu.memory_space<semaphore_mem>>) src(%dma_wait3A_717 : memref<64x128xf32, #tpu.memory_space<vmem>>) dst(%dma_wait3A_714 : memref<64x128xf32, #tpu.memory_space<hbm>>)
    } else {
    }
    %dma_start3A_218 = tpu.memref_slice %arg4[%add3A_51] : memref<8192xi32, #tpu.memory_space<hbm>> -> memref<64xi32, #tpu.memory_space<hbm>>
    %dma_start3A_219 = tpu.memref_slice %arg4[%add3A_51] : memref<8192xi32, #tpu.memory_space<hbm>> -> memref<64xi32, #tpu.memory_space<hbm>>
    tpu.enqueue_dma source(%dma_start3A_219 : memref<64xi32, #tpu.memory_space<hbm>>) target(%arg21 : memref<64xi32, #tpu.memory_space<vmem>>) target_semaphore(%arg38 : memref<!tpu.dma_semaphore, #tpu.memory_space<semaphore_mem>>)
    %dma_wait3A_220 = arith.constant 0 : i32
    %dma_wait3A_221 = tpu.memref_slice %arg4[%dma_wait3A_220] : memref<8192xi32, #tpu.memory_space<hbm>> -> memref<64xi32, #tpu.memory_space<hbm>>
    %dma_wait3A_222 = arith.constant 0 : i32
    %dma_wait3A_223 = tpu.memref_slice %arg4[%dma_wait3A_222] : memref<8192xi32, #tpu.memory_space<hbm>> -> memref<64xi32, #tpu.memory_space<hbm>>
    tpu.wait_dma2 semaphore(%arg40 : memref<!tpu.dma_semaphore, #tpu.memory_space<semaphore_mem>>) src(%dma_wait3A_223 : memref<64xi32, #tpu.memory_space<hbm>>) dst(%arg23 : memref<64xi32, #tpu.memory_space<vmem>>)
    %dma_start3A_224 = arith.constant 0 : i32
    %dma_start3A_225 = arith.constant 0 : i32
    %dma_start3A_226 = tpu.memref_slice %arg14[%dma_start3A_224, %dma_start3A_225] : memref<80x128xf32, #tpu.memory_space<vmem>> -> memref<64x128xf32, #tpu.memory_space<vmem>>
    %dma_start3A_227 = arith.constant 0 : i32
    %dma_start3A_228 = arith.constant 0 : i32
    %dma_start3A_229 = tpu.memref_slice %arg10[%dma_start3A_227, %dma_start3A_228] : memref<10240x128xf32, #tpu.memory_space<vmem_shared>> -> memref<10240x128xf32, #tpu.memory_space<vmem_shared>>
    tpu.enqueue_indirect_dma source(%dma_start3A_229 : memref<10240x128xf32, #tpu.memory_space<vmem_shared>>) target(%dma_start3A_226 : memref<64x128xf32, #tpu.memory_space<vmem>>) offsets(%arg23 : memref<64xi32, #tpu.memory_space<vmem>>) semaphore(%arg31 : memref<!tpu.dma_semaphore, #tpu.memory_space<semaphore_mem>>)
    %dma_start3A_230 = arith.constant 0 : i32
    %dma_start3A_231 = tpu.memref_slice %arg11[%dma_start3A_230] : memref<10240xf32, #tpu.memory_space<vmem_shared>> -> memref<10240xf32, #tpu.memory_space<vmem_shared>>
    tpu.enqueue_indirect_dma source(%dma_start3A_231 : memref<10240xf32, #tpu.memory_space<vmem_shared>>) target(%arg26 : memref<64xf32, #tpu.memory_space<vmem>>) offsets(%arg23 : memref<64xi32, #tpu.memory_space<vmem>>) semaphore(%arg46 : memref<!tpu.dma_semaphore, #tpu.memory_space<semaphore_mem>>)
    %dma_wait3A_232 = arith.constant 0 : i32
    %dma_wait3A_233 = arith.constant 0 : i32
    %dma_wait3A_234 = tpu.memref_slice %arg13[%dma_wait3A_232, %dma_wait3A_233] : memref<80x128xf32, #tpu.memory_space<vmem>> -> memref<64x128xf32, #tpu.memory_space<vmem>>
    %dma_wait3A_235 = arith.constant 0 : i32
    %dma_wait3A_236 = arith.constant 0 : i32
    %dma_wait3A_237 = tpu.memref_slice %arg10[%dma_wait3A_235, %dma_wait3A_236] : memref<10240x128xf32, #tpu.memory_space<vmem_shared>> -> memref<10240x128xf32, #tpu.memory_space<vmem_shared>>
    tpu.wait_indirect_dma semaphore(%arg30 : memref<!tpu.dma_semaphore, #tpu.memory_space<semaphore_mem>>) src(%dma_wait3A_237 : memref<10240x128xf32, #tpu.memory_space<vmem_shared>>) dst(%dma_wait3A_234 : memref<64x128xf32, #tpu.memory_space<vmem>>)
    %dma_wait3A_238 = arith.constant 0 : i32
    %dma_wait3A_239 = tpu.memref_slice %arg11[%dma_wait3A_238] : memref<10240xf32, #tpu.memory_space<vmem_shared>> -> memref<10240xf32, #tpu.memory_space<vmem_shared>>
    tpu.wait_indirect_dma semaphore(%arg45 : memref<!tpu.dma_semaphore, #tpu.memory_space<semaphore_mem>>) src(%dma_wait3A_239 : memref<10240xf32, #tpu.memory_space<vmem_shared>>) dst(%arg25 : memref<64xf32, #tpu.memory_space<vmem>>)
    %eq3A_240 = arith.constant 0 : i32
    %eq3A_241 = arith.cmpi eq, %arg0, %eq3A_240 : i32
    %convert_element_type3A_242 = arith.extui %eq3A_241 : i1 to i32
    %cond3A_243 = arith.constant 0 : i32
    %cond3A_244 = arith.cmpi ne, %convert_element_type3A_242, %cond3A_243 : i32
    scf.if %cond3A_244 {
      %dma_start3A_708 = arith.constant 0 : i32
      %dma_start3A_709 = arith.constant 0 : i32
      %dma_start3A_710 = tpu.memref_slice %arg13[%dma_start3A_708, %dma_start3A_709] : memref<80x128xf32, #tpu.memory_space<vmem>> -> memref<64x128xf32, #tpu.memory_space<vmem>>
      %dma_start3A_711 = arith.constant 0 : i32
      %dma_start3A_712 = tpu.memref_slice %arg6[%add3A_47, %dma_start3A_711] : memref<8192x128xf32, #tpu.memory_space<hbm>> -> memref<64x128xf32, #tpu.memory_space<hbm>>
      %dma_start3A_713 = arith.constant 0 : i32
      %dma_start3A_714 = tpu.memref_slice %arg6[%add3A_47, %dma_start3A_713] : memref<8192x128xf32, #tpu.memory_space<hbm>> -> memref<64x128xf32, #tpu.memory_space<hbm>>
      %dma_start3A_715 = arith.constant 0 : i32
      %dma_start3A_716 = arith.constant 0 : i32
      %dma_start3A_717 = tpu.memref_slice %arg13[%dma_start3A_715, %dma_start3A_716] : memref<80x128xf32, #tpu.memory_space<vmem>> -> memref<64x128xf32, #tpu.memory_space<vmem>>
      tpu.enqueue_dma source(%dma_start3A_717 : memref<64x128xf32, #tpu.memory_space<vmem>>) target(%dma_start3A_714 : memref<64x128xf32, #tpu.memory_space<hbm>>) target_semaphore(%arg33 : memref<!tpu.dma_semaphore, #tpu.memory_space<semaphore_mem>>)
    } else {
    }
    %eq3A_245 = arith.constant 1 : i32
    %eq3A_246 = arith.cmpi eq, %arg0, %eq3A_245 : i32
    %convert_element_type3A_247 = arith.extui %eq3A_246 : i1 to i32
    %cond3A_248 = arith.constant 0 : i32
    %cond3A_249 = arith.cmpi ne, %convert_element_type3A_247, %cond3A_248 : i32
    scf.if %cond3A_249 {
      %dma_start3A_708 = arith.constant 0 : i32
      %dma_start3A_709 = arith.constant 0 : i32
      %dma_start3A_710 = tpu.memref_slice %arg13[%dma_start3A_708, %dma_start3A_709] : memref<80x128xf32, #tpu.memory_space<vmem>> -> memref<64x128xf32, #tpu.memory_space<vmem>>
      %dma_start3A_711 = arith.constant 0 : i32
      %dma_start3A_712 = tpu.memref_slice %arg7[%add3A_47, %dma_start3A_711] : memref<8192x128xf32, #tpu.memory_space<hbm>> -> memref<64x128xf32, #tpu.memory_space<hbm>>
      %dma_start3A_713 = arith.constant 0 : i32
      %dma_start3A_714 = tpu.memref_slice %arg7[%add3A_47, %dma_start3A_713] : memref<8192x128xf32, #tpu.memory_space<hbm>> -> memref<64x128xf32, #tpu.memory_space<hbm>>
      %dma_start3A_715 = arith.constant 0 : i32
      %dma_start3A_716 = arith.constant 0 : i32
      %dma_start3A_717 = tpu.memref_slice %arg13[%dma_start3A_715, %dma_start3A_716] : memref<80x128xf32, #tpu.memory_space<vmem>> -> memref<64x128xf32, #tpu.memory_space<vmem>>
      tpu.enqueue_dma source(%dma_start3A_717 : memref<64x128xf32, #tpu.memory_space<vmem>>) target(%dma_start3A_714 : memref<64x128xf32, #tpu.memory_space<hbm>>) target_semaphore(%arg33 : memref<!tpu.dma_semaphore, #tpu.memory_space<semaphore_mem>>)
    } else {
    }
    %eq3A_250 = arith.constant 0 : i32
    %eq3A_251 = arith.cmpi eq, %arg0, %eq3A_250 : i32
    %convert_element_type3A_252 = arith.extui %eq3A_251 : i1 to i32
    %cond3A_253 = arith.constant 0 : i32
    %cond3A_254 = arith.cmpi ne, %convert_element_type3A_252, %cond3A_253 : i32
    scf.if %cond3A_254 {
      %dma_start3A_708 = tpu.memref_slice %arg8[%add3A_47] : memref<8192xf32, #tpu.memory_space<hbm>> -> memref<64xf32, #tpu.memory_space<hbm>>
      %dma_start3A_709 = tpu.memref_slice %arg8[%add3A_47] : memref<8192xf32, #tpu.memory_space<hbm>> -> memref<64xf32, #tpu.memory_space<hbm>>
      tpu.enqueue_dma source(%arg25 : memref<64xf32, #tpu.memory_space<vmem>>) target(%dma_start3A_709 : memref<64xf32, #tpu.memory_space<hbm>>) target_semaphore(%arg36 : memref<!tpu.dma_semaphore, #tpu.memory_space<semaphore_mem>>)
    } else {
    }
    %eq3A_255 = arith.constant 1 : i32
    %eq3A_256 = arith.cmpi eq, %arg0, %eq3A_255 : i32
    %convert_element_type3A_257 = arith.extui %eq3A_256 : i1 to i32
    %cond3A_258 = arith.constant 0 : i32
    %cond3A_259 = arith.cmpi ne, %convert_element_type3A_257, %cond3A_258 : i32
    scf.if %cond3A_259 {
      %dma_start3A_708 = tpu.memref_slice %arg9[%add3A_47] : memref<8192xf32, #tpu.memory_space<hbm>> -> memref<64xf32, #tpu.memory_space<hbm>>
      %dma_start3A_709 = tpu.memref_slice %arg9[%add3A_47] : memref<8192xf32, #tpu.memory_space<hbm>> -> memref<64xf32, #tpu.memory_space<hbm>>
      tpu.enqueue_dma source(%arg25 : memref<64xf32, #tpu.memory_space<vmem>>) target(%dma_start3A_709 : memref<64xf32, #tpu.memory_space<hbm>>) target_semaphore(%arg36 : memref<!tpu.dma_semaphore, #tpu.memory_space<semaphore_mem>>)
    } else {
    }
    %eq3A_260 = arith.constant 0 : i32
    %eq3A_261 = arith.cmpi eq, %arg0, %eq3A_260 : i32
    %convert_element_type3A_262 = arith.extui %eq3A_261 : i1 to i32
    %cond3A_263 = arith.constant 0 : i32
    %cond3A_264 = arith.cmpi ne, %convert_element_type3A_262, %cond3A_263 : i32
    scf.if %cond3A_264 {
      %dma_wait3A_708 = arith.constant 0 : i32
      %dma_wait3A_709 = arith.constant 0 : i32
      %dma_wait3A_710 = tpu.memref_slice %arg12[%dma_wait3A_708, %dma_wait3A_709] : memref<80x128xf32, #tpu.memory_space<vmem>> -> memref<64x128xf32, #tpu.memory_space<vmem>>
      %dma_wait3A_711 = arith.constant 0 : i32
      %dma_wait3A_712 = tpu.memref_slice %arg5[%add3A_45, %dma_wait3A_711] : memref<8192x128xf32, #tpu.memory_space<hbm>> -> memref<64x128xf32, #tpu.memory_space<hbm>>
      %dma_wait3A_713 = arith.constant 0 : i32
      %dma_wait3A_714 = tpu.memref_slice %arg5[%add3A_45, %dma_wait3A_713] : memref<8192x128xf32, #tpu.memory_space<hbm>> -> memref<64x128xf32, #tpu.memory_space<hbm>>
      %dma_wait3A_715 = arith.constant 0 : i32
      %dma_wait3A_716 = arith.constant 0 : i32
      %dma_wait3A_717 = tpu.memref_slice %arg12[%dma_wait3A_715, %dma_wait3A_716] : memref<80x128xf32, #tpu.memory_space<vmem>> -> memref<64x128xf32, #tpu.memory_space<vmem>>
      tpu.wait_dma2 semaphore(%arg32 : memref<!tpu.dma_semaphore, #tpu.memory_space<semaphore_mem>>) src(%dma_wait3A_717 : memref<64x128xf32, #tpu.memory_space<vmem>>) dst(%dma_wait3A_714 : memref<64x128xf32, #tpu.memory_space<hbm>>)
    } else {
    }
    %eq3A_265 = arith.constant 1 : i32
    %eq3A_266 = arith.cmpi eq, %arg0, %eq3A_265 : i32
    %convert_element_type3A_267 = arith.extui %eq3A_266 : i1 to i32
    %cond3A_268 = arith.constant 0 : i32
    %cond3A_269 = arith.cmpi ne, %convert_element_type3A_267, %cond3A_268 : i32
    scf.if %cond3A_269 {
      %dma_wait3A_708 = arith.constant 0 : i32
      %dma_wait3A_709 = arith.constant 0 : i32
      %dma_wait3A_710 = tpu.memref_slice %arg12[%dma_wait3A_708, %dma_wait3A_709] : memref<80x128xf32, #tpu.memory_space<vmem>> -> memref<64x128xf32, #tpu.memory_space<vmem>>
      %dma_wait3A_711 = arith.constant 0 : i32
      %dma_wait3A_712 = tpu.memref_slice %arg5[%add3A_45, %dma_wait3A_711] : memref<8192x128xf32, #tpu.memory_space<hbm>> -> memref<64x128xf32, #tpu.memory_space<hbm>>
      %dma_wait3A_713 = arith.constant 0 : i32
      %dma_wait3A_714 = tpu.memref_slice %arg5[%add3A_45, %dma_wait3A_713] : memref<8192x128xf32, #tpu.memory_space<hbm>> -> memref<64x128xf32, #tpu.memory_space<hbm>>
      %dma_wait3A_715 = arith.constant 0 : i32
      %dma_wait3A_716 = arith.constant 0 : i32
      %dma_wait3A_717 = tpu.memref_slice %arg12[%dma_wait3A_715, %dma_wait3A_716] : memref<80x128xf32, #tpu.memory_space<vmem>> -> memref<64x128xf32, #tpu.memory_space<vmem>>
      tpu.wait_dma2 semaphore(%arg32 : memref<!tpu.dma_semaphore, #tpu.memory_space<semaphore_mem>>) src(%dma_wait3A_717 : memref<64x128xf32, #tpu.memory_space<vmem>>) dst(%dma_wait3A_714 : memref<64x128xf32, #tpu.memory_space<hbm>>)
    } else {
    }
    %dma_start3A_270 = tpu.memref_slice %arg4[%add3A_53] : memref<8192xi32, #tpu.memory_space<hbm>> -> memref<64xi32, #tpu.memory_space<hbm>>
    %dma_start3A_271 = tpu.memref_slice %arg4[%add3A_53] : memref<8192xi32, #tpu.memory_space<hbm>> -> memref<64xi32, #tpu.memory_space<hbm>>
    tpu.enqueue_dma source(%dma_start3A_271 : memref<64xi32, #tpu.memory_space<hbm>>) target(%arg22 : memref<64xi32, #tpu.memory_space<vmem>>) target_semaphore(%arg39 : memref<!tpu.dma_semaphore, #tpu.memory_space<semaphore_mem>>)
    %dma_wait3A_272 = arith.constant 0 : i32
    %dma_wait3A_273 = tpu.memref_slice %arg4[%dma_wait3A_272] : memref<8192xi32, #tpu.memory_space<hbm>> -> memref<64xi32, #tpu.memory_space<hbm>>
    %dma_wait3A_274 = arith.constant 0 : i32
    %dma_wait3A_275 = tpu.memref_slice %arg4[%dma_wait3A_274] : memref<8192xi32, #tpu.memory_space<hbm>> -> memref<64xi32, #tpu.memory_space<hbm>>
    tpu.wait_dma2 semaphore(%arg38 : memref<!tpu.dma_semaphore, #tpu.memory_space<semaphore_mem>>) src(%dma_wait3A_275 : memref<64xi32, #tpu.memory_space<hbm>>) dst(%arg21 : memref<64xi32, #tpu.memory_space<vmem>>)
    %dma_start3A_276 = arith.constant 0 : i32
    %dma_start3A_277 = arith.constant 0 : i32
    %dma_start3A_278 = tpu.memref_slice %arg12[%dma_start3A_276, %dma_start3A_277] : memref<80x128xf32, #tpu.memory_space<vmem>> -> memref<64x128xf32, #tpu.memory_space<vmem>>
    %dma_start3A_279 = arith.constant 0 : i32
    %dma_start3A_280 = arith.constant 0 : i32
    %dma_start3A_281 = tpu.memref_slice %arg10[%dma_start3A_279, %dma_start3A_280] : memref<10240x128xf32, #tpu.memory_space<vmem_shared>> -> memref<10240x128xf32, #tpu.memory_space<vmem_shared>>
    tpu.enqueue_indirect_dma source(%dma_start3A_281 : memref<10240x128xf32, #tpu.memory_space<vmem_shared>>) target(%dma_start3A_278 : memref<64x128xf32, #tpu.memory_space<vmem>>) offsets(%arg21 : memref<64xi32, #tpu.memory_space<vmem>>) semaphore(%arg29 : memref<!tpu.dma_semaphore, #tpu.memory_space<semaphore_mem>>)
    %dma_start3A_282 = arith.constant 0 : i32
    %dma_start3A_283 = tpu.memref_slice %arg11[%dma_start3A_282] : memref<10240xf32, #tpu.memory_space<vmem_shared>> -> memref<10240xf32, #tpu.memory_space<vmem_shared>>
    tpu.enqueue_indirect_dma source(%dma_start3A_283 : memref<10240xf32, #tpu.memory_space<vmem_shared>>) target(%arg24 : memref<64xf32, #tpu.memory_space<vmem>>) offsets(%arg21 : memref<64xi32, #tpu.memory_space<vmem>>) semaphore(%arg44 : memref<!tpu.dma_semaphore, #tpu.memory_space<semaphore_mem>>)
    %dma_wait3A_284 = arith.constant 0 : i32
    %dma_wait3A_285 = arith.constant 0 : i32
    %dma_wait3A_286 = tpu.memref_slice %arg14[%dma_wait3A_284, %dma_wait3A_285] : memref<80x128xf32, #tpu.memory_space<vmem>> -> memref<64x128xf32, #tpu.memory_space<vmem>>
    %dma_wait3A_287 = arith.constant 0 : i32
    %dma_wait3A_288 = arith.constant 0 : i32
    %dma_wait3A_289 = tpu.memref_slice %arg10[%dma_wait3A_287, %dma_wait3A_288] : memref<10240x128xf32, #tpu.memory_space<vmem_shared>> -> memref<10240x128xf32, #tpu.memory_space<vmem_shared>>
    tpu.wait_indirect_dma semaphore(%arg31 : memref<!tpu.dma_semaphore, #tpu.memory_space<semaphore_mem>>) src(%dma_wait3A_289 : memref<10240x128xf32, #tpu.memory_space<vmem_shared>>) dst(%dma_wait3A_286 : memref<64x128xf32, #tpu.memory_space<vmem>>)
    %dma_wait3A_290 = arith.constant 0 : i32
    %dma_wait3A_291 = tpu.memref_slice %arg11[%dma_wait3A_290] : memref<10240xf32, #tpu.memory_space<vmem_shared>> -> memref<10240xf32, #tpu.memory_space<vmem_shared>>
    tpu.wait_indirect_dma semaphore(%arg46 : memref<!tpu.dma_semaphore, #tpu.memory_space<semaphore_mem>>) src(%dma_wait3A_291 : memref<10240xf32, #tpu.memory_space<vmem_shared>>) dst(%arg26 : memref<64xf32, #tpu.memory_space<vmem>>)
    %eq3A_292 = arith.constant 0 : i32
    %eq3A_293 = arith.cmpi eq, %arg0, %eq3A_292 : i32
    %convert_element_type3A_294 = arith.extui %eq3A_293 : i1 to i32
    %cond3A_295 = arith.constant 0 : i32
    %cond3A_296 = arith.cmpi ne, %convert_element_type3A_294, %cond3A_295 : i32
    scf.if %cond3A_296 {
      %dma_start3A_708 = arith.constant 0 : i32
      %dma_start3A_709 = arith.constant 0 : i32
      %dma_start3A_710 = tpu.memref_slice %arg14[%dma_start3A_708, %dma_start3A_709] : memref<80x128xf32, #tpu.memory_space<vmem>> -> memref<64x128xf32, #tpu.memory_space<vmem>>
      %dma_start3A_711 = arith.constant 0 : i32
      %dma_start3A_712 = tpu.memref_slice %arg6[%add3A_49, %dma_start3A_711] : memref<8192x128xf32, #tpu.memory_space<hbm>> -> memref<64x128xf32, #tpu.memory_space<hbm>>
      %dma_start3A_713 = arith.constant 0 : i32
      %dma_start3A_714 = tpu.memref_slice %arg6[%add3A_49, %dma_start3A_713] : memref<8192x128xf32, #tpu.memory_space<hbm>> -> memref<64x128xf32, #tpu.memory_space<hbm>>
      %dma_start3A_715 = arith.constant 0 : i32
      %dma_start3A_716 = arith.constant 0 : i32
      %dma_start3A_717 = tpu.memref_slice %arg14[%dma_start3A_715, %dma_start3A_716] : memref<80x128xf32, #tpu.memory_space<vmem>> -> memref<64x128xf32, #tpu.memory_space<vmem>>
      tpu.enqueue_dma source(%dma_start3A_717 : memref<64x128xf32, #tpu.memory_space<vmem>>) target(%dma_start3A_714 : memref<64x128xf32, #tpu.memory_space<hbm>>) target_semaphore(%arg34 : memref<!tpu.dma_semaphore, #tpu.memory_space<semaphore_mem>>)
    } else {
    }
    %eq3A_297 = arith.constant 1 : i32
    %eq3A_298 = arith.cmpi eq, %arg0, %eq3A_297 : i32
    %convert_element_type3A_299 = arith.extui %eq3A_298 : i1 to i32
    %cond3A_300 = arith.constant 0 : i32
    %cond3A_301 = arith.cmpi ne, %convert_element_type3A_299, %cond3A_300 : i32
    scf.if %cond3A_301 {
      %dma_start3A_708 = arith.constant 0 : i32
      %dma_start3A_709 = arith.constant 0 : i32
      %dma_start3A_710 = tpu.memref_slice %arg14[%dma_start3A_708, %dma_start3A_709] : memref<80x128xf32, #tpu.memory_space<vmem>> -> memref<64x128xf32, #tpu.memory_space<vmem>>
      %dma_start3A_711 = arith.constant 0 : i32
      %dma_start3A_712 = tpu.memref_slice %arg7[%add3A_49, %dma_start3A_711] : memref<8192x128xf32, #tpu.memory_space<hbm>> -> memref<64x128xf32, #tpu.memory_space<hbm>>
      %dma_start3A_713 = arith.constant 0 : i32
      %dma_start3A_714 = tpu.memref_slice %arg7[%add3A_49, %dma_start3A_713] : memref<8192x128xf32, #tpu.memory_space<hbm>> -> memref<64x128xf32, #tpu.memory_space<hbm>>
      %dma_start3A_715 = arith.constant 0 : i32
      %dma_start3A_716 = arith.constant 0 : i32
      %dma_start3A_717 = tpu.memref_slice %arg14[%dma_start3A_715, %dma_start3A_716] : memref<80x128xf32, #tpu.memory_space<vmem>> -> memref<64x128xf32, #tpu.memory_space<vmem>>
      tpu.enqueue_dma source(%dma_start3A_717 : memref<64x128xf32, #tpu.memory_space<vmem>>) target(%dma_start3A_714 : memref<64x128xf32, #tpu.memory_space<hbm>>) target_semaphore(%arg34 : memref<!tpu.dma_semaphore, #tpu.memory_space<semaphore_mem>>)
    } else {
    }
    %eq3A_302 = arith.constant 0 : i32
    %eq3A_303 = arith.cmpi eq, %arg0, %eq3A_302 : i32
    %convert_element_type3A_304 = arith.extui %eq3A_303 : i1 to i32
    %cond3A_305 = arith.constant 0 : i32
    %cond3A_306 = arith.cmpi ne, %convert_element_type3A_304, %cond3A_305 : i32
    scf.if %cond3A_306 {
      %dma_start3A_708 = tpu.memref_slice %arg8[%add3A_49] : memref<8192xf32, #tpu.memory_space<hbm>> -> memref<64xf32, #tpu.memory_space<hbm>>
      %dma_start3A_709 = tpu.memref_slice %arg8[%add3A_49] : memref<8192xf32, #tpu.memory_space<hbm>> -> memref<64xf32, #tpu.memory_space<hbm>>
      tpu.enqueue_dma source(%arg26 : memref<64xf32, #tpu.memory_space<vmem>>) target(%dma_start3A_709 : memref<64xf32, #tpu.memory_space<hbm>>) target_semaphore(%arg37 : memref<!tpu.dma_semaphore, #tpu.memory_space<semaphore_mem>>)
    } else {
    }
    %eq3A_307 = arith.constant 1 : i32
    %eq3A_308 = arith.cmpi eq, %arg0, %eq3A_307 : i32
    %convert_element_type3A_309 = arith.extui %eq3A_308 : i1 to i32
    %cond3A_310 = arith.constant 0 : i32
    %cond3A_311 = arith.cmpi ne, %convert_element_type3A_309, %cond3A_310 : i32
    scf.if %cond3A_311 {
      %dma_start3A_708 = tpu.memref_slice %arg9[%add3A_49] : memref<8192xf32, #tpu.memory_space<hbm>> -> memref<64xf32, #tpu.memory_space<hbm>>
      %dma_start3A_709 = tpu.memref_slice %arg9[%add3A_49] : memref<8192xf32, #tpu.memory_space<hbm>> -> memref<64xf32, #tpu.memory_space<hbm>>
      tpu.enqueue_dma source(%arg26 : memref<64xf32, #tpu.memory_space<vmem>>) target(%dma_start3A_709 : memref<64xf32, #tpu.memory_space<hbm>>) target_semaphore(%arg37 : memref<!tpu.dma_semaphore, #tpu.memory_space<semaphore_mem>>)
    } else {
    }
    %eq3A_312 = arith.constant 0 : i32
    %eq3A_313 = arith.cmpi eq, %arg0, %eq3A_312 : i32
    %convert_element_type3A_314 = arith.extui %eq3A_313 : i1 to i32
    %cond3A_315 = arith.constant 0 : i32
    %cond3A_316 = arith.cmpi ne, %convert_element_type3A_314, %cond3A_315 : i32
    scf.if %cond3A_316 {
      %dma_wait3A_708 = arith.constant 0 : i32
      %dma_wait3A_709 = arith.constant 0 : i32
      %dma_wait3A_710 = tpu.memref_slice %arg13[%dma_wait3A_708, %dma_wait3A_709] : memref<80x128xf32, #tpu.memory_space<vmem>> -> memref<64x128xf32, #tpu.memory_space<vmem>>
      %dma_wait3A_711 = arith.constant 0 : i32
      %dma_wait3A_712 = tpu.memref_slice %arg6[%add3A_47, %dma_wait3A_711] : memref<8192x128xf32, #tpu.memory_space<hbm>> -> memref<64x128xf32, #tpu.memory_space<hbm>>
      %dma_wait3A_713 = arith.constant 0 : i32
      %dma_wait3A_714 = tpu.memref_slice %arg6[%add3A_47, %dma_wait3A_713] : memref<8192x128xf32, #tpu.memory_space<hbm>> -> memref<64x128xf32, #tpu.memory_space<hbm>>
      %dma_wait3A_715 = arith.constant 0 : i32
      %dma_wait3A_716 = arith.constant 0 : i32
      %dma_wait3A_717 = tpu.memref_slice %arg13[%dma_wait3A_715, %dma_wait3A_716] : memref<80x128xf32, #tpu.memory_space<vmem>> -> memref<64x128xf32, #tpu.memory_space<vmem>>
      tpu.wait_dma2 semaphore(%arg33 : memref<!tpu.dma_semaphore, #tpu.memory_space<semaphore_mem>>) src(%dma_wait3A_717 : memref<64x128xf32, #tpu.memory_space<vmem>>) dst(%dma_wait3A_714 : memref<64x128xf32, #tpu.memory_space<hbm>>)
    } else {
    }
    %eq3A_317 = arith.constant 1 : i32
    %eq3A_318 = arith.cmpi eq, %arg0, %eq3A_317 : i32
    %convert_element_type3A_319 = arith.extui %eq3A_318 : i1 to i32
    %cond3A_320 = arith.constant 0 : i32
    %cond3A_321 = arith.cmpi ne, %convert_element_type3A_319, %cond3A_320 : i32
    scf.if %cond3A_321 {
      %dma_wait3A_708 = arith.constant 0 : i32
      %dma_wait3A_709 = arith.constant 0 : i32
      %dma_wait3A_710 = tpu.memref_slice %arg13[%dma_wait3A_708, %dma_wait3A_709] : memref<80x128xf32, #tpu.memory_space<vmem>> -> memref<64x128xf32, #tpu.memory_space<vmem>>
      %dma_wait3A_711 = arith.constant 0 : i32
      %dma_wait3A_712 = tpu.memref_slice %arg7[%add3A_47, %dma_wait3A_711] : memref<8192x128xf32, #tpu.memory_space<hbm>> -> memref<64x128xf32, #tpu.memory_space<hbm>>
      %dma_wait3A_713 = arith.constant 0 : i32
      %dma_wait3A_714 = tpu.memref_slice %arg7[%add3A_47, %dma_wait3A_713] : memref<8192x128xf32, #tpu.memory_space<hbm>> -> memref<64x128xf32, #tpu.memory_space<hbm>>
      %dma_wait3A_715 = arith.constant 0 : i32
      %dma_wait3A_716 = arith.constant 0 : i32
      %dma_wait3A_717 = tpu.memref_slice %arg13[%dma_wait3A_715, %dma_wait3A_716] : memref<80x128xf32, #tpu.memory_space<vmem>> -> memref<64x128xf32, #tpu.memory_space<vmem>>
      tpu.wait_dma2 semaphore(%arg33 : memref<!tpu.dma_semaphore, #tpu.memory_space<semaphore_mem>>) src(%dma_wait3A_717 : memref<64x128xf32, #tpu.memory_space<vmem>>) dst(%dma_wait3A_714 : memref<64x128xf32, #tpu.memory_space<hbm>>)
    } else {
    }
    %eq3A_322 = arith.constant 0 : i32
    %eq3A_323 = arith.cmpi eq, %arg0, %eq3A_322 : i32
    %convert_element_type3A_324 = arith.extui %eq3A_323 : i1 to i32
    %cond3A_325 = arith.constant 0 : i32
    %cond3A_326 = arith.cmpi ne, %convert_element_type3A_324, %cond3A_325 : i32
    scf.if %cond3A_326 {
      %dma_wait3A_708 = tpu.memref_slice %arg8[%add3A_47] : memref<8192xf32, #tpu.memory_space<hbm>> -> memref<64xf32, #tpu.memory_space<hbm>>
      %dma_wait3A_709 = tpu.memref_slice %arg8[%add3A_47] : memref<8192xf32, #tpu.memory_space<hbm>> -> memref<64xf32, #tpu.memory_space<hbm>>
      tpu.wait_dma2 semaphore(%arg36 : memref<!tpu.dma_semaphore, #tpu.memory_space<semaphore_mem>>) src(%arg25 : memref<64xf32, #tpu.memory_space<vmem>>) dst(%dma_wait3A_709 : memref<64xf32, #tpu.memory_space<hbm>>)
    } else {
    }
    %eq3A_327 = arith.constant 1 : i32
    %eq3A_328 = arith.cmpi eq, %arg0, %eq3A_327 : i32
    %convert_element_type3A_329 = arith.extui %eq3A_328 : i1 to i32
    %cond3A_330 = arith.constant 0 : i32
    %cond3A_331 = arith.cmpi ne, %convert_element_type3A_329, %cond3A_330 : i32
    scf.if %cond3A_331 {
      %dma_wait3A_708 = tpu.memref_slice %arg9[%add3A_47] : memref<8192xf32, #tpu.memory_space<hbm>> -> memref<64xf32, #tpu.memory_space<hbm>>
      %dma_wait3A_709 = tpu.memref_slice %arg9[%add3A_47] : memref<8192xf32, #tpu.memory_space<hbm>> -> memref<64xf32, #tpu.memory_space<hbm>>
      tpu.wait_dma2 semaphore(%arg36 : memref<!tpu.dma_semaphore, #tpu.memory_space<semaphore_mem>>) src(%arg25 : memref<64xf32, #tpu.memory_space<vmem>>) dst(%dma_wait3A_709 : memref<64xf32, #tpu.memory_space<hbm>>)
    } else {
    }
    %dma_start3A_332 = tpu.memref_slice %arg4[%add3A_55] : memref<8192xi32, #tpu.memory_space<hbm>> -> memref<64xi32, #tpu.memory_space<hbm>>
    %dma_start3A_333 = tpu.memref_slice %arg4[%add3A_55] : memref<8192xi32, #tpu.memory_space<hbm>> -> memref<64xi32, #tpu.memory_space<hbm>>
    tpu.enqueue_dma source(%dma_start3A_333 : memref<64xi32, #tpu.memory_space<hbm>>) target(%arg23 : memref<64xi32, #tpu.memory_space<vmem>>) target_semaphore(%arg40 : memref<!tpu.dma_semaphore, #tpu.memory_space<semaphore_mem>>)
    %dma_wait3A_334 = arith.constant 0 : i32
    %dma_wait3A_335 = tpu.memref_slice %arg4[%dma_wait3A_334] : memref<8192xi32, #tpu.memory_space<hbm>> -> memref<64xi32, #tpu.memory_space<hbm>>
    %dma_wait3A_336 = arith.constant 0 : i32
    %dma_wait3A_337 = tpu.memref_slice %arg4[%dma_wait3A_336] : memref<8192xi32, #tpu.memory_space<hbm>> -> memref<64xi32, #tpu.memory_space<hbm>>
    tpu.wait_dma2 semaphore(%arg39 : memref<!tpu.dma_semaphore, #tpu.memory_space<semaphore_mem>>) src(%dma_wait3A_337 : memref<64xi32, #tpu.memory_space<hbm>>) dst(%arg22 : memref<64xi32, #tpu.memory_space<vmem>>)
    %dma_start3A_338 = arith.constant 0 : i32
    %dma_start3A_339 = arith.constant 0 : i32
    %dma_start3A_340 = tpu.memref_slice %arg13[%dma_start3A_338, %dma_start3A_339] : memref<80x128xf32, #tpu.memory_space<vmem>> -> memref<64x128xf32, #tpu.memory_space<vmem>>
    %dma_start3A_341 = arith.constant 0 : i32
    %dma_start3A_342 = arith.constant 0 : i32
    %dma_start3A_343 = tpu.memref_slice %arg10[%dma_start3A_341, %dma_start3A_342] : memref<10240x128xf32, #tpu.memory_space<vmem_shared>> -> memref<10240x128xf32, #tpu.memory_space<vmem_shared>>
    tpu.enqueue_indirect_dma source(%dma_start3A_343 : memref<10240x128xf32, #tpu.memory_space<vmem_shared>>) target(%dma_start3A_340 : memref<64x128xf32, #tpu.memory_space<vmem>>) offsets(%arg22 : memref<64xi32, #tpu.memory_space<vmem>>) semaphore(%arg30 : memref<!tpu.dma_semaphore, #tpu.memory_space<semaphore_mem>>)
    %dma_start3A_344 = arith.constant 0 : i32
    %dma_start3A_345 = tpu.memref_slice %arg11[%dma_start3A_344] : memref<10240xf32, #tpu.memory_space<vmem_shared>> -> memref<10240xf32, #tpu.memory_space<vmem_shared>>
    tpu.enqueue_indirect_dma source(%dma_start3A_345 : memref<10240xf32, #tpu.memory_space<vmem_shared>>) target(%arg25 : memref<64xf32, #tpu.memory_space<vmem>>) offsets(%arg22 : memref<64xi32, #tpu.memory_space<vmem>>) semaphore(%arg45 : memref<!tpu.dma_semaphore, #tpu.memory_space<semaphore_mem>>)
    %dma_wait3A_346 = arith.constant 0 : i32
    %dma_wait3A_347 = arith.constant 0 : i32
    %dma_wait3A_348 = tpu.memref_slice %arg12[%dma_wait3A_346, %dma_wait3A_347] : memref<80x128xf32, #tpu.memory_space<vmem>> -> memref<64x128xf32, #tpu.memory_space<vmem>>
    %dma_wait3A_349 = arith.constant 0 : i32
    %dma_wait3A_350 = arith.constant 0 : i32
    %dma_wait3A_351 = tpu.memref_slice %arg10[%dma_wait3A_349, %dma_wait3A_350] : memref<10240x128xf32, #tpu.memory_space<vmem_shared>> -> memref<10240x128xf32, #tpu.memory_space<vmem_shared>>
    tpu.wait_indirect_dma semaphore(%arg29 : memref<!tpu.dma_semaphore, #tpu.memory_space<semaphore_mem>>) src(%dma_wait3A_351 : memref<10240x128xf32, #tpu.memory_space<vmem_shared>>) dst(%dma_wait3A_348 : memref<64x128xf32, #tpu.memory_space<vmem>>)
    %dma_wait3A_352 = arith.constant 0 : i32
    %dma_wait3A_353 = tpu.memref_slice %arg11[%dma_wait3A_352] : memref<10240xf32, #tpu.memory_space<vmem_shared>> -> memref<10240xf32, #tpu.memory_space<vmem_shared>>
    tpu.wait_indirect_dma semaphore(%arg44 : memref<!tpu.dma_semaphore, #tpu.memory_space<semaphore_mem>>) src(%dma_wait3A_353 : memref<10240xf32, #tpu.memory_space<vmem_shared>>) dst(%arg24 : memref<64xf32, #tpu.memory_space<vmem>>)
    %eq3A_354 = arith.constant 0 : i32
    %eq3A_355 = arith.cmpi eq, %arg0, %eq3A_354 : i32
    %convert_element_type3A_356 = arith.extui %eq3A_355 : i1 to i32
    %cond3A_357 = arith.constant 0 : i32
    %cond3A_358 = arith.cmpi ne, %convert_element_type3A_356, %cond3A_357 : i32
    scf.if %cond3A_358 {
      %dma_start3A_708 = arith.constant 0 : i32
      %dma_start3A_709 = arith.constant 0 : i32
      %dma_start3A_710 = tpu.memref_slice %arg12[%dma_start3A_708, %dma_start3A_709] : memref<80x128xf32, #tpu.memory_space<vmem>> -> memref<64x128xf32, #tpu.memory_space<vmem>>
      %dma_start3A_711 = arith.constant 0 : i32
      %dma_start3A_712 = tpu.memref_slice %arg6[%add3A_51, %dma_start3A_711] : memref<8192x128xf32, #tpu.memory_space<hbm>> -> memref<64x128xf32, #tpu.memory_space<hbm>>
      %dma_start3A_713 = arith.constant 0 : i32
      %dma_start3A_714 = tpu.memref_slice %arg6[%add3A_51, %dma_start3A_713] : memref<8192x128xf32, #tpu.memory_space<hbm>> -> memref<64x128xf32, #tpu.memory_space<hbm>>
      %dma_start3A_715 = arith.constant 0 : i32
      %dma_start3A_716 = arith.constant 0 : i32
      %dma_start3A_717 = tpu.memref_slice %arg12[%dma_start3A_715, %dma_start3A_716] : memref<80x128xf32, #tpu.memory_space<vmem>> -> memref<64x128xf32, #tpu.memory_space<vmem>>
      tpu.enqueue_dma source(%dma_start3A_717 : memref<64x128xf32, #tpu.memory_space<vmem>>) target(%dma_start3A_714 : memref<64x128xf32, #tpu.memory_space<hbm>>) target_semaphore(%arg32 : memref<!tpu.dma_semaphore, #tpu.memory_space<semaphore_mem>>)
    } else {
    }
    %eq3A_359 = arith.constant 1 : i32
    %eq3A_360 = arith.cmpi eq, %arg0, %eq3A_359 : i32
    %convert_element_type3A_361 = arith.extui %eq3A_360 : i1 to i32
    %cond3A_362 = arith.constant 0 : i32
    %cond3A_363 = arith.cmpi ne, %convert_element_type3A_361, %cond3A_362 : i32
    scf.if %cond3A_363 {
      %dma_start3A_708 = arith.constant 0 : i32
      %dma_start3A_709 = arith.constant 0 : i32
      %dma_start3A_710 = tpu.memref_slice %arg12[%dma_start3A_708, %dma_start3A_709] : memref<80x128xf32, #tpu.memory_space<vmem>> -> memref<64x128xf32, #tpu.memory_space<vmem>>
      %dma_start3A_711 = arith.constant 0 : i32
      %dma_start3A_712 = tpu.memref_slice %arg7[%add3A_51, %dma_start3A_711] : memref<8192x128xf32, #tpu.memory_space<hbm>> -> memref<64x128xf32, #tpu.memory_space<hbm>>
      %dma_start3A_713 = arith.constant 0 : i32
      %dma_start3A_714 = tpu.memref_slice %arg7[%add3A_51, %dma_start3A_713] : memref<8192x128xf32, #tpu.memory_space<hbm>> -> memref<64x128xf32, #tpu.memory_space<hbm>>
      %dma_start3A_715 = arith.constant 0 : i32
      %dma_start3A_716 = arith.constant 0 : i32
      %dma_start3A_717 = tpu.memref_slice %arg12[%dma_start3A_715, %dma_start3A_716] : memref<80x128xf32, #tpu.memory_space<vmem>> -> memref<64x128xf32, #tpu.memory_space<vmem>>
      tpu.enqueue_dma source(%dma_start3A_717 : memref<64x128xf32, #tpu.memory_space<vmem>>) target(%dma_start3A_714 : memref<64x128xf32, #tpu.memory_space<hbm>>) target_semaphore(%arg32 : memref<!tpu.dma_semaphore, #tpu.memory_space<semaphore_mem>>)
    } else {
    }
    %eq3A_364 = arith.constant 0 : i32
    %eq3A_365 = arith.cmpi eq, %arg0, %eq3A_364 : i32
    %convert_element_type3A_366 = arith.extui %eq3A_365 : i1 to i32
    %cond3A_367 = arith.constant 0 : i32
    %cond3A_368 = arith.cmpi ne, %convert_element_type3A_366, %cond3A_367 : i32
    scf.if %cond3A_368 {
      %dma_start3A_708 = tpu.memref_slice %arg8[%add3A_51] : memref<8192xf32, #tpu.memory_space<hbm>> -> memref<64xf32, #tpu.memory_space<hbm>>
      %dma_start3A_709 = tpu.memref_slice %arg8[%add3A_51] : memref<8192xf32, #tpu.memory_space<hbm>> -> memref<64xf32, #tpu.memory_space<hbm>>
      tpu.enqueue_dma source(%arg24 : memref<64xf32, #tpu.memory_space<vmem>>) target(%dma_start3A_709 : memref<64xf32, #tpu.memory_space<hbm>>) target_semaphore(%arg35 : memref<!tpu.dma_semaphore, #tpu.memory_space<semaphore_mem>>)
    } else {
    }
    %eq3A_369 = arith.constant 1 : i32
    %eq3A_370 = arith.cmpi eq, %arg0, %eq3A_369 : i32
    %convert_element_type3A_371 = arith.extui %eq3A_370 : i1 to i32
    %cond3A_372 = arith.constant 0 : i32
    %cond3A_373 = arith.cmpi ne, %convert_element_type3A_371, %cond3A_372 : i32
    scf.if %cond3A_373 {
      %dma_start3A_708 = tpu.memref_slice %arg9[%add3A_51] : memref<8192xf32, #tpu.memory_space<hbm>> -> memref<64xf32, #tpu.memory_space<hbm>>
      %dma_start3A_709 = tpu.memref_slice %arg9[%add3A_51] : memref<8192xf32, #tpu.memory_space<hbm>> -> memref<64xf32, #tpu.memory_space<hbm>>
      tpu.enqueue_dma source(%arg24 : memref<64xf32, #tpu.memory_space<vmem>>) target(%dma_start3A_709 : memref<64xf32, #tpu.memory_space<hbm>>) target_semaphore(%arg35 : memref<!tpu.dma_semaphore, #tpu.memory_space<semaphore_mem>>)
    } else {
    }
    %eq3A_374 = arith.constant 0 : i32
    %eq3A_375 = arith.cmpi eq, %arg0, %eq3A_374 : i32
    %convert_element_type3A_376 = arith.extui %eq3A_375 : i1 to i32
    %cond3A_377 = arith.constant 0 : i32
    %cond3A_378 = arith.cmpi ne, %convert_element_type3A_376, %cond3A_377 : i32
    scf.if %cond3A_378 {
      %dma_wait3A_708 = arith.constant 0 : i32
      %dma_wait3A_709 = arith.constant 0 : i32
      %dma_wait3A_710 = tpu.memref_slice %arg14[%dma_wait3A_708, %dma_wait3A_709] : memref<80x128xf32, #tpu.memory_space<vmem>> -> memref<64x128xf32, #tpu.memory_space<vmem>>
      %dma_wait3A_711 = arith.constant 0 : i32
      %dma_wait3A_712 = tpu.memref_slice %arg6[%add3A_49, %dma_wait3A_711] : memref<8192x128xf32, #tpu.memory_space<hbm>> -> memref<64x128xf32, #tpu.memory_space<hbm>>
      %dma_wait3A_713 = arith.constant 0 : i32
      %dma_wait3A_714 = tpu.memref_slice %arg6[%add3A_49, %dma_wait3A_713] : memref<8192x128xf32, #tpu.memory_space<hbm>> -> memref<64x128xf32, #tpu.memory_space<hbm>>
      %dma_wait3A_715 = arith.constant 0 : i32
      %dma_wait3A_716 = arith.constant 0 : i32
      %dma_wait3A_717 = tpu.memref_slice %arg14[%dma_wait3A_715, %dma_wait3A_716] : memref<80x128xf32, #tpu.memory_space<vmem>> -> memref<64x128xf32, #tpu.memory_space<vmem>>
      tpu.wait_dma2 semaphore(%arg34 : memref<!tpu.dma_semaphore, #tpu.memory_space<semaphore_mem>>) src(%dma_wait3A_717 : memref<64x128xf32, #tpu.memory_space<vmem>>) dst(%dma_wait3A_714 : memref<64x128xf32, #tpu.memory_space<hbm>>)
    } else {
    }
    %eq3A_379 = arith.constant 1 : i32
    %eq3A_380 = arith.cmpi eq, %arg0, %eq3A_379 : i32
    %convert_element_type3A_381 = arith.extui %eq3A_380 : i1 to i32
    %cond3A_382 = arith.constant 0 : i32
    %cond3A_383 = arith.cmpi ne, %convert_element_type3A_381, %cond3A_382 : i32
    scf.if %cond3A_383 {
      %dma_wait3A_708 = arith.constant 0 : i32
      %dma_wait3A_709 = arith.constant 0 : i32
      %dma_wait3A_710 = tpu.memref_slice %arg14[%dma_wait3A_708, %dma_wait3A_709] : memref<80x128xf32, #tpu.memory_space<vmem>> -> memref<64x128xf32, #tpu.memory_space<vmem>>
      %dma_wait3A_711 = arith.constant 0 : i32
      %dma_wait3A_712 = tpu.memref_slice %arg7[%add3A_49, %dma_wait3A_711] : memref<8192x128xf32, #tpu.memory_space<hbm>> -> memref<64x128xf32, #tpu.memory_space<hbm>>
      %dma_wait3A_713 = arith.constant 0 : i32
      %dma_wait3A_714 = tpu.memref_slice %arg7[%add3A_49, %dma_wait3A_713] : memref<8192x128xf32, #tpu.memory_space<hbm>> -> memref<64x128xf32, #tpu.memory_space<hbm>>
      %dma_wait3A_715 = arith.constant 0 : i32
      %dma_wait3A_716 = arith.constant 0 : i32
      %dma_wait3A_717 = tpu.memref_slice %arg14[%dma_wait3A_715, %dma_wait3A_716] : memref<80x128xf32, #tpu.memory_space<vmem>> -> memref<64x128xf32, #tpu.memory_space<vmem>>
      tpu.wait_dma2 semaphore(%arg34 : memref<!tpu.dma_semaphore, #tpu.memory_space<semaphore_mem>>) src(%dma_wait3A_717 : memref<64x128xf32, #tpu.memory_space<vmem>>) dst(%dma_wait3A_714 : memref<64x128xf32, #tpu.memory_space<hbm>>)
    } else {
    }
    %eq3A_384 = arith.constant 0 : i32
    %eq3A_385 = arith.cmpi eq, %arg0, %eq3A_384 : i32
    %convert_element_type3A_386 = arith.extui %eq3A_385 : i1 to i32
    %cond3A_387 = arith.constant 0 : i32
    %cond3A_388 = arith.cmpi ne, %convert_element_type3A_386, %cond3A_387 : i32
    scf.if %cond3A_388 {
      %dma_wait3A_708 = tpu.memref_slice %arg8[%add3A_49] : memref<8192xf32, #tpu.memory_space<hbm>> -> memref<64xf32, #tpu.memory_space<hbm>>
      %dma_wait3A_709 = tpu.memref_slice %arg8[%add3A_49] : memref<8192xf32, #tpu.memory_space<hbm>> -> memref<64xf32, #tpu.memory_space<hbm>>
      tpu.wait_dma2 semaphore(%arg37 : memref<!tpu.dma_semaphore, #tpu.memory_space<semaphore_mem>>) src(%arg26 : memref<64xf32, #tpu.memory_space<vmem>>) dst(%dma_wait3A_709 : memref<64xf32, #tpu.memory_space<hbm>>)
    } else {
    }
    %eq3A_389 = arith.constant 1 : i32
    %eq3A_390 = arith.cmpi eq, %arg0, %eq3A_389 : i32
    %convert_element_type3A_391 = arith.extui %eq3A_390 : i1 to i32
    %cond3A_392 = arith.constant 0 : i32
    %cond3A_393 = arith.cmpi ne, %convert_element_type3A_391, %cond3A_392 : i32
    scf.if %cond3A_393 {
      %dma_wait3A_708 = tpu.memref_slice %arg9[%add3A_49] : memref<8192xf32, #tpu.memory_space<hbm>> -> memref<64xf32, #tpu.memory_space<hbm>>
      %dma_wait3A_709 = tpu.memref_slice %arg9[%add3A_49] : memref<8192xf32, #tpu.memory_space<hbm>> -> memref<64xf32, #tpu.memory_space<hbm>>
      tpu.wait_dma2 semaphore(%arg37 : memref<!tpu.dma_semaphore, #tpu.memory_space<semaphore_mem>>) src(%arg26 : memref<64xf32, #tpu.memory_space<vmem>>) dst(%dma_wait3A_709 : memref<64xf32, #tpu.memory_space<hbm>>)
    } else {
    }
    %dma_start3A_394 = tpu.memref_slice %arg4[%add3A_57] : memref<8192xi32, #tpu.memory_space<hbm>> -> memref<64xi32, #tpu.memory_space<hbm>>
    %dma_start3A_395 = tpu.memref_slice %arg4[%add3A_57] : memref<8192xi32, #tpu.memory_space<hbm>> -> memref<64xi32, #tpu.memory_space<hbm>>
    tpu.enqueue_dma source(%dma_start3A_395 : memref<64xi32, #tpu.memory_space<hbm>>) target(%arg21 : memref<64xi32, #tpu.memory_space<vmem>>) target_semaphore(%arg38 : memref<!tpu.dma_semaphore, #tpu.memory_space<semaphore_mem>>)
    %dma_wait3A_396 = arith.constant 0 : i32
    %dma_wait3A_397 = tpu.memref_slice %arg4[%dma_wait3A_396] : memref<8192xi32, #tpu.memory_space<hbm>> -> memref<64xi32, #tpu.memory_space<hbm>>
    %dma_wait3A_398 = arith.constant 0 : i32
    %dma_wait3A_399 = tpu.memref_slice %arg4[%dma_wait3A_398] : memref<8192xi32, #tpu.memory_space<hbm>> -> memref<64xi32, #tpu.memory_space<hbm>>
    tpu.wait_dma2 semaphore(%arg40 : memref<!tpu.dma_semaphore, #tpu.memory_space<semaphore_mem>>) src(%dma_wait3A_399 : memref<64xi32, #tpu.memory_space<hbm>>) dst(%arg23 : memref<64xi32, #tpu.memory_space<vmem>>)
    %dma_start3A_400 = arith.constant 0 : i32
    %dma_start3A_401 = arith.constant 0 : i32
    %dma_start3A_402 = tpu.memref_slice %arg14[%dma_start3A_400, %dma_start3A_401] : memref<80x128xf32, #tpu.memory_space<vmem>> -> memref<64x128xf32, #tpu.memory_space<vmem>>
    %dma_start3A_403 = arith.constant 0 : i32
    %dma_start3A_404 = arith.constant 0 : i32
    %dma_start3A_405 = tpu.memref_slice %arg10[%dma_start3A_403, %dma_start3A_404] : memref<10240x128xf32, #tpu.memory_space<vmem_shared>> -> memref<10240x128xf32, #tpu.memory_space<vmem_shared>>
    tpu.enqueue_indirect_dma source(%dma_start3A_405 : memref<10240x128xf32, #tpu.memory_space<vmem_shared>>) target(%dma_start3A_402 : memref<64x128xf32, #tpu.memory_space<vmem>>) offsets(%arg23 : memref<64xi32, #tpu.memory_space<vmem>>) semaphore(%arg31 : memref<!tpu.dma_semaphore, #tpu.memory_space<semaphore_mem>>)
    %dma_start3A_406 = arith.constant 0 : i32
    %dma_start3A_407 = tpu.memref_slice %arg11[%dma_start3A_406] : memref<10240xf32, #tpu.memory_space<vmem_shared>> -> memref<10240xf32, #tpu.memory_space<vmem_shared>>
    tpu.enqueue_indirect_dma source(%dma_start3A_407 : memref<10240xf32, #tpu.memory_space<vmem_shared>>) target(%arg26 : memref<64xf32, #tpu.memory_space<vmem>>) offsets(%arg23 : memref<64xi32, #tpu.memory_space<vmem>>) semaphore(%arg46 : memref<!tpu.dma_semaphore, #tpu.memory_space<semaphore_mem>>)
    %dma_wait3A_408 = arith.constant 0 : i32
    %dma_wait3A_409 = arith.constant 0 : i32
    %dma_wait3A_410 = tpu.memref_slice %arg13[%dma_wait3A_408, %dma_wait3A_409] : memref<80x128xf32, #tpu.memory_space<vmem>> -> memref<64x128xf32, #tpu.memory_space<vmem>>
    %dma_wait3A_411 = arith.constant 0 : i32
    %dma_wait3A_412 = arith.constant 0 : i32
    %dma_wait3A_413 = tpu.memref_slice %arg10[%dma_wait3A_411, %dma_wait3A_412] : memref<10240x128xf32, #tpu.memory_space<vmem_shared>> -> memref<10240x128xf32, #tpu.memory_space<vmem_shared>>
    tpu.wait_indirect_dma semaphore(%arg30 : memref<!tpu.dma_semaphore, #tpu.memory_space<semaphore_mem>>) src(%dma_wait3A_413 : memref<10240x128xf32, #tpu.memory_space<vmem_shared>>) dst(%dma_wait3A_410 : memref<64x128xf32, #tpu.memory_space<vmem>>)
    %dma_wait3A_414 = arith.constant 0 : i32
    %dma_wait3A_415 = tpu.memref_slice %arg11[%dma_wait3A_414] : memref<10240xf32, #tpu.memory_space<vmem_shared>> -> memref<10240xf32, #tpu.memory_space<vmem_shared>>
    tpu.wait_indirect_dma semaphore(%arg45 : memref<!tpu.dma_semaphore, #tpu.memory_space<semaphore_mem>>) src(%dma_wait3A_415 : memref<10240xf32, #tpu.memory_space<vmem_shared>>) dst(%arg25 : memref<64xf32, #tpu.memory_space<vmem>>)
    %eq3A_416 = arith.constant 0 : i32
    %eq3A_417 = arith.cmpi eq, %arg0, %eq3A_416 : i32
    %convert_element_type3A_418 = arith.extui %eq3A_417 : i1 to i32
    %cond3A_419 = arith.constant 0 : i32
    %cond3A_420 = arith.cmpi ne, %convert_element_type3A_418, %cond3A_419 : i32
    scf.if %cond3A_420 {
      %dma_start3A_708 = arith.constant 0 : i32
      %dma_start3A_709 = arith.constant 0 : i32
      %dma_start3A_710 = tpu.memref_slice %arg13[%dma_start3A_708, %dma_start3A_709] : memref<80x128xf32, #tpu.memory_space<vmem>> -> memref<64x128xf32, #tpu.memory_space<vmem>>
      %dma_start3A_711 = arith.constant 0 : i32
      %dma_start3A_712 = tpu.memref_slice %arg6[%add3A_53, %dma_start3A_711] : memref<8192x128xf32, #tpu.memory_space<hbm>> -> memref<64x128xf32, #tpu.memory_space<hbm>>
      %dma_start3A_713 = arith.constant 0 : i32
      %dma_start3A_714 = tpu.memref_slice %arg6[%add3A_53, %dma_start3A_713] : memref<8192x128xf32, #tpu.memory_space<hbm>> -> memref<64x128xf32, #tpu.memory_space<hbm>>
      %dma_start3A_715 = arith.constant 0 : i32
      %dma_start3A_716 = arith.constant 0 : i32
      %dma_start3A_717 = tpu.memref_slice %arg13[%dma_start3A_715, %dma_start3A_716] : memref<80x128xf32, #tpu.memory_space<vmem>> -> memref<64x128xf32, #tpu.memory_space<vmem>>
      tpu.enqueue_dma source(%dma_start3A_717 : memref<64x128xf32, #tpu.memory_space<vmem>>) target(%dma_start3A_714 : memref<64x128xf32, #tpu.memory_space<hbm>>) target_semaphore(%arg33 : memref<!tpu.dma_semaphore, #tpu.memory_space<semaphore_mem>>)
    } else {
    }
    %eq3A_421 = arith.constant 1 : i32
    %eq3A_422 = arith.cmpi eq, %arg0, %eq3A_421 : i32
    %convert_element_type3A_423 = arith.extui %eq3A_422 : i1 to i32
    %cond3A_424 = arith.constant 0 : i32
    %cond3A_425 = arith.cmpi ne, %convert_element_type3A_423, %cond3A_424 : i32
    scf.if %cond3A_425 {
      %dma_start3A_708 = arith.constant 0 : i32
      %dma_start3A_709 = arith.constant 0 : i32
      %dma_start3A_710 = tpu.memref_slice %arg13[%dma_start3A_708, %dma_start3A_709] : memref<80x128xf32, #tpu.memory_space<vmem>> -> memref<64x128xf32, #tpu.memory_space<vmem>>
      %dma_start3A_711 = arith.constant 0 : i32
      %dma_start3A_712 = tpu.memref_slice %arg7[%add3A_53, %dma_start3A_711] : memref<8192x128xf32, #tpu.memory_space<hbm>> -> memref<64x128xf32, #tpu.memory_space<hbm>>
      %dma_start3A_713 = arith.constant 0 : i32
      %dma_start3A_714 = tpu.memref_slice %arg7[%add3A_53, %dma_start3A_713] : memref<8192x128xf32, #tpu.memory_space<hbm>> -> memref<64x128xf32, #tpu.memory_space<hbm>>
      %dma_start3A_715 = arith.constant 0 : i32
      %dma_start3A_716 = arith.constant 0 : i32
      %dma_start3A_717 = tpu.memref_slice %arg13[%dma_start3A_715, %dma_start3A_716] : memref<80x128xf32, #tpu.memory_space<vmem>> -> memref<64x128xf32, #tpu.memory_space<vmem>>
      tpu.enqueue_dma source(%dma_start3A_717 : memref<64x128xf32, #tpu.memory_space<vmem>>) target(%dma_start3A_714 : memref<64x128xf32, #tpu.memory_space<hbm>>) target_semaphore(%arg33 : memref<!tpu.dma_semaphore, #tpu.memory_space<semaphore_mem>>)
    } else {
    }
    %eq3A_426 = arith.constant 0 : i32
    %eq3A_427 = arith.cmpi eq, %arg0, %eq3A_426 : i32
    %convert_element_type3A_428 = arith.extui %eq3A_427 : i1 to i32
    %cond3A_429 = arith.constant 0 : i32
    %cond3A_430 = arith.cmpi ne, %convert_element_type3A_428, %cond3A_429 : i32
    scf.if %cond3A_430 {
      %dma_start3A_708 = tpu.memref_slice %arg8[%add3A_53] : memref<8192xf32, #tpu.memory_space<hbm>> -> memref<64xf32, #tpu.memory_space<hbm>>
      %dma_start3A_709 = tpu.memref_slice %arg8[%add3A_53] : memref<8192xf32, #tpu.memory_space<hbm>> -> memref<64xf32, #tpu.memory_space<hbm>>
      tpu.enqueue_dma source(%arg25 : memref<64xf32, #tpu.memory_space<vmem>>) target(%dma_start3A_709 : memref<64xf32, #tpu.memory_space<hbm>>) target_semaphore(%arg36 : memref<!tpu.dma_semaphore, #tpu.memory_space<semaphore_mem>>)
    } else {
    }
    %eq3A_431 = arith.constant 1 : i32
    %eq3A_432 = arith.cmpi eq, %arg0, %eq3A_431 : i32
    %convert_element_type3A_433 = arith.extui %eq3A_432 : i1 to i32
    %cond3A_434 = arith.constant 0 : i32
    %cond3A_435 = arith.cmpi ne, %convert_element_type3A_433, %cond3A_434 : i32
    scf.if %cond3A_435 {
      %dma_start3A_708 = tpu.memref_slice %arg9[%add3A_53] : memref<8192xf32, #tpu.memory_space<hbm>> -> memref<64xf32, #tpu.memory_space<hbm>>
      %dma_start3A_709 = tpu.memref_slice %arg9[%add3A_53] : memref<8192xf32, #tpu.memory_space<hbm>> -> memref<64xf32, #tpu.memory_space<hbm>>
      tpu.enqueue_dma source(%arg25 : memref<64xf32, #tpu.memory_space<vmem>>) target(%dma_start3A_709 : memref<64xf32, #tpu.memory_space<hbm>>) target_semaphore(%arg36 : memref<!tpu.dma_semaphore, #tpu.memory_space<semaphore_mem>>)
    } else {
    }
    %eq3A_436 = arith.constant 0 : i32
    %eq3A_437 = arith.cmpi eq, %arg0, %eq3A_436 : i32
    %convert_element_type3A_438 = arith.extui %eq3A_437 : i1 to i32
    %cond3A_439 = arith.constant 0 : i32
    %cond3A_440 = arith.cmpi ne, %convert_element_type3A_438, %cond3A_439 : i32
    scf.if %cond3A_440 {
      %dma_wait3A_708 = arith.constant 0 : i32
      %dma_wait3A_709 = arith.constant 0 : i32
      %dma_wait3A_710 = tpu.memref_slice %arg12[%dma_wait3A_708, %dma_wait3A_709] : memref<80x128xf32, #tpu.memory_space<vmem>> -> memref<64x128xf32, #tpu.memory_space<vmem>>
      %dma_wait3A_711 = arith.constant 0 : i32
      %dma_wait3A_712 = tpu.memref_slice %arg6[%add3A_51, %dma_wait3A_711] : memref<8192x128xf32, #tpu.memory_space<hbm>> -> memref<64x128xf32, #tpu.memory_space<hbm>>
      %dma_wait3A_713 = arith.constant 0 : i32
      %dma_wait3A_714 = tpu.memref_slice %arg6[%add3A_51, %dma_wait3A_713] : memref<8192x128xf32, #tpu.memory_space<hbm>> -> memref<64x128xf32, #tpu.memory_space<hbm>>
      %dma_wait3A_715 = arith.constant 0 : i32
      %dma_wait3A_716 = arith.constant 0 : i32
      %dma_wait3A_717 = tpu.memref_slice %arg12[%dma_wait3A_715, %dma_wait3A_716] : memref<80x128xf32, #tpu.memory_space<vmem>> -> memref<64x128xf32, #tpu.memory_space<vmem>>
      tpu.wait_dma2 semaphore(%arg32 : memref<!tpu.dma_semaphore, #tpu.memory_space<semaphore_mem>>) src(%dma_wait3A_717 : memref<64x128xf32, #tpu.memory_space<vmem>>) dst(%dma_wait3A_714 : memref<64x128xf32, #tpu.memory_space<hbm>>)
    } else {
    }
    %eq3A_441 = arith.constant 1 : i32
    %eq3A_442 = arith.cmpi eq, %arg0, %eq3A_441 : i32
    %convert_element_type3A_443 = arith.extui %eq3A_442 : i1 to i32
    %cond3A_444 = arith.constant 0 : i32
    %cond3A_445 = arith.cmpi ne, %convert_element_type3A_443, %cond3A_444 : i32
    scf.if %cond3A_445 {
      %dma_wait3A_708 = arith.constant 0 : i32
      %dma_wait3A_709 = arith.constant 0 : i32
      %dma_wait3A_710 = tpu.memref_slice %arg12[%dma_wait3A_708, %dma_wait3A_709] : memref<80x128xf32, #tpu.memory_space<vmem>> -> memref<64x128xf32, #tpu.memory_space<vmem>>
      %dma_wait3A_711 = arith.constant 0 : i32
      %dma_wait3A_712 = tpu.memref_slice %arg7[%add3A_51, %dma_wait3A_711] : memref<8192x128xf32, #tpu.memory_space<hbm>> -> memref<64x128xf32, #tpu.memory_space<hbm>>
      %dma_wait3A_713 = arith.constant 0 : i32
      %dma_wait3A_714 = tpu.memref_slice %arg7[%add3A_51, %dma_wait3A_713] : memref<8192x128xf32, #tpu.memory_space<hbm>> -> memref<64x128xf32, #tpu.memory_space<hbm>>
      %dma_wait3A_715 = arith.constant 0 : i32
      %dma_wait3A_716 = arith.constant 0 : i32
      %dma_wait3A_717 = tpu.memref_slice %arg12[%dma_wait3A_715, %dma_wait3A_716] : memref<80x128xf32, #tpu.memory_space<vmem>> -> memref<64x128xf32, #tpu.memory_space<vmem>>
      tpu.wait_dma2 semaphore(%arg32 : memref<!tpu.dma_semaphore, #tpu.memory_space<semaphore_mem>>) src(%dma_wait3A_717 : memref<64x128xf32, #tpu.memory_space<vmem>>) dst(%dma_wait3A_714 : memref<64x128xf32, #tpu.memory_space<hbm>>)
    } else {
    }
    %eq3A_446 = arith.constant 0 : i32
    %eq3A_447 = arith.cmpi eq, %arg0, %eq3A_446 : i32
    %convert_element_type3A_448 = arith.extui %eq3A_447 : i1 to i32
    %cond3A_449 = arith.constant 0 : i32
    %cond3A_450 = arith.cmpi ne, %convert_element_type3A_448, %cond3A_449 : i32
    scf.if %cond3A_450 {
      %dma_wait3A_708 = tpu.memref_slice %arg8[%add3A_51] : memref<8192xf32, #tpu.memory_space<hbm>> -> memref<64xf32, #tpu.memory_space<hbm>>
      %dma_wait3A_709 = tpu.memref_slice %arg8[%add3A_51] : memref<8192xf32, #tpu.memory_space<hbm>> -> memref<64xf32, #tpu.memory_space<hbm>>
      tpu.wait_dma2 semaphore(%arg35 : memref<!tpu.dma_semaphore, #tpu.memory_space<semaphore_mem>>) src(%arg24 : memref<64xf32, #tpu.memory_space<vmem>>) dst(%dma_wait3A_709 : memref<64xf32, #tpu.memory_space<hbm>>)
    } else {
    }
    %eq3A_451 = arith.constant 1 : i32
    %eq3A_452 = arith.cmpi eq, %arg0, %eq3A_451 : i32
    %convert_element_type3A_453 = arith.extui %eq3A_452 : i1 to i32
    %cond3A_454 = arith.constant 0 : i32
    %cond3A_455 = arith.cmpi ne, %convert_element_type3A_453, %cond3A_454 : i32
    scf.if %cond3A_455 {
      %dma_wait3A_708 = tpu.memref_slice %arg9[%add3A_51] : memref<8192xf32, #tpu.memory_space<hbm>> -> memref<64xf32, #tpu.memory_space<hbm>>
      %dma_wait3A_709 = tpu.memref_slice %arg9[%add3A_51] : memref<8192xf32, #tpu.memory_space<hbm>> -> memref<64xf32, #tpu.memory_space<hbm>>
      tpu.wait_dma2 semaphore(%arg35 : memref<!tpu.dma_semaphore, #tpu.memory_space<semaphore_mem>>) src(%arg24 : memref<64xf32, #tpu.memory_space<vmem>>) dst(%dma_wait3A_709 : memref<64xf32, #tpu.memory_space<hbm>>)
    } else {
    }
    %dma_start3A_456 = tpu.memref_slice %arg4[%add3A_59] : memref<8192xi32, #tpu.memory_space<hbm>> -> memref<64xi32, #tpu.memory_space<hbm>>
    %dma_start3A_457 = tpu.memref_slice %arg4[%add3A_59] : memref<8192xi32, #tpu.memory_space<hbm>> -> memref<64xi32, #tpu.memory_space<hbm>>
    tpu.enqueue_dma source(%dma_start3A_457 : memref<64xi32, #tpu.memory_space<hbm>>) target(%arg22 : memref<64xi32, #tpu.memory_space<vmem>>) target_semaphore(%arg39 : memref<!tpu.dma_semaphore, #tpu.memory_space<semaphore_mem>>)
    %dma_wait3A_458 = arith.constant 0 : i32
    %dma_wait3A_459 = tpu.memref_slice %arg4[%dma_wait3A_458] : memref<8192xi32, #tpu.memory_space<hbm>> -> memref<64xi32, #tpu.memory_space<hbm>>
    %dma_wait3A_460 = arith.constant 0 : i32
    %dma_wait3A_461 = tpu.memref_slice %arg4[%dma_wait3A_460] : memref<8192xi32, #tpu.memory_space<hbm>> -> memref<64xi32, #tpu.memory_space<hbm>>
    tpu.wait_dma2 semaphore(%arg38 : memref<!tpu.dma_semaphore, #tpu.memory_space<semaphore_mem>>) src(%dma_wait3A_461 : memref<64xi32, #tpu.memory_space<hbm>>) dst(%arg21 : memref<64xi32, #tpu.memory_space<vmem>>)
    %dma_start3A_462 = arith.constant 0 : i32
    %dma_start3A_463 = arith.constant 0 : i32
    %dma_start3A_464 = tpu.memref_slice %arg12[%dma_start3A_462, %dma_start3A_463] : memref<80x128xf32, #tpu.memory_space<vmem>> -> memref<64x128xf32, #tpu.memory_space<vmem>>
    %dma_start3A_465 = arith.constant 0 : i32
    %dma_start3A_466 = arith.constant 0 : i32
    %dma_start3A_467 = tpu.memref_slice %arg10[%dma_start3A_465, %dma_start3A_466] : memref<10240x128xf32, #tpu.memory_space<vmem_shared>> -> memref<10240x128xf32, #tpu.memory_space<vmem_shared>>
    tpu.enqueue_indirect_dma source(%dma_start3A_467 : memref<10240x128xf32, #tpu.memory_space<vmem_shared>>) target(%dma_start3A_464 : memref<64x128xf32, #tpu.memory_space<vmem>>) offsets(%arg21 : memref<64xi32, #tpu.memory_space<vmem>>) semaphore(%arg29 : memref<!tpu.dma_semaphore, #tpu.memory_space<semaphore_mem>>)
    %dma_start3A_468 = arith.constant 0 : i32
    %dma_start3A_469 = tpu.memref_slice %arg11[%dma_start3A_468] : memref<10240xf32, #tpu.memory_space<vmem_shared>> -> memref<10240xf32, #tpu.memory_space<vmem_shared>>
    tpu.enqueue_indirect_dma source(%dma_start3A_469 : memref<10240xf32, #tpu.memory_space<vmem_shared>>) target(%arg24 : memref<64xf32, #tpu.memory_space<vmem>>) offsets(%arg21 : memref<64xi32, #tpu.memory_space<vmem>>) semaphore(%arg44 : memref<!tpu.dma_semaphore, #tpu.memory_space<semaphore_mem>>)
    %dma_wait3A_470 = arith.constant 0 : i32
    %dma_wait3A_471 = arith.constant 0 : i32
    %dma_wait3A_472 = tpu.memref_slice %arg14[%dma_wait3A_470, %dma_wait3A_471] : memref<80x128xf32, #tpu.memory_space<vmem>> -> memref<64x128xf32, #tpu.memory_space<vmem>>
    %dma_wait3A_473 = arith.constant 0 : i32
    %dma_wait3A_474 = arith.constant 0 : i32
    %dma_wait3A_475 = tpu.memref_slice %arg10[%dma_wait3A_473, %dma_wait3A_474] : memref<10240x128xf32, #tpu.memory_space<vmem_shared>> -> memref<10240x128xf32, #tpu.memory_space<vmem_shared>>
    tpu.wait_indirect_dma semaphore(%arg31 : memref<!tpu.dma_semaphore, #tpu.memory_space<semaphore_mem>>) src(%dma_wait3A_475 : memref<10240x128xf32, #tpu.memory_space<vmem_shared>>) dst(%dma_wait3A_472 : memref<64x128xf32, #tpu.memory_space<vmem>>)
    %dma_wait3A_476 = arith.constant 0 : i32
    %dma_wait3A_477 = tpu.memref_slice %arg11[%dma_wait3A_476] : memref<10240xf32, #tpu.memory_space<vmem_shared>> -> memref<10240xf32, #tpu.memory_space<vmem_shared>>
    tpu.wait_indirect_dma semaphore(%arg46 : memref<!tpu.dma_semaphore, #tpu.memory_space<semaphore_mem>>) src(%dma_wait3A_477 : memref<10240xf32, #tpu.memory_space<vmem_shared>>) dst(%arg26 : memref<64xf32, #tpu.memory_space<vmem>>)
    %eq3A_478 = arith.constant 0 : i32
    %eq3A_479 = arith.cmpi eq, %arg0, %eq3A_478 : i32
    %convert_element_type3A_480 = arith.extui %eq3A_479 : i1 to i32
    %cond3A_481 = arith.constant 0 : i32
    %cond3A_482 = arith.cmpi ne, %convert_element_type3A_480, %cond3A_481 : i32
    scf.if %cond3A_482 {
      %dma_start3A_708 = arith.constant 0 : i32
      %dma_start3A_709 = arith.constant 0 : i32
      %dma_start3A_710 = tpu.memref_slice %arg14[%dma_start3A_708, %dma_start3A_709] : memref<80x128xf32, #tpu.memory_space<vmem>> -> memref<64x128xf32, #tpu.memory_space<vmem>>
      %dma_start3A_711 = arith.constant 0 : i32
      %dma_start3A_712 = tpu.memref_slice %arg6[%add3A_55, %dma_start3A_711] : memref<8192x128xf32, #tpu.memory_space<hbm>> -> memref<64x128xf32, #tpu.memory_space<hbm>>
      %dma_start3A_713 = arith.constant 0 : i32
      %dma_start3A_714 = tpu.memref_slice %arg6[%add3A_55, %dma_start3A_713] : memref<8192x128xf32, #tpu.memory_space<hbm>> -> memref<64x128xf32, #tpu.memory_space<hbm>>
      %dma_start3A_715 = arith.constant 0 : i32
      %dma_start3A_716 = arith.constant 0 : i32
      %dma_start3A_717 = tpu.memref_slice %arg14[%dma_start3A_715, %dma_start3A_716] : memref<80x128xf32, #tpu.memory_space<vmem>> -> memref<64x128xf32, #tpu.memory_space<vmem>>
      tpu.enqueue_dma source(%dma_start3A_717 : memref<64x128xf32, #tpu.memory_space<vmem>>) target(%dma_start3A_714 : memref<64x128xf32, #tpu.memory_space<hbm>>) target_semaphore(%arg34 : memref<!tpu.dma_semaphore, #tpu.memory_space<semaphore_mem>>)
    } else {
    }
    %eq3A_483 = arith.constant 1 : i32
    %eq3A_484 = arith.cmpi eq, %arg0, %eq3A_483 : i32
    %convert_element_type3A_485 = arith.extui %eq3A_484 : i1 to i32
    %cond3A_486 = arith.constant 0 : i32
    %cond3A_487 = arith.cmpi ne, %convert_element_type3A_485, %cond3A_486 : i32
    scf.if %cond3A_487 {
      %dma_start3A_708 = arith.constant 0 : i32
      %dma_start3A_709 = arith.constant 0 : i32
      %dma_start3A_710 = tpu.memref_slice %arg14[%dma_start3A_708, %dma_start3A_709] : memref<80x128xf32, #tpu.memory_space<vmem>> -> memref<64x128xf32, #tpu.memory_space<vmem>>
      %dma_start3A_711 = arith.constant 0 : i32
      %dma_start3A_712 = tpu.memref_slice %arg7[%add3A_55, %dma_start3A_711] : memref<8192x128xf32, #tpu.memory_space<hbm>> -> memref<64x128xf32, #tpu.memory_space<hbm>>
      %dma_start3A_713 = arith.constant 0 : i32
      %dma_start3A_714 = tpu.memref_slice %arg7[%add3A_55, %dma_start3A_713] : memref<8192x128xf32, #tpu.memory_space<hbm>> -> memref<64x128xf32, #tpu.memory_space<hbm>>
      %dma_start3A_715 = arith.constant 0 : i32
      %dma_start3A_716 = arith.constant 0 : i32
      %dma_start3A_717 = tpu.memref_slice %arg14[%dma_start3A_715, %dma_start3A_716] : memref<80x128xf32, #tpu.memory_space<vmem>> -> memref<64x128xf32, #tpu.memory_space<vmem>>
      tpu.enqueue_dma source(%dma_start3A_717 : memref<64x128xf32, #tpu.memory_space<vmem>>) target(%dma_start3A_714 : memref<64x128xf32, #tpu.memory_space<hbm>>) target_semaphore(%arg34 : memref<!tpu.dma_semaphore, #tpu.memory_space<semaphore_mem>>)
    } else {
    }
    %eq3A_488 = arith.constant 0 : i32
    %eq3A_489 = arith.cmpi eq, %arg0, %eq3A_488 : i32
    %convert_element_type3A_490 = arith.extui %eq3A_489 : i1 to i32
    %cond3A_491 = arith.constant 0 : i32
    %cond3A_492 = arith.cmpi ne, %convert_element_type3A_490, %cond3A_491 : i32
    scf.if %cond3A_492 {
      %dma_start3A_708 = tpu.memref_slice %arg8[%add3A_55] : memref<8192xf32, #tpu.memory_space<hbm>> -> memref<64xf32, #tpu.memory_space<hbm>>
      %dma_start3A_709 = tpu.memref_slice %arg8[%add3A_55] : memref<8192xf32, #tpu.memory_space<hbm>> -> memref<64xf32, #tpu.memory_space<hbm>>
      tpu.enqueue_dma source(%arg26 : memref<64xf32, #tpu.memory_space<vmem>>) target(%dma_start3A_709 : memref<64xf32, #tpu.memory_space<hbm>>) target_semaphore(%arg37 : memref<!tpu.dma_semaphore, #tpu.memory_space<semaphore_mem>>)
    } else {
    }
    %eq3A_493 = arith.constant 1 : i32
    %eq3A_494 = arith.cmpi eq, %arg0, %eq3A_493 : i32
    %convert_element_type3A_495 = arith.extui %eq3A_494 : i1 to i32
    %cond3A_496 = arith.constant 0 : i32
    %cond3A_497 = arith.cmpi ne, %convert_element_type3A_495, %cond3A_496 : i32
    scf.if %cond3A_497 {
      %dma_start3A_708 = tpu.memref_slice %arg9[%add3A_55] : memref<8192xf32, #tpu.memory_space<hbm>> -> memref<64xf32, #tpu.memory_space<hbm>>
      %dma_start3A_709 = tpu.memref_slice %arg9[%add3A_55] : memref<8192xf32, #tpu.memory_space<hbm>> -> memref<64xf32, #tpu.memory_space<hbm>>
      tpu.enqueue_dma source(%arg26 : memref<64xf32, #tpu.memory_space<vmem>>) target(%dma_start3A_709 : memref<64xf32, #tpu.memory_space<hbm>>) target_semaphore(%arg37 : memref<!tpu.dma_semaphore, #tpu.memory_space<semaphore_mem>>)
    } else {
    }
    %eq3A_498 = arith.constant 0 : i32
    %eq3A_499 = arith.cmpi eq, %arg0, %eq3A_498 : i32
    %convert_element_type3A_500 = arith.extui %eq3A_499 : i1 to i32
    %cond3A_501 = arith.constant 0 : i32
    %cond3A_502 = arith.cmpi ne, %convert_element_type3A_500, %cond3A_501 : i32
    scf.if %cond3A_502 {
      %dma_wait3A_708 = arith.constant 0 : i32
      %dma_wait3A_709 = arith.constant 0 : i32
      %dma_wait3A_710 = tpu.memref_slice %arg13[%dma_wait3A_708, %dma_wait3A_709] : memref<80x128xf32, #tpu.memory_space<vmem>> -> memref<64x128xf32, #tpu.memory_space<vmem>>
      %dma_wait3A_711 = arith.constant 0 : i32
      %dma_wait3A_712 = tpu.memref_slice %arg6[%add3A_53, %dma_wait3A_711] : memref<8192x128xf32, #tpu.memory_space<hbm>> -> memref<64x128xf32, #tpu.memory_space<hbm>>
      %dma_wait3A_713 = arith.constant 0 : i32
      %dma_wait3A_714 = tpu.memref_slice %arg6[%add3A_53, %dma_wait3A_713] : memref<8192x128xf32, #tpu.memory_space<hbm>> -> memref<64x128xf32, #tpu.memory_space<hbm>>
      %dma_wait3A_715 = arith.constant 0 : i32
      %dma_wait3A_716 = arith.constant 0 : i32
      %dma_wait3A_717 = tpu.memref_slice %arg13[%dma_wait3A_715, %dma_wait3A_716] : memref<80x128xf32, #tpu.memory_space<vmem>> -> memref<64x128xf32, #tpu.memory_space<vmem>>
      tpu.wait_dma2 semaphore(%arg33 : memref<!tpu.dma_semaphore, #tpu.memory_space<semaphore_mem>>) src(%dma_wait3A_717 : memref<64x128xf32, #tpu.memory_space<vmem>>) dst(%dma_wait3A_714 : memref<64x128xf32, #tpu.memory_space<hbm>>)
    } else {
    }
    %eq3A_503 = arith.constant 1 : i32
    %eq3A_504 = arith.cmpi eq, %arg0, %eq3A_503 : i32
    %convert_element_type3A_505 = arith.extui %eq3A_504 : i1 to i32
    %cond3A_506 = arith.constant 0 : i32
    %cond3A_507 = arith.cmpi ne, %convert_element_type3A_505, %cond3A_506 : i32
    scf.if %cond3A_507 {
      %dma_wait3A_708 = arith.constant 0 : i32
      %dma_wait3A_709 = arith.constant 0 : i32
      %dma_wait3A_710 = tpu.memref_slice %arg13[%dma_wait3A_708, %dma_wait3A_709] : memref<80x128xf32, #tpu.memory_space<vmem>> -> memref<64x128xf32, #tpu.memory_space<vmem>>
      %dma_wait3A_711 = arith.constant 0 : i32
      %dma_wait3A_712 = tpu.memref_slice %arg7[%add3A_53, %dma_wait3A_711] : memref<8192x128xf32, #tpu.memory_space<hbm>> -> memref<64x128xf32, #tpu.memory_space<hbm>>
      %dma_wait3A_713 = arith.constant 0 : i32
      %dma_wait3A_714 = tpu.memref_slice %arg7[%add3A_53, %dma_wait3A_713] : memref<8192x128xf32, #tpu.memory_space<hbm>> -> memref<64x128xf32, #tpu.memory_space<hbm>>
      %dma_wait3A_715 = arith.constant 0 : i32
      %dma_wait3A_716 = arith.constant 0 : i32
      %dma_wait3A_717 = tpu.memref_slice %arg13[%dma_wait3A_715, %dma_wait3A_716] : memref<80x128xf32, #tpu.memory_space<vmem>> -> memref<64x128xf32, #tpu.memory_space<vmem>>
      tpu.wait_dma2 semaphore(%arg33 : memref<!tpu.dma_semaphore, #tpu.memory_space<semaphore_mem>>) src(%dma_wait3A_717 : memref<64x128xf32, #tpu.memory_space<vmem>>) dst(%dma_wait3A_714 : memref<64x128xf32, #tpu.memory_space<hbm>>)
    } else {
    }
    %eq3A_508 = arith.constant 0 : i32
    %eq3A_509 = arith.cmpi eq, %arg0, %eq3A_508 : i32
    %convert_element_type3A_510 = arith.extui %eq3A_509 : i1 to i32
    %cond3A_511 = arith.constant 0 : i32
    %cond3A_512 = arith.cmpi ne, %convert_element_type3A_510, %cond3A_511 : i32
    scf.if %cond3A_512 {
      %dma_wait3A_708 = tpu.memref_slice %arg8[%add3A_53] : memref<8192xf32, #tpu.memory_space<hbm>> -> memref<64xf32, #tpu.memory_space<hbm>>
      %dma_wait3A_709 = tpu.memref_slice %arg8[%add3A_53] : memref<8192xf32, #tpu.memory_space<hbm>> -> memref<64xf32, #tpu.memory_space<hbm>>
      tpu.wait_dma2 semaphore(%arg36 : memref<!tpu.dma_semaphore, #tpu.memory_space<semaphore_mem>>) src(%arg25 : memref<64xf32, #tpu.memory_space<vmem>>) dst(%dma_wait3A_709 : memref<64xf32, #tpu.memory_space<hbm>>)
    } else {
    }
    %eq3A_513 = arith.constant 1 : i32
    %eq3A_514 = arith.cmpi eq, %arg0, %eq3A_513 : i32
    %convert_element_type3A_515 = arith.extui %eq3A_514 : i1 to i32
    %cond3A_516 = arith.constant 0 : i32
    %cond3A_517 = arith.cmpi ne, %convert_element_type3A_515, %cond3A_516 : i32
    scf.if %cond3A_517 {
      %dma_wait3A_708 = tpu.memref_slice %arg9[%add3A_53] : memref<8192xf32, #tpu.memory_space<hbm>> -> memref<64xf32, #tpu.memory_space<hbm>>
      %dma_wait3A_709 = tpu.memref_slice %arg9[%add3A_53] : memref<8192xf32, #tpu.memory_space<hbm>> -> memref<64xf32, #tpu.memory_space<hbm>>
      tpu.wait_dma2 semaphore(%arg36 : memref<!tpu.dma_semaphore, #tpu.memory_space<semaphore_mem>>) src(%arg25 : memref<64xf32, #tpu.memory_space<vmem>>) dst(%dma_wait3A_709 : memref<64xf32, #tpu.memory_space<hbm>>)
    } else {
    }
    %dma_start3A_518 = tpu.memref_slice %arg4[%add3A_61] : memref<8192xi32, #tpu.memory_space<hbm>> -> memref<64xi32, #tpu.memory_space<hbm>>
    %dma_start3A_519 = tpu.memref_slice %arg4[%add3A_61] : memref<8192xi32, #tpu.memory_space<hbm>> -> memref<64xi32, #tpu.memory_space<hbm>>
    tpu.enqueue_dma source(%dma_start3A_519 : memref<64xi32, #tpu.memory_space<hbm>>) target(%arg23 : memref<64xi32, #tpu.memory_space<vmem>>) target_semaphore(%arg40 : memref<!tpu.dma_semaphore, #tpu.memory_space<semaphore_mem>>)
    %dma_wait3A_520 = arith.constant 0 : i32
    %dma_wait3A_521 = tpu.memref_slice %arg4[%dma_wait3A_520] : memref<8192xi32, #tpu.memory_space<hbm>> -> memref<64xi32, #tpu.memory_space<hbm>>
    %dma_wait3A_522 = arith.constant 0 : i32
    %dma_wait3A_523 = tpu.memref_slice %arg4[%dma_wait3A_522] : memref<8192xi32, #tpu.memory_space<hbm>> -> memref<64xi32, #tpu.memory_space<hbm>>
    tpu.wait_dma2 semaphore(%arg39 : memref<!tpu.dma_semaphore, #tpu.memory_space<semaphore_mem>>) src(%dma_wait3A_523 : memref<64xi32, #tpu.memory_space<hbm>>) dst(%arg22 : memref<64xi32, #tpu.memory_space<vmem>>)
    %dma_start3A_524 = arith.constant 0 : i32
    %dma_start3A_525 = arith.constant 0 : i32
    %dma_start3A_526 = tpu.memref_slice %arg13[%dma_start3A_524, %dma_start3A_525] : memref<80x128xf32, #tpu.memory_space<vmem>> -> memref<64x128xf32, #tpu.memory_space<vmem>>
    %dma_start3A_527 = arith.constant 0 : i32
    %dma_start3A_528 = arith.constant 0 : i32
    %dma_start3A_529 = tpu.memref_slice %arg10[%dma_start3A_527, %dma_start3A_528] : memref<10240x128xf32, #tpu.memory_space<vmem_shared>> -> memref<10240x128xf32, #tpu.memory_space<vmem_shared>>
    tpu.enqueue_indirect_dma source(%dma_start3A_529 : memref<10240x128xf32, #tpu.memory_space<vmem_shared>>) target(%dma_start3A_526 : memref<64x128xf32, #tpu.memory_space<vmem>>) offsets(%arg22 : memref<64xi32, #tpu.memory_space<vmem>>) semaphore(%arg30 : memref<!tpu.dma_semaphore, #tpu.memory_space<semaphore_mem>>)
    %dma_start3A_530 = arith.constant 0 : i32
    %dma_start3A_531 = tpu.memref_slice %arg11[%dma_start3A_530] : memref<10240xf32, #tpu.memory_space<vmem_shared>> -> memref<10240xf32, #tpu.memory_space<vmem_shared>>
    tpu.enqueue_indirect_dma source(%dma_start3A_531 : memref<10240xf32, #tpu.memory_space<vmem_shared>>) target(%arg25 : memref<64xf32, #tpu.memory_space<vmem>>) offsets(%arg22 : memref<64xi32, #tpu.memory_space<vmem>>) semaphore(%arg45 : memref<!tpu.dma_semaphore, #tpu.memory_space<semaphore_mem>>)
    %dma_wait3A_532 = arith.constant 0 : i32
    %dma_wait3A_533 = arith.constant 0 : i32
    %dma_wait3A_534 = tpu.memref_slice %arg12[%dma_wait3A_532, %dma_wait3A_533] : memref<80x128xf32, #tpu.memory_space<vmem>> -> memref<64x128xf32, #tpu.memory_space<vmem>>
    %dma_wait3A_535 = arith.constant 0 : i32
    %dma_wait3A_536 = arith.constant 0 : i32
    %dma_wait3A_537 = tpu.memref_slice %arg10[%dma_wait3A_535, %dma_wait3A_536] : memref<10240x128xf32, #tpu.memory_space<vmem_shared>> -> memref<10240x128xf32, #tpu.memory_space<vmem_shared>>
    tpu.wait_indirect_dma semaphore(%arg29 : memref<!tpu.dma_semaphore, #tpu.memory_space<semaphore_mem>>) src(%dma_wait3A_537 : memref<10240x128xf32, #tpu.memory_space<vmem_shared>>) dst(%dma_wait3A_534 : memref<64x128xf32, #tpu.memory_space<vmem>>)
    %dma_wait3A_538 = arith.constant 0 : i32
    %dma_wait3A_539 = tpu.memref_slice %arg11[%dma_wait3A_538] : memref<10240xf32, #tpu.memory_space<vmem_shared>> -> memref<10240xf32, #tpu.memory_space<vmem_shared>>
    tpu.wait_indirect_dma semaphore(%arg44 : memref<!tpu.dma_semaphore, #tpu.memory_space<semaphore_mem>>) src(%dma_wait3A_539 : memref<10240xf32, #tpu.memory_space<vmem_shared>>) dst(%arg24 : memref<64xf32, #tpu.memory_space<vmem>>)
    %eq3A_540 = arith.constant 0 : i32
    %eq3A_541 = arith.cmpi eq, %arg0, %eq3A_540 : i32
    %convert_element_type3A_542 = arith.extui %eq3A_541 : i1 to i32
    %cond3A_543 = arith.constant 0 : i32
    %cond3A_544 = arith.cmpi ne, %convert_element_type3A_542, %cond3A_543 : i32
    scf.if %cond3A_544 {
      %dma_start3A_708 = arith.constant 0 : i32
      %dma_start3A_709 = arith.constant 0 : i32
      %dma_start3A_710 = tpu.memref_slice %arg12[%dma_start3A_708, %dma_start3A_709] : memref<80x128xf32, #tpu.memory_space<vmem>> -> memref<64x128xf32, #tpu.memory_space<vmem>>
      %dma_start3A_711 = arith.constant 0 : i32
      %dma_start3A_712 = tpu.memref_slice %arg6[%add3A_57, %dma_start3A_711] : memref<8192x128xf32, #tpu.memory_space<hbm>> -> memref<64x128xf32, #tpu.memory_space<hbm>>
      %dma_start3A_713 = arith.constant 0 : i32
      %dma_start3A_714 = tpu.memref_slice %arg6[%add3A_57, %dma_start3A_713] : memref<8192x128xf32, #tpu.memory_space<hbm>> -> memref<64x128xf32, #tpu.memory_space<hbm>>
      %dma_start3A_715 = arith.constant 0 : i32
      %dma_start3A_716 = arith.constant 0 : i32
      %dma_start3A_717 = tpu.memref_slice %arg12[%dma_start3A_715, %dma_start3A_716] : memref<80x128xf32, #tpu.memory_space<vmem>> -> memref<64x128xf32, #tpu.memory_space<vmem>>
      tpu.enqueue_dma source(%dma_start3A_717 : memref<64x128xf32, #tpu.memory_space<vmem>>) target(%dma_start3A_714 : memref<64x128xf32, #tpu.memory_space<hbm>>) target_semaphore(%arg32 : memref<!tpu.dma_semaphore, #tpu.memory_space<semaphore_mem>>)
    } else {
    }
    %eq3A_545 = arith.constant 1 : i32
    %eq3A_546 = arith.cmpi eq, %arg0, %eq3A_545 : i32
    %convert_element_type3A_547 = arith.extui %eq3A_546 : i1 to i32
    %cond3A_548 = arith.constant 0 : i32
    %cond3A_549 = arith.cmpi ne, %convert_element_type3A_547, %cond3A_548 : i32
    scf.if %cond3A_549 {
      %dma_start3A_708 = arith.constant 0 : i32
      %dma_start3A_709 = arith.constant 0 : i32
      %dma_start3A_710 = tpu.memref_slice %arg12[%dma_start3A_708, %dma_start3A_709] : memref<80x128xf32, #tpu.memory_space<vmem>> -> memref<64x128xf32, #tpu.memory_space<vmem>>
      %dma_start3A_711 = arith.constant 0 : i32
      %dma_start3A_712 = tpu.memref_slice %arg7[%add3A_57, %dma_start3A_711] : memref<8192x128xf32, #tpu.memory_space<hbm>> -> memref<64x128xf32, #tpu.memory_space<hbm>>
      %dma_start3A_713 = arith.constant 0 : i32
      %dma_start3A_714 = tpu.memref_slice %arg7[%add3A_57, %dma_start3A_713] : memref<8192x128xf32, #tpu.memory_space<hbm>> -> memref<64x128xf32, #tpu.memory_space<hbm>>
      %dma_start3A_715 = arith.constant 0 : i32
      %dma_start3A_716 = arith.constant 0 : i32
      %dma_start3A_717 = tpu.memref_slice %arg12[%dma_start3A_715, %dma_start3A_716] : memref<80x128xf32, #tpu.memory_space<vmem>> -> memref<64x128xf32, #tpu.memory_space<vmem>>
      tpu.enqueue_dma source(%dma_start3A_717 : memref<64x128xf32, #tpu.memory_space<vmem>>) target(%dma_start3A_714 : memref<64x128xf32, #tpu.memory_space<hbm>>) target_semaphore(%arg32 : memref<!tpu.dma_semaphore, #tpu.memory_space<semaphore_mem>>)
    } else {
    }
    %eq3A_550 = arith.constant 0 : i32
    %eq3A_551 = arith.cmpi eq, %arg0, %eq3A_550 : i32
    %convert_element_type3A_552 = arith.extui %eq3A_551 : i1 to i32
    %cond3A_553 = arith.constant 0 : i32
    %cond3A_554 = arith.cmpi ne, %convert_element_type3A_552, %cond3A_553 : i32
    scf.if %cond3A_554 {
      %dma_start3A_708 = tpu.memref_slice %arg8[%add3A_57] : memref<8192xf32, #tpu.memory_space<hbm>> -> memref<64xf32, #tpu.memory_space<hbm>>
      %dma_start3A_709 = tpu.memref_slice %arg8[%add3A_57] : memref<8192xf32, #tpu.memory_space<hbm>> -> memref<64xf32, #tpu.memory_space<hbm>>
      tpu.enqueue_dma source(%arg24 : memref<64xf32, #tpu.memory_space<vmem>>) target(%dma_start3A_709 : memref<64xf32, #tpu.memory_space<hbm>>) target_semaphore(%arg35 : memref<!tpu.dma_semaphore, #tpu.memory_space<semaphore_mem>>)
    } else {
    }
    %eq3A_555 = arith.constant 1 : i32
    %eq3A_556 = arith.cmpi eq, %arg0, %eq3A_555 : i32
    %convert_element_type3A_557 = arith.extui %eq3A_556 : i1 to i32
    %cond3A_558 = arith.constant 0 : i32
    %cond3A_559 = arith.cmpi ne, %convert_element_type3A_557, %cond3A_558 : i32
    scf.if %cond3A_559 {
      %dma_start3A_708 = tpu.memref_slice %arg9[%add3A_57] : memref<8192xf32, #tpu.memory_space<hbm>> -> memref<64xf32, #tpu.memory_space<hbm>>
      %dma_start3A_709 = tpu.memref_slice %arg9[%add3A_57] : memref<8192xf32, #tpu.memory_space<hbm>> -> memref<64xf32, #tpu.memory_space<hbm>>
      tpu.enqueue_dma source(%arg24 : memref<64xf32, #tpu.memory_space<vmem>>) target(%dma_start3A_709 : memref<64xf32, #tpu.memory_space<hbm>>) target_semaphore(%arg35 : memref<!tpu.dma_semaphore, #tpu.memory_space<semaphore_mem>>)
    } else {
    }
    %eq3A_560 = arith.constant 0 : i32
    %eq3A_561 = arith.cmpi eq, %arg0, %eq3A_560 : i32
    %convert_element_type3A_562 = arith.extui %eq3A_561 : i1 to i32
    %cond3A_563 = arith.constant 0 : i32
    %cond3A_564 = arith.cmpi ne, %convert_element_type3A_562, %cond3A_563 : i32
    scf.if %cond3A_564 {
      %dma_wait3A_708 = arith.constant 0 : i32
      %dma_wait3A_709 = arith.constant 0 : i32
      %dma_wait3A_710 = tpu.memref_slice %arg14[%dma_wait3A_708, %dma_wait3A_709] : memref<80x128xf32, #tpu.memory_space<vmem>> -> memref<64x128xf32, #tpu.memory_space<vmem>>
      %dma_wait3A_711 = arith.constant 0 : i32
      %dma_wait3A_712 = tpu.memref_slice %arg6[%add3A_55, %dma_wait3A_711] : memref<8192x128xf32, #tpu.memory_space<hbm>> -> memref<64x128xf32, #tpu.memory_space<hbm>>
      %dma_wait3A_713 = arith.constant 0 : i32
      %dma_wait3A_714 = tpu.memref_slice %arg6[%add3A_55, %dma_wait3A_713] : memref<8192x128xf32, #tpu.memory_space<hbm>> -> memref<64x128xf32, #tpu.memory_space<hbm>>
      %dma_wait3A_715 = arith.constant 0 : i32
      %dma_wait3A_716 = arith.constant 0 : i32
      %dma_wait3A_717 = tpu.memref_slice %arg14[%dma_wait3A_715, %dma_wait3A_716] : memref<80x128xf32, #tpu.memory_space<vmem>> -> memref<64x128xf32, #tpu.memory_space<vmem>>
      tpu.wait_dma2 semaphore(%arg34 : memref<!tpu.dma_semaphore, #tpu.memory_space<semaphore_mem>>) src(%dma_wait3A_717 : memref<64x128xf32, #tpu.memory_space<vmem>>) dst(%dma_wait3A_714 : memref<64x128xf32, #tpu.memory_space<hbm>>)
    } else {
    }
    %eq3A_565 = arith.constant 1 : i32
    %eq3A_566 = arith.cmpi eq, %arg0, %eq3A_565 : i32
    %convert_element_type3A_567 = arith.extui %eq3A_566 : i1 to i32
    %cond3A_568 = arith.constant 0 : i32
    %cond3A_569 = arith.cmpi ne, %convert_element_type3A_567, %cond3A_568 : i32
    scf.if %cond3A_569 {
      %dma_wait3A_708 = arith.constant 0 : i32
      %dma_wait3A_709 = arith.constant 0 : i32
      %dma_wait3A_710 = tpu.memref_slice %arg14[%dma_wait3A_708, %dma_wait3A_709] : memref<80x128xf32, #tpu.memory_space<vmem>> -> memref<64x128xf32, #tpu.memory_space<vmem>>
      %dma_wait3A_711 = arith.constant 0 : i32
      %dma_wait3A_712 = tpu.memref_slice %arg7[%add3A_55, %dma_wait3A_711] : memref<8192x128xf32, #tpu.memory_space<hbm>> -> memref<64x128xf32, #tpu.memory_space<hbm>>
      %dma_wait3A_713 = arith.constant 0 : i32
      %dma_wait3A_714 = tpu.memref_slice %arg7[%add3A_55, %dma_wait3A_713] : memref<8192x128xf32, #tpu.memory_space<hbm>> -> memref<64x128xf32, #tpu.memory_space<hbm>>
      %dma_wait3A_715 = arith.constant 0 : i32
      %dma_wait3A_716 = arith.constant 0 : i32
      %dma_wait3A_717 = tpu.memref_slice %arg14[%dma_wait3A_715, %dma_wait3A_716] : memref<80x128xf32, #tpu.memory_space<vmem>> -> memref<64x128xf32, #tpu.memory_space<vmem>>
      tpu.wait_dma2 semaphore(%arg34 : memref<!tpu.dma_semaphore, #tpu.memory_space<semaphore_mem>>) src(%dma_wait3A_717 : memref<64x128xf32, #tpu.memory_space<vmem>>) dst(%dma_wait3A_714 : memref<64x128xf32, #tpu.memory_space<hbm>>)
    } else {
    }
    %eq3A_570 = arith.constant 0 : i32
    %eq3A_571 = arith.cmpi eq, %arg0, %eq3A_570 : i32
    %convert_element_type3A_572 = arith.extui %eq3A_571 : i1 to i32
    %cond3A_573 = arith.constant 0 : i32
    %cond3A_574 = arith.cmpi ne, %convert_element_type3A_572, %cond3A_573 : i32
    scf.if %cond3A_574 {
      %dma_wait3A_708 = tpu.memref_slice %arg8[%add3A_55] : memref<8192xf32, #tpu.memory_space<hbm>> -> memref<64xf32, #tpu.memory_space<hbm>>
      %dma_wait3A_709 = tpu.memref_slice %arg8[%add3A_55] : memref<8192xf32, #tpu.memory_space<hbm>> -> memref<64xf32, #tpu.memory_space<hbm>>
      tpu.wait_dma2 semaphore(%arg37 : memref<!tpu.dma_semaphore, #tpu.memory_space<semaphore_mem>>) src(%arg26 : memref<64xf32, #tpu.memory_space<vmem>>) dst(%dma_wait3A_709 : memref<64xf32, #tpu.memory_space<hbm>>)
    } else {
    }
    %eq3A_575 = arith.constant 1 : i32
    %eq3A_576 = arith.cmpi eq, %arg0, %eq3A_575 : i32
    %convert_element_type3A_577 = arith.extui %eq3A_576 : i1 to i32
    %cond3A_578 = arith.constant 0 : i32
    %cond3A_579 = arith.cmpi ne, %convert_element_type3A_577, %cond3A_578 : i32
    scf.if %cond3A_579 {
      %dma_wait3A_708 = tpu.memref_slice %arg9[%add3A_55] : memref<8192xf32, #tpu.memory_space<hbm>> -> memref<64xf32, #tpu.memory_space<hbm>>
      %dma_wait3A_709 = tpu.memref_slice %arg9[%add3A_55] : memref<8192xf32, #tpu.memory_space<hbm>> -> memref<64xf32, #tpu.memory_space<hbm>>
      tpu.wait_dma2 semaphore(%arg37 : memref<!tpu.dma_semaphore, #tpu.memory_space<semaphore_mem>>) src(%arg26 : memref<64xf32, #tpu.memory_space<vmem>>) dst(%dma_wait3A_709 : memref<64xf32, #tpu.memory_space<hbm>>)
    } else {
    }
    %dma_wait3A_580 = arith.constant 0 : i32
    %dma_wait3A_581 = tpu.memref_slice %arg4[%dma_wait3A_580] : memref<8192xi32, #tpu.memory_space<hbm>> -> memref<64xi32, #tpu.memory_space<hbm>>
    %dma_wait3A_582 = arith.constant 0 : i32
    %dma_wait3A_583 = tpu.memref_slice %arg4[%dma_wait3A_582] : memref<8192xi32, #tpu.memory_space<hbm>> -> memref<64xi32, #tpu.memory_space<hbm>>
    tpu.wait_dma2 semaphore(%arg40 : memref<!tpu.dma_semaphore, #tpu.memory_space<semaphore_mem>>) src(%dma_wait3A_583 : memref<64xi32, #tpu.memory_space<hbm>>) dst(%arg23 : memref<64xi32, #tpu.memory_space<vmem>>)
    %dma_start3A_584 = arith.constant 0 : i32
    %dma_start3A_585 = arith.constant 0 : i32
    %dma_start3A_586 = tpu.memref_slice %arg14[%dma_start3A_584, %dma_start3A_585] : memref<80x128xf32, #tpu.memory_space<vmem>> -> memref<64x128xf32, #tpu.memory_space<vmem>>
    %dma_start3A_587 = arith.constant 0 : i32
    %dma_start3A_588 = arith.constant 0 : i32
    %dma_start3A_589 = tpu.memref_slice %arg10[%dma_start3A_587, %dma_start3A_588] : memref<10240x128xf32, #tpu.memory_space<vmem_shared>> -> memref<10240x128xf32, #tpu.memory_space<vmem_shared>>
    tpu.enqueue_indirect_dma source(%dma_start3A_589 : memref<10240x128xf32, #tpu.memory_space<vmem_shared>>) target(%dma_start3A_586 : memref<64x128xf32, #tpu.memory_space<vmem>>) offsets(%arg23 : memref<64xi32, #tpu.memory_space<vmem>>) semaphore(%arg31 : memref<!tpu.dma_semaphore, #tpu.memory_space<semaphore_mem>>)
    %dma_start3A_590 = arith.constant 0 : i32
    %dma_start3A_591 = tpu.memref_slice %arg11[%dma_start3A_590] : memref<10240xf32, #tpu.memory_space<vmem_shared>> -> memref<10240xf32, #tpu.memory_space<vmem_shared>>
    tpu.enqueue_indirect_dma source(%dma_start3A_591 : memref<10240xf32, #tpu.memory_space<vmem_shared>>) target(%arg26 : memref<64xf32, #tpu.memory_space<vmem>>) offsets(%arg23 : memref<64xi32, #tpu.memory_space<vmem>>) semaphore(%arg46 : memref<!tpu.dma_semaphore, #tpu.memory_space<semaphore_mem>>)
    %dma_wait3A_592 = arith.constant 0 : i32
    %dma_wait3A_593 = arith.constant 0 : i32
    %dma_wait3A_594 = tpu.memref_slice %arg13[%dma_wait3A_592, %dma_wait3A_593] : memref<80x128xf32, #tpu.memory_space<vmem>> -> memref<64x128xf32, #tpu.memory_space<vmem>>
    %dma_wait3A_595 = arith.constant 0 : i32
    %dma_wait3A_596 = arith.constant 0 : i32
    %dma_wait3A_597 = tpu.memref_slice %arg10[%dma_wait3A_595, %dma_wait3A_596] : memref<10240x128xf32, #tpu.memory_space<vmem_shared>> -> memref<10240x128xf32, #tpu.memory_space<vmem_shared>>
    tpu.wait_indirect_dma semaphore(%arg30 : memref<!tpu.dma_semaphore, #tpu.memory_space<semaphore_mem>>) src(%dma_wait3A_597 : memref<10240x128xf32, #tpu.memory_space<vmem_shared>>) dst(%dma_wait3A_594 : memref<64x128xf32, #tpu.memory_space<vmem>>)
    %dma_wait3A_598 = arith.constant 0 : i32
    %dma_wait3A_599 = tpu.memref_slice %arg11[%dma_wait3A_598] : memref<10240xf32, #tpu.memory_space<vmem_shared>> -> memref<10240xf32, #tpu.memory_space<vmem_shared>>
    tpu.wait_indirect_dma semaphore(%arg45 : memref<!tpu.dma_semaphore, #tpu.memory_space<semaphore_mem>>) src(%dma_wait3A_599 : memref<10240xf32, #tpu.memory_space<vmem_shared>>) dst(%arg25 : memref<64xf32, #tpu.memory_space<vmem>>)
    %eq3A_600 = arith.constant 0 : i32
    %eq3A_601 = arith.cmpi eq, %arg0, %eq3A_600 : i32
    %convert_element_type3A_602 = arith.extui %eq3A_601 : i1 to i32
    %cond3A_603 = arith.constant 0 : i32
    %cond3A_604 = arith.cmpi ne, %convert_element_type3A_602, %cond3A_603 : i32
    scf.if %cond3A_604 {
      %dma_start3A_708 = arith.constant 0 : i32
      %dma_start3A_709 = arith.constant 0 : i32
      %dma_start3A_710 = tpu.memref_slice %arg13[%dma_start3A_708, %dma_start3A_709] : memref<80x128xf32, #tpu.memory_space<vmem>> -> memref<64x128xf32, #tpu.memory_space<vmem>>
      %dma_start3A_711 = arith.constant 0 : i32
      %dma_start3A_712 = tpu.memref_slice %arg6[%add3A_59, %dma_start3A_711] : memref<8192x128xf32, #tpu.memory_space<hbm>> -> memref<64x128xf32, #tpu.memory_space<hbm>>
      %dma_start3A_713 = arith.constant 0 : i32
      %dma_start3A_714 = tpu.memref_slice %arg6[%add3A_59, %dma_start3A_713] : memref<8192x128xf32, #tpu.memory_space<hbm>> -> memref<64x128xf32, #tpu.memory_space<hbm>>
      %dma_start3A_715 = arith.constant 0 : i32
      %dma_start3A_716 = arith.constant 0 : i32
      %dma_start3A_717 = tpu.memref_slice %arg13[%dma_start3A_715, %dma_start3A_716] : memref<80x128xf32, #tpu.memory_space<vmem>> -> memref<64x128xf32, #tpu.memory_space<vmem>>
      tpu.enqueue_dma source(%dma_start3A_717 : memref<64x128xf32, #tpu.memory_space<vmem>>) target(%dma_start3A_714 : memref<64x128xf32, #tpu.memory_space<hbm>>) target_semaphore(%arg33 : memref<!tpu.dma_semaphore, #tpu.memory_space<semaphore_mem>>)
    } else {
    }
    %eq3A_605 = arith.constant 1 : i32
    %eq3A_606 = arith.cmpi eq, %arg0, %eq3A_605 : i32
    %convert_element_type3A_607 = arith.extui %eq3A_606 : i1 to i32
    %cond3A_608 = arith.constant 0 : i32
    %cond3A_609 = arith.cmpi ne, %convert_element_type3A_607, %cond3A_608 : i32
    scf.if %cond3A_609 {
      %dma_start3A_708 = arith.constant 0 : i32
      %dma_start3A_709 = arith.constant 0 : i32
      %dma_start3A_710 = tpu.memref_slice %arg13[%dma_start3A_708, %dma_start3A_709] : memref<80x128xf32, #tpu.memory_space<vmem>> -> memref<64x128xf32, #tpu.memory_space<vmem>>
      %dma_start3A_711 = arith.constant 0 : i32
      %dma_start3A_712 = tpu.memref_slice %arg7[%add3A_59, %dma_start3A_711] : memref<8192x128xf32, #tpu.memory_space<hbm>> -> memref<64x128xf32, #tpu.memory_space<hbm>>
      %dma_start3A_713 = arith.constant 0 : i32
      %dma_start3A_714 = tpu.memref_slice %arg7[%add3A_59, %dma_start3A_713] : memref<8192x128xf32, #tpu.memory_space<hbm>> -> memref<64x128xf32, #tpu.memory_space<hbm>>
      %dma_start3A_715 = arith.constant 0 : i32
      %dma_start3A_716 = arith.constant 0 : i32
      %dma_start3A_717 = tpu.memref_slice %arg13[%dma_start3A_715, %dma_start3A_716] : memref<80x128xf32, #tpu.memory_space<vmem>> -> memref<64x128xf32, #tpu.memory_space<vmem>>
      tpu.enqueue_dma source(%dma_start3A_717 : memref<64x128xf32, #tpu.memory_space<vmem>>) target(%dma_start3A_714 : memref<64x128xf32, #tpu.memory_space<hbm>>) target_semaphore(%arg33 : memref<!tpu.dma_semaphore, #tpu.memory_space<semaphore_mem>>)
    } else {
    }
    %eq3A_610 = arith.constant 0 : i32
    %eq3A_611 = arith.cmpi eq, %arg0, %eq3A_610 : i32
    %convert_element_type3A_612 = arith.extui %eq3A_611 : i1 to i32
    %cond3A_613 = arith.constant 0 : i32
    %cond3A_614 = arith.cmpi ne, %convert_element_type3A_612, %cond3A_613 : i32
    scf.if %cond3A_614 {
      %dma_start3A_708 = tpu.memref_slice %arg8[%add3A_59] : memref<8192xf32, #tpu.memory_space<hbm>> -> memref<64xf32, #tpu.memory_space<hbm>>
      %dma_start3A_709 = tpu.memref_slice %arg8[%add3A_59] : memref<8192xf32, #tpu.memory_space<hbm>> -> memref<64xf32, #tpu.memory_space<hbm>>
      tpu.enqueue_dma source(%arg25 : memref<64xf32, #tpu.memory_space<vmem>>) target(%dma_start3A_709 : memref<64xf32, #tpu.memory_space<hbm>>) target_semaphore(%arg36 : memref<!tpu.dma_semaphore, #tpu.memory_space<semaphore_mem>>)
    } else {
    }
    %eq3A_615 = arith.constant 1 : i32
    %eq3A_616 = arith.cmpi eq, %arg0, %eq3A_615 : i32
    %convert_element_type3A_617 = arith.extui %eq3A_616 : i1 to i32
    %cond3A_618 = arith.constant 0 : i32
    %cond3A_619 = arith.cmpi ne, %convert_element_type3A_617, %cond3A_618 : i32
    scf.if %cond3A_619 {
      %dma_start3A_708 = tpu.memref_slice %arg9[%add3A_59] : memref<8192xf32, #tpu.memory_space<hbm>> -> memref<64xf32, #tpu.memory_space<hbm>>
      %dma_start3A_709 = tpu.memref_slice %arg9[%add3A_59] : memref<8192xf32, #tpu.memory_space<hbm>> -> memref<64xf32, #tpu.memory_space<hbm>>
      tpu.enqueue_dma source(%arg25 : memref<64xf32, #tpu.memory_space<vmem>>) target(%dma_start3A_709 : memref<64xf32, #tpu.memory_space<hbm>>) target_semaphore(%arg36 : memref<!tpu.dma_semaphore, #tpu.memory_space<semaphore_mem>>)
    } else {
    }
    %dma_wait3A_620 = arith.constant 0 : i32
    %dma_wait3A_621 = arith.constant 0 : i32
    %dma_wait3A_622 = tpu.memref_slice %arg14[%dma_wait3A_620, %dma_wait3A_621] : memref<80x128xf32, #tpu.memory_space<vmem>> -> memref<64x128xf32, #tpu.memory_space<vmem>>
    %dma_wait3A_623 = arith.constant 0 : i32
    %dma_wait3A_624 = arith.constant 0 : i32
    %dma_wait3A_625 = tpu.memref_slice %arg10[%dma_wait3A_623, %dma_wait3A_624] : memref<10240x128xf32, #tpu.memory_space<vmem_shared>> -> memref<10240x128xf32, #tpu.memory_space<vmem_shared>>
    tpu.wait_indirect_dma semaphore(%arg31 : memref<!tpu.dma_semaphore, #tpu.memory_space<semaphore_mem>>) src(%dma_wait3A_625 : memref<10240x128xf32, #tpu.memory_space<vmem_shared>>) dst(%dma_wait3A_622 : memref<64x128xf32, #tpu.memory_space<vmem>>)
    %dma_wait3A_626 = arith.constant 0 : i32
    %dma_wait3A_627 = tpu.memref_slice %arg11[%dma_wait3A_626] : memref<10240xf32, #tpu.memory_space<vmem_shared>> -> memref<10240xf32, #tpu.memory_space<vmem_shared>>
    tpu.wait_indirect_dma semaphore(%arg46 : memref<!tpu.dma_semaphore, #tpu.memory_space<semaphore_mem>>) src(%dma_wait3A_627 : memref<10240xf32, #tpu.memory_space<vmem_shared>>) dst(%arg26 : memref<64xf32, #tpu.memory_space<vmem>>)
    %eq3A_628 = arith.constant 0 : i32
    %eq3A_629 = arith.cmpi eq, %arg0, %eq3A_628 : i32
    %convert_element_type3A_630 = arith.extui %eq3A_629 : i1 to i32
    %cond3A_631 = arith.constant 0 : i32
    %cond3A_632 = arith.cmpi ne, %convert_element_type3A_630, %cond3A_631 : i32
    scf.if %cond3A_632 {
      %dma_start3A_708 = arith.constant 0 : i32
      %dma_start3A_709 = arith.constant 0 : i32
      %dma_start3A_710 = tpu.memref_slice %arg14[%dma_start3A_708, %dma_start3A_709] : memref<80x128xf32, #tpu.memory_space<vmem>> -> memref<64x128xf32, #tpu.memory_space<vmem>>
      %dma_start3A_711 = arith.constant 0 : i32
      %dma_start3A_712 = tpu.memref_slice %arg6[%add3A_61, %dma_start3A_711] : memref<8192x128xf32, #tpu.memory_space<hbm>> -> memref<64x128xf32, #tpu.memory_space<hbm>>
      %dma_start3A_713 = arith.constant 0 : i32
      %dma_start3A_714 = tpu.memref_slice %arg6[%add3A_61, %dma_start3A_713] : memref<8192x128xf32, #tpu.memory_space<hbm>> -> memref<64x128xf32, #tpu.memory_space<hbm>>
      %dma_start3A_715 = arith.constant 0 : i32
      %dma_start3A_716 = arith.constant 0 : i32
      %dma_start3A_717 = tpu.memref_slice %arg14[%dma_start3A_715, %dma_start3A_716] : memref<80x128xf32, #tpu.memory_space<vmem>> -> memref<64x128xf32, #tpu.memory_space<vmem>>
      tpu.enqueue_dma source(%dma_start3A_717 : memref<64x128xf32, #tpu.memory_space<vmem>>) target(%dma_start3A_714 : memref<64x128xf32, #tpu.memory_space<hbm>>) target_semaphore(%arg34 : memref<!tpu.dma_semaphore, #tpu.memory_space<semaphore_mem>>)
    } else {
    }
    %eq3A_633 = arith.constant 1 : i32
    %eq3A_634 = arith.cmpi eq, %arg0, %eq3A_633 : i32
    %convert_element_type3A_635 = arith.extui %eq3A_634 : i1 to i32
    %cond3A_636 = arith.constant 0 : i32
    %cond3A_637 = arith.cmpi ne, %convert_element_type3A_635, %cond3A_636 : i32
    scf.if %cond3A_637 {
      %dma_start3A_708 = arith.constant 0 : i32
      %dma_start3A_709 = arith.constant 0 : i32
      %dma_start3A_710 = tpu.memref_slice %arg14[%dma_start3A_708, %dma_start3A_709] : memref<80x128xf32, #tpu.memory_space<vmem>> -> memref<64x128xf32, #tpu.memory_space<vmem>>
      %dma_start3A_711 = arith.constant 0 : i32
      %dma_start3A_712 = tpu.memref_slice %arg7[%add3A_61, %dma_start3A_711] : memref<8192x128xf32, #tpu.memory_space<hbm>> -> memref<64x128xf32, #tpu.memory_space<hbm>>
      %dma_start3A_713 = arith.constant 0 : i32
      %dma_start3A_714 = tpu.memref_slice %arg7[%add3A_61, %dma_start3A_713] : memref<8192x128xf32, #tpu.memory_space<hbm>> -> memref<64x128xf32, #tpu.memory_space<hbm>>
      %dma_start3A_715 = arith.constant 0 : i32
      %dma_start3A_716 = arith.constant 0 : i32
      %dma_start3A_717 = tpu.memref_slice %arg14[%dma_start3A_715, %dma_start3A_716] : memref<80x128xf32, #tpu.memory_space<vmem>> -> memref<64x128xf32, #tpu.memory_space<vmem>>
      tpu.enqueue_dma source(%dma_start3A_717 : memref<64x128xf32, #tpu.memory_space<vmem>>) target(%dma_start3A_714 : memref<64x128xf32, #tpu.memory_space<hbm>>) target_semaphore(%arg34 : memref<!tpu.dma_semaphore, #tpu.memory_space<semaphore_mem>>)
    } else {
    }
    %eq3A_638 = arith.constant 0 : i32
    %eq3A_639 = arith.cmpi eq, %arg0, %eq3A_638 : i32
    %convert_element_type3A_640 = arith.extui %eq3A_639 : i1 to i32
    %cond3A_641 = arith.constant 0 : i32
    %cond3A_642 = arith.cmpi ne, %convert_element_type3A_640, %cond3A_641 : i32
    scf.if %cond3A_642 {
      %dma_start3A_708 = tpu.memref_slice %arg8[%add3A_61] : memref<8192xf32, #tpu.memory_space<hbm>> -> memref<64xf32, #tpu.memory_space<hbm>>
      %dma_start3A_709 = tpu.memref_slice %arg8[%add3A_61] : memref<8192xf32, #tpu.memory_space<hbm>> -> memref<64xf32, #tpu.memory_space<hbm>>
      tpu.enqueue_dma source(%arg26 : memref<64xf32, #tpu.memory_space<vmem>>) target(%dma_start3A_709 : memref<64xf32, #tpu.memory_space<hbm>>) target_semaphore(%arg37 : memref<!tpu.dma_semaphore, #tpu.memory_space<semaphore_mem>>)
    } else {
    }
    %eq3A_643 = arith.constant 1 : i32
    %eq3A_644 = arith.cmpi eq, %arg0, %eq3A_643 : i32
    %convert_element_type3A_645 = arith.extui %eq3A_644 : i1 to i32
    %cond3A_646 = arith.constant 0 : i32
    %cond3A_647 = arith.cmpi ne, %convert_element_type3A_645, %cond3A_646 : i32
    scf.if %cond3A_647 {
      %dma_start3A_708 = tpu.memref_slice %arg9[%add3A_61] : memref<8192xf32, #tpu.memory_space<hbm>> -> memref<64xf32, #tpu.memory_space<hbm>>
      %dma_start3A_709 = tpu.memref_slice %arg9[%add3A_61] : memref<8192xf32, #tpu.memory_space<hbm>> -> memref<64xf32, #tpu.memory_space<hbm>>
      tpu.enqueue_dma source(%arg26 : memref<64xf32, #tpu.memory_space<vmem>>) target(%dma_start3A_709 : memref<64xf32, #tpu.memory_space<hbm>>) target_semaphore(%arg37 : memref<!tpu.dma_semaphore, #tpu.memory_space<semaphore_mem>>)
    } else {
    }
    %eq3A_648 = arith.constant 0 : i32
    %eq3A_649 = arith.cmpi eq, %arg0, %eq3A_648 : i32
    %convert_element_type3A_650 = arith.extui %eq3A_649 : i1 to i32
    %cond3A_651 = arith.constant 0 : i32
    %cond3A_652 = arith.cmpi ne, %convert_element_type3A_650, %cond3A_651 : i32
    scf.if %cond3A_652 {
      %dma_wait3A_708 = arith.constant 0 : i32
      %dma_wait3A_709 = arith.constant 0 : i32
      %dma_wait3A_710 = tpu.memref_slice %arg12[%dma_wait3A_708, %dma_wait3A_709] : memref<80x128xf32, #tpu.memory_space<vmem>> -> memref<64x128xf32, #tpu.memory_space<vmem>>
      %dma_wait3A_711 = arith.constant 0 : i32
      %dma_wait3A_712 = tpu.memref_slice %arg6[%add3A_57, %dma_wait3A_711] : memref<8192x128xf32, #tpu.memory_space<hbm>> -> memref<64x128xf32, #tpu.memory_space<hbm>>
      %dma_wait3A_713 = arith.constant 0 : i32
      %dma_wait3A_714 = tpu.memref_slice %arg6[%add3A_57, %dma_wait3A_713] : memref<8192x128xf32, #tpu.memory_space<hbm>> -> memref<64x128xf32, #tpu.memory_space<hbm>>
      %dma_wait3A_715 = arith.constant 0 : i32
      %dma_wait3A_716 = arith.constant 0 : i32
      %dma_wait3A_717 = tpu.memref_slice %arg12[%dma_wait3A_715, %dma_wait3A_716] : memref<80x128xf32, #tpu.memory_space<vmem>> -> memref<64x128xf32, #tpu.memory_space<vmem>>
      tpu.wait_dma2 semaphore(%arg32 : memref<!tpu.dma_semaphore, #tpu.memory_space<semaphore_mem>>) src(%dma_wait3A_717 : memref<64x128xf32, #tpu.memory_space<vmem>>) dst(%dma_wait3A_714 : memref<64x128xf32, #tpu.memory_space<hbm>>)
    } else {
    }
    %eq3A_653 = arith.constant 1 : i32
    %eq3A_654 = arith.cmpi eq, %arg0, %eq3A_653 : i32
    %convert_element_type3A_655 = arith.extui %eq3A_654 : i1 to i32
    %cond3A_656 = arith.constant 0 : i32
    %cond3A_657 = arith.cmpi ne, %convert_element_type3A_655, %cond3A_656 : i32
    scf.if %cond3A_657 {
      %dma_wait3A_708 = arith.constant 0 : i32
      %dma_wait3A_709 = arith.constant 0 : i32
      %dma_wait3A_710 = tpu.memref_slice %arg12[%dma_wait3A_708, %dma_wait3A_709] : memref<80x128xf32, #tpu.memory_space<vmem>> -> memref<64x128xf32, #tpu.memory_space<vmem>>
      %dma_wait3A_711 = arith.constant 0 : i32
      %dma_wait3A_712 = tpu.memref_slice %arg7[%add3A_57, %dma_wait3A_711] : memref<8192x128xf32, #tpu.memory_space<hbm>> -> memref<64x128xf32, #tpu.memory_space<hbm>>
      %dma_wait3A_713 = arith.constant 0 : i32
      %dma_wait3A_714 = tpu.memref_slice %arg7[%add3A_57, %dma_wait3A_713] : memref<8192x128xf32, #tpu.memory_space<hbm>> -> memref<64x128xf32, #tpu.memory_space<hbm>>
      %dma_wait3A_715 = arith.constant 0 : i32
      %dma_wait3A_716 = arith.constant 0 : i32
      %dma_wait3A_717 = tpu.memref_slice %arg12[%dma_wait3A_715, %dma_wait3A_716] : memref<80x128xf32, #tpu.memory_space<vmem>> -> memref<64x128xf32, #tpu.memory_space<vmem>>
      tpu.wait_dma2 semaphore(%arg32 : memref<!tpu.dma_semaphore, #tpu.memory_space<semaphore_mem>>) src(%dma_wait3A_717 : memref<64x128xf32, #tpu.memory_space<vmem>>) dst(%dma_wait3A_714 : memref<64x128xf32, #tpu.memory_space<hbm>>)
    } else {
    }
    %eq3A_658 = arith.constant 0 : i32
    %eq3A_659 = arith.cmpi eq, %arg0, %eq3A_658 : i32
    %convert_element_type3A_660 = arith.extui %eq3A_659 : i1 to i32
    %cond3A_661 = arith.constant 0 : i32
    %cond3A_662 = arith.cmpi ne, %convert_element_type3A_660, %cond3A_661 : i32
    scf.if %cond3A_662 {
      %dma_wait3A_708 = tpu.memref_slice %arg8[%add3A_57] : memref<8192xf32, #tpu.memory_space<hbm>> -> memref<64xf32, #tpu.memory_space<hbm>>
      %dma_wait3A_709 = tpu.memref_slice %arg8[%add3A_57] : memref<8192xf32, #tpu.memory_space<hbm>> -> memref<64xf32, #tpu.memory_space<hbm>>
      tpu.wait_dma2 semaphore(%arg35 : memref<!tpu.dma_semaphore, #tpu.memory_space<semaphore_mem>>) src(%arg24 : memref<64xf32, #tpu.memory_space<vmem>>) dst(%dma_wait3A_709 : memref<64xf32, #tpu.memory_space<hbm>>)
    } else {
    }
    %eq3A_663 = arith.constant 1 : i32
    %eq3A_664 = arith.cmpi eq, %arg0, %eq3A_663 : i32
    %convert_element_type3A_665 = arith.extui %eq3A_664 : i1 to i32
    %cond3A_666 = arith.constant 0 : i32
    %cond3A_667 = arith.cmpi ne, %convert_element_type3A_665, %cond3A_666 : i32
    scf.if %cond3A_667 {
      %dma_wait3A_708 = tpu.memref_slice %arg9[%add3A_57] : memref<8192xf32, #tpu.memory_space<hbm>> -> memref<64xf32, #tpu.memory_space<hbm>>
      %dma_wait3A_709 = tpu.memref_slice %arg9[%add3A_57] : memref<8192xf32, #tpu.memory_space<hbm>> -> memref<64xf32, #tpu.memory_space<hbm>>
      tpu.wait_dma2 semaphore(%arg35 : memref<!tpu.dma_semaphore, #tpu.memory_space<semaphore_mem>>) src(%arg24 : memref<64xf32, #tpu.memory_space<vmem>>) dst(%dma_wait3A_709 : memref<64xf32, #tpu.memory_space<hbm>>)
    } else {
    }
    %eq3A_668 = arith.constant 0 : i32
    %eq3A_669 = arith.cmpi eq, %arg0, %eq3A_668 : i32
    %convert_element_type3A_670 = arith.extui %eq3A_669 : i1 to i32
    %cond3A_671 = arith.constant 0 : i32
    %cond3A_672 = arith.cmpi ne, %convert_element_type3A_670, %cond3A_671 : i32
    scf.if %cond3A_672 {
      %dma_wait3A_708 = arith.constant 0 : i32
      %dma_wait3A_709 = arith.constant 0 : i32
      %dma_wait3A_710 = tpu.memref_slice %arg13[%dma_wait3A_708, %dma_wait3A_709] : memref<80x128xf32, #tpu.memory_space<vmem>> -> memref<64x128xf32, #tpu.memory_space<vmem>>
      %dma_wait3A_711 = arith.constant 0 : i32
      %dma_wait3A_712 = tpu.memref_slice %arg6[%add3A_59, %dma_wait3A_711] : memref<8192x128xf32, #tpu.memory_space<hbm>> -> memref<64x128xf32, #tpu.memory_space<hbm>>
      %dma_wait3A_713 = arith.constant 0 : i32
      %dma_wait3A_714 = tpu.memref_slice %arg6[%add3A_59, %dma_wait3A_713] : memref<8192x128xf32, #tpu.memory_space<hbm>> -> memref<64x128xf32, #tpu.memory_space<hbm>>
      %dma_wait3A_715 = arith.constant 0 : i32
      %dma_wait3A_716 = arith.constant 0 : i32
      %dma_wait3A_717 = tpu.memref_slice %arg13[%dma_wait3A_715, %dma_wait3A_716] : memref<80x128xf32, #tpu.memory_space<vmem>> -> memref<64x128xf32, #tpu.memory_space<vmem>>
      tpu.wait_dma2 semaphore(%arg33 : memref<!tpu.dma_semaphore, #tpu.memory_space<semaphore_mem>>) src(%dma_wait3A_717 : memref<64x128xf32, #tpu.memory_space<vmem>>) dst(%dma_wait3A_714 : memref<64x128xf32, #tpu.memory_space<hbm>>)
    } else {
    }
    %eq3A_673 = arith.constant 1 : i32
    %eq3A_674 = arith.cmpi eq, %arg0, %eq3A_673 : i32
    %convert_element_type3A_675 = arith.extui %eq3A_674 : i1 to i32
    %cond3A_676 = arith.constant 0 : i32
    %cond3A_677 = arith.cmpi ne, %convert_element_type3A_675, %cond3A_676 : i32
    scf.if %cond3A_677 {
      %dma_wait3A_708 = arith.constant 0 : i32
      %dma_wait3A_709 = arith.constant 0 : i32
      %dma_wait3A_710 = tpu.memref_slice %arg13[%dma_wait3A_708, %dma_wait3A_709] : memref<80x128xf32, #tpu.memory_space<vmem>> -> memref<64x128xf32, #tpu.memory_space<vmem>>
      %dma_wait3A_711 = arith.constant 0 : i32
      %dma_wait3A_712 = tpu.memref_slice %arg7[%add3A_59, %dma_wait3A_711] : memref<8192x128xf32, #tpu.memory_space<hbm>> -> memref<64x128xf32, #tpu.memory_space<hbm>>
      %dma_wait3A_713 = arith.constant 0 : i32
      %dma_wait3A_714 = tpu.memref_slice %arg7[%add3A_59, %dma_wait3A_713] : memref<8192x128xf32, #tpu.memory_space<hbm>> -> memref<64x128xf32, #tpu.memory_space<hbm>>
      %dma_wait3A_715 = arith.constant 0 : i32
      %dma_wait3A_716 = arith.constant 0 : i32
      %dma_wait3A_717 = tpu.memref_slice %arg13[%dma_wait3A_715, %dma_wait3A_716] : memref<80x128xf32, #tpu.memory_space<vmem>> -> memref<64x128xf32, #tpu.memory_space<vmem>>
      tpu.wait_dma2 semaphore(%arg33 : memref<!tpu.dma_semaphore, #tpu.memory_space<semaphore_mem>>) src(%dma_wait3A_717 : memref<64x128xf32, #tpu.memory_space<vmem>>) dst(%dma_wait3A_714 : memref<64x128xf32, #tpu.memory_space<hbm>>)
    } else {
    }
    %eq3A_678 = arith.constant 0 : i32
    %eq3A_679 = arith.cmpi eq, %arg0, %eq3A_678 : i32
    %convert_element_type3A_680 = arith.extui %eq3A_679 : i1 to i32
    %cond3A_681 = arith.constant 0 : i32
    %cond3A_682 = arith.cmpi ne, %convert_element_type3A_680, %cond3A_681 : i32
    scf.if %cond3A_682 {
      %dma_wait3A_708 = tpu.memref_slice %arg8[%add3A_59] : memref<8192xf32, #tpu.memory_space<hbm>> -> memref<64xf32, #tpu.memory_space<hbm>>
      %dma_wait3A_709 = tpu.memref_slice %arg8[%add3A_59] : memref<8192xf32, #tpu.memory_space<hbm>> -> memref<64xf32, #tpu.memory_space<hbm>>
      tpu.wait_dma2 semaphore(%arg36 : memref<!tpu.dma_semaphore, #tpu.memory_space<semaphore_mem>>) src(%arg25 : memref<64xf32, #tpu.memory_space<vmem>>) dst(%dma_wait3A_709 : memref<64xf32, #tpu.memory_space<hbm>>)
    } else {
    }
    %eq3A_683 = arith.constant 1 : i32
    %eq3A_684 = arith.cmpi eq, %arg0, %eq3A_683 : i32
    %convert_element_type3A_685 = arith.extui %eq3A_684 : i1 to i32
    %cond3A_686 = arith.constant 0 : i32
    %cond3A_687 = arith.cmpi ne, %convert_element_type3A_685, %cond3A_686 : i32
    scf.if %cond3A_687 {
      %dma_wait3A_708 = tpu.memref_slice %arg9[%add3A_59] : memref<8192xf32, #tpu.memory_space<hbm>> -> memref<64xf32, #tpu.memory_space<hbm>>
      %dma_wait3A_709 = tpu.memref_slice %arg9[%add3A_59] : memref<8192xf32, #tpu.memory_space<hbm>> -> memref<64xf32, #tpu.memory_space<hbm>>
      tpu.wait_dma2 semaphore(%arg36 : memref<!tpu.dma_semaphore, #tpu.memory_space<semaphore_mem>>) src(%arg25 : memref<64xf32, #tpu.memory_space<vmem>>) dst(%dma_wait3A_709 : memref<64xf32, #tpu.memory_space<hbm>>)
    } else {
    }
    %eq3A_688 = arith.constant 0 : i32
    %eq3A_689 = arith.cmpi eq, %arg0, %eq3A_688 : i32
    %convert_element_type3A_690 = arith.extui %eq3A_689 : i1 to i32
    %cond3A_691 = arith.constant 0 : i32
    %cond3A_692 = arith.cmpi ne, %convert_element_type3A_690, %cond3A_691 : i32
    scf.if %cond3A_692 {
      %dma_wait3A_708 = arith.constant 0 : i32
      %dma_wait3A_709 = arith.constant 0 : i32
      %dma_wait3A_710 = tpu.memref_slice %arg14[%dma_wait3A_708, %dma_wait3A_709] : memref<80x128xf32, #tpu.memory_space<vmem>> -> memref<64x128xf32, #tpu.memory_space<vmem>>
      %dma_wait3A_711 = arith.constant 0 : i32
      %dma_wait3A_712 = tpu.memref_slice %arg6[%add3A_61, %dma_wait3A_711] : memref<8192x128xf32, #tpu.memory_space<hbm>> -> memref<64x128xf32, #tpu.memory_space<hbm>>
      %dma_wait3A_713 = arith.constant 0 : i32
      %dma_wait3A_714 = tpu.memref_slice %arg6[%add3A_61, %dma_wait3A_713] : memref<8192x128xf32, #tpu.memory_space<hbm>> -> memref<64x128xf32, #tpu.memory_space<hbm>>
      %dma_wait3A_715 = arith.constant 0 : i32
      %dma_wait3A_716 = arith.constant 0 : i32
      %dma_wait3A_717 = tpu.memref_slice %arg14[%dma_wait3A_715, %dma_wait3A_716] : memref<80x128xf32, #tpu.memory_space<vmem>> -> memref<64x128xf32, #tpu.memory_space<vmem>>
      tpu.wait_dma2 semaphore(%arg34 : memref<!tpu.dma_semaphore, #tpu.memory_space<semaphore_mem>>) src(%dma_wait3A_717 : memref<64x128xf32, #tpu.memory_space<vmem>>) dst(%dma_wait3A_714 : memref<64x128xf32, #tpu.memory_space<hbm>>)
    } else {
    }
    %eq3A_693 = arith.constant 1 : i32
    %eq3A_694 = arith.cmpi eq, %arg0, %eq3A_693 : i32
    %convert_element_type3A_695 = arith.extui %eq3A_694 : i1 to i32
    %cond3A_696 = arith.constant 0 : i32
    %cond3A_697 = arith.cmpi ne, %convert_element_type3A_695, %cond3A_696 : i32
    scf.if %cond3A_697 {
      %dma_wait3A_708 = arith.constant 0 : i32
      %dma_wait3A_709 = arith.constant 0 : i32
      %dma_wait3A_710 = tpu.memref_slice %arg14[%dma_wait3A_708, %dma_wait3A_709] : memref<80x128xf32, #tpu.memory_space<vmem>> -> memref<64x128xf32, #tpu.memory_space<vmem>>
      %dma_wait3A_711 = arith.constant 0 : i32
      %dma_wait3A_712 = tpu.memref_slice %arg7[%add3A_61, %dma_wait3A_711] : memref<8192x128xf32, #tpu.memory_space<hbm>> -> memref<64x128xf32, #tpu.memory_space<hbm>>
      %dma_wait3A_713 = arith.constant 0 : i32
      %dma_wait3A_714 = tpu.memref_slice %arg7[%add3A_61, %dma_wait3A_713] : memref<8192x128xf32, #tpu.memory_space<hbm>> -> memref<64x128xf32, #tpu.memory_space<hbm>>
      %dma_wait3A_715 = arith.constant 0 : i32
      %dma_wait3A_716 = arith.constant 0 : i32
      %dma_wait3A_717 = tpu.memref_slice %arg14[%dma_wait3A_715, %dma_wait3A_716] : memref<80x128xf32, #tpu.memory_space<vmem>> -> memref<64x128xf32, #tpu.memory_space<vmem>>
      tpu.wait_dma2 semaphore(%arg34 : memref<!tpu.dma_semaphore, #tpu.memory_space<semaphore_mem>>) src(%dma_wait3A_717 : memref<64x128xf32, #tpu.memory_space<vmem>>) dst(%dma_wait3A_714 : memref<64x128xf32, #tpu.memory_space<hbm>>)
    } else {
    }
    %eq3A_698 = arith.constant 0 : i32
    %eq3A_699 = arith.cmpi eq, %arg0, %eq3A_698 : i32
    %convert_element_type3A_700 = arith.extui %eq3A_699 : i1 to i32
    %cond3A_701 = arith.constant 0 : i32
    %cond3A_702 = arith.cmpi ne, %convert_element_type3A_700, %cond3A_701 : i32
    scf.if %cond3A_702 {
      %dma_wait3A_708 = tpu.memref_slice %arg8[%add3A_61] : memref<8192xf32, #tpu.memory_space<hbm>> -> memref<64xf32, #tpu.memory_space<hbm>>
      %dma_wait3A_709 = tpu.memref_slice %arg8[%add3A_61] : memref<8192xf32, #tpu.memory_space<hbm>> -> memref<64xf32, #tpu.memory_space<hbm>>
      tpu.wait_dma2 semaphore(%arg37 : memref<!tpu.dma_semaphore, #tpu.memory_space<semaphore_mem>>) src(%arg26 : memref<64xf32, #tpu.memory_space<vmem>>) dst(%dma_wait3A_709 : memref<64xf32, #tpu.memory_space<hbm>>)
    } else {
    }
    %eq3A_703 = arith.constant 1 : i32
    %eq3A_704 = arith.cmpi eq, %arg0, %eq3A_703 : i32
    %convert_element_type3A_705 = arith.extui %eq3A_704 : i1 to i32
    %cond3A_706 = arith.constant 0 : i32
    %cond3A_707 = arith.cmpi ne, %convert_element_type3A_705, %cond3A_706 : i32
    scf.if %cond3A_707 {
      %dma_wait3A_708 = tpu.memref_slice %arg9[%add3A_61] : memref<8192xf32, #tpu.memory_space<hbm>> -> memref<64xf32, #tpu.memory_space<hbm>>
      %dma_wait3A_709 = tpu.memref_slice %arg9[%add3A_61] : memref<8192xf32, #tpu.memory_space<hbm>> -> memref<64xf32, #tpu.memory_space<hbm>>
      tpu.wait_dma2 semaphore(%arg37 : memref<!tpu.dma_semaphore, #tpu.memory_space<semaphore_mem>>) src(%arg26 : memref<64xf32, #tpu.memory_space<vmem>>) dst(%dma_wait3A_709 : memref<64xf32, #tpu.memory_space<hbm>>)
    } else {
    }
    return
  }
}

module attributes {stable_mosaic.version = 14 : i64} {
  func.func @_tc_body(%arg0: i32, %arg1: memref<512x128xf32, #tpu.memory_space<vmem>>, %arg2: memref<512x128xf32, #tpu.memory_space<vmem>>, %arg3: memref<512x128xf32, #tpu.memory_space<vmem>>, %arg4: memref<512x1xf32, #tpu.memory_space<vmem>>, %arg5: memref<512x1xf32, #tpu.memory_space<vmem>>, %arg6: memref<128x128xf32, #tpu.memory_space<vmem>>, %arg7: memref<128x128xf32, #tpu.memory_space<vmem>>, %arg8: memref<128x128xf32, #tpu.memory_space<vmem>>, %arg9: memref<128x128xf32, #tpu.memory_space<vmem>>, %arg10: memref<128x1xf32, #tpu.memory_space<vmem>>, %arg11: memref<128x1xf32, #tpu.memory_space<vmem>>, %arg12: memref<1x1xf32, #tpu.memory_space<vmem>>, %arg13: memref<512x1xf32, #tpu.memory_space<vmem>>) attributes {dimension_semantics = [#tpu.dimension_semantics<arbitrary>], iteration_bounds = array<i64: 16>, scalar_prefetch = 0 : i64, scratch_operands = 0 : i64, tpu.core_type = #tpu.core_type<tc>, window_params = [{transform_indices = @transform_0, window_bounds = array<i64: 512, 128>}, {transform_indices = @transform_1, window_bounds = array<i64: 512, 128>}, {transform_indices = @transform_2, window_bounds = array<i64: 512, 128>}, {transform_indices = @transform_3, window_bounds = array<i64: 512, 1>}, {transform_indices = @transform_4, window_bounds = array<i64: 512, 1>}, {pipeline_mode = #tpu.pipeline_mode<synchronous>, transform_indices = @transform_5, window_bounds = array<i64: 128, 128>}, {pipeline_mode = #tpu.pipeline_mode<synchronous>, transform_indices = @transform_6, window_bounds = array<i64: 128, 128>}, {pipeline_mode = #tpu.pipeline_mode<synchronous>, transform_indices = @transform_7, window_bounds = array<i64: 128, 128>}, {pipeline_mode = #tpu.pipeline_mode<synchronous>, transform_indices = @transform_8, window_bounds = array<i64: 128, 128>}, {pipeline_mode = #tpu.pipeline_mode<synchronous>, transform_indices = @transform_9, window_bounds = array<i64: 128, 1>}, {pipeline_mode = #tpu.pipeline_mode<synchronous>, transform_indices = @transform_10, window_bounds = array<i64: 128, 1>}, {pipeline_mode = #tpu.pipeline_mode<synchronous>, transform_indices = @transform_11, window_bounds = array<i64: 1, 1>}, {transform_indices = @transform_12, window_bounds = array<i64: 512, 1>}]} {
    %get3A = arith.constant 0 : index
    %get3A_0 = arith.constant 0 : index
    %get3A_1 = vector.load %arg4[%get3A, %get3A_0] : memref<512x1xf32, #tpu.memory_space<vmem>>, vector<512x1xf32>
    %get3A_2 = arith.constant 0 : index
    %get3A_3 = arith.constant 0 : index
    %get3A_4 = vector.load %arg5[%get3A_2, %get3A_3] : memref<512x1xf32, #tpu.memory_space<vmem>>, vector<512x1xf32>
    %add3A = arith.addf %get3A_1, %get3A_4 : vector<512x1xf32>
    %get3A_5 = arith.constant 0 : index
    %get3A_6 = arith.constant 0 : index
    %get3A_7 = vector.load %arg2[%get3A_5, %get3A_6] : memref<512x128xf32, #tpu.memory_space<vmem>>, vector<512x128xf32>
    %get3A_8 = arith.constant 0 : index
    %get3A_9 = arith.constant 0 : index
    %get3A_10 = vector.load %arg3[%get3A_8, %get3A_9] : memref<512x128xf32, #tpu.memory_space<vmem>>, vector<512x128xf32>
    %add3A_11 = arith.addf %get3A_7, %get3A_10 : vector<512x128xf32>
    %max3A = arith.constant 1.000000e+00 : f32
    %max3A_12 = vector.broadcast %max3A : f32 to vector<512x1xf32>
    %max3A_13 = arith.maximumf %add3A, %max3A_12 : vector<512x1xf32>
    %div3A = vector.broadcast %max3A_13 : vector<512x1xf32> to vector<512x128xf32>
    %div3A_14 = arith.divf %add3A_11, %div3A : vector<512x128xf32>
    %get3A_15 = arith.constant 0 : index
    %get3A_16 = arith.constant 0 : index
    %get3A_17 = vector.load %arg1[%get3A_15, %get3A_16] : memref<512x128xf32, #tpu.memory_space<vmem>>, vector<512x128xf32>
    %get3A_18 = arith.constant 0 : index
    %get3A_19 = arith.constant 0 : index
    %get3A_20 = vector.load %arg6[%get3A_18, %get3A_19] : memref<128x128xf32, #tpu.memory_space<vmem>>, vector<128x128xf32>
    %dot_general3A = arith.constant dense<0.000000e+00> : vector<512x128xf32>
    %dot_general3A_21 = tpu.matmul %get3A_17, %get3A_20, %dot_general3A {dimension_numbers = #tpu.dot_dimension_numbers<[1], [0], [0], [1], [0, 0, 1, 1], [], []>, transpose_lhs_hint = false} : vector<512x128xf32>, vector<128x128xf32>, vector<512x128xf32> -> vector<512x128xf32>
    %get3A_22 = arith.constant 0 : index
    %get3A_23 = arith.constant 0 : index
    %get3A_24 = vector.load %arg7[%get3A_22, %get3A_23] : memref<128x128xf32, #tpu.memory_space<vmem>>, vector<128x128xf32>
    %dot_general3A_25 = arith.constant dense<0.000000e+00> : vector<512x128xf32>
    %dot_general3A_26 = tpu.matmul %div3A_14, %get3A_24, %dot_general3A_25 {dimension_numbers = #tpu.dot_dimension_numbers<[1], [0], [0], [1], [0, 0, 1, 1], [], []>, transpose_lhs_hint = false} : vector<512x128xf32>, vector<128x128xf32>, vector<512x128xf32> -> vector<512x128xf32>
    %add3A_27 = arith.addf %dot_general3A_21, %dot_general3A_26 : vector<512x128xf32>
    %get3A_28 = arith.constant 0 : index
    %get3A_29 = arith.constant 0 : index
    %get3A_30 = vector.load %arg8[%get3A_28, %get3A_29] : memref<128x128xf32, #tpu.memory_space<vmem>>, vector<128x128xf32>
    %dot_general3A_31 = arith.constant dense<0.000000e+00> : vector<512x128xf32>
    %dot_general3A_32 = tpu.matmul %get3A_17, %get3A_30, %dot_general3A_31 {dimension_numbers = #tpu.dot_dimension_numbers<[1], [0], [0], [1], [0, 0, 1, 1], [], []>, transpose_lhs_hint = false} : vector<512x128xf32>, vector<128x128xf32>, vector<512x128xf32> -> vector<512x128xf32>
    %get3A_33 = arith.constant 0 : index
    %get3A_34 = arith.constant 0 : index
    %get3A_35 = vector.load %arg9[%get3A_33, %get3A_34] : memref<128x128xf32, #tpu.memory_space<vmem>>, vector<128x128xf32>
    %dot_general3A_36 = arith.constant dense<0.000000e+00> : vector<512x128xf32>
    %dot_general3A_37 = tpu.matmul %div3A_14, %get3A_35, %dot_general3A_36 {dimension_numbers = #tpu.dot_dimension_numbers<[1], [0], [0], [1], [0, 0, 1, 1], [], []>, transpose_lhs_hint = false} : vector<512x128xf32>, vector<128x128xf32>, vector<512x128xf32> -> vector<512x128xf32>
    %add3A_38 = arith.addf %dot_general3A_32, %dot_general3A_37 : vector<512x128xf32>
    %max3A_39 = arith.constant 0.000000e+00 : f32
    %max3A_40 = vector.broadcast %max3A_39 : f32 to vector<512x128xf32>
    %max3A_41 = arith.maximumf %add3A_27, %max3A_40 : vector<512x128xf32>
    %max3A_42 = arith.constant 0.000000e+00 : f32
    %max3A_43 = vector.broadcast %max3A_42 : f32 to vector<512x128xf32>
    %max3A_44 = arith.maximumf %add3A_38, %max3A_43 : vector<512x128xf32>
    %mul3A = arith.mulf %max3A_41, %max3A_41 : vector<512x128xf32>
    %get3A_45 = arith.constant 0 : index
    %get3A_46 = arith.constant 0 : index
    %get3A_47 = vector.load %arg10[%get3A_45, %get3A_46] : memref<128x1xf32, #tpu.memory_space<vmem>>, vector<128x1xf32>
    %dot_general3A_48 = arith.constant dense<0.000000e+00> : vector<512x1xf32>
    %dot_general3A_49 = tpu.matmul %mul3A, %get3A_47, %dot_general3A_48 {dimension_numbers = #tpu.dot_dimension_numbers<[1], [0], [0], [1], [0, 0, 1, 1], [], []>, transpose_lhs_hint = false} : vector<512x128xf32>, vector<128x1xf32>, vector<512x1xf32> -> vector<512x1xf32>
    %mul3A_50 = arith.mulf %max3A_41, %max3A_44 : vector<512x128xf32>
    %get3A_51 = arith.constant 0 : index
    %get3A_52 = arith.constant 0 : index
    %get3A_53 = vector.load %arg10[%get3A_51, %get3A_52] : memref<128x1xf32, #tpu.memory_space<vmem>>, vector<128x1xf32>
    %dot_general3A_54 = arith.constant dense<0.000000e+00> : vector<512x1xf32>
    %dot_general3A_55 = tpu.matmul %mul3A_50, %get3A_53, %dot_general3A_54 {dimension_numbers = #tpu.dot_dimension_numbers<[1], [0], [0], [1], [0, 0, 1, 1], [], []>, transpose_lhs_hint = false} : vector<512x128xf32>, vector<128x1xf32>, vector<512x1xf32> -> vector<512x1xf32>
    %ge3A = arith.constant 0.000000e+00 : f32
    %ge3A_56 = vector.broadcast %ge3A : f32 to vector<512x1xf32>
    %ge3A_57 = arith.cmpf oge, %dot_general3A_49, %ge3A_56 : vector<512x1xf32>
    %mul3A_58 = arith.constant 5.000000e-01 : f32
    %mul3A_59 = vector.broadcast %mul3A_58 : f32 to vector<512x1xf32>
    %mul3A_60 = arith.mulf %mul3A_59, %dot_general3A_49 : vector<512x1xf32>
    %select_n3A = arith.select %ge3A_57, %dot_general3A_49, %mul3A_60 : vector<512x1xi1>, vector<512x1xf32>
    %ge3A_61 = arith.constant 0.000000e+00 : f32
    %ge3A_62 = vector.broadcast %ge3A_61 : f32 to vector<512x1xf32>
    %ge3A_63 = arith.cmpf oge, %dot_general3A_55, %ge3A_62 : vector<512x1xf32>
    %mul3A_64 = arith.constant 5.000000e-01 : f32
    %mul3A_65 = vector.broadcast %mul3A_64 : f32 to vector<512x1xf32>
    %mul3A_66 = arith.mulf %mul3A_65, %dot_general3A_55 : vector<512x1xf32>
    %select_n3A_67 = arith.select %ge3A_63, %dot_general3A_55, %mul3A_66 : vector<512x1xi1>, vector<512x1xf32>
    %max3A_68 = arith.maximumf %select_n3A, %select_n3A_67 : vector<512x1xf32>
    %sub3A = arith.subf %select_n3A, %max3A_68 : vector<512x1xf32>
    %exp3A = math.exp %sub3A : vector<512x1xf32>
    %sub3A_69 = arith.subf %select_n3A_67, %max3A_68 : vector<512x1xf32>
    %exp3A_70 = math.exp %sub3A_69 : vector<512x1xf32>
    %mul3A_71 = vector.broadcast %exp3A : vector<512x1xf32> to vector<512x128xf32>
    %mul3A_72 = arith.mulf %mul3A_71, %max3A_41 : vector<512x128xf32>
    %mul3A_73 = vector.broadcast %exp3A_70 : vector<512x1xf32> to vector<512x128xf32>
    %mul3A_74 = arith.mulf %mul3A_73, %max3A_44 : vector<512x128xf32>
    %add3A_75 = arith.addf %mul3A_72, %mul3A_74 : vector<512x128xf32>
    %add3A_76 = arith.addf %exp3A, %exp3A_70 : vector<512x1xf32>
    %div3A_77 = vector.broadcast %add3A_76 : vector<512x1xf32> to vector<512x128xf32>
    %div3A_78 = arith.divf %add3A_75, %div3A_77 : vector<512x128xf32>
    %get3A_79 = arith.constant 0 : index
    %get3A_80 = arith.constant 0 : index
    %get3A_81 = vector.load %arg11[%get3A_79, %get3A_80] : memref<128x1xf32, #tpu.memory_space<vmem>>, vector<128x1xf32>
    %dot_general3A_82 = arith.constant dense<0.000000e+00> : vector<512x1xf32>
    %dot_general3A_83 = tpu.matmul %div3A_78, %get3A_81, %dot_general3A_82 {dimension_numbers = #tpu.dot_dimension_numbers<[1], [0], [0], [1], [0, 0, 1, 1], [], []>, transpose_lhs_hint = false} : vector<512x128xf32>, vector<128x1xf32>, vector<512x1xf32> -> vector<512x1xf32>
    %get3A_84 = arith.constant 0 : index
    %get3A_85 = arith.constant 0 : index
    %get3A_86 = vector.load %arg12[%get3A_84, %get3A_85] : memref<1x1xf32, #tpu.memory_space<vmem>>, vector<1x1xf32>
    %get3A_87 = vector.extract %get3A_86[0, 0] : f32 from vector<1x1xf32>
    %add3A_88 = vector.broadcast %get3A_87 : f32 to vector<512x1xf32>
    %add3A_89 = arith.addf %dot_general3A_83, %add3A_88 : vector<512x1xf32>
    %neg3A = arith.constant 0.000000e+00 : f32
    %neg3A_90 = vector.broadcast %neg3A : f32 to vector<512x1xf32>
    %neg3A_91 = arith.subf %neg3A_90, %add3A_89 : vector<512x1xf32>
    %exp3A_92 = math.exp %neg3A_91 : vector<512x1xf32>
    %add3A_93 = arith.constant 1.000000e+00 : f32
    %add3A_94 = vector.broadcast %add3A_93 : f32 to vector<512x1xf32>
    %add3A_95 = arith.addf %add3A_94, %exp3A_92 : vector<512x1xf32>
    %div3A_96 = arith.constant 1.000000e+00 : f32
    %div3A_97 = vector.broadcast %div3A_96 : f32 to vector<512x1xf32>
    %div3A_98 = arith.divf %div3A_97, %add3A_95 : vector<512x1xf32>
    %swap3A = arith.constant 0 : index
    %swap3A_99 = arith.constant 0 : index
    %swap3A_100 = vector.load %arg13[%swap3A, %swap3A_99] : memref<512x1xf32, #tpu.memory_space<vmem>>, vector<512x1xf32>
    tpu.vector_store %arg13[%swap3A, %swap3A_99], %div3A_98 {strides = array<i32>} : memref<512x1xf32, #tpu.memory_space<vmem>>, vector<512x1xf32>,
    return
  }
  func.func @transform_0(%arg0: i32) -> (i32, i32) {
    %c0_i32 = arith.constant 0 : i32
    %c0_i32_0 = arith.constant 0 : i32
    return %arg0, %c0_i32 : i32, i32
  }
  func.func @transform_1(%arg0: i32) -> (i32, i32) {
    %c0_i32 = arith.constant 0 : i32
    %c0_i32_0 = arith.constant 0 : i32
    return %arg0, %c0_i32 : i32, i32
  }
  func.func @transform_2(%arg0: i32) -> (i32, i32) {
    %c0_i32 = arith.constant 0 : i32
    %c0_i32_0 = arith.constant 0 : i32
    return %arg0, %c0_i32 : i32, i32
  }
  func.func @transform_3(%arg0: i32) -> (i32, i32) {
    %c0_i32 = arith.constant 0 : i32
    %c0_i32_0 = arith.constant 0 : i32
    return %arg0, %c0_i32 : i32, i32
  }
  func.func @transform_4(%arg0: i32) -> (i32, i32) {
    %c0_i32 = arith.constant 0 : i32
    %c0_i32_0 = arith.constant 0 : i32
    return %arg0, %c0_i32 : i32, i32
  }
  func.func @transform_5(%arg0: i32) -> (i32, i32) {
    %c0_i32 = arith.constant 0 : i32
    %c0_i32_0 = arith.constant 0 : i32
    %c0_i32_1 = arith.constant 0 : i32
    return %c0_i32, %c0_i32_0 : i32, i32
  }
  func.func @transform_6(%arg0: i32) -> (i32, i32) {
    %c0_i32 = arith.constant 0 : i32
    %c0_i32_0 = arith.constant 0 : i32
    %c0_i32_1 = arith.constant 0 : i32
    return %c0_i32, %c0_i32_0 : i32, i32
  }
  func.func @transform_7(%arg0: i32) -> (i32, i32) {
    %c0_i32 = arith.constant 0 : i32
    %c0_i32_0 = arith.constant 0 : i32
    %c0_i32_1 = arith.constant 0 : i32
    return %c0_i32, %c0_i32_0 : i32, i32
  }
  func.func @transform_8(%arg0: i32) -> (i32, i32) {
    %c0_i32 = arith.constant 0 : i32
    %c0_i32_0 = arith.constant 0 : i32
    %c0_i32_1 = arith.constant 0 : i32
    return %c0_i32, %c0_i32_0 : i32, i32
  }
  func.func @transform_9(%arg0: i32) -> (i32, i32) {
    %c0_i32 = arith.constant 0 : i32
    %c0_i32_0 = arith.constant 0 : i32
    %c0_i32_1 = arith.constant 0 : i32
    return %c0_i32, %c0_i32_0 : i32, i32
  }
  func.func @transform_10(%arg0: i32) -> (i32, i32) {
    %c0_i32 = arith.constant 0 : i32
    %c0_i32_0 = arith.constant 0 : i32
    %c0_i32_1 = arith.constant 0 : i32
    return %c0_i32, %c0_i32_0 : i32, i32
  }
  func.func @transform_11(%arg0: i32) -> (i32, i32) {
    %c0_i32 = arith.constant 0 : i32
    %c0_i32_0 = arith.constant 0 : i32
    %c0_i32_1 = arith.constant 0 : i32
    return %c0_i32, %c0_i32_0 : i32, i32
  }
  func.func @transform_12(%arg0: i32) -> (i32, i32) {
    %c0_i32 = arith.constant 0 : i32
    %c0_i32_0 = arith.constant 0 : i32
    return %arg0, %c0_i32 : i32, i32
  }
}

</mosaic_0001>

<sc_bundles>
// kernel: kernel.4.cloned.1.call-start
scs
__scs_entry_jumppad:
0x0: {  	(pc) =	sbr.rel $0x88, $3  }
0x1: {  	(tag) =	ssettag $0x0;
	lr =	simm.s32 $0x1  }
0x2: {  	[smem:$0x3F99] =	sst lr;
	_ =	strace $0xD0000000  }
0x3: {  	_ = 	snop  }
0x4: {  	_ = 	snop  }
0x5: {  	_ = 	snop  }
0x6: {  	_ = 	snop  }
0x7: {  	_ = 	snop  }
__scs_overlays_trampoline_lowered:
0x8: {  	[smem:$0x3FA8] =	sst s0  }
0x9: {  	[smem:$0x3FA9] =	sst s1  }
0xa: {  	[smem:$0x3FAA] =	sst s2  }
0xb: {  	[smem:$0x3FAB] =	sst s3  }
0xc: {  	[smem:$0x3FAC] =	sst s4  }
0xd: {  	[smem:$0x3FAD] =	sst s5  }
0xe: {  	[smem:$0x3FAE] =	sst s6  }
0xf: {  	[smem:$0x3FAF] =	sst s7  }
0x10: {  	[smem:$0x3FB0] =	sst s8  }
0x11: {  	[smem:$0x3FB1] =	sst s9;
	s0 =	simm.s32 @!p0 $0x0  }
0x12: {  	s1 =	sld [smem:$0x3F97];
	s0 =	simm.s32 @p0 $0x1  }
0x13: {  	[smem:$0x3FB2] =	sst s0;
	s0 =	simm.s32 @!p1 $0x0  }
0x14: {  	s2 =	sld [smem:$0x3F96];
	s0 =	simm.s32 @p1 $0x1  }
0x15: {  	[smem:$0x3FB3] =	sst s0;
	s0 =	simm.s32 @!p2 $0x0  }
0x16: {  	s3 =	sld [smem:$0x3FDB];
	s0 =	simm.s32 @p2 $0x1  }
0x17: {  	s4 =	simm.s32 $0x1BF5;
	[smem:$0x3FB5] =	sst s0  }
0x18: {  	s0 =	sld [smem:$0x3F98];
	_ =	swait.ge [sflag:s4], $0x0  }
0x19: {  	s7 =	sld [smem:$0x3F99]  }
0x1a: {  	s8 =	sadd.s32 $0xFFFFE003, lr  }
0x1b: {  	s9 =	sadd.s32 $0xFFFFFEF7, lr;
	s5 =	simm.s32 $0xFFFFFFFF;
	p2 =	slt.u32 s8, $0xFFFFF086  }
0x1c: {  	p1 =	slt.u32 s9, $0xF7A;
	s5 =	simm.s32 @!p2 $0x0  }
0x1d: {  	s5 =	simm.s32 @p1 $0x1;
	p0 =	seq.s32 s7, s2  }
0x1e: {  	s7 =	smul.u32 @!p0 $0xF7A, s2;
	p2 =	seq.s32 @!p0 s5, $0x0  }
0x1f: {  	s9 =	smul.u32 $0xF7A, s1;
	s8 =	simm.s32 @!p0 $0x1BF5;
	p2 =	por !p2, p0  }
0x20: {  	[sflag:s8] =	ssyncset.s32 @!p0 $0xFFFFF086;
	s6 =	sadd.s32 @!p0 s3, s7;
	s7 =	simm.s32 @!p0 $0x108  }
0x21: {  	s3 =	sadd.s32 s3, s9;
	s6 =	sadd.s32 @!p0 $0x88, s6;
	s7 =	simm.s32 @p2 $0x1082  }
0x22: {  	[simem:s7], [sflag:s8] =	dma.local @!p0 [hbm:s6], $0xF7A  }
0x23: {  	s9 =	sor.u32 $0xD0000000, s2;
	s6 =	simm.s32 $0x108;
	_ =	swait.ge @!p0 [sflag:s8], $0x0  }
0x24: {  	s3 =	sadd.s32 $0x88, s3;
	s6 =	simm.s32 @!p1 $0x1082;
	[sflag:s4] =	ssyncset.s32 $0xFFFFF086  }
0x25: {  	[simem:s6], [sflag:s4] =	dma.local [hbm:s3], $0xF7A  }
0x26: {  	[smem:$0x3F99] =	sst s1;
	(tag) =	ssettag s2;
	_ =	strace s9  }
0x27: {  	s1 =	sld [smem:$0x3FA9]  }
0x28: {  	s2 =	sld [smem:$0x3FAA]  }
0x29: {  	s4 =	sld [smem:$0x3FAC]  }
0x2a: {  	p0 =	seq.s32 s5, $0x0;
	s5 =	sld [smem:$0x3FAD]  }
0x2b: {  	s6 =	sld [smem:$0x3FAE]  }
0x2c: {  	s7 =	sld [smem:$0x3FAF]  }
0x2d: {  	s3 =	simm.s32 $0x108;
	s8 =	sld [smem:$0x3FB0]  }
0x2e: {  	s3 =	simm.s32 @!p0 $0x1082;
	s9 =	sld [smem:$0x3FB1]  }
0x2f: {  	lr =	sadd.s32 s0, s3;
	s0 =	sld [smem:$0x3FA8]  }
0x30: {  	s3 =	sld [smem:$0x3FAB]  }
0x31: {  	[smem:$0x3FB4] =	sst s10  }
0x32: {  	s10 =	sld [smem:$0x3FB2];
	_ =	sdelay $0x3  }
0x33: {  	p0 =	seq.s32 s10, $0x1;
	s10 =	sld [smem:$0x3FB4];
	_ =	sdelay $0x3  }
0x34: {  	[smem:$0x3FB4] =	sst s10  }
0x35: {  	s10 =	sld [smem:$0x3FB3];
	_ =	sdelay $0x3  }
0x36: {  	p1 =	seq.s32 s10, $0x1;
	s10 =	sld [smem:$0x3FB4];
	_ =	sdelay $0x3  }
0x37: {  	[smem:$0x3FB4] =	sst s10  }
0x38: {  	s10 =	sld [smem:$0x3FB5]  }
0x39: {  	_ = 	snop;
	(pc) =	sbr.ind lr, $3  }
0x3a: {  	_ = 	snop  }
0x3b: {  	_ = 	snop  }
0x3c: {  	p2 =	seq.s32 s10, $0x1;
	s10 =	sld [smem:$0x3FB4]  }
0x3d: {  	_ =	shalt  }
0x3e: {  	_ =	shalt  }
0x3f: {  	_ =	shalt  }
0x40: {  	_ =	shalt  }
0x41: {  	_ =	shalt  }
0x42: {  	_ =	shalt  }
0x43: {  	_ =	shalt  }
0x44: {  	_ =	shalt  }
0x45: {  	_ =	shalt  }
0x46: {  	_ =	shalt  }
0x47: {  	_ =	shalt  }
0x48: {  	_ =	shalt  }
0x49: {  	_ =	shalt  }
0x4a: {  	_ =	shalt  }
0x4b: {  	_ =	shalt  }
0x4c: {  	_ =	shalt  }
0x4d: {  	_ =	shalt  }
0x4e: {  	_ =	shalt  }
0x4f: {  	_ =	shalt  }
0x50: {  	_ =	shalt  }
0x51: {  	_ =	shalt  }
0x52: {  	_ =	shalt  }
0x53: {  	_ =	shalt  }
0x54: {  	_ =	shalt  }
0x55: {  	_ =	shalt  }
0x56: {  	_ =	shalt  }
0x57: {  	_ =	shalt  }
0x58: {  	_ =	shalt  }
0x59: {  	_ =	shalt  }
0x5a: {  	_ =	shalt  }
0x5b: {  	_ =	shalt  }
0x5c: {  	_ =	shalt  }
0x5d: {  	_ =	shalt  }
0x5e: {  	_ =	shalt  }
0x5f: {  	_ =	shalt  }
0x60: {  	_ =	shalt  }
0x61: {  	_ =	shalt  }
0x62: {  	_ =	shalt  }
0x63: {  	_ =	shalt  }
0x64: {  	_ =	shalt  }
0x65: {  	_ =	shalt  }
0x66: {  	_ =	shalt  }
0x67: {  	_ =	shalt  }
0x68: {  	_ =	shalt  }
0x69: {  	_ =	shalt  }
0x6a: {  	_ =	shalt  }
0x6b: {  	_ =	shalt  }
0x6c: {  	_ =	shalt  }
0x6d: {  	_ =	shalt  }
0x6e: {  	_ =	shalt  }
0x6f: {  	_ =	shalt  }
0x70: {  	_ =	shalt  }
0x71: {  	_ =	shalt  }
0x72: {  	_ =	shalt  }
0x73: {  	_ =	shalt  }
0x74: {  	_ =	shalt  }
0x75: {  	_ =	shalt  }
0x76: {  	_ =	shalt  }
0x77: {  	_ =	shalt  }
0x78: {  	_ =	shalt  }
0x79: {  	_ =	shalt  }
0x7a: {  	_ =	shalt  }
0x7b: {  	_ =	shalt  }
0x7c: {  	_ =	shalt  }
0x7d: {  	_ =	shalt  }
0x7e: {  	_ =	shalt  }
0x7f: {  	_ =	shalt  }
0x80: {  	_ =	shalt  }
0x81: {  	_ =	shalt  }
0x82: {  	_ =	shalt  }
0x83: {  	_ =	shalt  }
0x84: {  	_ =	shalt  }
0x85: {  	_ =	shalt  }
0x86: {  	_ =	shalt  }
0x87: {  	_ =	shalt  }
.Lfunc_end0:
.L_simem_size_0:
called_computation_lowered:
.L_overlay_start_0:
0x88: {  	s2 =	sld [smem:$0x3FD9]  }
0x89: {  	s3 =	sld [smem:$0x3FFE];
	_ =	sdelay $0x1  }
0x8a: {  	s1 =	srdreg.scid  }
0x8b: {  	s0 =	sand.u32 $0x1, s1  }
0x8c: {  	s17 =	sshll.u32 s0, $0xA;
	s2 =	sadd.s32 s3, s2  }
0x8d: {  	s2 =	sadd.s32 s2, s17  }
0x8e: {  	[smem:$0x3FC0] =	sst s2  }
0x8f: {  	_ = 	snop  }
0x90: {  	s2 =	sld [smem:$0x3FC9]  }
0x91: {  	s18 =	sld [smem:$0x3FC7]  }
0x92: {  	s4 =	sld [smem:$0x3FD0];
	(tm) =	ssettm $0x1  }
0x93: {  	s5 =	sld [smem:$0x3FFB];
	_ =	sdelay $0x3  }
0x94: {  	_ =	strace s5  }
0x95: {  	s5 =	sld [smem:$0x3FFC];
	_ =	sdelay $0x3  }
0x96: {  	_ =	strace s5  }
0x97: {  	s5 =	sld [smem:$0x3FFD];
	_ =	sdelay $0x3  }
0x98: {  	_ =	strace s5  }
0x99: {  	_ =	strace $0x8FFFFFFF  }
0x9a: {  	s19 =	sld [smem:$0x3FDB];
	_ =	sdelay $0x1  }
0x9b: {  	s6 =	simm.s32 $_scs_section_size  }
0x9c: {  	s7 =	simm.s32 $_size__tile_overlayer_lowered;
	s8 =	simm.s32 $_tile_overlayer_lowered  }
0x9d: {  	s22 =	simm.s32 $0x1BFF;
	s21 =	sshll.u32 s8, $0x1;
	s5 =	sadd.s32 s6, s19  }
0x9e: {  	s9 =	simm.s32 $0x0;
	s20 =	sshll.u32 s7, $0x1;
	s7 =	sadd.s32 s21, s5  }
0x9f: {  	[timem:s9], [sflag:s22] =	dma.local [hbm:s7], s20  }
0xa0: {  	_ =	swait.ge [sflag:s22], s20  }
0xa1: {  	s6 =	ssub.s32 $0x0, s20;
	[sflag:s22] =	ssyncset.done $0x0  }
0xa2: {  	[sflag:s22] =	ssyncadd.s32 s6;
	_ =	sdelay $0x1  }
0xa3: {  	s23 =	simm.s32 $0x1B8B  }
0xa4: {  	_ =	swait.ge [sflag:s23], $0x1  }
0xa5: {  	[sflag:s23] =	ssyncset.done $0x0  }
0xa6: {  	s25 =	simm.s32 $0x1B8E;
	s24 =	sld [smem:$0x3FFE];
	[sflag:s23] =	ssyncadd.s32 $0xFFFFFFFF  }
0xa7: {  	s26 =	simm.s32 $execute0_lowered;
	[smem:$0x3FD2] =	sst s25  }
0xa8: {  	s7 =	sshll.u32 s26, $0x1;
	_ =	strace $0x80000046;
	[dreg:$0x1] =	wrdreg $0xFFFFFFFF  }
0xa9: {  	s28 =	simm.s32 $_size_execute0_lowered;
	s5 =	sadd.s32 s5, s7;
	[dreg:$0x0] =	wrdreg $0x0  }
0xaa: {  	s7 =	sshll.u32 s28, $0x1;
	[dreg:$0x2] =	wrdreg s5  }
0xab: {  	[dreg:$0x3] =	wrdreg s7  }
0xac: {  	[dreg:$0x4] =	wrdreg $0xC0  }
0xad: {  	_ =	task [dreg:s9], $0x5FFFF  }
0xae: {  	[dreg:$0x1] =	wrdreg $0xFFFFFFFF  }
0xaf: {  	[dreg:$0x0] =	wrdreg $0x60  }
0xb0: {  	[dreg:$0x2] =	wrdreg s18  }
0xb1: {  	[dreg:$0x3] =	wrdreg s24  }
0xb2: {  	[dreg:$0x4] =	wrdreg s2  }
0xb3: {  	[dreg:$0x5] =	wrdreg s4  }
0xb4: {  	[dreg:$0x6] =	wrdreg $0x0  }
0xb5: {  	[dreg:$0x7] =	wrdreg $0x140000  }
0xb6: {  	[dreg:$0x8] =	wrdreg $0x9  }
0xb7: {  	_ =	task.clear_ibuf [dreg:s9], $0x9FFFF;
	_ =	strace $0x90000046  }
0xb8: {  	s29 =	simm.s32 $0x9;
	_ =	strace $0x80000048  }
0xb9: {  	_ =	swait.ge [sflag:s29], $0x1  }
0xba: {  	[sflag:s29] =	ssyncadd.s32 $0xFFFFFFFF  }
0xbb: {  	_ =	strace $0x90000048  }
0xbc: {  	_ =	sfence  }
0xbd: {  	s30 =	sld [smem:$0x0];
	_ =	sdelay $0x2  }
0xbe: {  	s31 =	sshll.u32 s1, $0xD;
	s1 =	sshrl.u32 s1, $0x2  }
0xbf: {  	s3 =	sand.u32 $0x4000, s31;
	s1 =	sadd.s32 s1, s30  }
0xc0: {  	s0 =	sor.u32 s3, s0;
	s1 =	sshll.u32 s1, $0x11  }
0xc1: {  	s0 =	sor.u32 s1, s0  }
0xc2: {  	s0 =	sadd.s32 $0x8F2B, s0  }
0xc3: {  	[sflag:s0] =	ssyncadd.remote.s32 $0x1  }
0xc4: {  	_ =	sfence.sel $0xFFFF  }
0xc5: {  	[dreg:$0x0] =	wrdreg $0xFFFFFFFF;
	(pc) =	sbr.abs _section_cstart, $3  }
0xc6: {  	[dreg:$0x1] =	wrdreg $0xFFFFFFFF  }
0xc7: {  	_ =	task.clear_ibuf [dreg:s9], $0x2FFFF;
	_ =	strace $0x9FFFFFFF  }
0xc8: {  	(tm) =	ssettm $0x7FFFFFFF  }
0xc9: {  	_ =	shalt  }
tec
execute0_lowered:
.L_overlay_start_1:
0x0: {  	(tag) =	ssettag $0x1  }
0x1: {  	s1 =	rddreg [dreg:$0x0]  }
0x2: {  	s2 =	rddreg [dreg:$0x1]  }
0x3: {  	s0 =	rddreg [dreg:$0x2]  }
0x4: {  	s3 =	rddreg [dreg:$0x4]  }
0x5: {  	s4 =	rddreg [dreg:$0x5]  }
0x6: {  	s5 =	simm.s32 $0x0;
	s7 =	srdreg.scid;
	s19 =	stileid.u32  }
0x7: {  	[smem:$0x7FF] =	sst s5;
	s6 =	sadd.s32 $0x1400, s2;
	s9 =	smul.u32 $0xA00, s19  }
0x8: {  	s20 =	sadd.s32 $0x35400, s2;
	s7 =	sand.u32 $0x1, s7;
	s11 =	smul.u32 $0x1E00, s19  }
0x9: {  	s8 =	sadd.s32 $0x15400, s2;
	s10 =	sadd.s32 $0x55400, s2;
	s25 =	smul.u32 $0x3C0, s19  }
0xa: {  	s28 =	smul.u32 $0x7F80, s19;
	_ =	strace $0x80000047;
	[dreg:$0x8] =	wrdreg s8  }
0xb: {  	s2 =	sadd.s32 $0x15000, s2;
	s12 =	smul.u32 $0xFF0, s19;
	[dreg:$0x9] =	wrdreg s10  }
0xc: {  	s22 =	sshll.u32 s19, $0x9;
	s23 =	ssub.s32 $0x2, s7;
	[dreg:$0xa] =	wrdreg s2  }
0xd: {  	p0 =	sne.s32 s7, $0x0;
	[dreg:$0x7] =	wrdreg s20;
	s24 =	sshrl.u32 s23, $0x1  }
0xe: {  	s9 =	sshrl.u32 s9, $0x2;
	s26 =	sshrl.u32 s11, $0x3;
	s21 =	sadd.s32 s25, s6  }
0xf: {  	s13 =	sshrl.u32 s28, $0x3;
	s25 =	sor.u32 $0x80, s22;
	s2 =	ssub.s32 s23, s24  }
0x10: {  	s9 =	sadd.s32 s9, s4;
	s30 =	sadd.s32 s6, s26;
	[dreg:$0xc] =	wrdreg s21  }
0x11: {  	s15 =	sadd.s32 s6, s13;
	s6 =	sadd.s32 s6, s12;
	[dreg:$0xb] =	wrdreg s9  }
0x12: {  	s23 =	sshll.u32 s7, $0x8;
	s7 =	sshll.u32 s25, $0x4;
	[dreg:$0x10] =	wrdreg s6  }
0x13: {  	s21 =	sadd.s32 $0xFF00, s21;
	[dreg:$0x1f] =	wrdreg s7  }
0x14: {  	s10 =	sadd.s32 $0xFF14, s30;
	[smem:$0x7F4] =	sst s21  }
0x15: {  	s14 =	sadd.s32 $0xFF28, s30;
	[dreg:$0xd] =	wrdreg s10  }
0x16: {  	s8 =	sadd.s32 $0xFF3C, s30;
	[dreg:$0xe] =	wrdreg s14  }
0x17: {  	s16 =	sadd.s32 $0x14, s15;
	[dreg:$0xf] =	wrdreg s8  }
0x18: {  	s24 =	sor.u32 $0x40, s22;
	s17 =	sadd.s32 $0x28, s15;
	[dreg:$0x11] =	wrdreg s16  }
0x19: {  	s18 =	sadd.s32 $0x3C, s15;
	s9 =	sshll.u32 s24, $0x4;
	[dreg:$0x12] =	wrdreg s17  }
0x1a: {  	s2 =	smax.u32 s2, $0x1;
	[dreg:$0x13] =	wrdreg s18;
	s8 =	sor.u32 s23, s22  }
0x1b: {  	s10 =	sor.u32 $0xC0, s22;
	s23 =	sshrl.u32 s24, $0x3;
	[dreg:$0x1d] =	wrdreg s9  }
0x1c: {  	s24 =	sshrl.u32 s25, $0x3;
	[smem:$0x7F3] =	sst s2;
	s14 =	sshrl.u32 s8, $0x3  }
0x1d: {  	s26 =	sor.u32 $0x40, s8;
	s15 =	sor.u32 $0x80, s8;
	[dreg:$0x1c] =	wrdreg s23  }
0x1e: {  	s16 =	sor.u32 $0xC0, s8;
	s8 =	sshll.u32 s8, $0x4;
	[dreg:$0x1e] =	wrdreg s24  }
0x1f: {  	s25 =	sshrl.u32 s10, $0x3;
	s10 =	sshll.u32 s10, $0x4;
	[dreg:$0x17] =	wrdreg s8  }
0x20: {  	s11 =	sor.u32 $0x100, s22;
	[smem:$0x7E0] =	sst s10  }
0x21: {  	s12 =	sor.u32 $0x140, s22;
	s14 =	sadd.s32 s0, s14;
	[smem:$0x7E6] =	sst s25  }
0x22: {  	s17 =	sshrl.u32 s26, $0x3;
	s7 =	sadd.s32 s0, s25;
	[dreg:$0x14] =	wrdreg s14  }
0x23: {  	s28 =	sshrl.u32 s15, $0x3;
	s10 =	sshrl.u32 s12, $0x3;
	[smem:$0x7E7] =	sst s7  }
0x24: {  	s18 =	sshrl.u32 s16, $0x3;
	s17 =	sadd.s32 s0, s17;
	[smem:$0x7EA] =	sst s10  }
0x25: {  	s15 =	sshll.u32 s15, $0x4;
	s30 =	sadd.s32 s0, s18;
	[dreg:$0x15] =	wrdreg s17  }
0x26: {  	s14 =	sshll.u32 s26, $0x4;
	s18 =	sadd.s32 s20, s15;
	[dreg:$0x18] =	wrdreg s30  }
0x27: {  	s26 =	sshrl.u32 s11, $0x3;
	s11 =	sshll.u32 s11, $0x4;
	[dreg:$0x1a] =	wrdreg s18  }
0x28: {  	[smem:$0x7E1] =	sst s11  }
0x29: {  	s17 =	sadd.s32 s0, s28;
	[smem:$0x7E8] =	sst s26  }
0x2a: {  	s8 =	sadd.s32 s20, s14;
	[dreg:$0x16] =	wrdreg s17  }
0x2b: {  	s28 =	sshll.u32 s19, $0x6;
	[dreg:$0x19] =	wrdreg s8  }
0x2c: {  	s30 =	sadd.s32 s0, s24;
	[smem:$0x7E2] =	sst s28  }
0x2d: {  	s6 =	sor.u32 $0x1C0, s22;
	s9 =	sadd.s32 s0, s26;
	[smem:$0x7E5] =	sst s30  }
0x2e: {  	s13 =	sor.u32 $0x180, s22;
	s14 =	sshrl.u32 s6, $0x3;
	[smem:$0x7E9] =	sst s9  }
0x2f: {  	s29 =	simm.s32 $0xA;
	s18 =	sshll.u32 s13, $0x4;
	[smem:$0x7EE] =	sst s14  }
0x30: {  	s31 =	simm.s32 $0x16A80;
	s6 =	sshll.u32 s6, $0x4;
	[smem:$0x7F1] =	sst s18  }
0x31: {  	s2 =	simm.s32 $0x1BFC0;
	s11 =	sadd.s32 s0, s28;
	[smem:$0x7F2] =	sst s6  }
0x32: {  	s17 =	sshll.u32 s16, $0x4;
	s8 =	sadd.s32 s0, s23;
	[smem:$0x7E3] =	sst s11  }
0x33: {  	s15 =	smul.u32 $0x50000, s19;
	s22 =	sadd.s32 s20, s17;
	[smem:$0x7E4] =	sst s8  }
0x34: {  	s7 =	simm.s32 $0x0;
	s8 =	sadd.s32 s0, s10;
	[dreg:$0x1b] =	wrdreg s22  }
0x35: {  	s18 =	simm.s32 $0x14280;
	s11 =	sshrl.u32 s13, $0x3;
	[smem:$0x7EB] =	sst s8  }
0x36: {  	s6 =	simm.s32 $0x1;
	s17 =	sshll.u32 s12, $0x4;
	[smem:$0x7EC] =	sst s11  }
0x37: {  	s9 =	simm.s32 $0xC;
	s16 =	sadd.s32 s0, s11;
	[smem:$0x7F0] =	sst s17  }
0x38: {  	s20 =	sshrl.u32 s15, $0x2;
	s0 =	sadd.s32 s0, s14;
	[smem:$0x7ED] =	sst s16  }
0x39: {  	s15 =	simm.s32 $0x1BBC0;
	s22 =	sshll.u32 s19, $0xD;
	[smem:$0x7EF] =	sst s0  }
0x3a: {  	s10 =	simm.s32 $0x19280;
	s0 =	sadd.s32 s20, s3;
	[smem:$0x7F5] =	sst s22  }
0x3b: {  	s12 =	simm.s32 $0x6;
	s23 =	sadd.s32 $0x2800, s0;
	[smem:$0x7FC] =	sst s0  }
0x3c: {  	s14 =	simm.s32 $0x2;
	s24 =	sadd.s32 $0x5000, s0;
	[smem:$0x7F6] =	sst s23  }
0x3d: {  	s17 =	simm.s32 $0x4;
	s25 =	sadd.s32 $0x7800, s0;
	[smem:$0x7F7] =	sst s24  }
0x3e: {  	s19 =	simm.s32 $0x7;
	s26 =	sadd.s32 $0xA000, s0;
	[smem:$0x7F8] =	sst s25  }
.Ltmp0:
0x3f: {  	s28 =	sadd.s32 $0xC800, s0;
	[smem:$0x7F9] =	sst s26;
	(pc) =	sbr.rel .LBB2_1-.Ltmp0, $4  }
0x40: {  	s20 =	simm.s32 $0x8;
	s30 =	sadd.s32 $0xF000, s0;
	[smem:$0x7FA] =	sst s28  }
0x41: {  	s22 =	simm.s32 $0xF;
	s0 =	sadd.s32 $0x11800, s0;
	[smem:$0x7FB] =	sst s30  }
0x42: {  	s16 =	simm.s32 $0x9;
	[smem:$0x7FD] =	sst s0;
	s24 =	simm.s32 $0x1BC60  }
0x43: {  	v0 =	vimm.f32 $0.0e+00;
	v1 =	vimm.f32 $1.000000000e+00;
	s26 =	simm.s32 $0x50;
	s23 =	simm.s32 $0x3;
	s0 =	simm.s32 $0x5  }
.LBB2_10:
0x44: {  	s7 =	rddreg [dreg:$0xa]  }
0x45: {  	s28 =	rddreg [dreg:$0x9]  }
0x46: {  	s30 =	rddreg [dreg:$0x17]  }
0x47: {  	s11 =	sld [smem:$0x7F5]  }
0x48: {  	[smem:$0x7DD] =	sst s7  }
0x49: {  	s15 =	simm.s32 $0x1BBC0;
	[smem:$0x7DE] =	sst s28  }
.LBB2_11:
0x4a: {  	_ =	swait.ge [sflag:s14], $0x2800  }
0x4b: {  	[sflag:s14] =	ssyncset.done $0x0  }
0x4c: {  	s7 =	simm.s32 $0x1BD50;
	[sflag:s14] =	ssyncadd.s32 $0xFFFFD800  }
0x4d: {  	[spmem:s3] =	stream.indirect.scatter.add.f32 [tilespmem:s31], [sflag:$0x5], $0x80, s7, s26, $0xb8;
	[tilespmem:$0x1C290] =	vst v63  }
0x4e: {  	_ = 	snop  }
0x4f: {  	[spmem:s4] =	stream.indirect.scatter.add.f32 [tilespmem:s2], [sflag:$0x8], $0x1, s7, s26, $0xb8;
	[tilespmem:$0x1C290] =	vst v63  }
0x50: {  	_ =	swait.ge [sflag:s23], $0x2800  }
0x51: {  	[sflag:s23] =	ssyncset.done $0x0  }
0x52: {  	s13 =	simm.s32 $0x1BDF0;
	[sflag:s23] =	ssyncadd.s32 $0xFFFFD800  }
0x53: {  	[spmem:s3] =	stream.indirect.scatter.add.f32 [tilespmem:s10], [sflag:$0x6], $0x80, s13, s26, $0xb8;
	[tilespmem:$0x1C290] =	vst v63  }
0x54: {  	_ = 	snop  }
0x55: {  	[spmem:s4] =	stream.indirect.scatter.add.f32 [tilespmem:s2], [sflag:$0x9], $0x1, s13, s26, $0xb8;
	[tilespmem:$0x1C290] =	vst v63  }
0x56: {  	_ =	swait.ge [sflag:s17], $0x2800  }
0x57: {  	[sflag:s17] =	ssyncset.done $0x0  }
0x58: {  	[sflag:s17] =	ssyncadd.s32 $0xFFFFD800  }
0x59: {  	_ =	swait.ge [sflag:s19], $0x50  }
0x5a: {  	[sflag:s19] =	ssyncset.done $0x0  }
0x5b: {  	[sflag:s19] =	ssyncadd.s32 $0xFFFFFFB0  }
0x5c: {  	_ =	swait.ge [sflag:s0], $0x2800  }
0x5d: {  	[sflag:s0] =	ssyncset.done $0x0  }
0x5e: {  	[sflag:s0] =	ssyncadd.s32 $0xFFFFD800  }
0x5f: {  	_ =	swait.ge [sflag:s20], $0x50  }
0x60: {  	[sflag:s20] =	ssyncset.done $0x0  }
0x61: {  	[sflag:s20] =	ssyncadd.s32 $0xFFFFFFB0  }
0x62: {  	_ =	swait.ge [sflag:s12], $0x2800  }
0x63: {  	[sflag:s12] =	ssyncset.done $0x0  }
0x64: {  	[sflag:s12] =	ssyncadd.s32 $0xFFFFD800  }
0x65: {  	_ =	swait.ge [sflag:s16], $0x50  }
0x66: {  	[sflag:s16] =	ssyncset.done $0x0  }
0x67: {  	[sflag:s16] =	ssyncadd.s32 $0xFFFFFFB0  }
0x68: {  	[bflag:$0x0] =	sbarrier.arrive $0xFFFF  }
0x69: {  	s25 =	simm.s32 $0x1BE40;
	s8 =	rddreg [dreg:$0x14]  }
0x6a: {  	[tilespmem:s25], [sflag:$0xA] =	stream.linear.gather [hbm4b:s8+s5], $0x40, $0x38;
	[tilespmem:$0x1C290] =	vst v63  }
0x6b: {  	s24 =	simm.s32 $0x1BE80;
	s21 =	rddreg [dreg:$0x15]  }
0x6c: {  	[tilespmem:s24], [sflag:$0xB] =	stream.linear.gather [hbm4b:s21+s5], $0x40, $0x38;
	[tilespmem:$0x1C290] =	vst v63  }
0x6d: {  	_ =	swait.ge [sflag:s29], $0x40  }
0x6e: {  	[sflag:s29] =	ssyncset.done $0x0  }
0x6f: {  	s21 =	simm.s32 $0x40;
	[sflag:s29] =	ssyncadd.s32 $0xFFFFFFC0  }
0x70: {  	[tilespmem:s18], [sflag:$0x1] =	stream.indirect.gather [hbm4b:s1+s21], $0x80, s25, s21, $0xb8;
	[tilespmem:$0x1C290] =	vst v63  }
0x71: {  	s13 =	simm.s32 $0x1BEC0;
	s28 =	rddreg [dreg:$0x16]  }
0x72: {  	[tilespmem:s13], [sflag:$0xC] =	stream.linear.gather [hbm4b:s28+s5], $0x40, $0x38;
	[tilespmem:$0x1C290] =	vst v63  }
0x73: {  	s28 =	simm.s32 $0xB  }
0x74: {  	_ =	swait.ge [sflag:s28], $0x40  }
0x75: {  	[sflag:s28] =	ssyncset.done $0x0  }
0x76: {  	[sflag:s28] =	ssyncadd.s32 $0xFFFFFFC0  }
0x77: {  	[tilespmem:s31], [sflag:$0x2] =	stream.indirect.gather [hbm4b:s1+s21], $0x80, s24, s21, $0xb8;
	[tilespmem:$0x1C290] =	vst v63  }
0x78: {  	_ =	swait.ge [sflag:s6], $0x2000  }
0x79: {  	[sflag:s6] =	ssyncset.done $0x0;
	s7 =	rddreg [dreg:$0x7]  }
0x7a: {  	[sflag:s6] =	ssyncadd.s32 $0xFFFFE000;
	s8 =	sadd.s32 s7, s30  }
0x7b: {  	[hbm4b:s8+s5] =	stream.linear.scatter [tilespmem:s18], [sflag:$0x4], $0x2000, $0x38;
	[tilespmem:$0x1C290] =	vst v63  }
0x7c: {  	s7 =	rddreg [dreg:$0x18]  }
0x7d: {  	[tilespmem:s25], [sflag:$0xA] =	stream.linear.gather [hbm4b:s7+s5], $0x40, $0x38;
	[tilespmem:$0x1C290] =	vst v63  }
0x7e: {  	_ =	swait.ge [sflag:s9], $0x40  }
0x7f: {  	[sflag:s9] =	ssyncset.done $0x0  }
0x80: {  	[sflag:s9] =	ssyncadd.s32 $0xFFFFFFC0  }
0x81: {  	[tilespmem:s10], [sflag:$0x3] =	stream.indirect.gather [hbm4b:s1+s21], $0x80, s13, s21, $0xb8;
	[tilespmem:$0x1C290] =	vst v63  }
0x82: {  	_ =	swait.ge [sflag:s14], $0x2000  }
0x83: {  	[sflag:s14] =	ssyncset.done $0x0  }
0x84: {  	s30 =	rddreg [dreg:$0x19];
	[sflag:s14] =	ssyncadd.s32 $0xFFFFE000  }
0x85: {  	[hbm4b:s30+s5] =	stream.linear.scatter [tilespmem:s31], [sflag:$0x5], $0x2000, $0x38;
	[tilespmem:$0x1C290] =	vst v63  }
0x86: {  	_ =	swait.ge [sflag:s17], $0x2000  }
0x87: {  	s7 =	sld [smem:$0x7E3]  }
0x88: {  	[sflag:s17] =	ssyncset.done $0x0  }
0x89: {  	[sflag:s17] =	ssyncadd.s32 $0xFFFFE000  }
0x8a: {  	[tilespmem:s24], [sflag:$0xB] =	stream.linear.gather [hbm4b:s7+s5], $0x40, $0x38;
	[tilespmem:$0x1C290] =	vst v63  }
0x8b: {  	_ =	swait.ge [sflag:s29], $0x40  }
0x8c: {  	[sflag:s29] =	ssyncset.done $0x0  }
0x8d: {  	[sflag:s29] =	ssyncadd.s32 $0xFFFFFFC0  }
0x8e: {  	[tilespmem:s18], [sflag:$0x1] =	stream.indirect.gather [hbm4b:s1+s21], $0x80, s25, s21, $0xb8;
	[tilespmem:$0x1C290] =	vst v63  }
0x8f: {  	_ =	swait.ge [sflag:s23], $0x2000  }
0x90: {  	[sflag:s23] =	ssyncset.done $0x0  }
0x91: {  	s30 =	rddreg [dreg:$0x1a];
	[sflag:s23] =	ssyncadd.s32 $0xFFFFE000  }
0x92: {  	[hbm4b:s30+s5] =	stream.linear.scatter [tilespmem:s10], [sflag:$0x6], $0x2000, $0x38;
	[tilespmem:$0x1C290] =	vst v63  }
0x93: {  	_ =	swait.ge [sflag:s0], $0x2000  }
0x94: {  	s7 =	sld [smem:$0x7E4]  }
0x95: {  	[sflag:s0] =	ssyncset.done $0x0  }
0x96: {  	[sflag:s0] =	ssyncadd.s32 $0xFFFFE000  }
0x97: {  	[tilespmem:s13], [sflag:$0xC] =	stream.linear.gather [hbm4b:s7+s5], $0x40, $0x38;
	[tilespmem:$0x1C290] =	vst v63  }
0x98: {  	_ =	swait.ge [sflag:s28], $0x40  }
0x99: {  	[sflag:s28] =	ssyncset.done $0x0  }
0x9a: {  	[sflag:s28] =	ssyncadd.s32 $0xFFFFFFC0  }
0x9b: {  	[tilespmem:s31], [sflag:$0x2] =	stream.indirect.gather [spmem:s3], $0x80, s24, s21, $0xb8;
	[tilespmem:$0x1C290] =	vst v63  }
0x9c: {  	s30 =	simm.s32 $0x1BF40  }
0x9d: {  	[tilespmem:s30], [sflag:$0x11] =	stream.indirect.gather [spmem:s4], $0x1, s24, s21, $0xb8;
	[tilespmem:$0x1C290] =	vst v63  }
0x9e: {  	_ =	swait.ge [sflag:s6], $0x2000  }
0x9f: {  	[sflag:s6] =	ssyncset.done $0x0  }
0xa0: {  	s7 =	rddreg [dreg:$0x1b];
	[sflag:s6] =	ssyncadd.s32 $0xFFFFE000  }
0xa1: {  	[hbm4b:s7+s5] =	stream.linear.scatter [tilespmem:s18], [sflag:$0x4], $0x2000, $0x38;
	[tilespmem:$0x1C290] =	vst v63  }
0xa2: {  	_ =	swait.ge [sflag:s12], $0x2000  }
0xa3: {  	s7 =	sld [smem:$0x7E5]  }
0xa4: {  	[sflag:s12] =	ssyncset.done $0x0  }
0xa5: {  	[sflag:s12] =	ssyncadd.s32 $0xFFFFE000  }
0xa6: {  	[tilespmem:s25], [sflag:$0xA] =	stream.linear.gather [hbm4b:s7+s5], $0x40, $0x38;
	[tilespmem:$0x1C290] =	vst v63  }
0xa7: {  	_ =	swait.ge [sflag:s9], $0x40  }
0xa8: {  	[sflag:s9] =	ssyncset.done $0x0  }
0xa9: {  	[sflag:s9] =	ssyncadd.s32 $0xFFFFFFC0  }
0xaa: {  	[tilespmem:s10], [sflag:$0x3] =	stream.indirect.gather [spmem:s3], $0x80, s13, s21, $0xb8;
	[tilespmem:$0x1C290] =	vst v63  }
0xab: {  	s8 =	simm.s32 $0x1BF80  }
0xac: {  	[tilespmem:s8], [sflag:$0x12] =	stream.indirect.gather [spmem:s4], $0x1, s13, s21, $0xb8;
	[tilespmem:$0x1C290] =	vst v63  }
0xad: {  	_ =	swait.ge [sflag:s14], $0x2000  }
0xae: {  	[sflag:s14] =	ssyncset.done $0x0  }
0xaf: {  	s8 =	simm.s32 $0x11;
	[sflag:s14] =	ssyncadd.s32 $0xFFFFE000  }
0xb0: {  	_ =	swait.ge [sflag:s8], $0x40  }
0xb1: {  	[sflag:s8] =	ssyncset.done $0x0  }
0xb2: {  	[sflag:s8] =	ssyncadd.s32 $0xFFFFFFC0;
	s8 =	smov.u32 s11;
	s11 =	sld [smem:$0x7DE]  }
0xb3: {  	_ =	sdelay $0x1  }
0xb4: {  	s7 =	sadd.s32 s11, s8;
	s8 =	sld [smem:$0x7E2]  }
0xb5: {  	[hbm4b:s7+s5] =	stream.linear.scatter [tilespmem:s31], [sflag:$0x5], $0x2000, $0x38;
	[tilespmem:$0x1C290] =	vst v63  }
0xb6: {  	s7 =	sld [smem:$0x7DD];
	_ =	sdelay $0x2  }
0xb7: {  	s30 =	simm.s32 $0x1BF40;
	s8 =	sadd.s32 s7, s8  }
0xb8: {  	[hbm4b:s8+s5] =	stream.linear.scatter [tilespmem:s30], [sflag:$0x8], $0x40, $0x38;
	[tilespmem:$0x1C290] =	vst v63  }
0xb9: {  	_ =	swait.ge [sflag:s17], $0x2000  }
0xba: {  	s30 =	sld [smem:$0x7E7]  }
0xbb: {  	[sflag:s17] =	ssyncset.done $0x0  }
0xbc: {  	[sflag:s17] =	ssyncadd.s32 $0xFFFFE000  }
0xbd: {  	[tilespmem:s24], [sflag:$0xB] =	stream.linear.gather [hbm4b:s30+s5], $0x40, $0x38;
	[tilespmem:$0x1C290] =	vst v63  }
0xbe: {  	_ =	swait.ge [sflag:s29], $0x40  }
0xbf: {  	[sflag:s29] =	ssyncset.done $0x0  }
0xc0: {  	[sflag:s29] =	ssyncadd.s32 $0xFFFFFFC0  }
0xc1: {  	[tilespmem:s18], [sflag:$0x1] =	stream.indirect.gather [spmem:s3], $0x80, s25, s21, $0xb8;
	[tilespmem:$0x1C290] =	vst v63  }
0xc2: {  	s24 =	simm.s32 $0x1BF00  }
0xc3: {  	[tilespmem:s24], [sflag:$0x10] =	stream.indirect.gather [spmem:s4], $0x1, s25, s21, $0xb8;
	[tilespmem:$0x1C290] =	vst v63  }
0xc4: {  	_ =	swait.ge [sflag:s23], $0x2000  }
0xc5: {  	[sflag:s23] =	ssyncset.done $0x0  }
0xc6: {  	s24 =	simm.s32 $0x12;
	[sflag:s23] =	ssyncadd.s32 $0xFFFFE000  }
0xc7: {  	_ =	swait.ge [sflag:s24], $0x40  }
0xc8: {  	[sflag:s24] =	ssyncset.done $0x0;
	s30 =	rddreg [dreg:$0x1d]  }
0xc9: {  	[sflag:s24] =	ssyncadd.s32 $0xFFFFFFC0;
	s8 =	sadd.s32 s11, s30;
	s30 =	rddreg [dreg:$0x1c]  }
0xca: {  	[hbm4b:s8+s5] =	stream.linear.scatter [tilespmem:s10], [sflag:$0x6], $0x2000, $0x38;
	[tilespmem:$0x1C290] =	vst v63  }
0xcb: {  	s8 =	sadd.s32 s7, s30;
	s30 =	simm.s32 $0x1BF80  }
0xcc: {  	[hbm4b:s8+s5] =	stream.linear.scatter [tilespmem:s30], [sflag:$0x9], $0x40, $0x38;
	[tilespmem:$0x1C290] =	vst v63  }
0xcd: {  	_ =	swait.ge [sflag:s0], $0x2000  }
0xce: {  	[sflag:s0] =	ssyncset.done $0x0  }
0xcf: {  	[sflag:s0] =	ssyncadd.s32 $0xFFFFE000  }
0xd0: {  	_ =	swait.ge [sflag:s20], $0x40  }
0xd1: {  	s30 =	sld [smem:$0x7E9]  }
0xd2: {  	[sflag:s20] =	ssyncset.done $0x0  }
0xd3: {  	[sflag:s20] =	ssyncadd.s32 $0xFFFFFFC0  }
0xd4: {  	[tilespmem:s13], [sflag:$0xC] =	stream.linear.gather [hbm4b:s30+s5], $0x40, $0x38;
	[tilespmem:$0x1C290] =	vst v63  }
0xd5: {  	_ =	swait.ge [sflag:s28], $0x40  }
0xd6: {  	[sflag:s28] =	ssyncset.done $0x0  }
0xd7: {  	s13 =	simm.s32 $0x1BE80;
	[sflag:s28] =	ssyncadd.s32 $0xFFFFFFC0  }
0xd8: {  	[tilespmem:s31], [sflag:$0x2] =	stream.indirect.gather [spmem:s3], $0x80, s13, s21, $0xb8;
	[tilespmem:$0x1C290] =	vst v63  }
0xd9: {  	s30 =	simm.s32 $0x1BF40  }
0xda: {  	[tilespmem:s30], [sflag:$0x11] =	stream.indirect.gather [spmem:s4], $0x1, s13, s21, $0xb8;
	[tilespmem:$0x1C290] =	vst v63  }
0xdb: {  	_ =	swait.ge [sflag:s6], $0x2000  }
0xdc: {  	[sflag:s6] =	ssyncset.done $0x0  }
0xdd: {  	s13 =	simm.s32 $0x10;
	[sflag:s6] =	ssyncadd.s32 $0xFFFFE000  }
0xde: {  	_ =	swait.ge [sflag:s13], $0x40  }
0xdf: {  	[sflag:s13] =	ssyncset.done $0x0;
	s30 =	rddreg [dreg:$0x1f]  }
0xe0: {  	[sflag:s13] =	ssyncadd.s32 $0xFFFFFFC0;
	s8 =	sadd.s32 s11, s30;
	s30 =	rddreg [dreg:$0x1e]  }
0xe1: {  	[hbm4b:s8+s5] =	stream.linear.scatter [tilespmem:s18], [sflag:$0x4], $0x2000, $0x38;
	[tilespmem:$0x1C290] =	vst v63  }
0xe2: {  	s8 =	sadd.s32 s7, s30;
	s30 =	simm.s32 $0x1BF00  }
0xe3: {  	[hbm4b:s8+s5] =	stream.linear.scatter [tilespmem:s30], [sflag:$0x7], $0x40, $0x38;
	[tilespmem:$0x1C290] =	vst v63  }
0xe4: {  	_ =	swait.ge [sflag:s12], $0x2000  }
0xe5: {  	[sflag:s12] =	ssyncset.done $0x0  }
0xe6: {  	[sflag:s12] =	ssyncadd.s32 $0xFFFFE000  }
0xe7: {  	_ =	swait.ge [sflag:s16], $0x40  }
0xe8: {  	s30 =	sld [smem:$0x7EB]  }
0xe9: {  	[sflag:s16] =	ssyncset.done $0x0  }
0xea: {  	[sflag:s16] =	ssyncadd.s32 $0xFFFFFFC0  }
0xeb: {  	[tilespmem:s25], [sflag:$0xA] =	stream.linear.gather [hbm4b:s30+s5], $0x40, $0x38;
	[tilespmem:$0x1C290] =	vst v63  }
0xec: {  	_ =	swait.ge [sflag:s9], $0x40  }
0xed: {  	[sflag:s9] =	ssyncset.done $0x0  }
0xee: {  	s8 =	simm.s32 $0x1BEC0;
	[sflag:s9] =	ssyncadd.s32 $0xFFFFFFC0  }
0xef: {  	[tilespmem:s10], [sflag:$0x3] =	stream.indirect.gather [spmem:s3], $0x80, s8, s21, $0xb8;
	[tilespmem:$0x1C290] =	vst v63  }
0xf0: {  	s30 =	simm.s32 $0x1BF80  }
0xf1: {  	[tilespmem:s30], [sflag:$0x12] =	stream.indirect.gather [spmem:s4], $0x1, s8, s21, $0xb8;
	[tilespmem:$0x1C290] =	vst v63  }
0xf2: {  	_ =	swait.ge [sflag:s14], $0x2000  }
0xf3: {  	[sflag:s14] =	ssyncset.done $0x0  }
0xf4: {  	s30 =	simm.s32 $0x11;
	[sflag:s14] =	ssyncadd.s32 $0xFFFFE000  }
0xf5: {  	_ =	swait.ge [sflag:s30], $0x40  }
0xf6: {  	[sflag:s30] =	ssyncset.done $0x0  }
0xf7: {  	[sflag:s30] =	ssyncadd.s32 $0xFFFFFFC0;
	s30 =	sld [smem:$0x7E0];
	_ =	sdelay $0x2  }
0xf8: {  	s8 =	sadd.s32 s11, s30;
	s30 =	sld [smem:$0x7E6];
	_ =	sdelay $0x1  }
0xf9: {  	[hbm4b:s8+s5] =	stream.linear.scatter [tilespmem:s31], [sflag:$0x5], $0x2000, $0x38;
	[tilespmem:$0x1C290] =	vst v63  }
0xfa: {  	s8 =	sadd.s32 s7, s30;
	s30 =	simm.s32 $0x1BF40  }
0xfb: {  	[hbm4b:s8+s5] =	stream.linear.scatter [tilespmem:s30], [sflag:$0x8], $0x40, $0x38;
	[tilespmem:$0x1C290] =	vst v63  }
0xfc: {  	_ =	swait.ge [sflag:s17], $0x2000  }
0xfd: {  	[sflag:s17] =	ssyncset.done $0x0  }
0xfe: {  	[sflag:s17] =	ssyncadd.s32 $0xFFFFE000  }
0xff: {  	_ =	swait.ge [sflag:s19], $0x40  }
0x100: {  	s8 =	sld [smem:$0x7ED]  }
0x101: {  	[sflag:s19] =	ssyncset.done $0x0  }
0x102: {  	s30 =	simm.s32 $0x1BE80;
	[sflag:s19] =	ssyncadd.s32 $0xFFFFFFC0  }
0x103: {  	[tilespmem:s30], [sflag:$0xB] =	stream.linear.gather [hbm4b:s8+s5], $0x40, $0x38;
	[tilespmem:$0x1C290] =	vst v63  }
0x104: {  	_ =	swait.ge [sflag:s29], $0x40  }
0x105: {  	[sflag:s29] =	ssyncset.done $0x0  }
0x106: {  	[sflag:s29] =	ssyncadd.s32 $0xFFFFFFC0  }
0x107: {  	[tilespmem:s18], [sflag:$0x1] =	stream.indirect.gather [spmem:s3], $0x80, s25, s21, $0xb8;
	[tilespmem:$0x1C290] =	vst v63  }
0x108: {  	s30 =	simm.s32 $0x1BF00  }
0x109: {  	[tilespmem:s30], [sflag:$0x10] =	stream.indirect.gather [spmem:s4], $0x1, s25, s21, $0xb8;
	[tilespmem:$0x1C290] =	vst v63  }
0x10a: {  	_ =	swait.ge [sflag:s23], $0x2000  }
0x10b: {  	[sflag:s23] =	ssyncset.done $0x0  }
0x10c: {  	[sflag:s23] =	ssyncadd.s32 $0xFFFFE000  }
0x10d: {  	_ =	swait.ge [sflag:s24], $0x40  }
0x10e: {  	s30 =	sld [smem:$0x7E1];
	_ =	sdelay $0x1  }
0x10f: {  	[sflag:s24] =	ssyncset.done $0x0;
	s25 =	sld [smem:$0x7E8]  }
0x110: {  	[sflag:s24] =	ssyncadd.s32 $0xFFFFFFC0;
	s8 =	sadd.s32 s11, s30  }
0x111: {  	[hbm4b:s8+s5] =	stream.linear.scatter [tilespmem:s10], [sflag:$0x6], $0x2000, $0x38;
	[tilespmem:$0x1C290] =	vst v63  }
0x112: {  	s30 =	simm.s32 $0x1BF80;
	s8 =	sadd.s32 s7, s25  }
0x113: {  	[hbm4b:s8+s5] =	stream.linear.scatter [tilespmem:s30], [sflag:$0x9], $0x40, $0x38;
	[tilespmem:$0x1C290] =	vst v63  }
0x114: {  	_ =	swait.ge [sflag:s0], $0x2000  }
0x115: {  	[sflag:s0] =	ssyncset.done $0x0  }
0x116: {  	[sflag:s0] =	ssyncadd.s32 $0xFFFFE000  }
0x117: {  	_ =	swait.ge [sflag:s20], $0x40  }
0x118: {  	s8 =	sld [smem:$0x7EF]  }
0x119: {  	[sflag:s20] =	ssyncset.done $0x0  }
0x11a: {  	s30 =	simm.s32 $0x1BEC0;
	[sflag:s20] =	ssyncadd.s32 $0xFFFFFFC0  }
0x11b: {  	[tilespmem:s30], [sflag:$0xC] =	stream.linear.gather [hbm4b:s8+s5], $0x40, $0x38;
	[tilespmem:$0x1C290] =	vst v63  }
0x11c: {  	_ =	swait.ge [sflag:s28], $0x40  }
0x11d: {  	[sflag:s28] =	ssyncset.done $0x0  }
0x11e: {  	s8 =	simm.s32 $0x1BE80;
	[sflag:s28] =	ssyncadd.s32 $0xFFFFFFC0  }
0x11f: {  	[tilespmem:s31], [sflag:$0x2] =	stream.indirect.gather [spmem:s3], $0x80, s8, s21, $0xb8;
	[tilespmem:$0x1C290] =	vst v63  }
0x120: {  	s30 =	simm.s32 $0x1BF40  }
0x121: {  	[tilespmem:s30], [sflag:$0x11] =	stream.indirect.gather [spmem:s4], $0x1, s8, s21, $0xb8;
	[tilespmem:$0x1C290] =	vst v63  }
0x122: {  	_ =	swait.ge [sflag:s6], $0x2000  }
0x123: {  	[sflag:s6] =	ssyncset.done $0x0  }
0x124: {  	[sflag:s6] =	ssyncadd.s32 $0xFFFFE000  }
0x125: {  	_ =	swait.ge [sflag:s13], $0x40  }
0x126: {  	s30 =	sld [smem:$0x7F0]  }
0x127: {  	[sflag:s13] =	ssyncset.done $0x0  }
0x128: {  	[sflag:s13] =	ssyncadd.s32 $0xFFFFFFC0;
	s13 =	sld [smem:$0x7EA]  }
0x129: {  	s8 =	sadd.s32 s11, s30  }
0x12a: {  	[hbm4b:s8+s5] =	stream.linear.scatter [tilespmem:s18], [sflag:$0x4], $0x2000, $0x38;
	[tilespmem:$0x1C290] =	vst v63  }
0x12b: {  	s30 =	simm.s32 $0x1BF00;
	s8 =	sadd.s32 s7, s13  }
0x12c: {  	[hbm4b:s8+s5] =	stream.linear.scatter [tilespmem:s30], [sflag:$0x7], $0x40, $0x38;
	[tilespmem:$0x1C290] =	vst v63  }
0x12d: {  	_ =	swait.ge [sflag:s12], $0x2000  }
0x12e: {  	[sflag:s12] =	ssyncset.done $0x0  }
0x12f: {  	[sflag:s12] =	ssyncadd.s32 $0xFFFFE000  }
0x130: {  	_ =	swait.ge [sflag:s16], $0x40  }
0x131: {  	[sflag:s16] =	ssyncset.done $0x0  }
0x132: {  	[sflag:s16] =	ssyncadd.s32 $0xFFFFFFC0  }
0x133: {  	_ =	swait.ge [sflag:s9], $0x40  }
0x134: {  	[sflag:s9] =	ssyncset.done $0x0  }
0x135: {  	s13 =	simm.s32 $0x1BEC0;
	[sflag:s9] =	ssyncadd.s32 $0xFFFFFFC0  }
0x136: {  	[tilespmem:s10], [sflag:$0x3] =	stream.indirect.gather [spmem:s3], $0x80, s13, s21, $0xb8;
	[tilespmem:$0x1C290] =	vst v63  }
0x137: {  	s25 =	simm.s32 $0x1BF80  }
0x138: {  	[tilespmem:s25], [sflag:$0x12] =	stream.indirect.gather [spmem:s4], $0x1, s13, s21, $0xb8;
	[tilespmem:$0x1C290] =	vst v63  }
0x139: {  	_ =	swait.ge [sflag:s14], $0x2000  }
0x13a: {  	[sflag:s14] =	ssyncset.done $0x0  }
0x13b: {  	s21 =	simm.s32 $0x11;
	[sflag:s14] =	ssyncadd.s32 $0xFFFFE000  }
0x13c: {  	_ =	swait.ge [sflag:s21], $0x40  }
0x13d: {  	s30 =	sld [smem:$0x7F1];
	_ =	sdelay $0x1  }
0x13e: {  	[sflag:s21] =	ssyncset.done $0x0;
	s13 =	sld [smem:$0x7EC]  }
0x13f: {  	[sflag:s21] =	ssyncadd.s32 $0xFFFFFFC0;
	s8 =	sadd.s32 s11, s30  }
0x140: {  	[hbm4b:s8+s5] =	stream.linear.scatter [tilespmem:s31], [sflag:$0x5], $0x2000, $0x38;
	[tilespmem:$0x1C290] =	vst v63  }
0x141: {  	s28 =	simm.s32 $0x1BF40;
	s8 =	sadd.s32 s7, s13  }
0x142: {  	[hbm4b:s8+s5] =	stream.linear.scatter [tilespmem:s28], [sflag:$0x8], $0x40, $0x38;
	[tilespmem:$0x1C290] =	vst v63  }
0x143: {  	_ =	swait.ge [sflag:s23], $0x2000  }
0x144: {  	[sflag:s23] =	ssyncset.done $0x0  }
0x145: {  	[sflag:s23] =	ssyncadd.s32 $0xFFFFE000  }
0x146: {  	_ =	swait.ge [sflag:s24], $0x40  }
0x147: {  	s21 =	sld [smem:$0x7F2]  }
0x148: {  	[sflag:s24] =	ssyncset.done $0x0  }
0x149: {  	[sflag:s24] =	ssyncadd.s32 $0xFFFFFFC0;
	s24 =	sld [smem:$0x7EE]  }
0x14a: {  	s8 =	sadd.s32 s11, s21  }
0x14b: {  	[hbm4b:s8+s5] =	stream.linear.scatter [tilespmem:s10], [sflag:$0x6], $0x2000, $0x38;
	[tilespmem:$0x1C290] =	vst v63  }
0x14c: {  	s8 =	sadd.s32 s7, s24  }
0x14d: {  	[hbm4b:s8+s5] =	stream.linear.scatter [tilespmem:s25], [sflag:$0x9], $0x40, $0x38;
	[tilespmem:$0x1C290] =	vst v63  }
0x14e: {  	_ =	swait.ge [sflag:s17], $0x2000  }
0x14f: {  	[sflag:s17] =	ssyncset.done $0x0  }
0x150: {  	[sflag:s17] =	ssyncadd.s32 $0xFFFFE000  }
0x151: {  	_ =	swait.ge [sflag:s19], $0x40  }
0x152: {  	[sflag:s19] =	ssyncset.done $0x0  }
0x153: {  	[sflag:s19] =	ssyncadd.s32 $0xFFFFFFC0  }
0x154: {  	_ =	swait.ge [sflag:s0], $0x2000  }
0x155: {  	[sflag:s0] =	ssyncset.done $0x0  }
0x156: {  	[sflag:s0] =	ssyncadd.s32 $0xFFFFE000  }
0x157: {  	_ =	swait.ge [sflag:s20], $0x40  }
0x158: {  	[sflag:s20] =	ssyncset.done $0x0  }
0x159: {  	[sflag:s20] =	ssyncadd.s32 $0xFFFFFFC0  }
0x15a: {  	_ =	swait.ge [sflag:s12], $0x2000  }
0x15b: {  	[sflag:s12] =	ssyncset.done $0x0  }
0x15c: {  	[sflag:s12] =	ssyncadd.s32 $0xFFFFE000  }
0x15d: {  	_ =	swait.ge [sflag:s16], $0x40  }
0x15e: {  	s28 =	sld [smem:$0x7DF]  }
0x15f: {  	s30 =	sld [smem:$0x7F3];
	_ =	sdelay $0x1  }
0x160: {  	s7 =	sadd.s32 $0x1, s28  }
0x161: {  	p1 =	sne.s32 s7, s30  }
.Ltmp1:
0x162: {  	_ = 	snop;
	(pc) =	sbr.rel @!p1 .LBB2_12-.Ltmp1, $3  }
0x163: {  	_ =	sdelay $0x1  }
0x164: {  	[sflag:s16] =	ssyncset.done $0x0  }
0x165: {  	s24 =	simm.s32 $0x1BC60;
	[sflag:s16] =	ssyncadd.s32 $0xFFFFFFC0  }
.LBB2_1:
0x166: {  	s25 =	simm.s32 $0x70;
	s28 =	simm.s32 $0x3C0  }
.LBB2_2:
0x167: {  	p1 =	sne.s32 s28, $0x9FC0;
	[tilespmem:s25+$0x14280] =	vst v0  }
0x168: {  	[tilespmem:s25+$0x14210] =	vst v0  }
0x169: {  	[tilespmem:s25+$0x14220] =	vst v0  }
.Ltmp2:
0x16a: {  	[tilespmem:s25+$0x14230] =	vst v0;
	(pc) =	sbr.rel @p1 .LBB2_2-.Ltmp2, $4  }
0x16b: {  	[tilespmem:s25+$0x14240] =	vst v0  }
0x16c: {  	[tilespmem:s25+$0x14250] =	vst v0  }
0x16d: {  	[tilespmem:s25+$0x14260] =	vst v0  }
0x16e: {  	[tilespmem:s25+$0x14270] =	vst v0;
	s25 =	sshra.s32 s28, $0x2;
	s28 =	sadd.s32 $0x200, s28  }
0x16f: {  	[tilespmem:s25+$0x14280] =	vst v0  }
0x170: {  	[tilespmem:s25+$0x14210] =	vst v0  }
0x171: {  	[tilespmem:s25+$0x14220] =	vst v0  }
0x172: {  	[tilespmem:s25+$0x14230] =	vst v0  }
0x173: {  	[tilespmem:s25+$0x14240] =	vst v0  }
0x174: {  	[tilespmem:s25+$0x14250] =	vst v0  }
0x175: {  	[tilespmem:s25+$0x14260] =	vst v0  }
0x176: {  	[tilespmem:s25+$0x14270] =	vst v0  }
0x177: {  	[tilespmem:$0x1C010] =	vst v0  }
0x178: {  	[tilespmem:$0x1C020] =	vst v0  }
0x179: {  	[tilespmem:$0x1C030] =	vst v0  }
0x17a: {  	[tilespmem:$0x1C040] =	vst v0  }
0x17b: {  	[tilespmem:$0x1C050] =	vst v0  }
0x17c: {  	[tilespmem:$0x1C060] =	vst v0  }
0x17d: {  	[tilespmem:$0x1C070] =	vst v0  }
0x17e: {  	[tilespmem:$0x1C080] =	vst v0  }
0x17f: {  	[tilespmem:$0x1C090] =	vst v0  }
0x180: {  	[tilespmem:$0x1C0A0] =	vst v0  }
0x181: {  	[tilespmem:$0x1C0B0] =	vst v0  }
0x182: {  	[tilespmem:$0x1C0C0] =	vst v0  }
0x183: {  	[tilespmem:$0x1C0D0] =	vst v0  }
0x184: {  	[tilespmem:$0x1C0E0] =	vst v0  }
0x185: {  	[tilespmem:$0x1C0F0] =	vst v0  }
0x186: {  	[tilespmem:$0x1C100] =	vst v0  }
0x187: {  	[tilespmem:$0x1C110] =	vst v0  }
0x188: {  	[tilespmem:$0x1C120] =	vst v0  }
0x189: {  	[tilespmem:$0x1C130] =	vst v0  }
0x18a: {  	[tilespmem:$0x1C140] =	vst v0  }
0x18b: {  	[tilespmem:$0x1C150] =	vst v0  }
0x18c: {  	[tilespmem:$0x1C160] =	vst v0  }
0x18d: {  	[tilespmem:$0x1C170] =	vst v0  }
0x18e: {  	[tilespmem:$0x1C180] =	vst v0  }
0x18f: {  	[tilespmem:$0x1C190] =	vst v0  }
0x190: {  	[tilespmem:$0x1C1A0] =	vst v0  }
0x191: {  	[tilespmem:$0x1C1B0] =	vst v0  }
0x192: {  	[tilespmem:$0x1C1C0] =	vst v0  }
0x193: {  	[tilespmem:$0x1C1D0] =	vst v0  }
0x194: {  	[tilespmem:$0x1C1E0] =	vst v0  }
0x195: {  	[tilespmem:$0x1C1F0] =	vst v0  }
0x196: {  	[tilespmem:$0x1C200] =	vst v0  }
0x197: {  	[tilespmem:$0x1C210] =	vst v0  }
0x198: {  	[tilespmem:$0x1C220] =	vst v0  }
0x199: {  	[tilespmem:$0x1C230] =	vst v0  }
0x19a: {  	[tilespmem:$0x1C240] =	vst v0  }
0x19b: {  	[tilespmem:$0x1C250] =	vst v0  }
0x19c: {  	[tilespmem:$0x1C260] =	vst v0  }
0x19d: {  	[tilespmem:$0x1C270] =	vst v0  }
0x19e: {  	[tilespmem:$0x1C280] =	vst v0  }
0x19f: {  	[tilespmem:$0x1BFC0] =	vst v1  }
0x1a0: {  	[tilespmem:$0x1BFD0] =	vst v1  }
0x1a1: {  	s8 =	sld [smem:$0x7FC];
	[tilespmem:$0x1BFE0] =	vst v1  }
0x1a2: {  	[tilespmem:$0x1BFF0] =	vst v1  }
0x1a3: {  	[smem:$0x7DF] =	sst s7;
	s11 =	simm.s32 $0x13;
	[tilespmem:$0x1C000] =	vst v1  }
0x1a4: {  	[spmem:s8] =	stream.linear.scatter [tilespmem:s18], [sflag:$0x13], $0x2800, $0x38;
	[tilespmem:$0x1C290] =	vst v63  }
0x1a5: {  	_ =	swait.ge [sflag:s11], $0x2800  }
0x1a6: {  	s28 =	sld [smem:$0x7F6]  }
0x1a7: {  	[sflag:s11] =	ssyncset.done $0x0  }
0x1a8: {  	[sflag:s11] =	ssyncadd.s32 $0xFFFFD800  }
0x1a9: {  	[spmem:s28] =	stream.linear.scatter [tilespmem:s18], [sflag:$0x13], $0x2800, $0x38;
	[tilespmem:$0x1C290] =	vst v63  }
0x1aa: {  	_ =	swait.ge [sflag:s11], $0x2800  }
0x1ab: {  	s30 =	sld [smem:$0x7F7]  }
0x1ac: {  	[sflag:s11] =	ssyncset.done $0x0  }
0x1ad: {  	[sflag:s11] =	ssyncadd.s32 $0xFFFFD800  }
0x1ae: {  	[spmem:s30] =	stream.linear.scatter [tilespmem:s18], [sflag:$0x13], $0x2800, $0x38;
	[tilespmem:$0x1C290] =	vst v63  }
0x1af: {  	_ =	swait.ge [sflag:s11], $0x2800  }
0x1b0: {  	s7 =	sld [smem:$0x7F8]  }
0x1b1: {  	[sflag:s11] =	ssyncset.done $0x0  }
0x1b2: {  	[sflag:s11] =	ssyncadd.s32 $0xFFFFD800  }
0x1b3: {  	[spmem:s7] =	stream.linear.scatter [tilespmem:s18], [sflag:$0x13], $0x2800, $0x38;
	[tilespmem:$0x1C290] =	vst v63  }
0x1b4: {  	_ =	swait.ge [sflag:s11], $0x2800  }
0x1b5: {  	s13 =	sld [smem:$0x7F9]  }
0x1b6: {  	[sflag:s11] =	ssyncset.done $0x0  }
0x1b7: {  	[sflag:s11] =	ssyncadd.s32 $0xFFFFD800  }
0x1b8: {  	[spmem:s13] =	stream.linear.scatter [tilespmem:s18], [sflag:$0x13], $0x2800, $0x38;
	[tilespmem:$0x1C290] =	vst v63  }
0x1b9: {  	_ =	swait.ge [sflag:s11], $0x2800  }
0x1ba: {  	s21 =	sld [smem:$0x7FA]  }
0x1bb: {  	[sflag:s11] =	ssyncset.done $0x0  }
0x1bc: {  	[sflag:s11] =	ssyncadd.s32 $0xFFFFD800  }
0x1bd: {  	[spmem:s21] =	stream.linear.scatter [tilespmem:s18], [sflag:$0x13], $0x2800, $0x38;
	[tilespmem:$0x1C290] =	vst v63  }
0x1be: {  	_ =	swait.ge [sflag:s11], $0x2800  }
0x1bf: {  	s25 =	sld [smem:$0x7FB]  }
0x1c0: {  	[sflag:s11] =	ssyncset.done $0x0  }
0x1c1: {  	[sflag:s11] =	ssyncadd.s32 $0xFFFFD800  }
0x1c2: {  	[spmem:s25] =	stream.linear.scatter [tilespmem:s18], [sflag:$0x13], $0x2800, $0x38;
	[tilespmem:$0x1C290] =	vst v63  }
0x1c3: {  	_ =	swait.ge [sflag:s11], $0x2800  }
0x1c4: {  	s28 =	sld [smem:$0x7FD]  }
0x1c5: {  	[sflag:s11] =	ssyncset.done $0x0  }
0x1c6: {  	[sflag:s11] =	ssyncadd.s32 $0xFFFFD800  }
0x1c7: {  	[spmem:s28] =	stream.linear.scatter [tilespmem:s18], [sflag:$0x13], $0x2800, $0x38;
	[tilespmem:$0x1C290] =	vst v63  }
0x1c8: {  	_ =	swait.ge [sflag:s11], $0x2800  }
0x1c9: {  	[sflag:s11] =	ssyncset.done $0x0  }
0x1ca: {  	s13 =	simm.s32 $0x1C010;
	s30 =	rddreg [dreg:$0xb];
	[sflag:s11] =	ssyncadd.s32 $0xFFFFD800  }
0x1cb: {  	[spmem:s30] =	stream.linear.scatter [tilespmem:s13], [sflag:$0x13], $0x280, $0x38;
	[tilespmem:$0x1C290] =	vst v63  }
.Ltmp3:
0x1cc: {  	_ =	swait.ge [sflag:s11], $0x280;
	(pc) =	sbr.rel @p0 .LBB2_8-.Ltmp3, $4  }
0x1cd: {  	[sflag:s11] =	ssyncset.done $0x0  }
0x1ce: {  	[sflag:s11] =	ssyncadd.s32 $0xFFFFFD80  }
0x1cf: {  	[bflag:$0x0] =	sbarrier.arrive $0xFFFF  }
0x1d0: {  	s25 =	simm.s32 $0x0  }
0x1d1: {  	s8 =	rddreg [dreg:$0x10];
	s11 =	simm.s32 $0x1BA80  }
0x1d2: {  	[tilespmem:s11], [sflag:$0xA] =	stream.linear.gather [hbm4b:s8+s25], $0xA0, $0x38;
	[tilespmem:$0x1C290] =	vst v63  }
0x1d3: {  	s21 =	rddreg [dreg:$0x11];
	s13 =	simm.s32 $0x1BB20  }
0x1d4: {  	[tilespmem:s13], [sflag:$0xB] =	stream.linear.gather [hbm4b:s21+s25], $0xA0, $0x38;
	[tilespmem:$0x1C290] =	vst v63  }
0x1d5: {  	s28 =	rddreg [dreg:$0x12]  }
0x1d6: {  	[tilespmem:s15], [sflag:$0xC] =	stream.linear.gather [hbm4b:s28+s25], $0xA0, $0x38;
	[tilespmem:$0x1C290] =	vst v63  }
0x1d7: {  	s30 =	rddreg [dreg:$0x13]  }
0x1d8: {  	[tilespmem:s24], [sflag:$0xD] =	stream.linear.gather [hbm4b:s30+s25], $0xA0, $0x38;
	[tilespmem:$0x1C290] =	vst v63  }
0x1d9: {  	_ =	swait.ge [sflag:s29], $0xA0  }
0x1da: {  	[sflag:s29] =	ssyncset.done $0x0  }
0x1db: {  	[sflag:s29] =	ssyncadd.s32 $0xFFFFFF60  }
0x1dc: {  	[tilespmem:s18], [sflag:$0x1] =	stream.indirect.gather [hbm4b:s1+s26], $0x80, s11, s26, $0xb8;
	[tilespmem:$0x1C290] =	vst v63  }
.LBB2_5:
0x1dd: {  	p1 =	seq.s32 s25, $0x0  }
0x1de: {  	s28 =	simm.s32 @p1 $0xB  }
0x1df: {  	_ =	swait.ge @p1 [sflag:s28], $0xA0  }
0x1e0: {  	[sflag:s28] =	ssyncset.done @p1 $0x0  }
0x1e1: {  	[sflag:s28] =	ssyncadd.s32 @p1 $0xFFFFFF60;
	s28 =	simm.s32 @!p1 $0x3  }
0x1e2: {  	_ =	swait.ge @!p1 [sflag:s28], $0x2800  }
0x1e3: {  	s8 =	simm.s32 @!p1 $0x1BDF0;
	[sflag:s28] =	ssyncset.done @!p1 $0x0  }
0x1e4: {  	s13 =	simm.s32 @!p1 $0x19280;
	[sflag:s28] =	ssyncadd.s32 @!p1 $0xFFFFD800;
	s28 =	simm.s32 @!p1 $0x50  }
0x1e5: {  	[spmem:s3] =	stream.indirect.scatter.add.f32 @!p1 [tilespmem:s13], [sflag:$0x6], $0x80, s8, s28, $0xb8;
	[tilespmem:$0x1C290] =	vst v63  }
0x1e6: {  	s13 =	simm.s32 @!p1 $0x1BFC0  }
0x1e7: {  	[spmem:s4] =	stream.indirect.scatter.add.f32 @!p1 [tilespmem:s13], [sflag:$0x9], $0x1, s8, s28, $0xb8;
	[tilespmem:$0x1C290] =	vst v63  }
0x1e8: {  	s8 =	simm.s32 @!p1 $0xB  }
0x1e9: {  	_ =	swait.ge @!p1 [sflag:s8], $0xA0  }
0x1ea: {  	[sflag:s8] =	ssyncset.done @!p1 $0x0  }
0x1eb: {  	[sflag:s8] =	ssyncadd.s32 @!p1 $0xFFFFFF60;
	s8 =	simm.s32 @!p1 $0x5  }
0x1ec: {  	_ =	swait.ge @!p1 [sflag:s8], $0x2800  }
0x1ed: {  	[sflag:s8] =	ssyncset.done @!p1 $0x0  }
0x1ee: {  	[sflag:s8] =	ssyncadd.s32 @!p1 $0xFFFFD800;
	s8 =	simm.s32 @!p1 $0x8  }
0x1ef: {  	_ =	swait.ge @!p1 [sflag:s8], $0x50  }
0x1f0: {  	[sflag:s8] =	ssyncset.done @!p1 $0x0;
	s11 =	rddreg [dreg:$0x10]  }
0x1f1: {  	s13 =	simm.s32 $0x1BB20;
	[sflag:s8] =	ssyncadd.s32 @!p1 $0xFFFFFFB0;
	s28 =	sadd.s32 s25, s11  }
0x1f2: {  	[tilespmem:s31], [sflag:$0x2] =	stream.indirect.gather [hbm4b:s1+s26], $0x80, s13, s26, $0xb8;
	[tilespmem:$0x1C290] =	vst v63  }
0x1f3: {  	s7 =	simm.s32 $0x1BD00;
	s21 =	sadd.s32 $0x50, s28  }
0x1f4: {  	[tilespmem:s7], [sflag:$0xE] =	stream.linear.gather [hbm4b:s21+s5], $0xA0, $0x38;
	[tilespmem:$0x1C290] =	vst v63  }
0x1f5: {  	_ =	swait.ge [sflag:s6], $0x2800  }
0x1f6: {  	[sflag:s6] =	ssyncset.done $0x0  }
0x1f7: {  	s30 =	simm.s32 $0x1BAD0;
	[sflag:s6] =	ssyncadd.s32 $0xFFFFD800  }
0x1f8: {  	[spmem:s3] =	stream.indirect.scatter.add.f32 [tilespmem:s18], [sflag:$0x4], $0x80, s30, s26, $0xb8;
	[tilespmem:$0x1C290] =	vst v63  }
0x1f9: {  	_ = 	snop  }
0x1fa: {  	[spmem:s4] =	stream.indirect.scatter.add.f32 [tilespmem:s2], [sflag:$0x7], $0x1, s30, s26, $0xb8;
	[tilespmem:$0x1C290] =	vst v63  }
0x1fb: {  	_ =	swait.ge [sflag:s9], $0xA0  }
0x1fc: {  	[sflag:s9] =	ssyncset.done $0x0  }
0x1fd: {  	s8 =	simm.s32 @!p1 $0x6;
	[sflag:s9] =	ssyncadd.s32 $0xFFFFFF60  }
0x1fe: {  	_ =	swait.ge @!p1 [sflag:s8], $0x2800  }
0x1ff: {  	[sflag:s8] =	ssyncset.done @!p1 $0x0  }
0x200: {  	[sflag:s8] =	ssyncadd.s32 @!p1 $0xFFFFD800;
	s8 =	simm.s32 @!p1 $0x9  }
0x201: {  	_ =	swait.ge @!p1 [sflag:s8], $0x50  }
0x202: {  	[sflag:s8] =	ssyncset.done @!p1 $0x0  }
0x203: {  	[sflag:s8] =	ssyncadd.s32 @!p1 $0xFFFFFFB0  }
0x204: {  	[tilespmem:s10], [sflag:$0x3] =	stream.indirect.gather [hbm4b:s1+s26], $0x80, s15, s26, $0xb8;
	[tilespmem:$0x1C290] =	vst v63  }
0x205: {  	s13 =	sadd.s32 $0x64, s28;
	s30 =	simm.s32 $0x1BDA0  }
0x206: {  	[tilespmem:s30], [sflag:$0xF] =	stream.linear.gather [hbm4b:s13+s5], $0xA0, $0x38;
	[tilespmem:$0x1C290] =	vst v63  }
0x207: {  	_ =	swait.ge [sflag:s14], $0x2800  }
0x208: {  	[sflag:s14] =	ssyncset.done $0x0  }
0x209: {  	s15 =	simm.s32 $0x1BB70;
	[sflag:s14] =	ssyncadd.s32 $0xFFFFD800  }
0x20a: {  	[spmem:s3] =	stream.indirect.scatter.add.f32 [tilespmem:s31], [sflag:$0x5], $0x80, s15, s26, $0xb8;
	[tilespmem:$0x1C290] =	vst v63  }
0x20b: {  	s21 =	simm.s32 $0xD  }
0x20c: {  	[spmem:s4] =	stream.indirect.scatter.add.f32 [tilespmem:s2], [sflag:$0x8], $0x1, s15, s26, $0xb8;
	[tilespmem:$0x1C290] =	vst v63  }
0x20d: {  	_ =	swait.ge [sflag:s21], $0xA0  }
0x20e: {  	[sflag:s21] =	ssyncset.done $0x0  }
0x20f: {  	[sflag:s21] =	ssyncadd.s32 $0xFFFFFF60  }
0x210: {  	_ =	swait.ge [sflag:s17], $0x2800  }
0x211: {  	[sflag:s17] =	ssyncset.done $0x0  }
0x212: {  	[sflag:s17] =	ssyncadd.s32 $0xFFFFD800  }
0x213: {  	_ =	swait.ge [sflag:s19], $0x50  }
0x214: {  	p1 =	seq.s32 s25, $0xF78;
	[sflag:s19] =	ssyncset.done $0x0  }
0x215: {  	s8 =	sadd.s32 @!p1 s25, s11;
	[sflag:s19] =	ssyncadd.s32 $0xFFFFFFB0  }
0x216: {  	[tilespmem:s18], [sflag:$0x1] =	stream.indirect.gather [hbm4b:s1+s26], $0x80, s24, s26, $0xb8;
	[tilespmem:$0x1C290] =	vst v63  }
0x217: {  	s11 =	simm.s32 @!p1 $0x1BA80;
	s13 =	sadd.s32 @!p1 $0x78, s8;
	s15 =	simm.s32 @!p1 $0x0  }
0x218: {  	[tilespmem:s11], [sflag:$0xA] =	stream.linear.gather @!p1 [hbm4b:s13+s15], $0xA0, $0x38;
	[tilespmem:$0x1C290] =	vst v63  }
0x219: {  	_ =	swait.ge [sflag:s23], $0x2800  }
0x21a: {  	[sflag:s23] =	ssyncset.done $0x0  }
0x21b: {  	s13 =	simm.s32 $0x1BC10;
	[sflag:s23] =	ssyncadd.s32 $0xFFFFD800  }
0x21c: {  	[spmem:s3] =	stream.indirect.scatter.add.f32 [tilespmem:s10], [sflag:$0x6], $0x80, s13, s26, $0xb8;
	[tilespmem:$0x1C290] =	vst v63  }
0x21d: {  	_ = 	snop  }
0x21e: {  	[spmem:s4] =	stream.indirect.scatter.add.f32 [tilespmem:s2], [sflag:$0x9], $0x1, s13, s26, $0xb8;
	[tilespmem:$0x1C290] =	vst v63  }
0x21f: {  	s13 =	simm.s32 $0xE  }
0x220: {  	_ =	swait.ge [sflag:s13], $0xA0  }
0x221: {  	[sflag:s13] =	ssyncset.done $0x0  }
0x222: {  	[sflag:s13] =	ssyncadd.s32 $0xFFFFFF60  }
0x223: {  	_ =	swait.ge [sflag:s0], $0x2800  }
0x224: {  	[sflag:s0] =	ssyncset.done $0x0  }
0x225: {  	[sflag:s0] =	ssyncadd.s32 $0xFFFFD800  }
0x226: {  	_ =	swait.ge [sflag:s20], $0x50  }
0x227: {  	[sflag:s20] =	ssyncset.done $0x0  }
0x228: {  	[sflag:s20] =	ssyncadd.s32 $0xFFFFFFB0  }
0x229: {  	[tilespmem:s31], [sflag:$0x2] =	stream.indirect.gather [hbm4b:s1+s26], $0x80, s7, s26, $0xb8;
	[tilespmem:$0x1C290] =	vst v63  }
0x22a: {  	s8 =	sadd.s32 @!p1 $0x8C, s8;
	s11 =	simm.s32 @!p1 $0x1BB20  }
0x22b: {  	[tilespmem:s11], [sflag:$0xB] =	stream.linear.gather @!p1 [hbm4b:s8+s15], $0xA0, $0x38;
	[tilespmem:$0x1C290] =	vst v63  }
0x22c: {  	_ =	swait.ge [sflag:s6], $0x2800  }
0x22d: {  	[sflag:s6] =	ssyncset.done $0x0  }
0x22e: {  	s15 =	simm.s32 $0x1BCB0;
	[sflag:s6] =	ssyncadd.s32 $0xFFFFD800  }
0x22f: {  	[spmem:s3] =	stream.indirect.scatter.add.f32 [tilespmem:s18], [sflag:$0x4], $0x80, s15, s26, $0xb8;
	[tilespmem:$0x1C290] =	vst v63  }
0x230: {  	_ = 	snop  }
0x231: {  	[spmem:s4] =	stream.indirect.scatter.add.f32 [tilespmem:s2], [sflag:$0x7], $0x1, s15, s26, $0xb8;
	[tilespmem:$0x1C290] =	vst v63  }
0x232: {  	_ =	swait.ge [sflag:s22], $0xA0  }
0x233: {  	[sflag:s22] =	ssyncset.done $0x0  }
0x234: {  	[sflag:s22] =	ssyncadd.s32 $0xFFFFFF60  }
0x235: {  	_ =	swait.ge [sflag:s12], $0x2800  }
0x236: {  	[sflag:s12] =	ssyncset.done $0x0  }
.Ltmp4:
0x237: {  	[sflag:s12] =	ssyncadd.s32 $0xFFFFD800;
	(pc) =	sbr.rel @p1 .LBB2_6-.Ltmp4, $4  }
0x238: {  	_ =	swait.ge [sflag:s16], $0x50  }
0x239: {  	[sflag:s16] =	ssyncset.done $0x0  }
0x23a: {  	s21 =	simm.s32 $0x1BC60;
	s24 =	simm.s32 $0x1BBC0;
	[sflag:s16] =	ssyncadd.s32 $0xFFFFFFB0  }
0x23b: {  	[tilespmem:s10], [sflag:$0x3] =	stream.indirect.gather [hbm4b:s1+s26], $0x80, s30, s26, $0xb8;
	[tilespmem:$0x1C290] =	vst v63  }
0x23c: {  	s8 =	sadd.s32 $0xA0, s28  }
0x23d: {  	[tilespmem:s24], [sflag:$0xC] =	stream.linear.gather [hbm4b:s8+s5], $0xA0, $0x38;
	[tilespmem:$0x1C290] =	vst v63  }
0x23e: {  	_ =	swait.ge [sflag:s14], $0x2800  }
0x23f: {  	[sflag:s14] =	ssyncset.done $0x0  }
0x240: {  	s7 =	simm.s32 $0x1BD50;
	[sflag:s14] =	ssyncadd.s32 $0xFFFFD800  }
0x241: {  	[spmem:s3] =	stream.indirect.scatter.add.f32 [tilespmem:s31], [sflag:$0x5], $0x80, s7, s26, $0xb8;
	[tilespmem:$0x1C290] =	vst v63  }
0x242: {  	_ = 	snop  }
0x243: {  	[spmem:s4] =	stream.indirect.scatter.add.f32 [tilespmem:s2], [sflag:$0x8], $0x1, s7, s26, $0xb8;
	[tilespmem:$0x1C290] =	vst v63  }
0x244: {  	_ =	swait.ge [sflag:s29], $0xA0  }
0x245: {  	[sflag:s29] =	ssyncset.done $0x0  }
0x246: {  	[sflag:s29] =	ssyncadd.s32 $0xFFFFFF60  }
0x247: {  	_ =	swait.ge [sflag:s17], $0x2800  }
0x248: {  	[sflag:s17] =	ssyncset.done $0x0  }
0x249: {  	[sflag:s17] =	ssyncadd.s32 $0xFFFFD800  }
0x24a: {  	_ =	swait.ge [sflag:s19], $0x50  }
.Ltmp5:
0x24b: {  	[sflag:s19] =	ssyncset.done $0x0;
	(pc) =	sbr.rel .LBB2_5-.Ltmp5, $4  }
0x24c: {  	s30 =	sadd.s32 $0xB4, s28;
	s24 =	simm.s32 $0x1BA80;
	[sflag:s19] =	ssyncadd.s32 $0xFFFFFFB0  }
0x24d: {  	[tilespmem:s18], [sflag:$0x1] =	stream.indirect.gather [hbm4b:s1+s26], $0x80, s24, s26, $0xb8;
	[tilespmem:$0x1C290] =	vst v63  }
0x24e: {  	s25 =	sadd.s32 $0x78, s25;
	s15 =	simm.s32 $0x1BBC0;
	s24 =	simm.s32 $0x1BC60  }
0x24f: {  	[tilespmem:s21], [sflag:$0xD] =	stream.linear.gather [hbm4b:s30+s5], $0xA0, $0x38;
	[tilespmem:$0x1C290] =	vst v63  }
.LBB2_8:
0x250: {  	s8 =	sld [smem:$0x7F4];
	_ =	sdelay $0x1  }
0x251: {  	s11 =	simm.s32 $0x1BA80  }
0x252: {  	[tilespmem:s11], [sflag:$0xA] =	stream.linear.gather [hbm4b:s8+s25], $0xA0, $0x38;
	[tilespmem:$0x1C290] =	vst v63  }
0x253: {  	s21 =	rddreg [dreg:$0xd];
	s13 =	simm.s32 $0x1BB20  }
0x254: {  	[tilespmem:s13], [sflag:$0xB] =	stream.linear.gather [hbm4b:s21+s25], $0xA0, $0x38;
	[tilespmem:$0x1C290] =	vst v63  }
0x255: {  	s28 =	rddreg [dreg:$0xe]  }
0x256: {  	[tilespmem:s15], [sflag:$0xC] =	stream.linear.gather [hbm4b:s28+s25], $0xA0, $0x38;
	[tilespmem:$0x1C290] =	vst v63  }
0x257: {  	s30 =	rddreg [dreg:$0xf]  }
0x258: {  	[tilespmem:s24], [sflag:$0xD] =	stream.linear.gather [hbm4b:s30+s25], $0xA0, $0x38;
	[tilespmem:$0x1C290] =	vst v63  }
0x259: {  	_ =	swait.ge [sflag:s29], $0xA0  }
0x25a: {  	[sflag:s29] =	ssyncset.done $0x0  }
0x25b: {  	[sflag:s29] =	ssyncadd.s32 $0xFFFFFF60  }
0x25c: {  	[tilespmem:s18], [sflag:$0x1] =	stream.indirect.gather [hbm4b:s1+s26], $0x80, s11, s26, $0xb8;
	[tilespmem:$0x1C290] =	vst v63  }
.LBB2_9:
0x25d: {  	p1 =	seq.s32 s25, $0x0  }
0x25e: {  	s8 =	simm.s32 @p1 $0xB  }
0x25f: {  	_ =	swait.ge @p1 [sflag:s8], $0xA0  }
0x260: {  	[sflag:s8] =	ssyncset.done @p1 $0x0  }
0x261: {  	[sflag:s8] =	ssyncadd.s32 @p1 $0xFFFFFF60;
	s8 =	simm.s32 @!p1 $0x3  }
0x262: {  	_ =	swait.ge @!p1 [sflag:s8], $0x2800  }
0x263: {  	s11 =	simm.s32 @!p1 $0x1BDF0;
	[sflag:s8] =	ssyncset.done @!p1 $0x0  }
0x264: {  	s13 =	simm.s32 @!p1 $0x19280;
	[sflag:s8] =	ssyncadd.s32 @!p1 $0xFFFFD800;
	s8 =	simm.s32 @!p1 $0x50  }
0x265: {  	[spmem:s3] =	stream.indirect.scatter.add.f32 @!p1 [tilespmem:s13], [sflag:$0x6], $0x80, s11, s8, $0xb8;
	[tilespmem:$0x1C290] =	vst v63  }
0x266: {  	s13 =	simm.s32 @!p1 $0x1BFC0  }
0x267: {  	[spmem:s4] =	stream.indirect.scatter.add.f32 @!p1 [tilespmem:s13], [sflag:$0x9], $0x1, s11, s8, $0xb8;
	[tilespmem:$0x1C290] =	vst v63  }
0x268: {  	s8 =	simm.s32 @!p1 $0xB  }
0x269: {  	_ =	swait.ge @!p1 [sflag:s8], $0xA0  }
0x26a: {  	[sflag:s8] =	ssyncset.done @!p1 $0x0  }
0x26b: {  	[sflag:s8] =	ssyncadd.s32 @!p1 $0xFFFFFF60;
	s8 =	simm.s32 @!p1 $0x5  }
0x26c: {  	_ =	swait.ge @!p1 [sflag:s8], $0x2800  }
0x26d: {  	[sflag:s8] =	ssyncset.done @!p1 $0x0  }
0x26e: {  	[sflag:s8] =	ssyncadd.s32 @!p1 $0xFFFFD800;
	s8 =	simm.s32 @!p1 $0x8  }
0x26f: {  	_ =	swait.ge @!p1 [sflag:s8], $0x50  }
0x270: {  	[sflag:s8] =	ssyncset.done @!p1 $0x0;
	s11 =	rddreg [dreg:$0xc]  }
0x271: {  	s21 =	simm.s32 $0x1BB20;
	[sflag:s8] =	ssyncadd.s32 @!p1 $0xFFFFFFB0;
	s28 =	sadd.s32 s25, s11  }
0x272: {  	[tilespmem:s31], [sflag:$0x2] =	stream.indirect.gather [hbm4b:s1+s26], $0x80, s21, s26, $0xb8;
	[tilespmem:$0x1C290] =	vst v63  }
0x273: {  	s7 =	simm.s32 $0x1BD00;
	s30 =	sadd.s32 $0xFF50, s28  }
0x274: {  	[tilespmem:s7], [sflag:$0xE] =	stream.linear.gather [hbm4b:s30+s5], $0xA0, $0x38;
	[tilespmem:$0x1C290] =	vst v63  }
0x275: {  	_ =	swait.ge [sflag:s6], $0x2800  }
0x276: {  	[sflag:s6] =	ssyncset.done $0x0  }
0x277: {  	s13 =	simm.s32 $0x1BAD0;
	[sflag:s6] =	ssyncadd.s32 $0xFFFFD800  }
0x278: {  	[spmem:s3] =	stream.indirect.scatter.add.f32 [tilespmem:s18], [sflag:$0x4], $0x80, s13, s26, $0xb8;
	[tilespmem:$0x1C290] =	vst v63  }
0x279: {  	_ = 	snop  }
0x27a: {  	[spmem:s4] =	stream.indirect.scatter.add.f32 [tilespmem:s2], [sflag:$0x7], $0x1, s13, s26, $0xb8;
	[tilespmem:$0x1C290] =	vst v63  }
0x27b: {  	_ =	swait.ge [sflag:s9], $0xA0  }
0x27c: {  	[sflag:s9] =	ssyncset.done $0x0  }
0x27d: {  	s8 =	simm.s32 @!p1 $0x6;
	[sflag:s9] =	ssyncadd.s32 $0xFFFFFF60  }
0x27e: {  	_ =	swait.ge @!p1 [sflag:s8], $0x2800  }
0x27f: {  	[sflag:s8] =	ssyncset.done @!p1 $0x0  }
0x280: {  	[sflag:s8] =	ssyncadd.s32 @!p1 $0xFFFFD800;
	s8 =	simm.s32 @!p1 $0x9  }
0x281: {  	_ =	swait.ge @!p1 [sflag:s8], $0x50  }
0x282: {  	[sflag:s8] =	ssyncset.done @!p1 $0x0  }
0x283: {  	[sflag:s8] =	ssyncadd.s32 @!p1 $0xFFFFFFB0  }
0x284: {  	[tilespmem:s10], [sflag:$0x3] =	stream.indirect.gather [hbm4b:s1+s26], $0x80, s15, s26, $0xb8;
	[tilespmem:$0x1C290] =	vst v63  }
0x285: {  	s30 =	simm.s32 $0x1BDA0;
	s15 =	sadd.s32 $0xFF64, s28  }
0x286: {  	[tilespmem:s30], [sflag:$0xF] =	stream.linear.gather [hbm4b:s15+s5], $0xA0, $0x38;
	[tilespmem:$0x1C290] =	vst v63  }
0x287: {  	_ =	swait.ge [sflag:s14], $0x2800  }
0x288: {  	[sflag:s14] =	ssyncset.done $0x0  }
0x289: {  	s21 =	simm.s32 $0x1BB70;
	[sflag:s14] =	ssyncadd.s32 $0xFFFFD800  }
0x28a: {  	[spmem:s3] =	stream.indirect.scatter.add.f32 [tilespmem:s31], [sflag:$0x5], $0x80, s21, s26, $0xb8;
	[tilespmem:$0x1C290] =	vst v63  }
0x28b: {  	s13 =	simm.s32 $0xD  }
0x28c: {  	[spmem:s4] =	stream.indirect.scatter.add.f32 [tilespmem:s2], [sflag:$0x8], $0x1, s21, s26, $0xb8;
	[tilespmem:$0x1C290] =	vst v63  }
0x28d: {  	_ =	swait.ge [sflag:s13], $0xA0  }
0x28e: {  	[sflag:s13] =	ssyncset.done $0x0  }
0x28f: {  	[sflag:s13] =	ssyncadd.s32 $0xFFFFFF60  }
0x290: {  	_ =	swait.ge [sflag:s17], $0x2800  }
0x291: {  	[sflag:s17] =	ssyncset.done $0x0  }
0x292: {  	[sflag:s17] =	ssyncadd.s32 $0xFFFFD800  }
0x293: {  	_ =	swait.ge [sflag:s19], $0x50  }
0x294: {  	p1 =	seq.s32 s25, $0x348;
	[sflag:s19] =	ssyncset.done $0x0  }
0x295: {  	s8 =	sadd.s32 @!p1 s25, s11;
	[sflag:s19] =	ssyncadd.s32 $0xFFFFFFB0  }
0x296: {  	[tilespmem:s18], [sflag:$0x1] =	stream.indirect.gather [hbm4b:s1+s26], $0x80, s24, s26, $0xb8;
	[tilespmem:$0x1C290] =	vst v63  }
0x297: {  	s11 =	sadd.s32 @!p1 $0xFF78, s8;
	s15 =	simm.s32 @!p1 $0x1BA80;
	s13 =	simm.s32 @!p1 $0x0  }
0x298: {  	[tilespmem:s15], [sflag:$0xA] =	stream.linear.gather @!p1 [hbm4b:s11+s13], $0xA0, $0x38;
	[tilespmem:$0x1C290] =	vst v63  }
0x299: {  	_ =	swait.ge [sflag:s23], $0x2800  }
0x29a: {  	[sflag:s23] =	ssyncset.done $0x0  }
0x29b: {  	s15 =	simm.s32 $0x1BC10;
	[sflag:s23] =	ssyncadd.s32 $0xFFFFD800  }
0x29c: {  	[spmem:s3] =	stream.indirect.scatter.add.f32 [tilespmem:s10], [sflag:$0x6], $0x80, s15, s26, $0xb8;
	[tilespmem:$0x1C290] =	vst v63  }
0x29d: {  	_ = 	snop  }
0x29e: {  	[spmem:s4] =	stream.indirect.scatter.add.f32 [tilespmem:s2], [sflag:$0x9], $0x1, s15, s26, $0xb8;
	[tilespmem:$0x1C290] =	vst v63  }
0x29f: {  	s15 =	simm.s32 $0xE  }
0x2a0: {  	_ =	swait.ge [sflag:s15], $0xA0  }
0x2a1: {  	[sflag:s15] =	ssyncset.done $0x0  }
0x2a2: {  	[sflag:s15] =	ssyncadd.s32 $0xFFFFFF60  }
0x2a3: {  	_ =	swait.ge [sflag:s0], $0x2800  }
0x2a4: {  	[sflag:s0] =	ssyncset.done $0x0  }
0x2a5: {  	[sflag:s0] =	ssyncadd.s32 $0xFFFFD800  }
0x2a6: {  	_ =	swait.ge [sflag:s20], $0x50  }
0x2a7: {  	[sflag:s20] =	ssyncset.done $0x0  }
0x2a8: {  	[sflag:s20] =	ssyncadd.s32 $0xFFFFFFB0  }
0x2a9: {  	[tilespmem:s31], [sflag:$0x2] =	stream.indirect.gather [hbm4b:s1+s26], $0x80, s7, s26, $0xb8;
	[tilespmem:$0x1C290] =	vst v63  }
0x2aa: {  	s8 =	sadd.s32 @!p1 $0xFF8C, s8;
	s11 =	simm.s32 @!p1 $0x1BB20  }
0x2ab: {  	[tilespmem:s11], [sflag:$0xB] =	stream.linear.gather @!p1 [hbm4b:s8+s13], $0xA0, $0x38;
	[tilespmem:$0x1C290] =	vst v63  }
0x2ac: {  	_ =	swait.ge [sflag:s6], $0x2800  }
0x2ad: {  	[sflag:s6] =	ssyncset.done $0x0  }
0x2ae: {  	s15 =	simm.s32 $0x1BCB0;
	[sflag:s6] =	ssyncadd.s32 $0xFFFFD800  }
0x2af: {  	[spmem:s3] =	stream.indirect.scatter.add.f32 [tilespmem:s18], [sflag:$0x4], $0x80, s15, s26, $0xb8;
	[tilespmem:$0x1C290] =	vst v63  }
0x2b0: {  	_ = 	snop  }
0x2b1: {  	[spmem:s4] =	stream.indirect.scatter.add.f32 [tilespmem:s2], [sflag:$0x7], $0x1, s15, s26, $0xb8;
	[tilespmem:$0x1C290] =	vst v63  }
0x2b2: {  	_ =	swait.ge [sflag:s22], $0xA0  }
0x2b3: {  	[sflag:s22] =	ssyncset.done $0x0  }
0x2b4: {  	[sflag:s22] =	ssyncadd.s32 $0xFFFFFF60  }
0x2b5: {  	_ =	swait.ge [sflag:s12], $0x2800  }
0x2b6: {  	[sflag:s12] =	ssyncset.done $0x0  }
.Ltmp6:
0x2b7: {  	[sflag:s12] =	ssyncadd.s32 $0xFFFFD800;
	(pc) =	sbr.rel @p1 .LBB2_10-.Ltmp6, $4  }
0x2b8: {  	_ =	swait.ge [sflag:s16], $0x50  }
0x2b9: {  	[sflag:s16] =	ssyncset.done $0x0  }
0x2ba: {  	s21 =	simm.s32 $0x1BC60;
	s24 =	simm.s32 $0x1BBC0;
	[sflag:s16] =	ssyncadd.s32 $0xFFFFFFB0  }
0x2bb: {  	[tilespmem:s10], [sflag:$0x3] =	stream.indirect.gather [hbm4b:s1+s26], $0x80, s30, s26, $0xb8;
	[tilespmem:$0x1C290] =	vst v63  }
0x2bc: {  	s8 =	sadd.s32 $0xFFA0, s28  }
0x2bd: {  	[tilespmem:s24], [sflag:$0xC] =	stream.linear.gather [hbm4b:s8+s5], $0xA0, $0x38;
	[tilespmem:$0x1C290] =	vst v63  }
0x2be: {  	_ =	swait.ge [sflag:s14], $0x2800  }
0x2bf: {  	[sflag:s14] =	ssyncset.done $0x0  }
0x2c0: {  	s7 =	simm.s32 $0x1BD50;
	[sflag:s14] =	ssyncadd.s32 $0xFFFFD800  }
0x2c1: {  	[spmem:s3] =	stream.indirect.scatter.add.f32 [tilespmem:s31], [sflag:$0x5], $0x80, s7, s26, $0xb8;
	[tilespmem:$0x1C290] =	vst v63  }
0x2c2: {  	_ = 	snop  }
0x2c3: {  	[spmem:s4] =	stream.indirect.scatter.add.f32 [tilespmem:s2], [sflag:$0x8], $0x1, s7, s26, $0xb8;
	[tilespmem:$0x1C290] =	vst v63  }
0x2c4: {  	_ =	swait.ge [sflag:s29], $0xA0  }
0x2c5: {  	[sflag:s29] =	ssyncset.done $0x0  }
0x2c6: {  	[sflag:s29] =	ssyncadd.s32 $0xFFFFFF60  }
0x2c7: {  	_ =	swait.ge [sflag:s17], $0x2800  }
0x2c8: {  	[sflag:s17] =	ssyncset.done $0x0  }
0x2c9: {  	[sflag:s17] =	ssyncadd.s32 $0xFFFFD800  }
0x2ca: {  	_ =	swait.ge [sflag:s19], $0x50  }
.Ltmp7:
0x2cb: {  	[sflag:s19] =	ssyncset.done $0x0;
	(pc) =	sbr.rel .LBB2_9-.Ltmp7, $4  }
0x2cc: {  	s30 =	sadd.s32 $0xFFB4, s28;
	s24 =	simm.s32 $0x1BA80;
	[sflag:s19] =	ssyncadd.s32 $0xFFFFFFB0  }
0x2cd: {  	[tilespmem:s18], [sflag:$0x1] =	stream.indirect.gather [hbm4b:s1+s26], $0x80, s24, s26, $0xb8;
	[tilespmem:$0x1C290] =	vst v63  }
0x2ce: {  	s25 =	sadd.s32 $0x78, s25;
	s15 =	simm.s32 $0x1BBC0;
	s24 =	simm.s32 $0x1BC60  }
0x2cf: {  	[tilespmem:s21], [sflag:$0xD] =	stream.linear.gather [hbm4b:s30+s5], $0xA0, $0x38;
	[tilespmem:$0x1C290] =	vst v63  }
.LBB2_6:
.Ltmp8:
0x2d0: {  	s8 =	rddreg [dreg:$0x3];
	(pc) =	sbr.rel .LBB2_11-.Ltmp8, $4  }
0x2d1: {  	s30 =	sld [smem:$0x7F5]  }
0x2d2: {  	s7 =	rddreg [dreg:$0x8]  }
0x2d3: {  	[smem:$0x7DD] =	sst s8  }
0x2d4: {  	s15 =	simm.s32 $0x1BBC0;
	[smem:$0x7DE] =	sst s7;
	s11 =	smov.u32 s30  }
.LBB2_12:
0x2d5: {  	_ =	sfence.sel $0x180000  }
0x2d6: {  	[bflag:$0x0] =	sbarrier.arrive $0xFFFF  }
0x2d7: {  	_ =	strace $0x90000047  }
0x2d8: {  	s0 =	stileid.u32;
	[bflag:$0x2] =	sbarrier.arrive $0xFFFF  }
0x2d9: {  	p0 =	sne.s32 s0, $0x0;
	s0 =	rddreg [dreg:$0x6]  }
0x2da: {  	s0 =	sadd.s32 @!p0 $0x100000, s0  }
0x2db: {  	[sflag:s0] =	ssyncadd.tile.s32 @!p0 $0x1;
	_ =	shalt  }
.Lfunc_end2:
_tile_overlayer_lowered:
.L_overlay_start_2:
0x2dc: {  	(tag) =	ssettag $0x2  }
0x2dd: {  	s0 =	rddreg [dreg:$0x0];
	s2 =	stileid.u32  }
0x2de: {  	s1 =	rddreg [dreg:$0x1];
	p0 =	sne.s32 s2, $0x0  }
0x2df: {  	s3 =	rddreg [dreg:$0x2];
	[bflag:$0x3] =	sbarrier.arrive $0xFFFF;
	s2 =	simm.s32 @!p0 $0x1C13  }
0x2e0: {  	[timem:s3], [sflag:s2] =	dma.local @!p0 [hbm:s0], s1  }
0x2e1: {  	s0 =	simm.s32 @!p0 $0x13  }
0x2e2: {  	_ =	swait.ge @!p0 [sflag:s0], s1  }
0x2e3: {  	s1 =	ssub.s32 @!p0 $0x0, s1;
	[sflag:s0] =	ssyncset.done @!p0 $0x0  }
0x2e4: {  	[sflag:s0] =	ssyncadd.s32 @!p0 s1  }
0x2e5: {  	[bflag:$0x3] =	sbarrier.arrive $0xFFFF  }
0x2e6: {  	_ =	shalt  }

</sc_bundles>
